<compile_context>
chip_gen: v7x
topology: tpu7x:2x2x1
jax: 0.10.2.dev20260603
libtpu: 0.0.44.dev20260713+nightly
codegen_flags: <defaults>
</compile_context>

<pallas_src>
import dataclasses
import functools

import jax
import jax.numpy as jnp
import numpy as np
from jax import lax
from jax.experimental import pallas as pl
from jax.experimental.pallas import tpu as pltpu
from jax.experimental.pallas import tpu_sc as plsc

N_NODES = 10000
FEAT = 128
N_EDGES = 320000

NC = 2
NS = 16
NW = NC * NS
K = 128
NCHUNK = 80
EPW = K * NCHUNK
E_PAD = NW * EPW
RPT = 624
TAIL = N_NODES - NS * RPT

_PERM = np.zeros(FEAT, np.int32)
for _q in range(FEAT // 32):
    for _c in range(32):
        _PERM[32 * _q + _c] = 32 * _q + (
            _c // 2 if _c % 2 == 0 else 16 + (_c - 1) // 2)


def _matmul(x, W):
    def body(x_ref, w_ref, o_ref):
        o_ref[...] = jax.lax.dot_general(
            x_ref[...], w_ref[...], (((1,), (0,)), ((), ())),
            preferred_element_type=jnp.float32,
            precision=jax.lax.Precision.HIGHEST)

    return pl.pallas_call(
        body,
        out_shape=jax.ShapeDtypeStruct((N_NODES, FEAT), jnp.float32),
    )(x, W)


def _combine(parts):
    def body(p_ref, o_ref):
        o_ref[...] = p_ref[0] + p_ref[1]

    return pl.pallas_call(
        body,
        out_shape=jax.ShapeDtypeStruct((N_NODES, FEAT), jnp.float32),
    )(parts)


def _scale_rows(rows_v, meta_v, scaled_v):
    @pl.loop(0, K, step=16)
    def _(g):
        wv = plsc.bitcast(meta_v[2, pl.ds(g, 16)], jnp.float32)
        dnums = lax.GatherDimensionNumbers(
            offset_dims=(), collapsed_slice_dims=(0,), start_index_map=(0,))
        for el in range(16):
            sp = lax.gather(wv, jnp.full((16, 1), el, jnp.int32), dnums, (1,),
                            mode=lax.GatherScatterMode.PROMISE_IN_BOUNDS)
            e = g + el
            for q in range(4):
                v = rows_v[e, pl.ds(q * 16, 16)]
                vb = plsc.bitcast(v, jnp.bfloat16)
                a, b = plsc.unpack(vb, format=plsc.PackFormat.INTERLEAVED)
                scaled_v[e, pl.ds(q * 32, 16)] = a * sp
                scaled_v[e, pl.ds(q * 32 + 16, 16)] = b * sp


def _sc_aggregate(hp, meta, zeros):
    mesh = plsc.VectorSubcoreMesh(core_axis_name="c", subcore_axis_name="s",
                                  num_cores=NC, num_subcores=NS)
    cp = pltpu.CompilerParams()
    if "needs_layout_passes" in pltpu.CompilerParams.__dataclass_fields__:
        cp = dataclasses.replace(cp, needs_layout_passes=False)
    cp = dataclasses.replace(cp, use_tc_tiling_on_sc=False)

    @functools.partial(
        pl.kernel,
        out_type=jax.ShapeDtypeStruct((NC, N_NODES, FEAT), jnp.float32),
        mesh=mesh,
        scratch_types=[
            pltpu.VMEM((K, FEAT // 2), jnp.int32),
            pltpu.VMEM((K, FEAT // 2), jnp.int32),
            pltpu.VMEM((4, K), jnp.int32),
            pltpu.VMEM((4, K), jnp.int32),
            pltpu.VMEM((K, FEAT), jnp.float32),
            pltpu.VMEM((K, FEAT), jnp.float32),
            pltpu.VMEM((K,), jnp.int32),
            pltpu.VMEM((K,), jnp.int32),
            pltpu.VMEM_SHARED((N_NODES, FEAT), jnp.float32),
            pltpu.SemaphoreType.DMA,
            pltpu.SemaphoreType.DMA,
            pltpu.SemaphoreType.DMA,
            pltpu.SemaphoreType.DMA,
            pltpu.SemaphoreType.DMA,
            pltpu.SemaphoreType.DMA,
        ],
        compiler_params=cp,
    )
    def k(h_hbm, meta_hbm, z_hbm, out_hbm,
          rows0, rows1, meta0, meta1, scaled0, scaled1, dstb0, dstb1, acc_s,
          gsem0, gsem1, msem0, msem1, ssem0, ssem1):
        cid = lax.axis_index("c")
        sid = lax.axis_index("s")
        wid = cid * NS + sid

        pltpu.sync_copy(meta_hbm.at[wid, 0, pl.ds(0, 4)], meta0)
        pltpu.async_copy(h_hbm.at[meta0.at[0]], rows0, gsem0)
        pltpu.async_copy(meta_hbm.at[wid, 1, pl.ds(0, 4)], meta1, msem1)

        r0 = sid * RPT
        pltpu.sync_copy(z_hbm.at[pl.ds(r0, RPT)], acc_s.at[pl.ds(r0, RPT)])

        @pl.when(sid == NS - 1)
        def _():
            pltpu.sync_copy(z_hbm.at[pl.ds(NS * RPT, TAIL)],
                            acc_s.at[pl.ds(NS * RPT, TAIL)])

        plsc.subcore_barrier()

        def chunk(kk, rows_c, meta_c, gsem_c, msem_c, scaled_c, dstb_c,
                  ssem_c, rows_n, meta_n, gsem_n, msem_n):
            @pl.when(kk + 1 < NCHUNK)
            def _():
                pltpu.make_async_copy(
                    meta_hbm.at[wid, kk + 1, pl.ds(0, 4)],
                    meta_n, msem_n).wait()
                pltpu.async_copy(h_hbm.at[meta_n.at[0]], rows_n, gsem_n)

            pltpu.make_async_copy(h_hbm.at[meta_c.at[0]], rows_c, gsem_c).wait()

            @pl.when(kk >= 2)
            def _():
                pltpu.make_async_copy(scaled_c, acc_s.at[dstb_c], ssem_c).wait()

            _scale_rows(rows_c, meta_c, scaled_c)

            for j in range(8):
                sl = pl.ds(j * 16, 16)
                dstb_c[sl] = meta_c[1, sl]
            pltpu.async_copy(scaled_c, acc_s.at[dstb_c], ssem_c, add=True)

            @pl.when(kk + 2 < NCHUNK)
            def _():
                pltpu.async_copy(meta_hbm.at[wid, kk + 2, pl.ds(0, 4)],
                                 meta_c, msem_c)

        @pl.loop(0, NCHUNK, step=2)
        def _(t):
            chunk(t, rows0, meta0, gsem0, msem0, scaled0, dstb0, ssem0,
                  rows1, meta1, gsem1, msem1)
            chunk(t + 1, rows1, meta1, gsem1, msem1, scaled1, dstb1, ssem1,
                  rows0, meta0, gsem0, msem0)

        pltpu.make_async_copy(scaled0, acc_s.at[dstb0], ssem0).wait()
        pltpu.make_async_copy(scaled1, acc_s.at[dstb1], ssem1).wait()

        plsc.subcore_barrier()
        pltpu.sync_copy(acc_s.at[pl.ds(r0, RPT)],
                        out_hbm.at[cid].at[pl.ds(r0, RPT)])

        @pl.when(sid == NS - 1)
        def _():
            pltpu.sync_copy(acc_s.at[pl.ds(NS * RPT, TAIL)],
                            out_hbm.at[cid].at[pl.ds(NS * RPT, TAIL)])

    return k(hp, meta, zeros)


def kernel(x, W, edge_index, edge_weight):
    pad = E_PAD - N_EDGES
    src = jnp.concatenate(
        [edge_index[0].astype(jnp.int32), jnp.zeros((pad,), jnp.int32)])
    dst = jnp.concatenate(
        [edge_index[1].astype(jnp.int32), jnp.zeros((pad,), jnp.int32)])
    ewb = jnp.concatenate(
        [edge_weight.astype(jnp.float32), jnp.zeros((pad,), jnp.float32)]
    ).view(jnp.int32)
    fill = jnp.zeros((NW, NCHUNK, 5, K), jnp.int32)
    meta = jnp.concatenate(
        [src.reshape(NW, NCHUNK, 1, K), dst.reshape(NW, NCHUNK, 1, K),
         ewb.reshape(NW, NCHUNK, 1, K), fill], axis=2)
    Wp = jnp.take(W, jnp.asarray(_PERM), axis=1)
    h16 = _matmul(x, Wp).astype(jnp.bfloat16)
    hp = lax.bitcast_convert_type(
        h16.reshape(N_NODES, FEAT // 2, 2), jnp.int32)
    zeros = jnp.zeros((N_NODES, FEAT), jnp.float32)
    parts = _sc_aggregate(hp, meta, zeros)
    return _combine(parts)

# --- scband reference (transcript-rebuilt; emitter-appended) ---
"""Pipeline reference for scband-graph-conv-25958782337231 (READ-ONLY COPY).

The authoritative reference and input builder live on the scoring server;
editing this copy changes nothing except your own understanding.
"""

import jax, jax.numpy as jnp
import numpy as np

N_NODES = 10000
N_EDGES = 320000
IN_CH = 128
OUT_CH = 128


def setup_inputs(seed: int = 0) -> dict:
    key = jax.random.key(seed)
    k1, k2, k3, k4 = jax.random.split(key, 4)
    x = jax.random.normal(k1, (N_NODES, IN_CH), dtype=jnp.float32)
    # glorot init for weight: uniform in [-limit, limit]
    limit = float(np.sqrt(6.0 / (IN_CH + OUT_CH)))
    W = jax.random.uniform(k2, (IN_CH, OUT_CH), dtype=jnp.float32, minval=-limit, maxval=limit)
    # sparse adjacency matrix represented as COO: edge_index[0]=src (col), edge_index[1]=dst (row)
    edge_index = jax.random.randint(k3, (2, N_EDGES), 0, N_NODES, dtype=jnp.int64)
    edge_weight = jax.random.uniform(k4, (N_EDGES,), dtype=jnp.float32)
    return {"x": x, "W": W, "edge_index": edge_index, "edge_weight": edge_weight}


def reference(x, W, edge_index, edge_weight):
    # x = x @ W  (dense mm, matches torch.mm(x, self.weight))
    h = jnp.matmul(x, W)
    # x = A @ x  (sparse mm via gather from src + scatter-add to dst)
    src = edge_index[0]
    dst = edge_index[1]
    msgs = jnp.take(h, src, axis=0) * edge_weight[:, None]
    out = jax.ops.segment_sum(msgs, dst, num_segments=N_NODES)
    return out

if __name__ == "__main__":
    import jax
    _d = setup_inputs()
    print(jax.jit(kernel)(*tuple(_d.values())))

</pallas_src>

<mosaic_0001>
#map = affine_map<(d0, d1) -> (0, 0)>
#map1 = affine_map<(d0, d1) -> (0, 0, 0, 0)>
#map2 = affine_map<(d0, d1) -> (0, 0, 0)>
module attributes {stable_mosaic.version = 14 : i64} {
  func.func @k(%arg0: i32, %arg1: i32, %arg2: memref<10000x64xi32, #tpu.memory_space<hbm>>, %arg3: memref<32x80x8x128xi32, #tpu.memory_space<hbm>>, %arg4: memref<10000x128xf32, #tpu.memory_space<hbm>>, %arg5: memref<2x10000x128xf32, #tpu.memory_space<hbm>>, %arg6: memref<128x64xi32, #tpu.memory_space<vmem>>, %arg7: memref<128x64xi32, #tpu.memory_space<vmem>>, %arg8: memref<4x128xi32, #tpu.memory_space<vmem>>, %arg9: memref<4x128xi32, #tpu.memory_space<vmem>>, %arg10: memref<128x128xf32, #tpu.memory_space<vmem>>, %arg11: memref<128x128xf32, #tpu.memory_space<vmem>>, %arg12: memref<128xi32, #tpu.memory_space<vmem>>, %arg13: memref<128xi32, #tpu.memory_space<vmem>>, %arg14: memref<10000x128xf32, #tpu.memory_space<vmem_shared>>, %arg15: memref<!tpu.dma_semaphore, #tpu.memory_space<semaphore_mem>>, %arg16: memref<!tpu.dma_semaphore, #tpu.memory_space<semaphore_mem>>, %arg17: memref<!tpu.dma_semaphore, #tpu.memory_space<semaphore_mem>>, %arg18: memref<!tpu.dma_semaphore, #tpu.memory_space<semaphore_mem>>, %arg19: memref<!tpu.dma_semaphore, #tpu.memory_space<semaphore_mem>>, %arg20: memref<!tpu.dma_semaphore, #tpu.memory_space<semaphore_mem>>) attributes {dimension_semantics = [#tpu.dimension_semantics<core_parallel>, #tpu.dimension_semantics<subcore_parallel>], iteration_bounds = array<i64: 2, 16>, scalar_prefetch = 0 : i64, scratch_operands = 15 : i64, tpu.core_type = #tpu.core_type<sc_vector_subcore>, window_params = [{transform_indices = #map}, {transform_indices = #map1}, {transform_indices = #map}, {transform_indices = #map2}]} {
    %mul3A = arith.constant 16 : i32
    %mul3A_0 = arith.muli %arg0, %mul3A : i32
    %add3A = arith.addi %mul3A_0, %arg1 : i32
    %run_scoped3A = arith.constant 0 : i32
    "tpu.region"() ({
      %run_scoped3A_35 = tpu.sem_alloc : memref<!tpu.dma_semaphore, #tpu.memory_space<semaphore_mem>>
      %dma_start3A_36 = arith.constant 0 : i32
      %dma_start3A_37 = arith.constant 0 : i32
      %dma_start3A_38 = tpu.memref_slice %arg3[%add3A, %run_scoped3A, %dma_start3A_36, %dma_start3A_37] : memref<32x80x8x128xi32, #tpu.memory_space<hbm>> -> memref<1x1x4x128xi32, #tpu.memory_space<hbm>>
      %dma_start3A_39 = tpu.memref_squeeze %dma_start3A_38 : memref<1x1x4x128xi32, #tpu.memory_space<hbm>> -> memref<4x128xi32, #tpu.memory_space<hbm>>
      %dma_start3A_40 = arith.constant 0 : i32
      %dma_start3A_41 = arith.constant 0 : i32
      %dma_start3A_42 = tpu.memref_slice %arg3[%add3A, %run_scoped3A, %dma_start3A_40, %dma_start3A_41] : memref<32x80x8x128xi32, #tpu.memory_space<hbm>> -> memref<1x1x4x128xi32, #tpu.memory_space<hbm>>
      %dma_start3A_43 = tpu.memref_squeeze %dma_start3A_42 : memref<1x1x4x128xi32, #tpu.memory_space<hbm>> -> memref<4x128xi32, #tpu.memory_space<hbm>>
      tpu.enqueue_dma source(%dma_start3A_43 : memref<4x128xi32, #tpu.memory_space<hbm>>) target(%arg8 : memref<4x128xi32, #tpu.memory_space<vmem>>) target_semaphore(%run_scoped3A_35 : memref<!tpu.dma_semaphore, #tpu.memory_space<semaphore_mem>>)
      %dma_wait3A_44 = arith.constant 0 : i32
      %dma_wait3A_45 = arith.constant 0 : i32
      %dma_wait3A_46 = tpu.memref_slice %arg3[%add3A, %run_scoped3A, %dma_wait3A_44, %dma_wait3A_45] : memref<32x80x8x128xi32, #tpu.memory_space<hbm>> -> memref<1x1x4x128xi32, #tpu.memory_space<hbm>>
      %dma_wait3A_47 = tpu.memref_squeeze %dma_wait3A_46 : memref<1x1x4x128xi32, #tpu.memory_space<hbm>> -> memref<4x128xi32, #tpu.memory_space<hbm>>
      %dma_wait3A_48 = arith.constant 0 : i32
      %dma_wait3A_49 = arith.constant 0 : i32
      %dma_wait3A_50 = tpu.memref_slice %arg3[%add3A, %run_scoped3A, %dma_wait3A_48, %dma_wait3A_49] : memref<32x80x8x128xi32, #tpu.memory_space<hbm>> -> memref<1x1x4x128xi32, #tpu.memory_space<hbm>>
      %dma_wait3A_51 = tpu.memref_squeeze %dma_wait3A_50 : memref<1x1x4x128xi32, #tpu.memory_space<hbm>> -> memref<4x128xi32, #tpu.memory_space<hbm>>
      tpu.wait_dma2 semaphore(%run_scoped3A_35 : memref<!tpu.dma_semaphore, #tpu.memory_space<semaphore_mem>>) src(%dma_wait3A_51 : memref<4x128xi32, #tpu.memory_space<hbm>>) dst(%arg8 : memref<4x128xi32, #tpu.memory_space<vmem>>)
      tpu.yield
    }) : () -> ()
    %dma_start3A = arith.constant 0 : i32
    %dma_start3A_1 = arith.constant 0 : i32
    %dma_start3A_2 = tpu.memref_slice %arg8[%dma_start3A, %dma_start3A_1] : memref<4x128xi32, #tpu.memory_space<vmem>> -> memref<1x128xi32, #tpu.memory_space<vmem>>
    %dma_start3A_3 = tpu.memref_squeeze %dma_start3A_2 : memref<1x128xi32, #tpu.memory_space<vmem>> -> memref<128xi32, #tpu.memory_space<vmem>>
    %dma_start3A_4 = arith.constant 0 : i32
    %dma_start3A_5 = arith.constant 0 : i32
    %dma_start3A_6 = tpu.memref_slice %arg2[%dma_start3A_4, %dma_start3A_5] : memref<10000x64xi32, #tpu.memory_space<hbm>> -> memref<10000x64xi32, #tpu.memory_space<hbm>>
    tpu.enqueue_indirect_dma source(%dma_start3A_6 : memref<10000x64xi32, #tpu.memory_space<hbm>>) target(%arg6 : memref<128x64xi32, #tpu.memory_space<vmem>>) offsets(%dma_start3A_3 : memref<128xi32, #tpu.memory_space<vmem>>) semaphore(%arg15 : memref<!tpu.dma_semaphore, #tpu.memory_space<semaphore_mem>>)
    %dma_start3A_7 = arith.constant 1 : i32
    %dma_start3A_8 = arith.constant 0 : i32
    %dma_start3A_9 = arith.constant 0 : i32
    %dma_start3A_10 = tpu.memref_slice %arg3[%add3A, %dma_start3A_7, %dma_start3A_8, %dma_start3A_9] : memref<32x80x8x128xi32, #tpu.memory_space<hbm>> -> memref<1x1x4x128xi32, #tpu.memory_space<hbm>>
    %dma_start3A_11 = tpu.memref_squeeze %dma_start3A_10 : memref<1x1x4x128xi32, #tpu.memory_space<hbm>> -> memref<4x128xi32, #tpu.memory_space<hbm>>
    %dma_start3A_12 = arith.constant 0 : i32
    %dma_start3A_13 = arith.constant 0 : i32
    %dma_start3A_14 = tpu.memref_slice %arg3[%add3A, %dma_start3A_7, %dma_start3A_12, %dma_start3A_13] : memref<32x80x8x128xi32, #tpu.memory_space<hbm>> -> memref<1x1x4x128xi32, #tpu.memory_space<hbm>>
    %dma_start3A_15 = tpu.memref_squeeze %dma_start3A_14 : memref<1x1x4x128xi32, #tpu.memory_space<hbm>> -> memref<4x128xi32, #tpu.memory_space<hbm>>
    tpu.enqueue_dma source(%dma_start3A_15 : memref<4x128xi32, #tpu.memory_space<hbm>>) target(%arg9 : memref<4x128xi32, #tpu.memory_space<vmem>>) target_semaphore(%arg18 : memref<!tpu.dma_semaphore, #tpu.memory_space<semaphore_mem>>)
    %mul3A_16 = arith.constant 624 : i32
    %mul3A_17 = arith.muli %arg1, %mul3A_16 : i32
    "tpu.region"() ({
      %run_scoped3A_35 = tpu.sem_alloc : memref<!tpu.dma_semaphore, #tpu.memory_space<semaphore_mem>>
      %dma_start3A_36 = arith.constant 0 : i32
      %dma_start3A_37 = tpu.memref_slice %arg14[%mul3A_17, %dma_start3A_36] : memref<10000x128xf32, #tpu.memory_space<vmem_shared>> -> memref<624x128xf32, #tpu.memory_space<vmem_shared>>
      %dma_start3A_38 = arith.constant 0 : i32
      %dma_start3A_39 = tpu.memref_slice %arg4[%mul3A_17, %dma_start3A_38] : memref<10000x128xf32, #tpu.memory_space<hbm>> -> memref<624x128xf32, #tpu.memory_space<hbm>>
      tpu.enqueue_dma source(%dma_start3A_39 : memref<624x128xf32, #tpu.memory_space<hbm>>) target(%dma_start3A_37 : memref<624x128xf32, #tpu.memory_space<vmem_shared>>) target_semaphore(%run_scoped3A_35 : memref<!tpu.dma_semaphore, #tpu.memory_space<semaphore_mem>>)
      %dma_wait3A_40 = arith.constant 0 : i32
      %dma_wait3A_41 = tpu.memref_slice %arg14[%mul3A_17, %dma_wait3A_40] : memref<10000x128xf32, #tpu.memory_space<vmem_shared>> -> memref<624x128xf32, #tpu.memory_space<vmem_shared>>
      %dma_wait3A_42 = arith.constant 0 : i32
      %dma_wait3A_43 = tpu.memref_slice %arg4[%mul3A_17, %dma_wait3A_42] : memref<10000x128xf32, #tpu.memory_space<hbm>> -> memref<624x128xf32, #tpu.memory_space<hbm>>
      tpu.wait_dma2 semaphore(%run_scoped3A_35 : memref<!tpu.dma_semaphore, #tpu.memory_space<semaphore_mem>>) src(%dma_wait3A_43 : memref<624x128xf32, #tpu.memory_space<hbm>>) dst(%dma_wait3A_41 : memref<624x128xf32, #tpu.memory_space<vmem_shared>>)
      tpu.yield
    }) : () -> ()
    %eq3A = arith.constant 15 : i32
    %eq3A_18 = arith.cmpi eq, %arg1, %eq3A : i32
    %convert_element_type3A = arith.extui %eq3A_18 : i1 to i32
    %cond3A = arith.constant 0 : i32
    %cond3A_19 = arith.cmpi ne, %convert_element_type3A, %cond3A : i32
    scf.if %cond3A_19 {
      "tpu.region"() ({
        %run_scoped3A_35 = tpu.sem_alloc : memref<!tpu.dma_semaphore, #tpu.memory_space<semaphore_mem>>
        %dma_start3A_36 = arith.constant 9984 : i32
        %dma_start3A_37 = arith.constant 0 : i32
        %dma_start3A_38 = tpu.memref_slice %arg14[%dma_start3A_36, %dma_start3A_37] : memref<10000x128xf32, #tpu.memory_space<vmem_shared>> -> memref<16x128xf32, #tpu.memory_space<vmem_shared>>
        %dma_start3A_39 = arith.constant 9984 : i32
        %dma_start3A_40 = arith.constant 0 : i32
        %dma_start3A_41 = tpu.memref_slice %arg4[%dma_start3A_39, %dma_start3A_40] : memref<10000x128xf32, #tpu.memory_space<hbm>> -> memref<16x128xf32, #tpu.memory_space<hbm>>
        tpu.enqueue_dma source(%dma_start3A_41 : memref<16x128xf32, #tpu.memory_space<hbm>>) target(%dma_start3A_38 : memref<16x128xf32, #tpu.memory_space<vmem_shared>>) target_semaphore(%run_scoped3A_35 : memref<!tpu.dma_semaphore, #tpu.memory_space<semaphore_mem>>)
        %dma_wait3A_42 = arith.constant 9984 : i32
        %dma_wait3A_43 = arith.constant 0 : i32
        %dma_wait3A_44 = tpu.memref_slice %arg14[%dma_wait3A_42, %dma_wait3A_43] : memref<10000x128xf32, #tpu.memory_space<vmem_shared>> -> memref<16x128xf32, #tpu.memory_space<vmem_shared>>
        %dma_wait3A_45 = arith.constant 9984 : i32
        %dma_wait3A_46 = arith.constant 0 : i32
        %dma_wait3A_47 = tpu.memref_slice %arg4[%dma_wait3A_45, %dma_wait3A_46] : memref<10000x128xf32, #tpu.memory_space<hbm>> -> memref<16x128xf32, #tpu.memory_space<hbm>>
        tpu.wait_dma2 semaphore(%run_scoped3A_35 : memref<!tpu.dma_semaphore, #tpu.memory_space<semaphore_mem>>) src(%dma_wait3A_47 : memref<16x128xf32, #tpu.memory_space<hbm>>) dst(%dma_wait3A_44 : memref<16x128xf32, #tpu.memory_space<vmem_shared>>)
        tpu.yield
      }) : () -> ()
    } else {
    }
    %barrier3A = arith.constant 0 : index
    tpu.barrier barrier_id(%barrier3A)
    %scan3A = arith.constant 0 : i32
    %scan3A_20 = arith.constant 40 : i32
    %scan3A_21 = arith.addi %scan3A, %scan3A_20 : i32
    %scan3A_22 = arith.constant 1 : i32
    scf.for %scan3A_35 = %scan3A to %scan3A_21 step %scan3A_22  : i32 {
      %mul3A_36 = arith.constant 2 : i32
      %mul3A_37 = arith.muli %scan3A_35, %mul3A_36 : i32
      %add3A_38 = arith.constant 0 : i32
      %add3A_39 = arith.addi %add3A_38, %mul3A_37 : i32
      %add3A_40 = arith.constant 1 : i32
      %add3A_41 = arith.addi %add3A_39, %add3A_40 : i32
      %lt3A = arith.constant 80 : i32
      %lt3A_42 = arith.cmpi slt, %add3A_41, %lt3A : i32
      %convert_element_type3A_43 = arith.extui %lt3A_42 : i1 to i32
      %cond3A_44 = arith.constant 0 : i32
      %cond3A_45 = arith.cmpi ne, %convert_element_type3A_43, %cond3A_44 : i32
      scf.if %cond3A_45 {
        %add3A_202 = arith.constant 1 : i32
        %add3A_203 = arith.addi %add3A_39, %add3A_202 : i32
        %dma_wait3A_204 = arith.constant 0 : i32
        %dma_wait3A_205 = arith.constant 0 : i32
        %dma_wait3A_206 = tpu.memref_slice %arg3[%add3A, %add3A_203, %dma_wait3A_204, %dma_wait3A_205] : memref<32x80x8x128xi32, #tpu.memory_space<hbm>> -> memref<1x1x4x128xi32, #tpu.memory_space<hbm>>
        %dma_wait3A_207 = tpu.memref_squeeze %dma_wait3A_206 : memref<1x1x4x128xi32, #tpu.memory_space<hbm>> -> memref<4x128xi32, #tpu.memory_space<hbm>>
        %dma_wait3A_208 = arith.constant 0 : i32
        %dma_wait3A_209 = arith.constant 0 : i32
        %dma_wait3A_210 = tpu.memref_slice %arg3[%add3A, %add3A_203, %dma_wait3A_208, %dma_wait3A_209] : memref<32x80x8x128xi32, #tpu.memory_space<hbm>> -> memref<1x1x4x128xi32, #tpu.memory_space<hbm>>
        %dma_wait3A_211 = tpu.memref_squeeze %dma_wait3A_210 : memref<1x1x4x128xi32, #tpu.memory_space<hbm>> -> memref<4x128xi32, #tpu.memory_space<hbm>>
        tpu.wait_dma2 semaphore(%arg18 : memref<!tpu.dma_semaphore, #tpu.memory_space<semaphore_mem>>) src(%dma_wait3A_211 : memref<4x128xi32, #tpu.memory_space<hbm>>) dst(%arg9 : memref<4x128xi32, #tpu.memory_space<vmem>>)
        %dma_start3A_212 = arith.constant 0 : i32
        %dma_start3A_213 = arith.constant 0 : i32
        %dma_start3A_214 = tpu.memref_slice %arg9[%dma_start3A_212, %dma_start3A_213] : memref<4x128xi32, #tpu.memory_space<vmem>> -> memref<1x128xi32, #tpu.memory_space<vmem>>
        %dma_start3A_215 = tpu.memref_squeeze %dma_start3A_214 : memref<1x128xi32, #tpu.memory_space<vmem>> -> memref<128xi32, #tpu.memory_space<vmem>>
        %dma_start3A_216 = arith.constant 0 : i32
        %dma_start3A_217 = arith.constant 0 : i32
        %dma_start3A_218 = tpu.memref_slice %arg2[%dma_start3A_216, %dma_start3A_217] : memref<10000x64xi32, #tpu.memory_space<hbm>> -> memref<10000x64xi32, #tpu.memory_space<hbm>>
        tpu.enqueue_indirect_dma source(%dma_start3A_218 : memref<10000x64xi32, #tpu.memory_space<hbm>>) target(%arg7 : memref<128x64xi32, #tpu.memory_space<vmem>>) offsets(%dma_start3A_215 : memref<128xi32, #tpu.memory_space<vmem>>) semaphore(%arg16 : memref<!tpu.dma_semaphore, #tpu.memory_space<semaphore_mem>>)
      } else {
      }
      %dma_wait3A_46 = arith.constant 0 : i32
      %dma_wait3A_47 = arith.constant 0 : i32
      %dma_wait3A_48 = tpu.memref_slice %arg8[%dma_wait3A_46, %dma_wait3A_47] : memref<4x128xi32, #tpu.memory_space<vmem>> -> memref<1x128xi32, #tpu.memory_space<vmem>>
      %dma_wait3A_49 = tpu.memref_squeeze %dma_wait3A_48 : memref<1x128xi32, #tpu.memory_space<vmem>> -> memref<128xi32, #tpu.memory_space<vmem>>
      %dma_wait3A_50 = arith.constant 0 : i32
      %dma_wait3A_51 = arith.constant 0 : i32
      %dma_wait3A_52 = tpu.memref_slice %arg2[%dma_wait3A_50, %dma_wait3A_51] : memref<10000x64xi32, #tpu.memory_space<hbm>> -> memref<10000x64xi32, #tpu.memory_space<hbm>>
      tpu.wait_indirect_dma semaphore(%arg15 : memref<!tpu.dma_semaphore, #tpu.memory_space<semaphore_mem>>) src(%dma_wait3A_52 : memref<10000x64xi32, #tpu.memory_space<hbm>>) dst(%arg6 : memref<128x64xi32, #tpu.memory_space<vmem>>)
      %ge3A = arith.constant 2 : i32
      %ge3A_53 = arith.cmpi sge, %add3A_39, %ge3A : i32
      %convert_element_type3A_54 = arith.extui %ge3A_53 : i1 to i32
      %cond3A_55 = arith.constant 0 : i32
      %cond3A_56 = arith.cmpi ne, %convert_element_type3A_54, %cond3A_55 : i32
      scf.if %cond3A_56 {
        %dma_wait3A_202 = arith.constant 0 : i32
        %dma_wait3A_203 = arith.constant 0 : i32
        %dma_wait3A_204 = tpu.memref_slice %arg14[%dma_wait3A_202, %dma_wait3A_203] : memref<10000x128xf32, #tpu.memory_space<vmem_shared>> -> memref<10000x128xf32, #tpu.memory_space<vmem_shared>>
        tpu.wait_indirect_dma semaphore(%arg19 : memref<!tpu.dma_semaphore, #tpu.memory_space<semaphore_mem>>) src(%arg10 : memref<128x128xf32, #tpu.memory_space<vmem>>) dst(%dma_wait3A_204 : memref<10000x128xf32, #tpu.memory_space<vmem_shared>>)
      } else {
      }
      %scan3A_57 = arith.constant 0 : i32
      %scan3A_58 = arith.constant 8 : i32
      %scan3A_59 = arith.addi %scan3A_57, %scan3A_58 : i32
      %scan3A_60 = arith.constant 1 : i32
      scf.for %scan3A_202 = %scan3A_57 to %scan3A_59 step %scan3A_60  : i32 {
        %mul3A_203 = arith.constant 16 : i32
        %mul3A_204 = arith.muli %scan3A_202, %mul3A_203 : i32
        %add3A_205 = arith.constant 0 : i32
        %add3A_206 = arith.addi %add3A_205, %mul3A_204 : i32
        %get3A_207 = arith.constant 2 : i32
        %get3A_208 = arith.index_cast %get3A_207 : i32 to index
        %get3A_209 = arith.index_cast %add3A_206 : i32 to index
        %get3A_210 = tpu.vector_load %arg8[%get3A_208, %get3A_209] {strides = array<i32>} : memref<4x128xi32, #tpu.memory_space<vmem>>, vector<16xi32>,
        %bitcast3A = vector.bitcast %get3A_210 : vector<16xi32> to vector<16xf32>
        %broadcast_in_dim3A = arith.constant 0 : i32
        %broadcast_in_dim3A_211 = vector.broadcast %broadcast_in_dim3A : i32 to vector<16x1xi32>
        %gather3A = vector.shape_cast %broadcast_in_dim3A_211 : vector<16x1xi32> to vector<16xi32>
        %gather3A_212 = tpu.dynamic_gather %bitcast3A[%gather3A] in [0] : vector<16xf32>, vector<16xi32> -> vector<16xf32>
        %add3A_213 = arith.constant 0 : i32
        %add3A_214 = arith.addi %add3A_206, %add3A_213 : i32
        %get3A_215 = arith.index_cast %add3A_214 : i32 to index
        %get3A_216 = arith.constant 0 : index
        %get3A_217 = tpu.vector_load %arg6[%get3A_215, %get3A_216] {strides = array<i32>} : memref<128x64xi32, #tpu.memory_space<vmem>>, vector<16xi32>,
        %bitcast3A_218 = vector.bitcast %get3A_217 : vector<16xi32> to vector<32xbf16>
        %unpack3A = tpu.unpack_subelements %bitcast3A_218, 0 {pack_format = #tpu.pack_format<interleaved>} : vector<32xbf16> -> vector<16xf32>
        %unpack3A_219 = tpu.unpack_subelements %bitcast3A_218, 1 {pack_format = #tpu.pack_format<interleaved>} : vector<32xbf16> -> vector<16xf32>
        %mul3A_220 = arith.mulf %unpack3A, %gather3A_212 : vector<16xf32>
        %swap3A_221 = arith.index_cast %add3A_214 : i32 to index
        %swap3A_222 = arith.constant 0 : index
        %swap3A_223 = tpu.vector_load %arg10[%swap3A_221, %swap3A_222] {strides = array<i32>} : memref<128x128xf32, #tpu.memory_space<vmem>>, vector<16xf32>,
        tpu.vector_store %arg10[%swap3A_221, %swap3A_222], %mul3A_220 {strides = array<i32>} : memref<128x128xf32, #tpu.memory_space<vmem>>, vector<16xf32>,
        %mul3A_224 = arith.mulf %unpack3A_219, %gather3A_212 : vector<16xf32>
        %swap3A_225 = arith.index_cast %add3A_214 : i32 to index
        %swap3A_226 = arith.constant 16 : index
        %swap3A_227 = tpu.vector_load %arg10[%swap3A_225, %swap3A_226] {strides = array<i32>} : memref<128x128xf32, #tpu.memory_space<vmem>>, vector<16xf32>,
        tpu.vector_store %arg10[%swap3A_225, %swap3A_226], %mul3A_224 {strides = array<i32>} : memref<128x128xf32, #tpu.memory_space<vmem>>, vector<16xf32>,
        %get3A_228 = arith.index_cast %add3A_214 : i32 to index
        %get3A_229 = arith.constant 16 : index
        %get3A_230 = tpu.vector_load %arg6[%get3A_228, %get3A_229] {strides = array<i32>} : memref<128x64xi32, #tpu.memory_space<vmem>>, vector<16xi32>,
        %bitcast3A_231 = vector.bitcast %get3A_230 : vector<16xi32> to vector<32xbf16>
        %unpack3A_232 = tpu.unpack_subelements %bitcast3A_231, 0 {pack_format = #tpu.pack_format<interleaved>} : vector<32xbf16> -> vector<16xf32>
        %unpack3A_233 = tpu.unpack_subelements %bitcast3A_231, 1 {pack_format = #tpu.pack_format<interleaved>} : vector<32xbf16> -> vector<16xf32>
        %mul3A_234 = arith.mulf %unpack3A_232, %gather3A_212 : vector<16xf32>
        %swap3A_235 = arith.index_cast %add3A_214 : i32 to index
        %swap3A_236 = arith.constant 32 : index
        %swap3A_237 = tpu.vector_load %arg10[%swap3A_235, %swap3A_236] {strides = array<i32>} : memref<128x128xf32, #tpu.memory_space<vmem>>, vector<16xf32>,
        tpu.vector_store %arg10[%swap3A_235, %swap3A_236], %mul3A_234 {strides = array<i32>} : memref<128x128xf32, #tpu.memory_space<vmem>>, vector<16xf32>,
        %mul3A_238 = arith.mulf %unpack3A_233, %gather3A_212 : vector<16xf32>
        %swap3A_239 = arith.index_cast %add3A_214 : i32 to index
        %swap3A_240 = arith.constant 48 : index
        %swap3A_241 = tpu.vector_load %arg10[%swap3A_239, %swap3A_240] {strides = array<i32>} : memref<128x128xf32, #tpu.memory_space<vmem>>, vector<16xf32>,
        tpu.vector_store %arg10[%swap3A_239, %swap3A_240], %mul3A_238 {strides = array<i32>} : memref<128x128xf32, #tpu.memory_space<vmem>>, vector<16xf32>,
        %get3A_242 = arith.index_cast %add3A_214 : i32 to index
        %get3A_243 = arith.constant 32 : index
        %get3A_244 = tpu.vector_load %arg6[%get3A_242, %get3A_243] {strides = array<i32>} : memref<128x64xi32, #tpu.memory_space<vmem>>, vector<16xi32>,
        %bitcast3A_245 = vector.bitcast %get3A_244 : vector<16xi32> to vector<32xbf16>
        %unpack3A_246 = tpu.unpack_subelements %bitcast3A_245, 0 {pack_format = #tpu.pack_format<interleaved>} : vector<32xbf16> -> vector<16xf32>
        %unpack3A_247 = tpu.unpack_subelements %bitcast3A_245, 1 {pack_format = #tpu.pack_format<interleaved>} : vector<32xbf16> -> vector<16xf32>
        %mul3A_248 = arith.mulf %unpack3A_246, %gather3A_212 : vector<16xf32>
        %swap3A_249 = arith.index_cast %add3A_214 : i32 to index
        %swap3A_250 = arith.constant 64 : index
        %swap3A_251 = tpu.vector_load %arg10[%swap3A_249, %swap3A_250] {strides = array<i32>} : memref<128x128xf32, #tpu.memory_space<vmem>>, vector<16xf32>,
        tpu.vector_store %arg10[%swap3A_249, %swap3A_250], %mul3A_248 {strides = array<i32>} : memref<128x128xf32, #tpu.memory_space<vmem>>, vector<16xf32>,
        %mul3A_252 = arith.mulf %unpack3A_247, %gather3A_212 : vector<16xf32>
        %swap3A_253 = arith.index_cast %add3A_214 : i32 to index
        %swap3A_254 = arith.constant 80 : index
        %swap3A_255 = tpu.vector_load %arg10[%swap3A_253, %swap3A_254] {strides = array<i32>} : memref<128x128xf32, #tpu.memory_space<vmem>>, vector<16xf32>,
        tpu.vector_store %arg10[%swap3A_253, %swap3A_254], %mul3A_252 {strides = array<i32>} : memref<128x128xf32, #tpu.memory_space<vmem>>, vector<16xf32>,
        %get3A_256 = arith.index_cast %add3A_214 : i32 to index
        %get3A_257 = arith.constant 48 : index
        %get3A_258 = tpu.vector_load %arg6[%get3A_256, %get3A_257] {strides = array<i32>} : memref<128x64xi32, #tpu.memory_space<vmem>>, vector<16xi32>,
        %bitcast3A_259 = vector.bitcast %get3A_258 : vector<16xi32> to vector<32xbf16>
        %unpack3A_260 = tpu.unpack_subelements %bitcast3A_259, 0 {pack_format = #tpu.pack_format<interleaved>} : vector<32xbf16> -> vector<16xf32>
        %unpack3A_261 = tpu.unpack_subelements %bitcast3A_259, 1 {pack_format = #tpu.pack_format<interleaved>} : vector<32xbf16> -> vector<16xf32>
        %mul3A_262 = arith.mulf %unpack3A_260, %gather3A_212 : vector<16xf32>
        %swap3A_263 = arith.index_cast %add3A_214 : i32 to index
        %swap3A_264 = arith.constant 96 : index
        %swap3A_265 = tpu.vector_load %arg10[%swap3A_263, %swap3A_264] {strides = array<i32>} : memref<128x128xf32, #tpu.memory_space<vmem>>, vector<16xf32>,
        tpu.vector_store %arg10[%swap3A_263, %swap3A_264], %mul3A_262 {strides = array<i32>} : memref<128x128xf32, #tpu.memory_space<vmem>>, vector<16xf32>,
        %mul3A_266 = arith.mulf %unpack3A_261, %gather3A_212 : vector<16xf32>
        %swap3A_267 = arith.index_cast %add3A_214 : i32 to index
        %swap3A_268 = arith.constant 112 : index
        %swap3A_269 = tpu.vector_load %arg10[%swap3A_267, %swap3A_268] {strides = array<i32>} : memref<128x128xf32, #tpu.memory_space<vmem>>, vector<16xf32>,
        tpu.vector_store %arg10[%swap3A_267, %swap3A_268], %mul3A_266 {strides = array<i32>} : memref<128x128xf32, #tpu.memory_space<vmem>>, vector<16xf32>,
        %broadcast_in_dim3A_270 = arith.constant 1 : i32
        %broadcast_in_dim3A_271 = vector.broadcast %broadcast_in_dim3A_270 : i32 to vector<16x1xi32>
        %gather3A_272 = vector.shape_cast %broadcast_in_dim3A_271 : vector<16x1xi32> to vector<16xi32>
        %gather3A_273 = tpu.dynamic_gather %bitcast3A[%gather3A_272] in [0] : vector<16xf32>, vector<16xi32> -> vector<16xf32>
        %add3A_274 = arith.constant 1 : i32
        %add3A_275 = arith.addi %add3A_206, %add3A_274 : i32
        %get3A_276 = arith.index_cast %add3A_275 : i32 to index
        %get3A_277 = arith.constant 0 : index
        %get3A_278 = tpu.vector_load %arg6[%get3A_276, %get3A_277] {strides = array<i32>} : memref<128x64xi32, #tpu.memory_space<vmem>>, vector<16xi32>,
        %bitcast3A_279 = vector.bitcast %get3A_278 : vector<16xi32> to vector<32xbf16>
        %unpack3A_280 = tpu.unpack_subelements %bitcast3A_279, 0 {pack_format = #tpu.pack_format<interleaved>} : vector<32xbf16> -> vector<16xf32>
        %unpack3A_281 = tpu.unpack_subelements %bitcast3A_279, 1 {pack_format = #tpu.pack_format<interleaved>} : vector<32xbf16> -> vector<16xf32>
        %mul3A_282 = arith.mulf %unpack3A_280, %gather3A_273 : vector<16xf32>
        %swap3A_283 = arith.index_cast %add3A_275 : i32 to index
        %swap3A_284 = arith.constant 0 : index
        %swap3A_285 = tpu.vector_load %arg10[%swap3A_283, %swap3A_284] {strides = array<i32>} : memref<128x128xf32, #tpu.memory_space<vmem>>, vector<16xf32>,
        tpu.vector_store %arg10[%swap3A_283, %swap3A_284], %mul3A_282 {strides = array<i32>} : memref<128x128xf32, #tpu.memory_space<vmem>>, vector<16xf32>,
        %mul3A_286 = arith.mulf %unpack3A_281, %gather3A_273 : vector<16xf32>
        %swap3A_287 = arith.index_cast %add3A_275 : i32 to index
        %swap3A_288 = arith.constant 16 : index
        %swap3A_289 = tpu.vector_load %arg10[%swap3A_287, %swap3A_288] {strides = array<i32>} : memref<128x128xf32, #tpu.memory_space<vmem>>, vector<16xf32>,
        tpu.vector_store %arg10[%swap3A_287, %swap3A_288], %mul3A_286 {strides = array<i32>} : memref<128x128xf32, #tpu.memory_space<vmem>>, vector<16xf32>,
        %get3A_290 = arith.index_cast %add3A_275 : i32 to index
        %get3A_291 = arith.constant 16 : index
        %get3A_292 = tpu.vector_load %arg6[%get3A_290, %get3A_291] {strides = array<i32>} : memref<128x64xi32, #tpu.memory_space<vmem>>, vector<16xi32>,
        %bitcast3A_293 = vector.bitcast %get3A_292 : vector<16xi32> to vector<32xbf16>
        %unpack3A_294 = tpu.unpack_subelements %bitcast3A_293, 0 {pack_format = #tpu.pack_format<interleaved>} : vector<32xbf16> -> vector<16xf32>
        %unpack3A_295 = tpu.unpack_subelements %bitcast3A_293, 1 {pack_format = #tpu.pack_format<interleaved>} : vector<32xbf16> -> vector<16xf32>
        %mul3A_296 = arith.mulf %unpack3A_294, %gather3A_273 : vector<16xf32>
        %swap3A_297 = arith.index_cast %add3A_275 : i32 to index
        %swap3A_298 = arith.constant 32 : index
        %swap3A_299 = tpu.vector_load %arg10[%swap3A_297, %swap3A_298] {strides = array<i32>} : memref<128x128xf32, #tpu.memory_space<vmem>>, vector<16xf32>,
        tpu.vector_store %arg10[%swap3A_297, %swap3A_298], %mul3A_296 {strides = array<i32>} : memref<128x128xf32, #tpu.memory_space<vmem>>, vector<16xf32>,
        %mul3A_300 = arith.mulf %unpack3A_295, %gather3A_273 : vector<16xf32>
        %swap3A_301 = arith.index_cast %add3A_275 : i32 to index
        %swap3A_302 = arith.constant 48 : index
        %swap3A_303 = tpu.vector_load %arg10[%swap3A_301, %swap3A_302] {strides = array<i32>} : memref<128x128xf32, #tpu.memory_space<vmem>>, vector<16xf32>,
        tpu.vector_store %arg10[%swap3A_301, %swap3A_302], %mul3A_300 {strides = array<i32>} : memref<128x128xf32, #tpu.memory_space<vmem>>, vector<16xf32>,
        %get3A_304 = arith.index_cast %add3A_275 : i32 to index
        %get3A_305 = arith.constant 32 : index
        %get3A_306 = tpu.vector_load %arg6[%get3A_304, %get3A_305] {strides = array<i32>} : memref<128x64xi32, #tpu.memory_space<vmem>>, vector<16xi32>,
        %bitcast3A_307 = vector.bitcast %get3A_306 : vector<16xi32> to vector<32xbf16>
        %unpack3A_308 = tpu.unpack_subelements %bitcast3A_307, 0 {pack_format = #tpu.pack_format<interleaved>} : vector<32xbf16> -> vector<16xf32>
        %unpack3A_309 = tpu.unpack_subelements %bitcast3A_307, 1 {pack_format = #tpu.pack_format<interleaved>} : vector<32xbf16> -> vector<16xf32>
        %mul3A_310 = arith.mulf %unpack3A_308, %gather3A_273 : vector<16xf32>
        %swap3A_311 = arith.index_cast %add3A_275 : i32 to index
        %swap3A_312 = arith.constant 64 : index
        %swap3A_313 = tpu.vector_load %arg10[%swap3A_311, %swap3A_312] {strides = array<i32>} : memref<128x128xf32, #tpu.memory_space<vmem>>, vector<16xf32>,
        tpu.vector_store %arg10[%swap3A_311, %swap3A_312], %mul3A_310 {strides = array<i32>} : memref<128x128xf32, #tpu.memory_space<vmem>>, vector<16xf32>,
        %mul3A_314 = arith.mulf %unpack3A_309, %gather3A_273 : vector<16xf32>
        %swap3A_315 = arith.index_cast %add3A_275 : i32 to index
        %swap3A_316 = arith.constant 80 : index
        %swap3A_317 = tpu.vector_load %arg10[%swap3A_315, %swap3A_316] {strides = array<i32>} : memref<128x128xf32, #tpu.memory_space<vmem>>, vector<16xf32>,
        tpu.vector_store %arg10[%swap3A_315, %swap3A_316], %mul3A_314 {strides = array<i32>} : memref<128x128xf32, #tpu.memory_space<vmem>>, vector<16xf32>,
        %get3A_318 = arith.index_cast %add3A_275 : i32 to index
        %get3A_319 = arith.constant 48 : index
        %get3A_320 = tpu.vector_load %arg6[%get3A_318, %get3A_319] {strides = array<i32>} : memref<128x64xi32, #tpu.memory_space<vmem>>, vector<16xi32>,
        %bitcast3A_321 = vector.bitcast %get3A_320 : vector<16xi32> to vector<32xbf16>
        %unpack3A_322 = tpu.unpack_subelements %bitcast3A_321, 0 {pack_format = #tpu.pack_format<interleaved>} : vector<32xbf16> -> vector<16xf32>
        %unpack3A_323 = tpu.unpack_subelements %bitcast3A_321, 1 {pack_format = #tpu.pack_format<interleaved>} : vector<32xbf16> -> vector<16xf32>
        %mul3A_324 = arith.mulf %unpack3A_322, %gather3A_273 : vector<16xf32>
        %swap3A_325 = arith.index_cast %add3A_275 : i32 to index
        %swap3A_326 = arith.constant 96 : index
        %swap3A_327 = tpu.vector_load %arg10[%swap3A_325, %swap3A_326] {strides = array<i32>} : memref<128x128xf32, #tpu.memory_space<vmem>>, vector<16xf32>,
        tpu.vector_store %arg10[%swap3A_325, %swap3A_326], %mul3A_324 {strides = array<i32>} : memref<128x128xf32, #tpu.memory_space<vmem>>, vector<16xf32>,
        %mul3A_328 = arith.mulf %unpack3A_323, %gather3A_273 : vector<16xf32>
        %swap3A_329 = arith.index_cast %add3A_275 : i32 to index
        %swap3A_330 = arith.constant 112 : index
        %swap3A_331 = tpu.vector_load %arg10[%swap3A_329, %swap3A_330] {strides = array<i32>} : memref<128x128xf32, #tpu.memory_space<vmem>>, vector<16xf32>,
        tpu.vector_store %arg10[%swap3A_329, %swap3A_330], %mul3A_328 {strides = array<i32>} : memref<128x128xf32, #tpu.memory_space<vmem>>, vector<16xf32>,
        %broadcast_in_dim3A_332 = arith.constant 2 : i32
        %broadcast_in_dim3A_333 = vector.broadcast %broadcast_in_dim3A_332 : i32 to vector<16x1xi32>
        %gather3A_334 = vector.shape_cast %broadcast_in_dim3A_333 : vector<16x1xi32> to vector<16xi32>
        %gather3A_335 = tpu.dynamic_gather %bitcast3A[%gather3A_334] in [0] : vector<16xf32>, vector<16xi32> -> vector<16xf32>
        %add3A_336 = arith.constant 2 : i32
        %add3A_337 = arith.addi %add3A_206, %add3A_336 : i32
        %get3A_338 = arith.index_cast %add3A_337 : i32 to index
        %get3A_339 = arith.constant 0 : index
        %get3A_340 = tpu.vector_load %arg6[%get3A_338, %get3A_339] {strides = array<i32>} : memref<128x64xi32, #tpu.memory_space<vmem>>, vector<16xi32>,
        %bitcast3A_341 = vector.bitcast %get3A_340 : vector<16xi32> to vector<32xbf16>
        %unpack3A_342 = tpu.unpack_subelements %bitcast3A_341, 0 {pack_format = #tpu.pack_format<interleaved>} : vector<32xbf16> -> vector<16xf32>
        %unpack3A_343 = tpu.unpack_subelements %bitcast3A_341, 1 {pack_format = #tpu.pack_format<interleaved>} : vector<32xbf16> -> vector<16xf32>
        %mul3A_344 = arith.mulf %unpack3A_342, %gather3A_335 : vector<16xf32>
        %swap3A_345 = arith.index_cast %add3A_337 : i32 to index
        %swap3A_346 = arith.constant 0 : index
        %swap3A_347 = tpu.vector_load %arg10[%swap3A_345, %swap3A_346] {strides = array<i32>} : memref<128x128xf32, #tpu.memory_space<vmem>>, vector<16xf32>,
        tpu.vector_store %arg10[%swap3A_345, %swap3A_346], %mul3A_344 {strides = array<i32>} : memref<128x128xf32, #tpu.memory_space<vmem>>, vector<16xf32>,
        %mul3A_348 = arith.mulf %unpack3A_343, %gather3A_335 : vector<16xf32>
        %swap3A_349 = arith.index_cast %add3A_337 : i32 to index
        %swap3A_350 = arith.constant 16 : index
        %swap3A_351 = tpu.vector_load %arg10[%swap3A_349, %swap3A_350] {strides = array<i32>} : memref<128x128xf32, #tpu.memory_space<vmem>>, vector<16xf32>,
        tpu.vector_store %arg10[%swap3A_349, %swap3A_350], %mul3A_348 {strides = array<i32>} : memref<128x128xf32, #tpu.memory_space<vmem>>, vector<16xf32>,
        %get3A_352 = arith.index_cast %add3A_337 : i32 to index
        %get3A_353 = arith.constant 16 : index
        %get3A_354 = tpu.vector_load %arg6[%get3A_352, %get3A_353] {strides = array<i32>} : memref<128x64xi32, #tpu.memory_space<vmem>>, vector<16xi32>,
        %bitcast3A_355 = vector.bitcast %get3A_354 : vector<16xi32> to vector<32xbf16>
        %unpack3A_356 = tpu.unpack_subelements %bitcast3A_355, 0 {pack_format = #tpu.pack_format<interleaved>} : vector<32xbf16> -> vector<16xf32>
        %unpack3A_357 = tpu.unpack_subelements %bitcast3A_355, 1 {pack_format = #tpu.pack_format<interleaved>} : vector<32xbf16> -> vector<16xf32>
        %mul3A_358 = arith.mulf %unpack3A_356, %gather3A_335 : vector<16xf32>
        %swap3A_359 = arith.index_cast %add3A_337 : i32 to index
        %swap3A_360 = arith.constant 32 : index
        %swap3A_361 = tpu.vector_load %arg10[%swap3A_359, %swap3A_360] {strides = array<i32>} : memref<128x128xf32, #tpu.memory_space<vmem>>, vector<16xf32>,
        tpu.vector_store %arg10[%swap3A_359, %swap3A_360], %mul3A_358 {strides = array<i32>} : memref<128x128xf32, #tpu.memory_space<vmem>>, vector<16xf32>,
        %mul3A_362 = arith.mulf %unpack3A_357, %gather3A_335 : vector<16xf32>
        %swap3A_363 = arith.index_cast %add3A_337 : i32 to index
        %swap3A_364 = arith.constant 48 : index
        %swap3A_365 = tpu.vector_load %arg10[%swap3A_363, %swap3A_364] {strides = array<i32>} : memref<128x128xf32, #tpu.memory_space<vmem>>, vector<16xf32>,
        tpu.vector_store %arg10[%swap3A_363, %swap3A_364], %mul3A_362 {strides = array<i32>} : memref<128x128xf32, #tpu.memory_space<vmem>>, vector<16xf32>,
        %get3A_366 = arith.index_cast %add3A_337 : i32 to index
        %get3A_367 = arith.constant 32 : index
        %get3A_368 = tpu.vector_load %arg6[%get3A_366, %get3A_367] {strides = array<i32>} : memref<128x64xi32, #tpu.memory_space<vmem>>, vector<16xi32>,
        %bitcast3A_369 = vector.bitcast %get3A_368 : vector<16xi32> to vector<32xbf16>
        %unpack3A_370 = tpu.unpack_subelements %bitcast3A_369, 0 {pack_format = #tpu.pack_format<interleaved>} : vector<32xbf16> -> vector<16xf32>
        %unpack3A_371 = tpu.unpack_subelements %bitcast3A_369, 1 {pack_format = #tpu.pack_format<interleaved>} : vector<32xbf16> -> vector<16xf32>
        %mul3A_372 = arith.mulf %unpack3A_370, %gather3A_335 : vector<16xf32>
        %swap3A_373 = arith.index_cast %add3A_337 : i32 to index
        %swap3A_374 = arith.constant 64 : index
        %swap3A_375 = tpu.vector_load %arg10[%swap3A_373, %swap3A_374] {strides = array<i32>} : memref<128x128xf32, #tpu.memory_space<vmem>>, vector<16xf32>,
        tpu.vector_store %arg10[%swap3A_373, %swap3A_374], %mul3A_372 {strides = array<i32>} : memref<128x128xf32, #tpu.memory_space<vmem>>, vector<16xf32>,
        %mul3A_376 = arith.mulf %unpack3A_371, %gather3A_335 : vector<16xf32>
        %swap3A_377 = arith.index_cast %add3A_337 : i32 to index
        %swap3A_378 = arith.constant 80 : index
        %swap3A_379 = tpu.vector_load %arg10[%swap3A_377, %swap3A_378] {strides = array<i32>} : memref<128x128xf32, #tpu.memory_space<vmem>>, vector<16xf32>,
        tpu.vector_store %arg10[%swap3A_377, %swap3A_378], %mul3A_376 {strides = array<i32>} : memref<128x128xf32, #tpu.memory_space<vmem>>, vector<16xf32>,
        %get3A_380 = arith.index_cast %add3A_337 : i32 to index
        %get3A_381 = arith.constant 48 : index
        %get3A_382 = tpu.vector_load %arg6[%get3A_380, %get3A_381] {strides = array<i32>} : memref<128x64xi32, #tpu.memory_space<vmem>>, vector<16xi32>,
        %bitcast3A_383 = vector.bitcast %get3A_382 : vector<16xi32> to vector<32xbf16>
        %unpack3A_384 = tpu.unpack_subelements %bitcast3A_383, 0 {pack_format = #tpu.pack_format<interleaved>} : vector<32xbf16> -> vector<16xf32>
        %unpack3A_385 = tpu.unpack_subelements %bitcast3A_383, 1 {pack_format = #tpu.pack_format<interleaved>} : vector<32xbf16> -> vector<16xf32>
        %mul3A_386 = arith.mulf %unpack3A_384, %gather3A_335 : vector<16xf32>
        %swap3A_387 = arith.index_cast %add3A_337 : i32 to index
        %swap3A_388 = arith.constant 96 : index
        %swap3A_389 = tpu.vector_load %arg10[%swap3A_387, %swap3A_388] {strides = array<i32>} : memref<128x128xf32, #tpu.memory_space<vmem>>, vector<16xf32>,
        tpu.vector_store %arg10[%swap3A_387, %swap3A_388], %mul3A_386 {strides = array<i32>} : memref<128x128xf32, #tpu.memory_space<vmem>>, vector<16xf32>,
        %mul3A_390 = arith.mulf %unpack3A_385, %gather3A_335 : vector<16xf32>
        %swap3A_391 = arith.index_cast %add3A_337 : i32 to index
        %swap3A_392 = arith.constant 112 : index
        %swap3A_393 = tpu.vector_load %arg10[%swap3A_391, %swap3A_392] {strides = array<i32>} : memref<128x128xf32, #tpu.memory_space<vmem>>, vector<16xf32>,
        tpu.vector_store %arg10[%swap3A_391, %swap3A_392], %mul3A_390 {strides = array<i32>} : memref<128x128xf32, #tpu.memory_space<vmem>>, vector<16xf32>,
        %broadcast_in_dim3A_394 = arith.constant 3 : i32
        %broadcast_in_dim3A_395 = vector.broadcast %broadcast_in_dim3A_394 : i32 to vector<16x1xi32>
        %gather3A_396 = vector.shape_cast %broadcast_in_dim3A_395 : vector<16x1xi32> to vector<16xi32>
        %gather3A_397 = tpu.dynamic_gather %bitcast3A[%gather3A_396] in [0] : vector<16xf32>, vector<16xi32> -> vector<16xf32>
        %add3A_398 = arith.constant 3 : i32
        %add3A_399 = arith.addi %add3A_206, %add3A_398 : i32
        %get3A_400 = arith.index_cast %add3A_399 : i32 to index
        %get3A_401 = arith.constant 0 : index
        %get3A_402 = tpu.vector_load %arg6[%get3A_400, %get3A_401] {strides = array<i32>} : memref<128x64xi32, #tpu.memory_space<vmem>>, vector<16xi32>,
        %bitcast3A_403 = vector.bitcast %get3A_402 : vector<16xi32> to vector<32xbf16>
        %unpack3A_404 = tpu.unpack_subelements %bitcast3A_403, 0 {pack_format = #tpu.pack_format<interleaved>} : vector<32xbf16> -> vector<16xf32>
        %unpack3A_405 = tpu.unpack_subelements %bitcast3A_403, 1 {pack_format = #tpu.pack_format<interleaved>} : vector<32xbf16> -> vector<16xf32>
        %mul3A_406 = arith.mulf %unpack3A_404, %gather3A_397 : vector<16xf32>
        %swap3A_407 = arith.index_cast %add3A_399 : i32 to index
        %swap3A_408 = arith.constant 0 : index
        %swap3A_409 = tpu.vector_load %arg10[%swap3A_407, %swap3A_408] {strides = array<i32>} : memref<128x128xf32, #tpu.memory_space<vmem>>, vector<16xf32>,
        tpu.vector_store %arg10[%swap3A_407, %swap3A_408], %mul3A_406 {strides = array<i32>} : memref<128x128xf32, #tpu.memory_space<vmem>>, vector<16xf32>,
        %mul3A_410 = arith.mulf %unpack3A_405, %gather3A_397 : vector<16xf32>
        %swap3A_411 = arith.index_cast %add3A_399 : i32 to index
        %swap3A_412 = arith.constant 16 : index
        %swap3A_413 = tpu.vector_load %arg10[%swap3A_411, %swap3A_412] {strides = array<i32>} : memref<128x128xf32, #tpu.memory_space<vmem>>, vector<16xf32>,
        tpu.vector_store %arg10[%swap3A_411, %swap3A_412], %mul3A_410 {strides = array<i32>} : memref<128x128xf32, #tpu.memory_space<vmem>>, vector<16xf32>,
        %get3A_414 = arith.index_cast %add3A_399 : i32 to index
        %get3A_415 = arith.constant 16 : index
        %get3A_416 = tpu.vector_load %arg6[%get3A_414, %get3A_415] {strides = array<i32>} : memref<128x64xi32, #tpu.memory_space<vmem>>, vector<16xi32>,
        %bitcast3A_417 = vector.bitcast %get3A_416 : vector<16xi32> to vector<32xbf16>
        %unpack3A_418 = tpu.unpack_subelements %bitcast3A_417, 0 {pack_format = #tpu.pack_format<interleaved>} : vector<32xbf16> -> vector<16xf32>
        %unpack3A_419 = tpu.unpack_subelements %bitcast3A_417, 1 {pack_format = #tpu.pack_format<interleaved>} : vector<32xbf16> -> vector<16xf32>
        %mul3A_420 = arith.mulf %unpack3A_418, %gather3A_397 : vector<16xf32>
        %swap3A_421 = arith.index_cast %add3A_399 : i32 to index
        %swap3A_422 = arith.constant 32 : index
        %swap3A_423 = tpu.vector_load %arg10[%swap3A_421, %swap3A_422] {strides = array<i32>} : memref<128x128xf32, #tpu.memory_space<vmem>>, vector<16xf32>,
        tpu.vector_store %arg10[%swap3A_421, %swap3A_422], %mul3A_420 {strides = array<i32>} : memref<128x128xf32, #tpu.memory_space<vmem>>, vector<16xf32>,
        %mul3A_424 = arith.mulf %unpack3A_419, %gather3A_397 : vector<16xf32>
        %swap3A_425 = arith.index_cast %add3A_399 : i32 to index
        %swap3A_426 = arith.constant 48 : index
        %swap3A_427 = tpu.vector_load %arg10[%swap3A_425, %swap3A_426] {strides = array<i32>} : memref<128x128xf32, #tpu.memory_space<vmem>>, vector<16xf32>,
        tpu.vector_store %arg10[%swap3A_425, %swap3A_426], %mul3A_424 {strides = array<i32>} : memref<128x128xf32, #tpu.memory_space<vmem>>, vector<16xf32>,
        %get3A_428 = arith.index_cast %add3A_399 : i32 to index
        %get3A_429 = arith.constant 32 : index
        %get3A_430 = tpu.vector_load %arg6[%get3A_428, %get3A_429] {strides = array<i32>} : memref<128x64xi32, #tpu.memory_space<vmem>>, vector<16xi32>,
        %bitcast3A_431 = vector.bitcast %get3A_430 : vector<16xi32> to vector<32xbf16>
        %unpack3A_432 = tpu.unpack_subelements %bitcast3A_431, 0 {pack_format = #tpu.pack_format<interleaved>} : vector<32xbf16> -> vector<16xf32>
        %unpack3A_433 = tpu.unpack_subelements %bitcast3A_431, 1 {pack_format = #tpu.pack_format<interleaved>} : vector<32xbf16> -> vector<16xf32>
        %mul3A_434 = arith.mulf %unpack3A_432, %gather3A_397 : vector<16xf32>
        %swap3A_435 = arith.index_cast %add3A_399 : i32 to index
        %swap3A_436 = arith.constant 64 : index
        %swap3A_437 = tpu.vector_load %arg10[%swap3A_435, %swap3A_436] {strides = array<i32>} : memref<128x128xf32, #tpu.memory_space<vmem>>, vector<16xf32>,
        tpu.vector_store %arg10[%swap3A_435, %swap3A_436], %mul3A_434 {strides = array<i32>} : memref<128x128xf32, #tpu.memory_space<vmem>>, vector<16xf32>,
        %mul3A_438 = arith.mulf %unpack3A_433, %gather3A_397 : vector<16xf32>
        %swap3A_439 = arith.index_cast %add3A_399 : i32 to index
        %swap3A_440 = arith.constant 80 : index
        %swap3A_441 = tpu.vector_load %arg10[%swap3A_439, %swap3A_440] {strides = array<i32>} : memref<128x128xf32, #tpu.memory_space<vmem>>, vector<16xf32>,
        tpu.vector_store %arg10[%swap3A_439, %swap3A_440], %mul3A_438 {strides = array<i32>} : memref<128x128xf32, #tpu.memory_space<vmem>>, vector<16xf32>,
        %get3A_442 = arith.index_cast %add3A_399 : i32 to index
        %get3A_443 = arith.constant 48 : index
        %get3A_444 = tpu.vector_load %arg6[%get3A_442, %get3A_443] {strides = array<i32>} : memref<128x64xi32, #tpu.memory_space<vmem>>, vector<16xi32>,
        %bitcast3A_445 = vector.bitcast %get3A_444 : vector<16xi32> to vector<32xbf16>
        %unpack3A_446 = tpu.unpack_subelements %bitcast3A_445, 0 {pack_format = #tpu.pack_format<interleaved>} : vector<32xbf16> -> vector<16xf32>
        %unpack3A_447 = tpu.unpack_subelements %bitcast3A_445, 1 {pack_format = #tpu.pack_format<interleaved>} : vector<32xbf16> -> vector<16xf32>
        %mul3A_448 = arith.mulf %unpack3A_446, %gather3A_397 : vector<16xf32>
        %swap3A_449 = arith.index_cast %add3A_399 : i32 to index
        %swap3A_450 = arith.constant 96 : index
        %swap3A_451 = tpu.vector_load %arg10[%swap3A_449, %swap3A_450] {strides = array<i32>} : memref<128x128xf32, #tpu.memory_space<vmem>>, vector<16xf32>,
        tpu.vector_store %arg10[%swap3A_449, %swap3A_450], %mul3A_448 {strides = array<i32>} : memref<128x128xf32, #tpu.memory_space<vmem>>, vector<16xf32>,
        %mul3A_452 = arith.mulf %unpack3A_447, %gather3A_397 : vector<16xf32>
        %swap3A_453 = arith.index_cast %add3A_399 : i32 to index
        %swap3A_454 = arith.constant 112 : index
        %swap3A_455 = tpu.vector_load %arg10[%swap3A_453, %swap3A_454] {strides = array<i32>} : memref<128x128xf32, #tpu.memory_space<vmem>>, vector<16xf32>,
        tpu.vector_store %arg10[%swap3A_453, %swap3A_454], %mul3A_452 {strides = array<i32>} : memref<128x128xf32, #tpu.memory_space<vmem>>, vector<16xf32>,
        %broadcast_in_dim3A_456 = arith.constant 4 : i32
        %broadcast_in_dim3A_457 = vector.broadcast %broadcast_in_dim3A_456 : i32 to vector<16x1xi32>
        %gather3A_458 = vector.shape_cast %broadcast_in_dim3A_457 : vector<16x1xi32> to vector<16xi32>
        %gather3A_459 = tpu.dynamic_gather %bitcast3A[%gather3A_458] in [0] : vector<16xf32>, vector<16xi32> -> vector<16xf32>
        %add3A_460 = arith.constant 4 : i32
        %add3A_461 = arith.addi %add3A_206, %add3A_460 : i32
        %get3A_462 = arith.index_cast %add3A_461 : i32 to index
        %get3A_463 = arith.constant 0 : index
        %get3A_464 = tpu.vector_load %arg6[%get3A_462, %get3A_463] {strides = array<i32>} : memref<128x64xi32, #tpu.memory_space<vmem>>, vector<16xi32>,
        %bitcast3A_465 = vector.bitcast %get3A_464 : vector<16xi32> to vector<32xbf16>
        %unpack3A_466 = tpu.unpack_subelements %bitcast3A_465, 0 {pack_format = #tpu.pack_format<interleaved>} : vector<32xbf16> -> vector<16xf32>
        %unpack3A_467 = tpu.unpack_subelements %bitcast3A_465, 1 {pack_format = #tpu.pack_format<interleaved>} : vector<32xbf16> -> vector<16xf32>
        %mul3A_468 = arith.mulf %unpack3A_466, %gather3A_459 : vector<16xf32>
        %swap3A_469 = arith.index_cast %add3A_461 : i32 to index
        %swap3A_470 = arith.constant 0 : index
        %swap3A_471 = tpu.vector_load %arg10[%swap3A_469, %swap3A_470] {strides = array<i32>} : memref<128x128xf32, #tpu.memory_space<vmem>>, vector<16xf32>,
        tpu.vector_store %arg10[%swap3A_469, %swap3A_470], %mul3A_468 {strides = array<i32>} : memref<128x128xf32, #tpu.memory_space<vmem>>, vector<16xf32>,
        %mul3A_472 = arith.mulf %unpack3A_467, %gather3A_459 : vector<16xf32>
        %swap3A_473 = arith.index_cast %add3A_461 : i32 to index
        %swap3A_474 = arith.constant 16 : index
        %swap3A_475 = tpu.vector_load %arg10[%swap3A_473, %swap3A_474] {strides = array<i32>} : memref<128x128xf32, #tpu.memory_space<vmem>>, vector<16xf32>,
        tpu.vector_store %arg10[%swap3A_473, %swap3A_474], %mul3A_472 {strides = array<i32>} : memref<128x128xf32, #tpu.memory_space<vmem>>, vector<16xf32>,
        %get3A_476 = arith.index_cast %add3A_461 : i32 to index
        %get3A_477 = arith.constant 16 : index
        %get3A_478 = tpu.vector_load %arg6[%get3A_476, %get3A_477] {strides = array<i32>} : memref<128x64xi32, #tpu.memory_space<vmem>>, vector<16xi32>,
        %bitcast3A_479 = vector.bitcast %get3A_478 : vector<16xi32> to vector<32xbf16>
        %unpack3A_480 = tpu.unpack_subelements %bitcast3A_479, 0 {pack_format = #tpu.pack_format<interleaved>} : vector<32xbf16> -> vector<16xf32>
        %unpack3A_481 = tpu.unpack_subelements %bitcast3A_479, 1 {pack_format = #tpu.pack_format<interleaved>} : vector<32xbf16> -> vector<16xf32>
        %mul3A_482 = arith.mulf %unpack3A_480, %gather3A_459 : vector<16xf32>
        %swap3A_483 = arith.index_cast %add3A_461 : i32 to index
        %swap3A_484 = arith.constant 32 : index
        %swap3A_485 = tpu.vector_load %arg10[%swap3A_483, %swap3A_484] {strides = array<i32>} : memref<128x128xf32, #tpu.memory_space<vmem>>, vector<16xf32>,
        tpu.vector_store %arg10[%swap3A_483, %swap3A_484], %mul3A_482 {strides = array<i32>} : memref<128x128xf32, #tpu.memory_space<vmem>>, vector<16xf32>,
        %mul3A_486 = arith.mulf %unpack3A_481, %gather3A_459 : vector<16xf32>
        %swap3A_487 = arith.index_cast %add3A_461 : i32 to index
        %swap3A_488 = arith.constant 48 : index
        %swap3A_489 = tpu.vector_load %arg10[%swap3A_487, %swap3A_488] {strides = array<i32>} : memref<128x128xf32, #tpu.memory_space<vmem>>, vector<16xf32>,
        tpu.vector_store %arg10[%swap3A_487, %swap3A_488], %mul3A_486 {strides = array<i32>} : memref<128x128xf32, #tpu.memory_space<vmem>>, vector<16xf32>,
        %get3A_490 = arith.index_cast %add3A_461 : i32 to index
        %get3A_491 = arith.constant 32 : index
        %get3A_492 = tpu.vector_load %arg6[%get3A_490, %get3A_491] {strides = array<i32>} : memref<128x64xi32, #tpu.memory_space<vmem>>, vector<16xi32>,
        %bitcast3A_493 = vector.bitcast %get3A_492 : vector<16xi32> to vector<32xbf16>
        %unpack3A_494 = tpu.unpack_subelements %bitcast3A_493, 0 {pack_format = #tpu.pack_format<interleaved>} : vector<32xbf16> -> vector<16xf32>
        %unpack3A_495 = tpu.unpack_subelements %bitcast3A_493, 1 {pack_format = #tpu.pack_format<interleaved>} : vector<32xbf16> -> vector<16xf32>
        %mul3A_496 = arith.mulf %unpack3A_494, %gather3A_459 : vector<16xf32>
        %swap3A_497 = arith.index_cast %add3A_461 : i32 to index
        %swap3A_498 = arith.constant 64 : index
        %swap3A_499 = tpu.vector_load %arg10[%swap3A_497, %swap3A_498] {strides = array<i32>} : memref<128x128xf32, #tpu.memory_space<vmem>>, vector<16xf32>,
        tpu.vector_store %arg10[%swap3A_497, %swap3A_498], %mul3A_496 {strides = array<i32>} : memref<128x128xf32, #tpu.memory_space<vmem>>, vector<16xf32>,
        %mul3A_500 = arith.mulf %unpack3A_495, %gather3A_459 : vector<16xf32>
        %swap3A_501 = arith.index_cast %add3A_461 : i32 to index
        %swap3A_502 = arith.constant 80 : index
        %swap3A_503 = tpu.vector_load %arg10[%swap3A_501, %swap3A_502] {strides = array<i32>} : memref<128x128xf32, #tpu.memory_space<vmem>>, vector<16xf32>,
        tpu.vector_store %arg10[%swap3A_501, %swap3A_502], %mul3A_500 {strides = array<i32>} : memref<128x128xf32, #tpu.memory_space<vmem>>, vector<16xf32>,
        %get3A_504 = arith.index_cast %add3A_461 : i32 to index
        %get3A_505 = arith.constant 48 : index
        %get3A_506 = tpu.vector_load %arg6[%get3A_504, %get3A_505] {strides = array<i32>} : memref<128x64xi32, #tpu.memory_space<vmem>>, vector<16xi32>,
        %bitcast3A_507 = vector.bitcast %get3A_506 : vector<16xi32> to vector<32xbf16>
        %unpack3A_508 = tpu.unpack_subelements %bitcast3A_507, 0 {pack_format = #tpu.pack_format<interleaved>} : vector<32xbf16> -> vector<16xf32>
        %unpack3A_509 = tpu.unpack_subelements %bitcast3A_507, 1 {pack_format = #tpu.pack_format<interleaved>} : vector<32xbf16> -> vector<16xf32>
        %mul3A_510 = arith.mulf %unpack3A_508, %gather3A_459 : vector<16xf32>
        %swap3A_511 = arith.index_cast %add3A_461 : i32 to index
        %swap3A_512 = arith.constant 96 : index
        %swap3A_513 = tpu.vector_load %arg10[%swap3A_511, %swap3A_512] {strides = array<i32>} : memref<128x128xf32, #tpu.memory_space<vmem>>, vector<16xf32>,
        tpu.vector_store %arg10[%swap3A_511, %swap3A_512], %mul3A_510 {strides = array<i32>} : memref<128x128xf32, #tpu.memory_space<vmem>>, vector<16xf32>,
        %mul3A_514 = arith.mulf %unpack3A_509, %gather3A_459 : vector<16xf32>
        %swap3A_515 = arith.index_cast %add3A_461 : i32 to index
        %swap3A_516 = arith.constant 112 : index
        %swap3A_517 = tpu.vector_load %arg10[%swap3A_515, %swap3A_516] {strides = array<i32>} : memref<128x128xf32, #tpu.memory_space<vmem>>, vector<16xf32>,
        tpu.vector_store %arg10[%swap3A_515, %swap3A_516], %mul3A_514 {strides = array<i32>} : memref<128x128xf32, #tpu.memory_space<vmem>>, vector<16xf32>,
        %broadcast_in_dim3A_518 = arith.constant 5 : i32
        %broadcast_in_dim3A_519 = vector.broadcast %broadcast_in_dim3A_518 : i32 to vector<16x1xi32>
        %gather3A_520 = vector.shape_cast %broadcast_in_dim3A_519 : vector<16x1xi32> to vector<16xi32>
        %gather3A_521 = tpu.dynamic_gather %bitcast3A[%gather3A_520] in [0] : vector<16xf32>, vector<16xi32> -> vector<16xf32>
        %add3A_522 = arith.constant 5 : i32
        %add3A_523 = arith.addi %add3A_206, %add3A_522 : i32
        %get3A_524 = arith.index_cast %add3A_523 : i32 to index
        %get3A_525 = arith.constant 0 : index
        %get3A_526 = tpu.vector_load %arg6[%get3A_524, %get3A_525] {strides = array<i32>} : memref<128x64xi32, #tpu.memory_space<vmem>>, vector<16xi32>,
        %bitcast3A_527 = vector.bitcast %get3A_526 : vector<16xi32> to vector<32xbf16>
        %unpack3A_528 = tpu.unpack_subelements %bitcast3A_527, 0 {pack_format = #tpu.pack_format<interleaved>} : vector<32xbf16> -> vector<16xf32>
        %unpack3A_529 = tpu.unpack_subelements %bitcast3A_527, 1 {pack_format = #tpu.pack_format<interleaved>} : vector<32xbf16> -> vector<16xf32>
        %mul3A_530 = arith.mulf %unpack3A_528, %gather3A_521 : vector<16xf32>
        %swap3A_531 = arith.index_cast %add3A_523 : i32 to index
        %swap3A_532 = arith.constant 0 : index
        %swap3A_533 = tpu.vector_load %arg10[%swap3A_531, %swap3A_532] {strides = array<i32>} : memref<128x128xf32, #tpu.memory_space<vmem>>, vector<16xf32>,
        tpu.vector_store %arg10[%swap3A_531, %swap3A_532], %mul3A_530 {strides = array<i32>} : memref<128x128xf32, #tpu.memory_space<vmem>>, vector<16xf32>,
        %mul3A_534 = arith.mulf %unpack3A_529, %gather3A_521 : vector<16xf32>
        %swap3A_535 = arith.index_cast %add3A_523 : i32 to index
        %swap3A_536 = arith.constant 16 : index
        %swap3A_537 = tpu.vector_load %arg10[%swap3A_535, %swap3A_536] {strides = array<i32>} : memref<128x128xf32, #tpu.memory_space<vmem>>, vector<16xf32>,
        tpu.vector_store %arg10[%swap3A_535, %swap3A_536], %mul3A_534 {strides = array<i32>} : memref<128x128xf32, #tpu.memory_space<vmem>>, vector<16xf32>,
        %get3A_538 = arith.index_cast %add3A_523 : i32 to index
        %get3A_539 = arith.constant 16 : index
        %get3A_540 = tpu.vector_load %arg6[%get3A_538, %get3A_539] {strides = array<i32>} : memref<128x64xi32, #tpu.memory_space<vmem>>, vector<16xi32>,
        %bitcast3A_541 = vector.bitcast %get3A_540 : vector<16xi32> to vector<32xbf16>
        %unpack3A_542 = tpu.unpack_subelements %bitcast3A_541, 0 {pack_format = #tpu.pack_format<interleaved>} : vector<32xbf16> -> vector<16xf32>
        %unpack3A_543 = tpu.unpack_subelements %bitcast3A_541, 1 {pack_format = #tpu.pack_format<interleaved>} : vector<32xbf16> -> vector<16xf32>
        %mul3A_544 = arith.mulf %unpack3A_542, %gather3A_521 : vector<16xf32>
        %swap3A_545 = arith.index_cast %add3A_523 : i32 to index
        %swap3A_546 = arith.constant 32 : index
        %swap3A_547 = tpu.vector_load %arg10[%swap3A_545, %swap3A_546] {strides = array<i32>} : memref<128x128xf32, #tpu.memory_space<vmem>>, vector<16xf32>,
        tpu.vector_store %arg10[%swap3A_545, %swap3A_546], %mul3A_544 {strides = array<i32>} : memref<128x128xf32, #tpu.memory_space<vmem>>, vector<16xf32>,
        %mul3A_548 = arith.mulf %unpack3A_543, %gather3A_521 : vector<16xf32>
        %swap3A_549 = arith.index_cast %add3A_523 : i32 to index
        %swap3A_550 = arith.constant 48 : index
        %swap3A_551 = tpu.vector_load %arg10[%swap3A_549, %swap3A_550] {strides = array<i32>} : memref<128x128xf32, #tpu.memory_space<vmem>>, vector<16xf32>,
        tpu.vector_store %arg10[%swap3A_549, %swap3A_550], %mul3A_548 {strides = array<i32>} : memref<128x128xf32, #tpu.memory_space<vmem>>, vector<16xf32>,
        %get3A_552 = arith.index_cast %add3A_523 : i32 to index
        %get3A_553 = arith.constant 32 : index
        %get3A_554 = tpu.vector_load %arg6[%get3A_552, %get3A_553] {strides = array<i32>} : memref<128x64xi32, #tpu.memory_space<vmem>>, vector<16xi32>,
        %bitcast3A_555 = vector.bitcast %get3A_554 : vector<16xi32> to vector<32xbf16>
        %unpack3A_556 = tpu.unpack_subelements %bitcast3A_555, 0 {pack_format = #tpu.pack_format<interleaved>} : vector<32xbf16> -> vector<16xf32>
        %unpack3A_557 = tpu.unpack_subelements %bitcast3A_555, 1 {pack_format = #tpu.pack_format<interleaved>} : vector<32xbf16> -> vector<16xf32>
        %mul3A_558 = arith.mulf %unpack3A_556, %gather3A_521 : vector<16xf32>
        %swap3A_559 = arith.index_cast %add3A_523 : i32 to index
        %swap3A_560 = arith.constant 64 : index
        %swap3A_561 = tpu.vector_load %arg10[%swap3A_559, %swap3A_560] {strides = array<i32>} : memref<128x128xf32, #tpu.memory_space<vmem>>, vector<16xf32>,
        tpu.vector_store %arg10[%swap3A_559, %swap3A_560], %mul3A_558 {strides = array<i32>} : memref<128x128xf32, #tpu.memory_space<vmem>>, vector<16xf32>,
        %mul3A_562 = arith.mulf %unpack3A_557, %gather3A_521 : vector<16xf32>
        %swap3A_563 = arith.index_cast %add3A_523 : i32 to index
        %swap3A_564 = arith.constant 80 : index
        %swap3A_565 = tpu.vector_load %arg10[%swap3A_563, %swap3A_564] {strides = array<i32>} : memref<128x128xf32, #tpu.memory_space<vmem>>, vector<16xf32>,
        tpu.vector_store %arg10[%swap3A_563, %swap3A_564], %mul3A_562 {strides = array<i32>} : memref<128x128xf32, #tpu.memory_space<vmem>>, vector<16xf32>,
        %get3A_566 = arith.index_cast %add3A_523 : i32 to index
        %get3A_567 = arith.constant 48 : index
        %get3A_568 = tpu.vector_load %arg6[%get3A_566, %get3A_567] {strides = array<i32>} : memref<128x64xi32, #tpu.memory_space<vmem>>, vector<16xi32>,
        %bitcast3A_569 = vector.bitcast %get3A_568 : vector<16xi32> to vector<32xbf16>
        %unpack3A_570 = tpu.unpack_subelements %bitcast3A_569, 0 {pack_format = #tpu.pack_format<interleaved>} : vector<32xbf16> -> vector<16xf32>
        %unpack3A_571 = tpu.unpack_subelements %bitcast3A_569, 1 {pack_format = #tpu.pack_format<interleaved>} : vector<32xbf16> -> vector<16xf32>
        %mul3A_572 = arith.mulf %unpack3A_570, %gather3A_521 : vector<16xf32>
        %swap3A_573 = arith.index_cast %add3A_523 : i32 to index
        %swap3A_574 = arith.constant 96 : index
        %swap3A_575 = tpu.vector_load %arg10[%swap3A_573, %swap3A_574] {strides = array<i32>} : memref<128x128xf32, #tpu.memory_space<vmem>>, vector<16xf32>,
        tpu.vector_store %arg10[%swap3A_573, %swap3A_574], %mul3A_572 {strides = array<i32>} : memref<128x128xf32, #tpu.memory_space<vmem>>, vector<16xf32>,
        %mul3A_576 = arith.mulf %unpack3A_571, %gather3A_521 : vector<16xf32>
        %swap3A_577 = arith.index_cast %add3A_523 : i32 to index
        %swap3A_578 = arith.constant 112 : index
        %swap3A_579 = tpu.vector_load %arg10[%swap3A_577, %swap3A_578] {strides = array<i32>} : memref<128x128xf32, #tpu.memory_space<vmem>>, vector<16xf32>,
        tpu.vector_store %arg10[%swap3A_577, %swap3A_578], %mul3A_576 {strides = array<i32>} : memref<128x128xf32, #tpu.memory_space<vmem>>, vector<16xf32>,
        %broadcast_in_dim3A_580 = arith.constant 6 : i32
        %broadcast_in_dim3A_581 = vector.broadcast %broadcast_in_dim3A_580 : i32 to vector<16x1xi32>
        %gather3A_582 = vector.shape_cast %broadcast_in_dim3A_581 : vector<16x1xi32> to vector<16xi32>
        %gather3A_583 = tpu.dynamic_gather %bitcast3A[%gather3A_582] in [0] : vector<16xf32>, vector<16xi32> -> vector<16xf32>
        %add3A_584 = arith.constant 6 : i32
        %add3A_585 = arith.addi %add3A_206, %add3A_584 : i32
        %get3A_586 = arith.index_cast %add3A_585 : i32 to index
        %get3A_587 = arith.constant 0 : index
        %get3A_588 = tpu.vector_load %arg6[%get3A_586, %get3A_587] {strides = array<i32>} : memref<128x64xi32, #tpu.memory_space<vmem>>, vector<16xi32>,
        %bitcast3A_589 = vector.bitcast %get3A_588 : vector<16xi32> to vector<32xbf16>
        %unpack3A_590 = tpu.unpack_subelements %bitcast3A_589, 0 {pack_format = #tpu.pack_format<interleaved>} : vector<32xbf16> -> vector<16xf32>
        %unpack3A_591 = tpu.unpack_subelements %bitcast3A_589, 1 {pack_format = #tpu.pack_format<interleaved>} : vector<32xbf16> -> vector<16xf32>
        %mul3A_592 = arith.mulf %unpack3A_590, %gather3A_583 : vector<16xf32>
        %swap3A_593 = arith.index_cast %add3A_585 : i32 to index
        %swap3A_594 = arith.constant 0 : index
        %swap3A_595 = tpu.vector_load %arg10[%swap3A_593, %swap3A_594] {strides = array<i32>} : memref<128x128xf32, #tpu.memory_space<vmem>>, vector<16xf32>,
        tpu.vector_store %arg10[%swap3A_593, %swap3A_594], %mul3A_592 {strides = array<i32>} : memref<128x128xf32, #tpu.memory_space<vmem>>, vector<16xf32>,
        %mul3A_596 = arith.mulf %unpack3A_591, %gather3A_583 : vector<16xf32>
        %swap3A_597 = arith.index_cast %add3A_585 : i32 to index
        %swap3A_598 = arith.constant 16 : index
        %swap3A_599 = tpu.vector_load %arg10[%swap3A_597, %swap3A_598] {strides = array<i32>} : memref<128x128xf32, #tpu.memory_space<vmem>>, vector<16xf32>,
        tpu.vector_store %arg10[%swap3A_597, %swap3A_598], %mul3A_596 {strides = array<i32>} : memref<128x128xf32, #tpu.memory_space<vmem>>, vector<16xf32>,
        %get3A_600 = arith.index_cast %add3A_585 : i32 to index
        %get3A_601 = arith.constant 16 : index
        %get3A_602 = tpu.vector_load %arg6[%get3A_600, %get3A_601] {strides = array<i32>} : memref<128x64xi32, #tpu.memory_space<vmem>>, vector<16xi32>,
        %bitcast3A_603 = vector.bitcast %get3A_602 : vector<16xi32> to vector<32xbf16>
        %unpack3A_604 = tpu.unpack_subelements %bitcast3A_603, 0 {pack_format = #tpu.pack_format<interleaved>} : vector<32xbf16> -> vector<16xf32>
        %unpack3A_605 = tpu.unpack_subelements %bitcast3A_603, 1 {pack_format = #tpu.pack_format<interleaved>} : vector<32xbf16> -> vector<16xf32>
        %mul3A_606 = arith.mulf %unpack3A_604, %gather3A_583 : vector<16xf32>
        %swap3A_607 = arith.index_cast %add3A_585 : i32 to index
        %swap3A_608 = arith.constant 32 : index
        %swap3A_609 = tpu.vector_load %arg10[%swap3A_607, %swap3A_608] {strides = array<i32>} : memref<128x128xf32, #tpu.memory_space<vmem>>, vector<16xf32>,
        tpu.vector_store %arg10[%swap3A_607, %swap3A_608], %mul3A_606 {strides = array<i32>} : memref<128x128xf32, #tpu.memory_space<vmem>>, vector<16xf32>,
        %mul3A_610 = arith.mulf %unpack3A_605, %gather3A_583 : vector<16xf32>
        %swap3A_611 = arith.index_cast %add3A_585 : i32 to index
        %swap3A_612 = arith.constant 48 : index
        %swap3A_613 = tpu.vector_load %arg10[%swap3A_611, %swap3A_612] {strides = array<i32>} : memref<128x128xf32, #tpu.memory_space<vmem>>, vector<16xf32>,
        tpu.vector_store %arg10[%swap3A_611, %swap3A_612], %mul3A_610 {strides = array<i32>} : memref<128x128xf32, #tpu.memory_space<vmem>>, vector<16xf32>,
        %get3A_614 = arith.index_cast %add3A_585 : i32 to index
        %get3A_615 = arith.constant 32 : index
        %get3A_616 = tpu.vector_load %arg6[%get3A_614, %get3A_615] {strides = array<i32>} : memref<128x64xi32, #tpu.memory_space<vmem>>, vector<16xi32>,
        %bitcast3A_617 = vector.bitcast %get3A_616 : vector<16xi32> to vector<32xbf16>
        %unpack3A_618 = tpu.unpack_subelements %bitcast3A_617, 0 {pack_format = #tpu.pack_format<interleaved>} : vector<32xbf16> -> vector<16xf32>
        %unpack3A_619 = tpu.unpack_subelements %bitcast3A_617, 1 {pack_format = #tpu.pack_format<interleaved>} : vector<32xbf16> -> vector<16xf32>
        %mul3A_620 = arith.mulf %unpack3A_618, %gather3A_583 : vector<16xf32>
        %swap3A_621 = arith.index_cast %add3A_585 : i32 to index
        %swap3A_622 = arith.constant 64 : index
        %swap3A_623 = tpu.vector_load %arg10[%swap3A_621, %swap3A_622] {strides = array<i32>} : memref<128x128xf32, #tpu.memory_space<vmem>>, vector<16xf32>,
        tpu.vector_store %arg10[%swap3A_621, %swap3A_622], %mul3A_620 {strides = array<i32>} : memref<128x128xf32, #tpu.memory_space<vmem>>, vector<16xf32>,
        %mul3A_624 = arith.mulf %unpack3A_619, %gather3A_583 : vector<16xf32>
        %swap3A_625 = arith.index_cast %add3A_585 : i32 to index
        %swap3A_626 = arith.constant 80 : index
        %swap3A_627 = tpu.vector_load %arg10[%swap3A_625, %swap3A_626] {strides = array<i32>} : memref<128x128xf32, #tpu.memory_space<vmem>>, vector<16xf32>,
        tpu.vector_store %arg10[%swap3A_625, %swap3A_626], %mul3A_624 {strides = array<i32>} : memref<128x128xf32, #tpu.memory_space<vmem>>, vector<16xf32>,
        %get3A_628 = arith.index_cast %add3A_585 : i32 to index
        %get3A_629 = arith.constant 48 : index
        %get3A_630 = tpu.vector_load %arg6[%get3A_628, %get3A_629] {strides = array<i32>} : memref<128x64xi32, #tpu.memory_space<vmem>>, vector<16xi32>,
        %bitcast3A_631 = vector.bitcast %get3A_630 : vector<16xi32> to vector<32xbf16>
        %unpack3A_632 = tpu.unpack_subelements %bitcast3A_631, 0 {pack_format = #tpu.pack_format<interleaved>} : vector<32xbf16> -> vector<16xf32>
        %unpack3A_633 = tpu.unpack_subelements %bitcast3A_631, 1 {pack_format = #tpu.pack_format<interleaved>} : vector<32xbf16> -> vector<16xf32>
        %mul3A_634 = arith.mulf %unpack3A_632, %gather3A_583 : vector<16xf32>
        %swap3A_635 = arith.index_cast %add3A_585 : i32 to index
        %swap3A_636 = arith.constant 96 : index
        %swap3A_637 = tpu.vector_load %arg10[%swap3A_635, %swap3A_636] {strides = array<i32>} : memref<128x128xf32, #tpu.memory_space<vmem>>, vector<16xf32>,
        tpu.vector_store %arg10[%swap3A_635, %swap3A_636], %mul3A_634 {strides = array<i32>} : memref<128x128xf32, #tpu.memory_space<vmem>>, vector<16xf32>,
        %mul3A_638 = arith.mulf %unpack3A_633, %gather3A_583 : vector<16xf32>
        %swap3A_639 = arith.index_cast %add3A_585 : i32 to index
        %swap3A_640 = arith.constant 112 : index
        %swap3A_641 = tpu.vector_load %arg10[%swap3A_639, %swap3A_640] {strides = array<i32>} : memref<128x128xf32, #tpu.memory_space<vmem>>, vector<16xf32>,
        tpu.vector_store %arg10[%swap3A_639, %swap3A_640], %mul3A_638 {strides = array<i32>} : memref<128x128xf32, #tpu.memory_space<vmem>>, vector<16xf32>,
        %broadcast_in_dim3A_642 = arith.constant 7 : i32
        %broadcast_in_dim3A_643 = vector.broadcast %broadcast_in_dim3A_642 : i32 to vector<16x1xi32>
        %gather3A_644 = vector.shape_cast %broadcast_in_dim3A_643 : vector<16x1xi32> to vector<16xi32>
        %gather3A_645 = tpu.dynamic_gather %bitcast3A[%gather3A_644] in [0] : vector<16xf32>, vector<16xi32> -> vector<16xf32>
        %add3A_646 = arith.constant 7 : i32
        %add3A_647 = arith.addi %add3A_206, %add3A_646 : i32
        %get3A_648 = arith.index_cast %add3A_647 : i32 to index
        %get3A_649 = arith.constant 0 : index
        %get3A_650 = tpu.vector_load %arg6[%get3A_648, %get3A_649] {strides = array<i32>} : memref<128x64xi32, #tpu.memory_space<vmem>>, vector<16xi32>,
        %bitcast3A_651 = vector.bitcast %get3A_650 : vector<16xi32> to vector<32xbf16>
        %unpack3A_652 = tpu.unpack_subelements %bitcast3A_651, 0 {pack_format = #tpu.pack_format<interleaved>} : vector<32xbf16> -> vector<16xf32>
        %unpack3A_653 = tpu.unpack_subelements %bitcast3A_651, 1 {pack_format = #tpu.pack_format<interleaved>} : vector<32xbf16> -> vector<16xf32>
        %mul3A_654 = arith.mulf %unpack3A_652, %gather3A_645 : vector<16xf32>
        %swap3A_655 = arith.index_cast %add3A_647 : i32 to index
        %swap3A_656 = arith.constant 0 : index
        %swap3A_657 = tpu.vector_load %arg10[%swap3A_655, %swap3A_656] {strides = array<i32>} : memref<128x128xf32, #tpu.memory_space<vmem>>, vector<16xf32>,
        tpu.vector_store %arg10[%swap3A_655, %swap3A_656], %mul3A_654 {strides = array<i32>} : memref<128x128xf32, #tpu.memory_space<vmem>>, vector<16xf32>,
        %mul3A_658 = arith.mulf %unpack3A_653, %gather3A_645 : vector<16xf32>
        %swap3A_659 = arith.index_cast %add3A_647 : i32 to index
        %swap3A_660 = arith.constant 16 : index
        %swap3A_661 = tpu.vector_load %arg10[%swap3A_659, %swap3A_660] {strides = array<i32>} : memref<128x128xf32, #tpu.memory_space<vmem>>, vector<16xf32>,
        tpu.vector_store %arg10[%swap3A_659, %swap3A_660], %mul3A_658 {strides = array<i32>} : memref<128x128xf32, #tpu.memory_space<vmem>>, vector<16xf32>,
        %get3A_662 = arith.index_cast %add3A_647 : i32 to index
        %get3A_663 = arith.constant 16 : index
        %get3A_664 = tpu.vector_load %arg6[%get3A_662, %get3A_663] {strides = array<i32>} : memref<128x64xi32, #tpu.memory_space<vmem>>, vector<16xi32>,
        %bitcast3A_665 = vector.bitcast %get3A_664 : vector<16xi32> to vector<32xbf16>
        %unpack3A_666 = tpu.unpack_subelements %bitcast3A_665, 0 {pack_format = #tpu.pack_format<interleaved>} : vector<32xbf16> -> vector<16xf32>
        %unpack3A_667 = tpu.unpack_subelements %bitcast3A_665, 1 {pack_format = #tpu.pack_format<interleaved>} : vector<32xbf16> -> vector<16xf32>
        %mul3A_668 = arith.mulf %unpack3A_666, %gather3A_645 : vector<16xf32>
        %swap3A_669 = arith.index_cast %add3A_647 : i32 to index
        %swap3A_670 = arith.constant 32 : index
        %swap3A_671 = tpu.vector_load %arg10[%swap3A_669, %swap3A_670] {strides = array<i32>} : memref<128x128xf32, #tpu.memory_space<vmem>>, vector<16xf32>,
        tpu.vector_store %arg10[%swap3A_669, %swap3A_670], %mul3A_668 {strides = array<i32>} : memref<128x128xf32, #tpu.memory_space<vmem>>, vector<16xf32>,
        %mul3A_672 = arith.mulf %unpack3A_667, %gather3A_645 : vector<16xf32>
        %swap3A_673 = arith.index_cast %add3A_647 : i32 to index
        %swap3A_674 = arith.constant 48 : index
        %swap3A_675 = tpu.vector_load %arg10[%swap3A_673, %swap3A_674] {strides = array<i32>} : memref<128x128xf32, #tpu.memory_space<vmem>>, vector<16xf32>,
        tpu.vector_store %arg10[%swap3A_673, %swap3A_674], %mul3A_672 {strides = array<i32>} : memref<128x128xf32, #tpu.memory_space<vmem>>, vector<16xf32>,
        %get3A_676 = arith.index_cast %add3A_647 : i32 to index
        %get3A_677 = arith.constant 32 : index
        %get3A_678 = tpu.vector_load %arg6[%get3A_676, %get3A_677] {strides = array<i32>} : memref<128x64xi32, #tpu.memory_space<vmem>>, vector<16xi32>,
        %bitcast3A_679 = vector.bitcast %get3A_678 : vector<16xi32> to vector<32xbf16>
        %unpack3A_680 = tpu.unpack_subelements %bitcast3A_679, 0 {pack_format = #tpu.pack_format<interleaved>} : vector<32xbf16> -> vector<16xf32>
        %unpack3A_681 = tpu.unpack_subelements %bitcast3A_679, 1 {pack_format = #tpu.pack_format<interleaved>} : vector<32xbf16> -> vector<16xf32>
        %mul3A_682 = arith.mulf %unpack3A_680, %gather3A_645 : vector<16xf32>
        %swap3A_683 = arith.index_cast %add3A_647 : i32 to index
        %swap3A_684 = arith.constant 64 : index
        %swap3A_685 = tpu.vector_load %arg10[%swap3A_683, %swap3A_684] {strides = array<i32>} : memref<128x128xf32, #tpu.memory_space<vmem>>, vector<16xf32>,
        tpu.vector_store %arg10[%swap3A_683, %swap3A_684], %mul3A_682 {strides = array<i32>} : memref<128x128xf32, #tpu.memory_space<vmem>>, vector<16xf32>,
        %mul3A_686 = arith.mulf %unpack3A_681, %gather3A_645 : vector<16xf32>
        %swap3A_687 = arith.index_cast %add3A_647 : i32 to index
        %swap3A_688 = arith.constant 80 : index
        %swap3A_689 = tpu.vector_load %arg10[%swap3A_687, %swap3A_688] {strides = array<i32>} : memref<128x128xf32, #tpu.memory_space<vmem>>, vector<16xf32>,
        tpu.vector_store %arg10[%swap3A_687, %swap3A_688], %mul3A_686 {strides = array<i32>} : memref<128x128xf32, #tpu.memory_space<vmem>>, vector<16xf32>,
        %get3A_690 = arith.index_cast %add3A_647 : i32 to index
        %get3A_691 = arith.constant 48 : index
        %get3A_692 = tpu.vector_load %arg6[%get3A_690, %get3A_691] {strides = array<i32>} : memref<128x64xi32, #tpu.memory_space<vmem>>, vector<16xi32>,
        %bitcast3A_693 = vector.bitcast %get3A_692 : vector<16xi32> to vector<32xbf16>
        %unpack3A_694 = tpu.unpack_subelements %bitcast3A_693, 0 {pack_format = #tpu.pack_format<interleaved>} : vector<32xbf16> -> vector<16xf32>
        %unpack3A_695 = tpu.unpack_subelements %bitcast3A_693, 1 {pack_format = #tpu.pack_format<interleaved>} : vector<32xbf16> -> vector<16xf32>
        %mul3A_696 = arith.mulf %unpack3A_694, %gather3A_645 : vector<16xf32>
        %swap3A_697 = arith.index_cast %add3A_647 : i32 to index
        %swap3A_698 = arith.constant 96 : index
        %swap3A_699 = tpu.vector_load %arg10[%swap3A_697, %swap3A_698] {strides = array<i32>} : memref<128x128xf32, #tpu.memory_space<vmem>>, vector<16xf32>,
        tpu.vector_store %arg10[%swap3A_697, %swap3A_698], %mul3A_696 {strides = array<i32>} : memref<128x128xf32, #tpu.memory_space<vmem>>, vector<16xf32>,
        %mul3A_700 = arith.mulf %unpack3A_695, %gather3A_645 : vector<16xf32>
        %swap3A_701 = arith.index_cast %add3A_647 : i32 to index
        %swap3A_702 = arith.constant 112 : index
        %swap3A_703 = tpu.vector_load %arg10[%swap3A_701, %swap3A_702] {strides = array<i32>} : memref<128x128xf32, #tpu.memory_space<vmem>>, vector<16xf32>,
        tpu.vector_store %arg10[%swap3A_701, %swap3A_702], %mul3A_700 {strides = array<i32>} : memref<128x128xf32, #tpu.memory_space<vmem>>, vector<16xf32>,
        %broadcast_in_dim3A_704 = arith.constant 8 : i32
        %broadcast_in_dim3A_705 = vector.broadcast %broadcast_in_dim3A_704 : i32 to vector<16x1xi32>
        %gather3A_706 = vector.shape_cast %broadcast_in_dim3A_705 : vector<16x1xi32> to vector<16xi32>
        %gather3A_707 = tpu.dynamic_gather %bitcast3A[%gather3A_706] in [0] : vector<16xf32>, vector<16xi32> -> vector<16xf32>
        %add3A_708 = arith.constant 8 : i32
        %add3A_709 = arith.addi %add3A_206, %add3A_708 : i32
        %get3A_710 = arith.index_cast %add3A_709 : i32 to index
        %get3A_711 = arith.constant 0 : index
        %get3A_712 = tpu.vector_load %arg6[%get3A_710, %get3A_711] {strides = array<i32>} : memref<128x64xi32, #tpu.memory_space<vmem>>, vector<16xi32>,
        %bitcast3A_713 = vector.bitcast %get3A_712 : vector<16xi32> to vector<32xbf16>
        %unpack3A_714 = tpu.unpack_subelements %bitcast3A_713, 0 {pack_format = #tpu.pack_format<interleaved>} : vector<32xbf16> -> vector<16xf32>
        %unpack3A_715 = tpu.unpack_subelements %bitcast3A_713, 1 {pack_format = #tpu.pack_format<interleaved>} : vector<32xbf16> -> vector<16xf32>
        %mul3A_716 = arith.mulf %unpack3A_714, %gather3A_707 : vector<16xf32>
        %swap3A_717 = arith.index_cast %add3A_709 : i32 to index
        %swap3A_718 = arith.constant 0 : index
        %swap3A_719 = tpu.vector_load %arg10[%swap3A_717, %swap3A_718] {strides = array<i32>} : memref<128x128xf32, #tpu.memory_space<vmem>>, vector<16xf32>,
        tpu.vector_store %arg10[%swap3A_717, %swap3A_718], %mul3A_716 {strides = array<i32>} : memref<128x128xf32, #tpu.memory_space<vmem>>, vector<16xf32>,
        %mul3A_720 = arith.mulf %unpack3A_715, %gather3A_707 : vector<16xf32>
        %swap3A_721 = arith.index_cast %add3A_709 : i32 to index
        %swap3A_722 = arith.constant 16 : index
        %swap3A_723 = tpu.vector_load %arg10[%swap3A_721, %swap3A_722] {strides = array<i32>} : memref<128x128xf32, #tpu.memory_space<vmem>>, vector<16xf32>,
        tpu.vector_store %arg10[%swap3A_721, %swap3A_722], %mul3A_720 {strides = array<i32>} : memref<128x128xf32, #tpu.memory_space<vmem>>, vector<16xf32>,
        %get3A_724 = arith.index_cast %add3A_709 : i32 to index
        %get3A_725 = arith.constant 16 : index
        %get3A_726 = tpu.vector_load %arg6[%get3A_724, %get3A_725] {strides = array<i32>} : memref<128x64xi32, #tpu.memory_space<vmem>>, vector<16xi32>,
        %bitcast3A_727 = vector.bitcast %get3A_726 : vector<16xi32> to vector<32xbf16>
        %unpack3A_728 = tpu.unpack_subelements %bitcast3A_727, 0 {pack_format = #tpu.pack_format<interleaved>} : vector<32xbf16> -> vector<16xf32>
        %unpack3A_729 = tpu.unpack_subelements %bitcast3A_727, 1 {pack_format = #tpu.pack_format<interleaved>} : vector<32xbf16> -> vector<16xf32>
        %mul3A_730 = arith.mulf %unpack3A_728, %gather3A_707 : vector<16xf32>
        %swap3A_731 = arith.index_cast %add3A_709 : i32 to index
        %swap3A_732 = arith.constant 32 : index
        %swap3A_733 = tpu.vector_load %arg10[%swap3A_731, %swap3A_732] {strides = array<i32>} : memref<128x128xf32, #tpu.memory_space<vmem>>, vector<16xf32>,
        tpu.vector_store %arg10[%swap3A_731, %swap3A_732], %mul3A_730 {strides = array<i32>} : memref<128x128xf32, #tpu.memory_space<vmem>>, vector<16xf32>,
        %mul3A_734 = arith.mulf %unpack3A_729, %gather3A_707 : vector<16xf32>
        %swap3A_735 = arith.index_cast %add3A_709 : i32 to index
        %swap3A_736 = arith.constant 48 : index
        %swap3A_737 = tpu.vector_load %arg10[%swap3A_735, %swap3A_736] {strides = array<i32>} : memref<128x128xf32, #tpu.memory_space<vmem>>, vector<16xf32>,
        tpu.vector_store %arg10[%swap3A_735, %swap3A_736], %mul3A_734 {strides = array<i32>} : memref<128x128xf32, #tpu.memory_space<vmem>>, vector<16xf32>,
        %get3A_738 = arith.index_cast %add3A_709 : i32 to index
        %get3A_739 = arith.constant 32 : index
        %get3A_740 = tpu.vector_load %arg6[%get3A_738, %get3A_739] {strides = array<i32>} : memref<128x64xi32, #tpu.memory_space<vmem>>, vector<16xi32>,
        %bitcast3A_741 = vector.bitcast %get3A_740 : vector<16xi32> to vector<32xbf16>
        %unpack3A_742 = tpu.unpack_subelements %bitcast3A_741, 0 {pack_format = #tpu.pack_format<interleaved>} : vector<32xbf16> -> vector<16xf32>
        %unpack3A_743 = tpu.unpack_subelements %bitcast3A_741, 1 {pack_format = #tpu.pack_format<interleaved>} : vector<32xbf16> -> vector<16xf32>
        %mul3A_744 = arith.mulf %unpack3A_742, %gather3A_707 : vector<16xf32>
        %swap3A_745 = arith.index_cast %add3A_709 : i32 to index
        %swap3A_746 = arith.constant 64 : index
        %swap3A_747 = tpu.vector_load %arg10[%swap3A_745, %swap3A_746] {strides = array<i32>} : memref<128x128xf32, #tpu.memory_space<vmem>>, vector<16xf32>,
        tpu.vector_store %arg10[%swap3A_745, %swap3A_746], %mul3A_744 {strides = array<i32>} : memref<128x128xf32, #tpu.memory_space<vmem>>, vector<16xf32>,
        %mul3A_748 = arith.mulf %unpack3A_743, %gather3A_707 : vector<16xf32>
        %swap3A_749 = arith.index_cast %add3A_709 : i32 to index
        %swap3A_750 = arith.constant 80 : index
        %swap3A_751 = tpu.vector_load %arg10[%swap3A_749, %swap3A_750] {strides = array<i32>} : memref<128x128xf32, #tpu.memory_space<vmem>>, vector<16xf32>,
        tpu.vector_store %arg10[%swap3A_749, %swap3A_750], %mul3A_748 {strides = array<i32>} : memref<128x128xf32, #tpu.memory_space<vmem>>, vector<16xf32>,
        %get3A_752 = arith.index_cast %add3A_709 : i32 to index
        %get3A_753 = arith.constant 48 : index
        %get3A_754 = tpu.vector_load %arg6[%get3A_752, %get3A_753] {strides = array<i32>} : memref<128x64xi32, #tpu.memory_space<vmem>>, vector<16xi32>,
        %bitcast3A_755 = vector.bitcast %get3A_754 : vector<16xi32> to vector<32xbf16>
        %unpack3A_756 = tpu.unpack_subelements %bitcast3A_755, 0 {pack_format = #tpu.pack_format<interleaved>} : vector<32xbf16> -> vector<16xf32>
        %unpack3A_757 = tpu.unpack_subelements %bitcast3A_755, 1 {pack_format = #tpu.pack_format<interleaved>} : vector<32xbf16> -> vector<16xf32>
        %mul3A_758 = arith.mulf %unpack3A_756, %gather3A_707 : vector<16xf32>
        %swap3A_759 = arith.index_cast %add3A_709 : i32 to index
        %swap3A_760 = arith.constant 96 : index
        %swap3A_761 = tpu.vector_load %arg10[%swap3A_759, %swap3A_760] {strides = array<i32>} : memref<128x128xf32, #tpu.memory_space<vmem>>, vector<16xf32>,
        tpu.vector_store %arg10[%swap3A_759, %swap3A_760], %mul3A_758 {strides = array<i32>} : memref<128x128xf32, #tpu.memory_space<vmem>>, vector<16xf32>,
        %mul3A_762 = arith.mulf %unpack3A_757, %gather3A_707 : vector<16xf32>
        %swap3A_763 = arith.index_cast %add3A_709 : i32 to index
        %swap3A_764 = arith.constant 112 : index
        %swap3A_765 = tpu.vector_load %arg10[%swap3A_763, %swap3A_764] {strides = array<i32>} : memref<128x128xf32, #tpu.memory_space<vmem>>, vector<16xf32>,
        tpu.vector_store %arg10[%swap3A_763, %swap3A_764], %mul3A_762 {strides = array<i32>} : memref<128x128xf32, #tpu.memory_space<vmem>>, vector<16xf32>,
        %broadcast_in_dim3A_766 = arith.constant 9 : i32
        %broadcast_in_dim3A_767 = vector.broadcast %broadcast_in_dim3A_766 : i32 to vector<16x1xi32>
        %gather3A_768 = vector.shape_cast %broadcast_in_dim3A_767 : vector<16x1xi32> to vector<16xi32>
        %gather3A_769 = tpu.dynamic_gather %bitcast3A[%gather3A_768] in [0] : vector<16xf32>, vector<16xi32> -> vector<16xf32>
        %add3A_770 = arith.constant 9 : i32
        %add3A_771 = arith.addi %add3A_206, %add3A_770 : i32
        %get3A_772 = arith.index_cast %add3A_771 : i32 to index
        %get3A_773 = arith.constant 0 : index
        %get3A_774 = tpu.vector_load %arg6[%get3A_772, %get3A_773] {strides = array<i32>} : memref<128x64xi32, #tpu.memory_space<vmem>>, vector<16xi32>,
        %bitcast3A_775 = vector.bitcast %get3A_774 : vector<16xi32> to vector<32xbf16>
        %unpack3A_776 = tpu.unpack_subelements %bitcast3A_775, 0 {pack_format = #tpu.pack_format<interleaved>} : vector<32xbf16> -> vector<16xf32>
        %unpack3A_777 = tpu.unpack_subelements %bitcast3A_775, 1 {pack_format = #tpu.pack_format<interleaved>} : vector<32xbf16> -> vector<16xf32>
        %mul3A_778 = arith.mulf %unpack3A_776, %gather3A_769 : vector<16xf32>
        %swap3A_779 = arith.index_cast %add3A_771 : i32 to index
        %swap3A_780 = arith.constant 0 : index
        %swap3A_781 = tpu.vector_load %arg10[%swap3A_779, %swap3A_780] {strides = array<i32>} : memref<128x128xf32, #tpu.memory_space<vmem>>, vector<16xf32>,
        tpu.vector_store %arg10[%swap3A_779, %swap3A_780], %mul3A_778 {strides = array<i32>} : memref<128x128xf32, #tpu.memory_space<vmem>>, vector<16xf32>,
        %mul3A_782 = arith.mulf %unpack3A_777, %gather3A_769 : vector<16xf32>
        %swap3A_783 = arith.index_cast %add3A_771 : i32 to index
        %swap3A_784 = arith.constant 16 : index
        %swap3A_785 = tpu.vector_load %arg10[%swap3A_783, %swap3A_784] {strides = array<i32>} : memref<128x128xf32, #tpu.memory_space<vmem>>, vector<16xf32>,
        tpu.vector_store %arg10[%swap3A_783, %swap3A_784], %mul3A_782 {strides = array<i32>} : memref<128x128xf32, #tpu.memory_space<vmem>>, vector<16xf32>,
        %get3A_786 = arith.index_cast %add3A_771 : i32 to index
        %get3A_787 = arith.constant 16 : index
        %get3A_788 = tpu.vector_load %arg6[%get3A_786, %get3A_787] {strides = array<i32>} : memref<128x64xi32, #tpu.memory_space<vmem>>, vector<16xi32>,
        %bitcast3A_789 = vector.bitcast %get3A_788 : vector<16xi32> to vector<32xbf16>
        %unpack3A_790 = tpu.unpack_subelements %bitcast3A_789, 0 {pack_format = #tpu.pack_format<interleaved>} : vector<32xbf16> -> vector<16xf32>
        %unpack3A_791 = tpu.unpack_subelements %bitcast3A_789, 1 {pack_format = #tpu.pack_format<interleaved>} : vector<32xbf16> -> vector<16xf32>
        %mul3A_792 = arith.mulf %unpack3A_790, %gather3A_769 : vector<16xf32>
        %swap3A_793 = arith.index_cast %add3A_771 : i32 to index
        %swap3A_794 = arith.constant 32 : index
        %swap3A_795 = tpu.vector_load %arg10[%swap3A_793, %swap3A_794] {strides = array<i32>} : memref<128x128xf32, #tpu.memory_space<vmem>>, vector<16xf32>,
        tpu.vector_store %arg10[%swap3A_793, %swap3A_794], %mul3A_792 {strides = array<i32>} : memref<128x128xf32, #tpu.memory_space<vmem>>, vector<16xf32>,
        %mul3A_796 = arith.mulf %unpack3A_791, %gather3A_769 : vector<16xf32>
        %swap3A_797 = arith.index_cast %add3A_771 : i32 to index
        %swap3A_798 = arith.constant 48 : index
        %swap3A_799 = tpu.vector_load %arg10[%swap3A_797, %swap3A_798] {strides = array<i32>} : memref<128x128xf32, #tpu.memory_space<vmem>>, vector<16xf32>,
        tpu.vector_store %arg10[%swap3A_797, %swap3A_798], %mul3A_796 {strides = array<i32>} : memref<128x128xf32, #tpu.memory_space<vmem>>, vector<16xf32>,
        %get3A_800 = arith.index_cast %add3A_771 : i32 to index
        %get3A_801 = arith.constant 32 : index
        %get3A_802 = tpu.vector_load %arg6[%get3A_800, %get3A_801] {strides = array<i32>} : memref<128x64xi32, #tpu.memory_space<vmem>>, vector<16xi32>,
        %bitcast3A_803 = vector.bitcast %get3A_802 : vector<16xi32> to vector<32xbf16>
        %unpack3A_804 = tpu.unpack_subelements %bitcast3A_803, 0 {pack_format = #tpu.pack_format<interleaved>} : vector<32xbf16> -> vector<16xf32>
        %unpack3A_805 = tpu.unpack_subelements %bitcast3A_803, 1 {pack_format = #tpu.pack_format<interleaved>} : vector<32xbf16> -> vector<16xf32>
        %mul3A_806 = arith.mulf %unpack3A_804, %gather3A_769 : vector<16xf32>
        %swap3A_807 = arith.index_cast %add3A_771 : i32 to index
        %swap3A_808 = arith.constant 64 : index
        %swap3A_809 = tpu.vector_load %arg10[%swap3A_807, %swap3A_808] {strides = array<i32>} : memref<128x128xf32, #tpu.memory_space<vmem>>, vector<16xf32>,
        tpu.vector_store %arg10[%swap3A_807, %swap3A_808], %mul3A_806 {strides = array<i32>} : memref<128x128xf32, #tpu.memory_space<vmem>>, vector<16xf32>,
        %mul3A_810 = arith.mulf %unpack3A_805, %gather3A_769 : vector<16xf32>
        %swap3A_811 = arith.index_cast %add3A_771 : i32 to index
        %swap3A_812 = arith.constant 80 : index
        %swap3A_813 = tpu.vector_load %arg10[%swap3A_811, %swap3A_812] {strides = array<i32>} : memref<128x128xf32, #tpu.memory_space<vmem>>, vector<16xf32>,
        tpu.vector_store %arg10[%swap3A_811, %swap3A_812], %mul3A_810 {strides = array<i32>} : memref<128x128xf32, #tpu.memory_space<vmem>>, vector<16xf32>,
        %get3A_814 = arith.index_cast %add3A_771 : i32 to index
        %get3A_815 = arith.constant 48 : index
        %get3A_816 = tpu.vector_load %arg6[%get3A_814, %get3A_815] {strides = array<i32>} : memref<128x64xi32, #tpu.memory_space<vmem>>, vector<16xi32>,
        %bitcast3A_817 = vector.bitcast %get3A_816 : vector<16xi32> to vector<32xbf16>
        %unpack3A_818 = tpu.unpack_subelements %bitcast3A_817, 0 {pack_format = #tpu.pack_format<interleaved>} : vector<32xbf16> -> vector<16xf32>
        %unpack3A_819 = tpu.unpack_subelements %bitcast3A_817, 1 {pack_format = #tpu.pack_format<interleaved>} : vector<32xbf16> -> vector<16xf32>
        %mul3A_820 = arith.mulf %unpack3A_818, %gather3A_769 : vector<16xf32>
        %swap3A_821 = arith.index_cast %add3A_771 : i32 to index
        %swap3A_822 = arith.constant 96 : index
        %swap3A_823 = tpu.vector_load %arg10[%swap3A_821, %swap3A_822] {strides = array<i32>} : memref<128x128xf32, #tpu.memory_space<vmem>>, vector<16xf32>,
        tpu.vector_store %arg10[%swap3A_821, %swap3A_822], %mul3A_820 {strides = array<i32>} : memref<128x128xf32, #tpu.memory_space<vmem>>, vector<16xf32>,
        %mul3A_824 = arith.mulf %unpack3A_819, %gather3A_769 : vector<16xf32>
        %swap3A_825 = arith.index_cast %add3A_771 : i32 to index
        %swap3A_826 = arith.constant 112 : index
        %swap3A_827 = tpu.vector_load %arg10[%swap3A_825, %swap3A_826] {strides = array<i32>} : memref<128x128xf32, #tpu.memory_space<vmem>>, vector<16xf32>,
        tpu.vector_store %arg10[%swap3A_825, %swap3A_826], %mul3A_824 {strides = array<i32>} : memref<128x128xf32, #tpu.memory_space<vmem>>, vector<16xf32>,
        %broadcast_in_dim3A_828 = arith.constant 10 : i32
        %broadcast_in_dim3A_829 = vector.broadcast %broadcast_in_dim3A_828 : i32 to vector<16x1xi32>
        %gather3A_830 = vector.shape_cast %broadcast_in_dim3A_829 : vector<16x1xi32> to vector<16xi32>
        %gather3A_831 = tpu.dynamic_gather %bitcast3A[%gather3A_830] in [0] : vector<16xf32>, vector<16xi32> -> vector<16xf32>
        %add3A_832 = arith.constant 10 : i32
        %add3A_833 = arith.addi %add3A_206, %add3A_832 : i32
        %get3A_834 = arith.index_cast %add3A_833 : i32 to index
        %get3A_835 = arith.constant 0 : index
        %get3A_836 = tpu.vector_load %arg6[%get3A_834, %get3A_835] {strides = array<i32>} : memref<128x64xi32, #tpu.memory_space<vmem>>, vector<16xi32>,
        %bitcast3A_837 = vector.bitcast %get3A_836 : vector<16xi32> to vector<32xbf16>
        %unpack3A_838 = tpu.unpack_subelements %bitcast3A_837, 0 {pack_format = #tpu.pack_format<interleaved>} : vector<32xbf16> -> vector<16xf32>
        %unpack3A_839 = tpu.unpack_subelements %bitcast3A_837, 1 {pack_format = #tpu.pack_format<interleaved>} : vector<32xbf16> -> vector<16xf32>
        %mul3A_840 = arith.mulf %unpack3A_838, %gather3A_831 : vector<16xf32>
        %swap3A_841 = arith.index_cast %add3A_833 : i32 to index
        %swap3A_842 = arith.constant 0 : index
        %swap3A_843 = tpu.vector_load %arg10[%swap3A_841, %swap3A_842] {strides = array<i32>} : memref<128x128xf32, #tpu.memory_space<vmem>>, vector<16xf32>,
        tpu.vector_store %arg10[%swap3A_841, %swap3A_842], %mul3A_840 {strides = array<i32>} : memref<128x128xf32, #tpu.memory_space<vmem>>, vector<16xf32>,
        %mul3A_844 = arith.mulf %unpack3A_839, %gather3A_831 : vector<16xf32>
        %swap3A_845 = arith.index_cast %add3A_833 : i32 to index
        %swap3A_846 = arith.constant 16 : index
        %swap3A_847 = tpu.vector_load %arg10[%swap3A_845, %swap3A_846] {strides = array<i32>} : memref<128x128xf32, #tpu.memory_space<vmem>>, vector<16xf32>,
        tpu.vector_store %arg10[%swap3A_845, %swap3A_846], %mul3A_844 {strides = array<i32>} : memref<128x128xf32, #tpu.memory_space<vmem>>, vector<16xf32>,
        %get3A_848 = arith.index_cast %add3A_833 : i32 to index
        %get3A_849 = arith.constant 16 : index
        %get3A_850 = tpu.vector_load %arg6[%get3A_848, %get3A_849] {strides = array<i32>} : memref<128x64xi32, #tpu.memory_space<vmem>>, vector<16xi32>,
        %bitcast3A_851 = vector.bitcast %get3A_850 : vector<16xi32> to vector<32xbf16>
        %unpack3A_852 = tpu.unpack_subelements %bitcast3A_851, 0 {pack_format = #tpu.pack_format<interleaved>} : vector<32xbf16> -> vector<16xf32>
        %unpack3A_853 = tpu.unpack_subelements %bitcast3A_851, 1 {pack_format = #tpu.pack_format<interleaved>} : vector<32xbf16> -> vector<16xf32>
        %mul3A_854 = arith.mulf %unpack3A_852, %gather3A_831 : vector<16xf32>
        %swap3A_855 = arith.index_cast %add3A_833 : i32 to index
        %swap3A_856 = arith.constant 32 : index
        %swap3A_857 = tpu.vector_load %arg10[%swap3A_855, %swap3A_856] {strides = array<i32>} : memref<128x128xf32, #tpu.memory_space<vmem>>, vector<16xf32>,
        tpu.vector_store %arg10[%swap3A_855, %swap3A_856], %mul3A_854 {strides = array<i32>} : memref<128x128xf32, #tpu.memory_space<vmem>>, vector<16xf32>,
        %mul3A_858 = arith.mulf %unpack3A_853, %gather3A_831 : vector<16xf32>
        %swap3A_859 = arith.index_cast %add3A_833 : i32 to index
        %swap3A_860 = arith.constant 48 : index
        %swap3A_861 = tpu.vector_load %arg10[%swap3A_859, %swap3A_860] {strides = array<i32>} : memref<128x128xf32, #tpu.memory_space<vmem>>, vector<16xf32>,
        tpu.vector_store %arg10[%swap3A_859, %swap3A_860], %mul3A_858 {strides = array<i32>} : memref<128x128xf32, #tpu.memory_space<vmem>>, vector<16xf32>,
        %get3A_862 = arith.index_cast %add3A_833 : i32 to index
        %get3A_863 = arith.constant 32 : index
        %get3A_864 = tpu.vector_load %arg6[%get3A_862, %get3A_863] {strides = array<i32>} : memref<128x64xi32, #tpu.memory_space<vmem>>, vector<16xi32>,
        %bitcast3A_865 = vector.bitcast %get3A_864 : vector<16xi32> to vector<32xbf16>
        %unpack3A_866 = tpu.unpack_subelements %bitcast3A_865, 0 {pack_format = #tpu.pack_format<interleaved>} : vector<32xbf16> -> vector<16xf32>
        %unpack3A_867 = tpu.unpack_subelements %bitcast3A_865, 1 {pack_format = #tpu.pack_format<interleaved>} : vector<32xbf16> -> vector<16xf32>
        %mul3A_868 = arith.mulf %unpack3A_866, %gather3A_831 : vector<16xf32>
        %swap3A_869 = arith.index_cast %add3A_833 : i32 to index
        %swap3A_870 = arith.constant 64 : index
        %swap3A_871 = tpu.vector_load %arg10[%swap3A_869, %swap3A_870] {strides = array<i32>} : memref<128x128xf32, #tpu.memory_space<vmem>>, vector<16xf32>,
        tpu.vector_store %arg10[%swap3A_869, %swap3A_870], %mul3A_868 {strides = array<i32>} : memref<128x128xf32, #tpu.memory_space<vmem>>, vector<16xf32>,
        %mul3A_872 = arith.mulf %unpack3A_867, %gather3A_831 : vector<16xf32>
        %swap3A_873 = arith.index_cast %add3A_833 : i32 to index
        %swap3A_874 = arith.constant 80 : index
        %swap3A_875 = tpu.vector_load %arg10[%swap3A_873, %swap3A_874] {strides = array<i32>} : memref<128x128xf32, #tpu.memory_space<vmem>>, vector<16xf32>,
        tpu.vector_store %arg10[%swap3A_873, %swap3A_874], %mul3A_872 {strides = array<i32>} : memref<128x128xf32, #tpu.memory_space<vmem>>, vector<16xf32>,
        %get3A_876 = arith.index_cast %add3A_833 : i32 to index
        %get3A_877 = arith.constant 48 : index
        %get3A_878 = tpu.vector_load %arg6[%get3A_876, %get3A_877] {strides = array<i32>} : memref<128x64xi32, #tpu.memory_space<vmem>>, vector<16xi32>,
        %bitcast3A_879 = vector.bitcast %get3A_878 : vector<16xi32> to vector<32xbf16>
        %unpack3A_880 = tpu.unpack_subelements %bitcast3A_879, 0 {pack_format = #tpu.pack_format<interleaved>} : vector<32xbf16> -> vector<16xf32>
        %unpack3A_881 = tpu.unpack_subelements %bitcast3A_879, 1 {pack_format = #tpu.pack_format<interleaved>} : vector<32xbf16> -> vector<16xf32>
        %mul3A_882 = arith.mulf %unpack3A_880, %gather3A_831 : vector<16xf32>
        %swap3A_883 = arith.index_cast %add3A_833 : i32 to index
        %swap3A_884 = arith.constant 96 : index
        %swap3A_885 = tpu.vector_load %arg10[%swap3A_883, %swap3A_884] {strides = array<i32>} : memref<128x128xf32, #tpu.memory_space<vmem>>, vector<16xf32>,
        tpu.vector_store %arg10[%swap3A_883, %swap3A_884], %mul3A_882 {strides = array<i32>} : memref<128x128xf32, #tpu.memory_space<vmem>>, vector<16xf32>,
        %mul3A_886 = arith.mulf %unpack3A_881, %gather3A_831 : vector<16xf32>
        %swap3A_887 = arith.index_cast %add3A_833 : i32 to index
        %swap3A_888 = arith.constant 112 : index
        %swap3A_889 = tpu.vector_load %arg10[%swap3A_887, %swap3A_888] {strides = array<i32>} : memref<128x128xf32, #tpu.memory_space<vmem>>, vector<16xf32>,
        tpu.vector_store %arg10[%swap3A_887, %swap3A_888], %mul3A_886 {strides = array<i32>} : memref<128x128xf32, #tpu.memory_space<vmem>>, vector<16xf32>,
        %broadcast_in_dim3A_890 = arith.constant 11 : i32
        %broadcast_in_dim3A_891 = vector.broadcast %broadcast_in_dim3A_890 : i32 to vector<16x1xi32>
        %gather3A_892 = vector.shape_cast %broadcast_in_dim3A_891 : vector<16x1xi32> to vector<16xi32>
        %gather3A_893 = tpu.dynamic_gather %bitcast3A[%gather3A_892] in [0] : vector<16xf32>, vector<16xi32> -> vector<16xf32>
        %add3A_894 = arith.constant 11 : i32
        %add3A_895 = arith.addi %add3A_206, %add3A_894 : i32
        %get3A_896 = arith.index_cast %add3A_895 : i32 to index
        %get3A_897 = arith.constant 0 : index
        %get3A_898 = tpu.vector_load %arg6[%get3A_896, %get3A_897] {strides = array<i32>} : memref<128x64xi32, #tpu.memory_space<vmem>>, vector<16xi32>,
        %bitcast3A_899 = vector.bitcast %get3A_898 : vector<16xi32> to vector<32xbf16>
        %unpack3A_900 = tpu.unpack_subelements %bitcast3A_899, 0 {pack_format = #tpu.pack_format<interleaved>} : vector<32xbf16> -> vector<16xf32>
        %unpack3A_901 = tpu.unpack_subelements %bitcast3A_899, 1 {pack_format = #tpu.pack_format<interleaved>} : vector<32xbf16> -> vector<16xf32>
        %mul3A_902 = arith.mulf %unpack3A_900, %gather3A_893 : vector<16xf32>
        %swap3A_903 = arith.index_cast %add3A_895 : i32 to index
        %swap3A_904 = arith.constant 0 : index
        %swap3A_905 = tpu.vector_load %arg10[%swap3A_903, %swap3A_904] {strides = array<i32>} : memref<128x128xf32, #tpu.memory_space<vmem>>, vector<16xf32>,
        tpu.vector_store %arg10[%swap3A_903, %swap3A_904], %mul3A_902 {strides = array<i32>} : memref<128x128xf32, #tpu.memory_space<vmem>>, vector<16xf32>,
        %mul3A_906 = arith.mulf %unpack3A_901, %gather3A_893 : vector<16xf32>
        %swap3A_907 = arith.index_cast %add3A_895 : i32 to index
        %swap3A_908 = arith.constant 16 : index
        %swap3A_909 = tpu.vector_load %arg10[%swap3A_907, %swap3A_908] {strides = array<i32>} : memref<128x128xf32, #tpu.memory_space<vmem>>, vector<16xf32>,
        tpu.vector_store %arg10[%swap3A_907, %swap3A_908], %mul3A_906 {strides = array<i32>} : memref<128x128xf32, #tpu.memory_space<vmem>>, vector<16xf32>,
        %get3A_910 = arith.index_cast %add3A_895 : i32 to index
        %get3A_911 = arith.constant 16 : index
        %get3A_912 = tpu.vector_load %arg6[%get3A_910, %get3A_911] {strides = array<i32>} : memref<128x64xi32, #tpu.memory_space<vmem>>, vector<16xi32>,
        %bitcast3A_913 = vector.bitcast %get3A_912 : vector<16xi32> to vector<32xbf16>
        %unpack3A_914 = tpu.unpack_subelements %bitcast3A_913, 0 {pack_format = #tpu.pack_format<interleaved>} : vector<32xbf16> -> vector<16xf32>
        %unpack3A_915 = tpu.unpack_subelements %bitcast3A_913, 1 {pack_format = #tpu.pack_format<interleaved>} : vector<32xbf16> -> vector<16xf32>
        %mul3A_916 = arith.mulf %unpack3A_914, %gather3A_893 : vector<16xf32>
        %swap3A_917 = arith.index_cast %add3A_895 : i32 to index
        %swap3A_918 = arith.constant 32 : index
        %swap3A_919 = tpu.vector_load %arg10[%swap3A_917, %swap3A_918] {strides = array<i32>} : memref<128x128xf32, #tpu.memory_space<vmem>>, vector<16xf32>,
        tpu.vector_store %arg10[%swap3A_917, %swap3A_918], %mul3A_916 {strides = array<i32>} : memref<128x128xf32, #tpu.memory_space<vmem>>, vector<16xf32>,
        %mul3A_920 = arith.mulf %unpack3A_915, %gather3A_893 : vector<16xf32>
        %swap3A_921 = arith.index_cast %add3A_895 : i32 to index
        %swap3A_922 = arith.constant 48 : index
        %swap3A_923 = tpu.vector_load %arg10[%swap3A_921, %swap3A_922] {strides = array<i32>} : memref<128x128xf32, #tpu.memory_space<vmem>>, vector<16xf32>,
        tpu.vector_store %arg10[%swap3A_921, %swap3A_922], %mul3A_920 {strides = array<i32>} : memref<128x128xf32, #tpu.memory_space<vmem>>, vector<16xf32>,
        %get3A_924 = arith.index_cast %add3A_895 : i32 to index
        %get3A_925 = arith.constant 32 : index
        %get3A_926 = tpu.vector_load %arg6[%get3A_924, %get3A_925] {strides = array<i32>} : memref<128x64xi32, #tpu.memory_space<vmem>>, vector<16xi32>,
        %bitcast3A_927 = vector.bitcast %get3A_926 : vector<16xi32> to vector<32xbf16>
        %unpack3A_928 = tpu.unpack_subelements %bitcast3A_927, 0 {pack_format = #tpu.pack_format<interleaved>} : vector<32xbf16> -> vector<16xf32>
        %unpack3A_929 = tpu.unpack_subelements %bitcast3A_927, 1 {pack_format = #tpu.pack_format<interleaved>} : vector<32xbf16> -> vector<16xf32>
        %mul3A_930 = arith.mulf %unpack3A_928, %gather3A_893 : vector<16xf32>
        %swap3A_931 = arith.index_cast %add3A_895 : i32 to index
        %swap3A_932 = arith.constant 64 : index
        %swap3A_933 = tpu.vector_load %arg10[%swap3A_931, %swap3A_932] {strides = array<i32>} : memref<128x128xf32, #tpu.memory_space<vmem>>, vector<16xf32>,
        tpu.vector_store %arg10[%swap3A_931, %swap3A_932], %mul3A_930 {strides = array<i32>} : memref<128x128xf32, #tpu.memory_space<vmem>>, vector<16xf32>,
        %mul3A_934 = arith.mulf %unpack3A_929, %gather3A_893 : vector<16xf32>
        %swap3A_935 = arith.index_cast %add3A_895 : i32 to index
        %swap3A_936 = arith.constant 80 : index
        %swap3A_937 = tpu.vector_load %arg10[%swap3A_935, %swap3A_936] {strides = array<i32>} : memref<128x128xf32, #tpu.memory_space<vmem>>, vector<16xf32>,
        tpu.vector_store %arg10[%swap3A_935, %swap3A_936], %mul3A_934 {strides = array<i32>} : memref<128x128xf32, #tpu.memory_space<vmem>>, vector<16xf32>,
        %get3A_938 = arith.index_cast %add3A_895 : i32 to index
        %get3A_939 = arith.constant 48 : index
        %get3A_940 = tpu.vector_load %arg6[%get3A_938, %get3A_939] {strides = array<i32>} : memref<128x64xi32, #tpu.memory_space<vmem>>, vector<16xi32>,
        %bitcast3A_941 = vector.bitcast %get3A_940 : vector<16xi32> to vector<32xbf16>
        %unpack3A_942 = tpu.unpack_subelements %bitcast3A_941, 0 {pack_format = #tpu.pack_format<interleaved>} : vector<32xbf16> -> vector<16xf32>
        %unpack3A_943 = tpu.unpack_subelements %bitcast3A_941, 1 {pack_format = #tpu.pack_format<interleaved>} : vector<32xbf16> -> vector<16xf32>
        %mul3A_944 = arith.mulf %unpack3A_942, %gather3A_893 : vector<16xf32>
        %swap3A_945 = arith.index_cast %add3A_895 : i32 to index
        %swap3A_946 = arith.constant 96 : index
        %swap3A_947 = tpu.vector_load %arg10[%swap3A_945, %swap3A_946] {strides = array<i32>} : memref<128x128xf32, #tpu.memory_space<vmem>>, vector<16xf32>,
        tpu.vector_store %arg10[%swap3A_945, %swap3A_946], %mul3A_944 {strides = array<i32>} : memref<128x128xf32, #tpu.memory_space<vmem>>, vector<16xf32>,
        %mul3A_948 = arith.mulf %unpack3A_943, %gather3A_893 : vector<16xf32>
        %swap3A_949 = arith.index_cast %add3A_895 : i32 to index
        %swap3A_950 = arith.constant 112 : index
        %swap3A_951 = tpu.vector_load %arg10[%swap3A_949, %swap3A_950] {strides = array<i32>} : memref<128x128xf32, #tpu.memory_space<vmem>>, vector<16xf32>,
        tpu.vector_store %arg10[%swap3A_949, %swap3A_950], %mul3A_948 {strides = array<i32>} : memref<128x128xf32, #tpu.memory_space<vmem>>, vector<16xf32>,
        %broadcast_in_dim3A_952 = arith.constant 12 : i32
        %broadcast_in_dim3A_953 = vector.broadcast %broadcast_in_dim3A_952 : i32 to vector<16x1xi32>
        %gather3A_954 = vector.shape_cast %broadcast_in_dim3A_953 : vector<16x1xi32> to vector<16xi32>
        %gather3A_955 = tpu.dynamic_gather %bitcast3A[%gather3A_954] in [0] : vector<16xf32>, vector<16xi32> -> vector<16xf32>
        %add3A_956 = arith.constant 12 : i32
        %add3A_957 = arith.addi %add3A_206, %add3A_956 : i32
        %get3A_958 = arith.index_cast %add3A_957 : i32 to index
        %get3A_959 = arith.constant 0 : index
        %get3A_960 = tpu.vector_load %arg6[%get3A_958, %get3A_959] {strides = array<i32>} : memref<128x64xi32, #tpu.memory_space<vmem>>, vector<16xi32>,
        %bitcast3A_961 = vector.bitcast %get3A_960 : vector<16xi32> to vector<32xbf16>
        %unpack3A_962 = tpu.unpack_subelements %bitcast3A_961, 0 {pack_format = #tpu.pack_format<interleaved>} : vector<32xbf16> -> vector<16xf32>
        %unpack3A_963 = tpu.unpack_subelements %bitcast3A_961, 1 {pack_format = #tpu.pack_format<interleaved>} : vector<32xbf16> -> vector<16xf32>
        %mul3A_964 = arith.mulf %unpack3A_962, %gather3A_955 : vector<16xf32>
        %swap3A_965 = arith.index_cast %add3A_957 : i32 to index
        %swap3A_966 = arith.constant 0 : index
        %swap3A_967 = tpu.vector_load %arg10[%swap3A_965, %swap3A_966] {strides = array<i32>} : memref<128x128xf32, #tpu.memory_space<vmem>>, vector<16xf32>,
        tpu.vector_store %arg10[%swap3A_965, %swap3A_966], %mul3A_964 {strides = array<i32>} : memref<128x128xf32, #tpu.memory_space<vmem>>, vector<16xf32>,
        %mul3A_968 = arith.mulf %unpack3A_963, %gather3A_955 : vector<16xf32>
        %swap3A_969 = arith.index_cast %add3A_957 : i32 to index
        %swap3A_970 = arith.constant 16 : index
        %swap3A_971 = tpu.vector_load %arg10[%swap3A_969, %swap3A_970] {strides = array<i32>} : memref<128x128xf32, #tpu.memory_space<vmem>>, vector<16xf32>,
        tpu.vector_store %arg10[%swap3A_969, %swap3A_970], %mul3A_968 {strides = array<i32>} : memref<128x128xf32, #tpu.memory_space<vmem>>, vector<16xf32>,
        %get3A_972 = arith.index_cast %add3A_957 : i32 to index
        %get3A_973 = arith.constant 16 : index
        %get3A_974 = tpu.vector_load %arg6[%get3A_972, %get3A_973] {strides = array<i32>} : memref<128x64xi32, #tpu.memory_space<vmem>>, vector<16xi32>,
        %bitcast3A_975 = vector.bitcast %get3A_974 : vector<16xi32> to vector<32xbf16>
        %unpack3A_976 = tpu.unpack_subelements %bitcast3A_975, 0 {pack_format = #tpu.pack_format<interleaved>} : vector<32xbf16> -> vector<16xf32>
        %unpack3A_977 = tpu.unpack_subelements %bitcast3A_975, 1 {pack_format = #tpu.pack_format<interleaved>} : vector<32xbf16> -> vector<16xf32>
        %mul3A_978 = arith.mulf %unpack3A_976, %gather3A_955 : vector<16xf32>
        %swap3A_979 = arith.index_cast %add3A_957 : i32 to index
        %swap3A_980 = arith.constant 32 : index
        %swap3A_981 = tpu.vector_load %arg10[%swap3A_979, %swap3A_980] {strides = array<i32>} : memref<128x128xf32, #tpu.memory_space<vmem>>, vector<16xf32>,
        tpu.vector_store %arg10[%swap3A_979, %swap3A_980], %mul3A_978 {strides = array<i32>} : memref<128x128xf32, #tpu.memory_space<vmem>>, vector<16xf32>,
        %mul3A_982 = arith.mulf %unpack3A_977, %gather3A_955 : vector<16xf32>
        %swap3A_983 = arith.index_cast %add3A_957 : i32 to index
        %swap3A_984 = arith.constant 48 : index
        %swap3A_985 = tpu.vector_load %arg10[%swap3A_983, %swap3A_984] {strides = array<i32>} : memref<128x128xf32, #tpu.memory_space<vmem>>, vector<16xf32>,
        tpu.vector_store %arg10[%swap3A_983, %swap3A_984], %mul3A_982 {strides = array<i32>} : memref<128x128xf32, #tpu.memory_space<vmem>>, vector<16xf32>,
        %get3A_986 = arith.index_cast %add3A_957 : i32 to index
        %get3A_987 = arith.constant 32 : index
        %get3A_988 = tpu.vector_load %arg6[%get3A_986, %get3A_987] {strides = array<i32>} : memref<128x64xi32, #tpu.memory_space<vmem>>, vector<16xi32>,
        %bitcast3A_989 = vector.bitcast %get3A_988 : vector<16xi32> to vector<32xbf16>
        %unpack3A_990 = tpu.unpack_subelements %bitcast3A_989, 0 {pack_format = #tpu.pack_format<interleaved>} : vector<32xbf16> -> vector<16xf32>
        %unpack3A_991 = tpu.unpack_subelements %bitcast3A_989, 1 {pack_format = #tpu.pack_format<interleaved>} : vector<32xbf16> -> vector<16xf32>
        %mul3A_992 = arith.mulf %unpack3A_990, %gather3A_955 : vector<16xf32>
        %swap3A_993 = arith.index_cast %add3A_957 : i32 to index
        %swap3A_994 = arith.constant 64 : index
        %swap3A_995 = tpu.vector_load %arg10[%swap3A_993, %swap3A_994] {strides = array<i32>} : memref<128x128xf32, #tpu.memory_space<vmem>>, vector<16xf32>,
        tpu.vector_store %arg10[%swap3A_993, %swap3A_994], %mul3A_992 {strides = array<i32>} : memref<128x128xf32, #tpu.memory_space<vmem>>, vector<16xf32>,
        %mul3A_996 = arith.mulf %unpack3A_991, %gather3A_955 : vector<16xf32>
        %swap3A_997 = arith.index_cast %add3A_957 : i32 to index
        %swap3A_998 = arith.constant 80 : index
        %swap3A_999 = tpu.vector_load %arg10[%swap3A_997, %swap3A_998] {strides = array<i32>} : memref<128x128xf32, #tpu.memory_space<vmem>>, vector<16xf32>,
        tpu.vector_store %arg10[%swap3A_997, %swap3A_998], %mul3A_996 {strides = array<i32>} : memref<128x128xf32, #tpu.memory_space<vmem>>, vector<16xf32>,
        %get3A_1000 = arith.index_cast %add3A_957 : i32 to index
        %get3A_1001 = arith.constant 48 : index
        %get3A_1002 = tpu.vector_load %arg6[%get3A_1000, %get3A_1001] {strides = array<i32>} : memref<128x64xi32, #tpu.memory_space<vmem>>, vector<16xi32>,
        %bitcast3A_1003 = vector.bitcast %get3A_1002 : vector<16xi32> to vector<32xbf16>
        %unpack3A_1004 = tpu.unpack_subelements %bitcast3A_1003, 0 {pack_format = #tpu.pack_format<interleaved>} : vector<32xbf16> -> vector<16xf32>
        %unpack3A_1005 = tpu.unpack_subelements %bitcast3A_1003, 1 {pack_format = #tpu.pack_format<interleaved>} : vector<32xbf16> -> vector<16xf32>
        %mul3A_1006 = arith.mulf %unpack3A_1004, %gather3A_955 : vector<16xf32>
        %swap3A_1007 = arith.index_cast %add3A_957 : i32 to index
        %swap3A_1008 = arith.constant 96 : index
        %swap3A_1009 = tpu.vector_load %arg10[%swap3A_1007, %swap3A_1008] {strides = array<i32>} : memref<128x128xf32, #tpu.memory_space<vmem>>, vector<16xf32>,
        tpu.vector_store %arg10[%swap3A_1007, %swap3A_1008], %mul3A_1006 {strides = array<i32>} : memref<128x128xf32, #tpu.memory_space<vmem>>, vector<16xf32>,
        %mul3A_1010 = arith.mulf %unpack3A_1005, %gather3A_955 : vector<16xf32>
        %swap3A_1011 = arith.index_cast %add3A_957 : i32 to index
        %swap3A_1012 = arith.constant 112 : index
        %swap3A_1013 = tpu.vector_load %arg10[%swap3A_1011, %swap3A_1012] {strides = array<i32>} : memref<128x128xf32, #tpu.memory_space<vmem>>, vector<16xf32>,
        tpu.vector_store %arg10[%swap3A_1011, %swap3A_1012], %mul3A_1010 {strides = array<i32>} : memref<128x128xf32, #tpu.memory_space<vmem>>, vector<16xf32>,
        %broadcast_in_dim3A_1014 = arith.constant 13 : i32
        %broadcast_in_dim3A_1015 = vector.broadcast %broadcast_in_dim3A_1014 : i32 to vector<16x1xi32>
        %gather3A_1016 = vector.shape_cast %broadcast_in_dim3A_1015 : vector<16x1xi32> to vector<16xi32>
        %gather3A_1017 = tpu.dynamic_gather %bitcast3A[%gather3A_1016] in [0] : vector<16xf32>, vector<16xi32> -> vector<16xf32>
        %add3A_1018 = arith.constant 13 : i32
        %add3A_1019 = arith.addi %add3A_206, %add3A_1018 : i32
        %get3A_1020 = arith.index_cast %add3A_1019 : i32 to index
        %get3A_1021 = arith.constant 0 : index
        %get3A_1022 = tpu.vector_load %arg6[%get3A_1020, %get3A_1021] {strides = array<i32>} : memref<128x64xi32, #tpu.memory_space<vmem>>, vector<16xi32>,
        %bitcast3A_1023 = vector.bitcast %get3A_1022 : vector<16xi32> to vector<32xbf16>
        %unpack3A_1024 = tpu.unpack_subelements %bitcast3A_1023, 0 {pack_format = #tpu.pack_format<interleaved>} : vector<32xbf16> -> vector<16xf32>
        %unpack3A_1025 = tpu.unpack_subelements %bitcast3A_1023, 1 {pack_format = #tpu.pack_format<interleaved>} : vector<32xbf16> -> vector<16xf32>
        %mul3A_1026 = arith.mulf %unpack3A_1024, %gather3A_1017 : vector<16xf32>
        %swap3A_1027 = arith.index_cast %add3A_1019 : i32 to index
        %swap3A_1028 = arith.constant 0 : index
        %swap3A_1029 = tpu.vector_load %arg10[%swap3A_1027, %swap3A_1028] {strides = array<i32>} : memref<128x128xf32, #tpu.memory_space<vmem>>, vector<16xf32>,
        tpu.vector_store %arg10[%swap3A_1027, %swap3A_1028], %mul3A_1026 {strides = array<i32>} : memref<128x128xf32, #tpu.memory_space<vmem>>, vector<16xf32>,
        %mul3A_1030 = arith.mulf %unpack3A_1025, %gather3A_1017 : vector<16xf32>
        %swap3A_1031 = arith.index_cast %add3A_1019 : i32 to index
        %swap3A_1032 = arith.constant 16 : index
        %swap3A_1033 = tpu.vector_load %arg10[%swap3A_1031, %swap3A_1032] {strides = array<i32>} : memref<128x128xf32, #tpu.memory_space<vmem>>, vector<16xf32>,
        tpu.vector_store %arg10[%swap3A_1031, %swap3A_1032], %mul3A_1030 {strides = array<i32>} : memref<128x128xf32, #tpu.memory_space<vmem>>, vector<16xf32>,
        %get3A_1034 = arith.index_cast %add3A_1019 : i32 to index
        %get3A_1035 = arith.constant 16 : index
        %get3A_1036 = tpu.vector_load %arg6[%get3A_1034, %get3A_1035] {strides = array<i32>} : memref<128x64xi32, #tpu.memory_space<vmem>>, vector<16xi32>,
        %bitcast3A_1037 = vector.bitcast %get3A_1036 : vector<16xi32> to vector<32xbf16>
        %unpack3A_1038 = tpu.unpack_subelements %bitcast3A_1037, 0 {pack_format = #tpu.pack_format<interleaved>} : vector<32xbf16> -> vector<16xf32>
        %unpack3A_1039 = tpu.unpack_subelements %bitcast3A_1037, 1 {pack_format = #tpu.pack_format<interleaved>} : vector<32xbf16> -> vector<16xf32>
        %mul3A_1040 = arith.mulf %unpack3A_1038, %gather3A_1017 : vector<16xf32>
        %swap3A_1041 = arith.index_cast %add3A_1019 : i32 to index
        %swap3A_1042 = arith.constant 32 : index
        %swap3A_1043 = tpu.vector_load %arg10[%swap3A_1041, %swap3A_1042] {strides = array<i32>} : memref<128x128xf32, #tpu.memory_space<vmem>>, vector<16xf32>,
        tpu.vector_store %arg10[%swap3A_1041, %swap3A_1042], %mul3A_1040 {strides = array<i32>} : memref<128x128xf32, #tpu.memory_space<vmem>>, vector<16xf32>,
        %mul3A_1044 = arith.mulf %unpack3A_1039, %gather3A_1017 : vector<16xf32>
        %swap3A_1045 = arith.index_cast %add3A_1019 : i32 to index
        %swap3A_1046 = arith.constant 48 : index
        %swap3A_1047 = tpu.vector_load %arg10[%swap3A_1045, %swap3A_1046] {strides = array<i32>} : memref<128x128xf32, #tpu.memory_space<vmem>>, vector<16xf32>,
        tpu.vector_store %arg10[%swap3A_1045, %swap3A_1046], %mul3A_1044 {strides = array<i32>} : memref<128x128xf32, #tpu.memory_space<vmem>>, vector<16xf32>,
        %get3A_1048 = arith.index_cast %add3A_1019 : i32 to index
        %get3A_1049 = arith.constant 32 : index
        %get3A_1050 = tpu.vector_load %arg6[%get3A_1048, %get3A_1049] {strides = array<i32>} : memref<128x64xi32, #tpu.memory_space<vmem>>, vector<16xi32>,
        %bitcast3A_1051 = vector.bitcast %get3A_1050 : vector<16xi32> to vector<32xbf16>
        %unpack3A_1052 = tpu.unpack_subelements %bitcast3A_1051, 0 {pack_format = #tpu.pack_format<interleaved>} : vector<32xbf16> -> vector<16xf32>
        %unpack3A_1053 = tpu.unpack_subelements %bitcast3A_1051, 1 {pack_format = #tpu.pack_format<interleaved>} : vector<32xbf16> -> vector<16xf32>
        %mul3A_1054 = arith.mulf %unpack3A_1052, %gather3A_1017 : vector<16xf32>
        %swap3A_1055 = arith.index_cast %add3A_1019 : i32 to index
        %swap3A_1056 = arith.constant 64 : index
        %swap3A_1057 = tpu.vector_load %arg10[%swap3A_1055, %swap3A_1056] {strides = array<i32>} : memref<128x128xf32, #tpu.memory_space<vmem>>, vector<16xf32>,
        tpu.vector_store %arg10[%swap3A_1055, %swap3A_1056], %mul3A_1054 {strides = array<i32>} : memref<128x128xf32, #tpu.memory_space<vmem>>, vector<16xf32>,
        %mul3A_1058 = arith.mulf %unpack3A_1053, %gather3A_1017 : vector<16xf32>
        %swap3A_1059 = arith.index_cast %add3A_1019 : i32 to index
        %swap3A_1060 = arith.constant 80 : index
        %swap3A_1061 = tpu.vector_load %arg10[%swap3A_1059, %swap3A_1060] {strides = array<i32>} : memref<128x128xf32, #tpu.memory_space<vmem>>, vector<16xf32>,
        tpu.vector_store %arg10[%swap3A_1059, %swap3A_1060], %mul3A_1058 {strides = array<i32>} : memref<128x128xf32, #tpu.memory_space<vmem>>, vector<16xf32>,
        %get3A_1062 = arith.index_cast %add3A_1019 : i32 to index
        %get3A_1063 = arith.constant 48 : index
        %get3A_1064 = tpu.vector_load %arg6[%get3A_1062, %get3A_1063] {strides = array<i32>} : memref<128x64xi32, #tpu.memory_space<vmem>>, vector<16xi32>,
        %bitcast3A_1065 = vector.bitcast %get3A_1064 : vector<16xi32> to vector<32xbf16>
        %unpack3A_1066 = tpu.unpack_subelements %bitcast3A_1065, 0 {pack_format = #tpu.pack_format<interleaved>} : vector<32xbf16> -> vector<16xf32>
        %unpack3A_1067 = tpu.unpack_subelements %bitcast3A_1065, 1 {pack_format = #tpu.pack_format<interleaved>} : vector<32xbf16> -> vector<16xf32>
        %mul3A_1068 = arith.mulf %unpack3A_1066, %gather3A_1017 : vector<16xf32>
        %swap3A_1069 = arith.index_cast %add3A_1019 : i32 to index
        %swap3A_1070 = arith.constant 96 : index
        %swap3A_1071 = tpu.vector_load %arg10[%swap3A_1069, %swap3A_1070] {strides = array<i32>} : memref<128x128xf32, #tpu.memory_space<vmem>>, vector<16xf32>,
        tpu.vector_store %arg10[%swap3A_1069, %swap3A_1070], %mul3A_1068 {strides = array<i32>} : memref<128x128xf32, #tpu.memory_space<vmem>>, vector<16xf32>,
        %mul3A_1072 = arith.mulf %unpack3A_1067, %gather3A_1017 : vector<16xf32>
        %swap3A_1073 = arith.index_cast %add3A_1019 : i32 to index
        %swap3A_1074 = arith.constant 112 : index
        %swap3A_1075 = tpu.vector_load %arg10[%swap3A_1073, %swap3A_1074] {strides = array<i32>} : memref<128x128xf32, #tpu.memory_space<vmem>>, vector<16xf32>,
        tpu.vector_store %arg10[%swap3A_1073, %swap3A_1074], %mul3A_1072 {strides = array<i32>} : memref<128x128xf32, #tpu.memory_space<vmem>>, vector<16xf32>,
        %broadcast_in_dim3A_1076 = arith.constant 14 : i32
        %broadcast_in_dim3A_1077 = vector.broadcast %broadcast_in_dim3A_1076 : i32 to vector<16x1xi32>
        %gather3A_1078 = vector.shape_cast %broadcast_in_dim3A_1077 : vector<16x1xi32> to vector<16xi32>
        %gather3A_1079 = tpu.dynamic_gather %bitcast3A[%gather3A_1078] in [0] : vector<16xf32>, vector<16xi32> -> vector<16xf32>
        %add3A_1080 = arith.constant 14 : i32
        %add3A_1081 = arith.addi %add3A_206, %add3A_1080 : i32
        %get3A_1082 = arith.index_cast %add3A_1081 : i32 to index
        %get3A_1083 = arith.constant 0 : index
        %get3A_1084 = tpu.vector_load %arg6[%get3A_1082, %get3A_1083] {strides = array<i32>} : memref<128x64xi32, #tpu.memory_space<vmem>>, vector<16xi32>,
        %bitcast3A_1085 = vector.bitcast %get3A_1084 : vector<16xi32> to vector<32xbf16>
        %unpack3A_1086 = tpu.unpack_subelements %bitcast3A_1085, 0 {pack_format = #tpu.pack_format<interleaved>} : vector<32xbf16> -> vector<16xf32>
        %unpack3A_1087 = tpu.unpack_subelements %bitcast3A_1085, 1 {pack_format = #tpu.pack_format<interleaved>} : vector<32xbf16> -> vector<16xf32>
        %mul3A_1088 = arith.mulf %unpack3A_1086, %gather3A_1079 : vector<16xf32>
        %swap3A_1089 = arith.index_cast %add3A_1081 : i32 to index
        %swap3A_1090 = arith.constant 0 : index
        %swap3A_1091 = tpu.vector_load %arg10[%swap3A_1089, %swap3A_1090] {strides = array<i32>} : memref<128x128xf32, #tpu.memory_space<vmem>>, vector<16xf32>,
        tpu.vector_store %arg10[%swap3A_1089, %swap3A_1090], %mul3A_1088 {strides = array<i32>} : memref<128x128xf32, #tpu.memory_space<vmem>>, vector<16xf32>,
        %mul3A_1092 = arith.mulf %unpack3A_1087, %gather3A_1079 : vector<16xf32>
        %swap3A_1093 = arith.index_cast %add3A_1081 : i32 to index
        %swap3A_1094 = arith.constant 16 : index
        %swap3A_1095 = tpu.vector_load %arg10[%swap3A_1093, %swap3A_1094] {strides = array<i32>} : memref<128x128xf32, #tpu.memory_space<vmem>>, vector<16xf32>,
        tpu.vector_store %arg10[%swap3A_1093, %swap3A_1094], %mul3A_1092 {strides = array<i32>} : memref<128x128xf32, #tpu.memory_space<vmem>>, vector<16xf32>,
        %get3A_1096 = arith.index_cast %add3A_1081 : i32 to index
        %get3A_1097 = arith.constant 16 : index
        %get3A_1098 = tpu.vector_load %arg6[%get3A_1096, %get3A_1097] {strides = array<i32>} : memref<128x64xi32, #tpu.memory_space<vmem>>, vector<16xi32>,
        %bitcast3A_1099 = vector.bitcast %get3A_1098 : vector<16xi32> to vector<32xbf16>
        %unpack3A_1100 = tpu.unpack_subelements %bitcast3A_1099, 0 {pack_format = #tpu.pack_format<interleaved>} : vector<32xbf16> -> vector<16xf32>
        %unpack3A_1101 = tpu.unpack_subelements %bitcast3A_1099, 1 {pack_format = #tpu.pack_format<interleaved>} : vector<32xbf16> -> vector<16xf32>
        %mul3A_1102 = arith.mulf %unpack3A_1100, %gather3A_1079 : vector<16xf32>
        %swap3A_1103 = arith.index_cast %add3A_1081 : i32 to index
        %swap3A_1104 = arith.constant 32 : index
        %swap3A_1105 = tpu.vector_load %arg10[%swap3A_1103, %swap3A_1104] {strides = array<i32>} : memref<128x128xf32, #tpu.memory_space<vmem>>, vector<16xf32>,
        tpu.vector_store %arg10[%swap3A_1103, %swap3A_1104], %mul3A_1102 {strides = array<i32>} : memref<128x128xf32, #tpu.memory_space<vmem>>, vector<16xf32>,
        %mul3A_1106 = arith.mulf %unpack3A_1101, %gather3A_1079 : vector<16xf32>
        %swap3A_1107 = arith.index_cast %add3A_1081 : i32 to index
        %swap3A_1108 = arith.constant 48 : index
        %swap3A_1109 = tpu.vector_load %arg10[%swap3A_1107, %swap3A_1108] {strides = array<i32>} : memref<128x128xf32, #tpu.memory_space<vmem>>, vector<16xf32>,
        tpu.vector_store %arg10[%swap3A_1107, %swap3A_1108], %mul3A_1106 {strides = array<i32>} : memref<128x128xf32, #tpu.memory_space<vmem>>, vector<16xf32>,
        %get3A_1110 = arith.index_cast %add3A_1081 : i32 to index
        %get3A_1111 = arith.constant 32 : index
        %get3A_1112 = tpu.vector_load %arg6[%get3A_1110, %get3A_1111] {strides = array<i32>} : memref<128x64xi32, #tpu.memory_space<vmem>>, vector<16xi32>,
        %bitcast3A_1113 = vector.bitcast %get3A_1112 : vector<16xi32> to vector<32xbf16>
        %unpack3A_1114 = tpu.unpack_subelements %bitcast3A_1113, 0 {pack_format = #tpu.pack_format<interleaved>} : vector<32xbf16> -> vector<16xf32>
        %unpack3A_1115 = tpu.unpack_subelements %bitcast3A_1113, 1 {pack_format = #tpu.pack_format<interleaved>} : vector<32xbf16> -> vector<16xf32>
        %mul3A_1116 = arith.mulf %unpack3A_1114, %gather3A_1079 : vector<16xf32>
        %swap3A_1117 = arith.index_cast %add3A_1081 : i32 to index
        %swap3A_1118 = arith.constant 64 : index
        %swap3A_1119 = tpu.vector_load %arg10[%swap3A_1117, %swap3A_1118] {strides = array<i32>} : memref<128x128xf32, #tpu.memory_space<vmem>>, vector<16xf32>,
        tpu.vector_store %arg10[%swap3A_1117, %swap3A_1118], %mul3A_1116 {strides = array<i32>} : memref<128x128xf32, #tpu.memory_space<vmem>>, vector<16xf32>,
        %mul3A_1120 = arith.mulf %unpack3A_1115, %gather3A_1079 : vector<16xf32>
        %swap3A_1121 = arith.index_cast %add3A_1081 : i32 to index
        %swap3A_1122 = arith.constant 80 : index
        %swap3A_1123 = tpu.vector_load %arg10[%swap3A_1121, %swap3A_1122] {strides = array<i32>} : memref<128x128xf32, #tpu.memory_space<vmem>>, vector<16xf32>,
        tpu.vector_store %arg10[%swap3A_1121, %swap3A_1122], %mul3A_1120 {strides = array<i32>} : memref<128x128xf32, #tpu.memory_space<vmem>>, vector<16xf32>,
        %get3A_1124 = arith.index_cast %add3A_1081 : i32 to index
        %get3A_1125 = arith.constant 48 : index
        %get3A_1126 = tpu.vector_load %arg6[%get3A_1124, %get3A_1125] {strides = array<i32>} : memref<128x64xi32, #tpu.memory_space<vmem>>, vector<16xi32>,
        %bitcast3A_1127 = vector.bitcast %get3A_1126 : vector<16xi32> to vector<32xbf16>
        %unpack3A_1128 = tpu.unpack_subelements %bitcast3A_1127, 0 {pack_format = #tpu.pack_format<interleaved>} : vector<32xbf16> -> vector<16xf32>
        %unpack3A_1129 = tpu.unpack_subelements %bitcast3A_1127, 1 {pack_format = #tpu.pack_format<interleaved>} : vector<32xbf16> -> vector<16xf32>
        %mul3A_1130 = arith.mulf %unpack3A_1128, %gather3A_1079 : vector<16xf32>
        %swap3A_1131 = arith.index_cast %add3A_1081 : i32 to index
        %swap3A_1132 = arith.constant 96 : index
        %swap3A_1133 = tpu.vector_load %arg10[%swap3A_1131, %swap3A_1132] {strides = array<i32>} : memref<128x128xf32, #tpu.memory_space<vmem>>, vector<16xf32>,
        tpu.vector_store %arg10[%swap3A_1131, %swap3A_1132], %mul3A_1130 {strides = array<i32>} : memref<128x128xf32, #tpu.memory_space<vmem>>, vector<16xf32>,
        %mul3A_1134 = arith.mulf %unpack3A_1129, %gather3A_1079 : vector<16xf32>
        %swap3A_1135 = arith.index_cast %add3A_1081 : i32 to index
        %swap3A_1136 = arith.constant 112 : index
        %swap3A_1137 = tpu.vector_load %arg10[%swap3A_1135, %swap3A_1136] {strides = array<i32>} : memref<128x128xf32, #tpu.memory_space<vmem>>, vector<16xf32>,
        tpu.vector_store %arg10[%swap3A_1135, %swap3A_1136], %mul3A_1134 {strides = array<i32>} : memref<128x128xf32, #tpu.memory_space<vmem>>, vector<16xf32>,
        %broadcast_in_dim3A_1138 = arith.constant 15 : i32
        %broadcast_in_dim3A_1139 = vector.broadcast %broadcast_in_dim3A_1138 : i32 to vector<16x1xi32>
        %gather3A_1140 = vector.shape_cast %broadcast_in_dim3A_1139 : vector<16x1xi32> to vector<16xi32>
        %gather3A_1141 = tpu.dynamic_gather %bitcast3A[%gather3A_1140] in [0] : vector<16xf32>, vector<16xi32> -> vector<16xf32>
        %add3A_1142 = arith.constant 15 : i32
        %add3A_1143 = arith.addi %add3A_206, %add3A_1142 : i32
        %get3A_1144 = arith.index_cast %add3A_1143 : i32 to index
        %get3A_1145 = arith.constant 0 : index
        %get3A_1146 = tpu.vector_load %arg6[%get3A_1144, %get3A_1145] {strides = array<i32>} : memref<128x64xi32, #tpu.memory_space<vmem>>, vector<16xi32>,
        %bitcast3A_1147 = vector.bitcast %get3A_1146 : vector<16xi32> to vector<32xbf16>
        %unpack3A_1148 = tpu.unpack_subelements %bitcast3A_1147, 0 {pack_format = #tpu.pack_format<interleaved>} : vector<32xbf16> -> vector<16xf32>
        %unpack3A_1149 = tpu.unpack_subelements %bitcast3A_1147, 1 {pack_format = #tpu.pack_format<interleaved>} : vector<32xbf16> -> vector<16xf32>
        %mul3A_1150 = arith.mulf %unpack3A_1148, %gather3A_1141 : vector<16xf32>
        %swap3A_1151 = arith.index_cast %add3A_1143 : i32 to index
        %swap3A_1152 = arith.constant 0 : index
        %swap3A_1153 = tpu.vector_load %arg10[%swap3A_1151, %swap3A_1152] {strides = array<i32>} : memref<128x128xf32, #tpu.memory_space<vmem>>, vector<16xf32>,
        tpu.vector_store %arg10[%swap3A_1151, %swap3A_1152], %mul3A_1150 {strides = array<i32>} : memref<128x128xf32, #tpu.memory_space<vmem>>, vector<16xf32>,
        %mul3A_1154 = arith.mulf %unpack3A_1149, %gather3A_1141 : vector<16xf32>
        %swap3A_1155 = arith.index_cast %add3A_1143 : i32 to index
        %swap3A_1156 = arith.constant 16 : index
        %swap3A_1157 = tpu.vector_load %arg10[%swap3A_1155, %swap3A_1156] {strides = array<i32>} : memref<128x128xf32, #tpu.memory_space<vmem>>, vector<16xf32>,
        tpu.vector_store %arg10[%swap3A_1155, %swap3A_1156], %mul3A_1154 {strides = array<i32>} : memref<128x128xf32, #tpu.memory_space<vmem>>, vector<16xf32>,
        %get3A_1158 = arith.index_cast %add3A_1143 : i32 to index
        %get3A_1159 = arith.constant 16 : index
        %get3A_1160 = tpu.vector_load %arg6[%get3A_1158, %get3A_1159] {strides = array<i32>} : memref<128x64xi32, #tpu.memory_space<vmem>>, vector<16xi32>,
        %bitcast3A_1161 = vector.bitcast %get3A_1160 : vector<16xi32> to vector<32xbf16>
        %unpack3A_1162 = tpu.unpack_subelements %bitcast3A_1161, 0 {pack_format = #tpu.pack_format<interleaved>} : vector<32xbf16> -> vector<16xf32>
        %unpack3A_1163 = tpu.unpack_subelements %bitcast3A_1161, 1 {pack_format = #tpu.pack_format<interleaved>} : vector<32xbf16> -> vector<16xf32>
        %mul3A_1164 = arith.mulf %unpack3A_1162, %gather3A_1141 : vector<16xf32>
        %swap3A_1165 = arith.index_cast %add3A_1143 : i32 to index
        %swap3A_1166 = arith.constant 32 : index
        %swap3A_1167 = tpu.vector_load %arg10[%swap3A_1165, %swap3A_1166] {strides = array<i32>} : memref<128x128xf32, #tpu.memory_space<vmem>>, vector<16xf32>,
        tpu.vector_store %arg10[%swap3A_1165, %swap3A_1166], %mul3A_1164 {strides = array<i32>} : memref<128x128xf32, #tpu.memory_space<vmem>>, vector<16xf32>,
        %mul3A_1168 = arith.mulf %unpack3A_1163, %gather3A_1141 : vector<16xf32>
        %swap3A_1169 = arith.index_cast %add3A_1143 : i32 to index
        %swap3A_1170 = arith.constant 48 : index
        %swap3A_1171 = tpu.vector_load %arg10[%swap3A_1169, %swap3A_1170] {strides = array<i32>} : memref<128x128xf32, #tpu.memory_space<vmem>>, vector<16xf32>,
        tpu.vector_store %arg10[%swap3A_1169, %swap3A_1170], %mul3A_1168 {strides = array<i32>} : memref<128x128xf32, #tpu.memory_space<vmem>>, vector<16xf32>,
        %get3A_1172 = arith.index_cast %add3A_1143 : i32 to index
        %get3A_1173 = arith.constant 32 : index
        %get3A_1174 = tpu.vector_load %arg6[%get3A_1172, %get3A_1173] {strides = array<i32>} : memref<128x64xi32, #tpu.memory_space<vmem>>, vector<16xi32>,
        %bitcast3A_1175 = vector.bitcast %get3A_1174 : vector<16xi32> to vector<32xbf16>
        %unpack3A_1176 = tpu.unpack_subelements %bitcast3A_1175, 0 {pack_format = #tpu.pack_format<interleaved>} : vector<32xbf16> -> vector<16xf32>
        %unpack3A_1177 = tpu.unpack_subelements %bitcast3A_1175, 1 {pack_format = #tpu.pack_format<interleaved>} : vector<32xbf16> -> vector<16xf32>
        %mul3A_1178 = arith.mulf %unpack3A_1176, %gather3A_1141 : vector<16xf32>
        %swap3A_1179 = arith.index_cast %add3A_1143 : i32 to index
        %swap3A_1180 = arith.constant 64 : index
        %swap3A_1181 = tpu.vector_load %arg10[%swap3A_1179, %swap3A_1180] {strides = array<i32>} : memref<128x128xf32, #tpu.memory_space<vmem>>, vector<16xf32>,
        tpu.vector_store %arg10[%swap3A_1179, %swap3A_1180], %mul3A_1178 {strides = array<i32>} : memref<128x128xf32, #tpu.memory_space<vmem>>, vector<16xf32>,
        %mul3A_1182 = arith.mulf %unpack3A_1177, %gather3A_1141 : vector<16xf32>
        %swap3A_1183 = arith.index_cast %add3A_1143 : i32 to index
        %swap3A_1184 = arith.constant 80 : index
        %swap3A_1185 = tpu.vector_load %arg10[%swap3A_1183, %swap3A_1184] {strides = array<i32>} : memref<128x128xf32, #tpu.memory_space<vmem>>, vector<16xf32>,
        tpu.vector_store %arg10[%swap3A_1183, %swap3A_1184], %mul3A_1182 {strides = array<i32>} : memref<128x128xf32, #tpu.memory_space<vmem>>, vector<16xf32>,
        %get3A_1186 = arith.index_cast %add3A_1143 : i32 to index
        %get3A_1187 = arith.constant 48 : index
        %get3A_1188 = tpu.vector_load %arg6[%get3A_1186, %get3A_1187] {strides = array<i32>} : memref<128x64xi32, #tpu.memory_space<vmem>>, vector<16xi32>,
        %bitcast3A_1189 = vector.bitcast %get3A_1188 : vector<16xi32> to vector<32xbf16>
        %unpack3A_1190 = tpu.unpack_subelements %bitcast3A_1189, 0 {pack_format = #tpu.pack_format<interleaved>} : vector<32xbf16> -> vector<16xf32>
        %unpack3A_1191 = tpu.unpack_subelements %bitcast3A_1189, 1 {pack_format = #tpu.pack_format<interleaved>} : vector<32xbf16> -> vector<16xf32>
        %mul3A_1192 = arith.mulf %unpack3A_1190, %gather3A_1141 : vector<16xf32>
        %swap3A_1193 = arith.index_cast %add3A_1143 : i32 to index
        %swap3A_1194 = arith.constant 96 : index
        %swap3A_1195 = tpu.vector_load %arg10[%swap3A_1193, %swap3A_1194] {strides = array<i32>} : memref<128x128xf32, #tpu.memory_space<vmem>>, vector<16xf32>,
        tpu.vector_store %arg10[%swap3A_1193, %swap3A_1194], %mul3A_1192 {strides = array<i32>} : memref<128x128xf32, #tpu.memory_space<vmem>>, vector<16xf32>,
        %mul3A_1196 = arith.mulf %unpack3A_1191, %gather3A_1141 : vector<16xf32>
        %swap3A_1197 = arith.index_cast %add3A_1143 : i32 to index
        %swap3A_1198 = arith.constant 112 : index
        %swap3A_1199 = tpu.vector_load %arg10[%swap3A_1197, %swap3A_1198] {strides = array<i32>} : memref<128x128xf32, #tpu.memory_space<vmem>>, vector<16xf32>,
        tpu.vector_store %arg10[%swap3A_1197, %swap3A_1198], %mul3A_1196 {strides = array<i32>} : memref<128x128xf32, #tpu.memory_space<vmem>>, vector<16xf32>,
      }
      %scan3A_61 = arith.constant 8 : i32
      %get3A = arith.constant 1 : i32
      %get3A_62 = arith.index_cast %get3A : i32 to index
      %get3A_63 = arith.constant 0 : index
      %get3A_64 = tpu.vector_load %arg8[%get3A_62, %get3A_63] {strides = array<i32>} : memref<4x128xi32, #tpu.memory_space<vmem>>, vector<16xi32>,
      %swap3A = arith.constant 0 : index
      %swap3A_65 = tpu.vector_load %arg12[%swap3A] {strides = array<i32>} : memref<128xi32, #tpu.memory_space<vmem>>, vector<16xi32>,
      tpu.vector_store %arg12[%swap3A], %get3A_64 {strides = array<i32>} : memref<128xi32, #tpu.memory_space<vmem>>, vector<16xi32>,
      %get3A_66 = arith.constant 1 : i32
      %get3A_67 = arith.index_cast %get3A_66 : i32 to index
      %get3A_68 = arith.constant 16 : index
      %get3A_69 = tpu.vector_load %arg8[%get3A_67, %get3A_68] {strides = array<i32>} : memref<4x128xi32, #tpu.memory_space<vmem>>, vector<16xi32>,
      %swap3A_70 = arith.constant 16 : index
      %swap3A_71 = tpu.vector_load %arg12[%swap3A_70] {strides = array<i32>} : memref<128xi32, #tpu.memory_space<vmem>>, vector<16xi32>,
      tpu.vector_store %arg12[%swap3A_70], %get3A_69 {strides = array<i32>} : memref<128xi32, #tpu.memory_space<vmem>>, vector<16xi32>,
      %get3A_72 = arith.constant 1 : i32
      %get3A_73 = arith.index_cast %get3A_72 : i32 to index
      %get3A_74 = arith.constant 32 : index
      %get3A_75 = tpu.vector_load %arg8[%get3A_73, %get3A_74] {strides = array<i32>} : memref<4x128xi32, #tpu.memory_space<vmem>>, vector<16xi32>,
      %swap3A_76 = arith.constant 32 : index
      %swap3A_77 = tpu.vector_load %arg12[%swap3A_76] {strides = array<i32>} : memref<128xi32, #tpu.memory_space<vmem>>, vector<16xi32>,
      tpu.vector_store %arg12[%swap3A_76], %get3A_75 {strides = array<i32>} : memref<128xi32, #tpu.memory_space<vmem>>, vector<16xi32>,
      %get3A_78 = arith.constant 1 : i32
      %get3A_79 = arith.index_cast %get3A_78 : i32 to index
      %get3A_80 = arith.constant 48 : index
      %get3A_81 = tpu.vector_load %arg8[%get3A_79, %get3A_80] {strides = array<i32>} : memref<4x128xi32, #tpu.memory_space<vmem>>, vector<16xi32>,
      %swap3A_82 = arith.constant 48 : index
      %swap3A_83 = tpu.vector_load %arg12[%swap3A_82] {strides = array<i32>} : memref<128xi32, #tpu.memory_space<vmem>>, vector<16xi32>,
      tpu.vector_store %arg12[%swap3A_82], %get3A_81 {strides = array<i32>} : memref<128xi32, #tpu.memory_space<vmem>>, vector<16xi32>,
      %get3A_84 = arith.constant 1 : i32
      %get3A_85 = arith.index_cast %get3A_84 : i32 to index
      %get3A_86 = arith.constant 64 : index
      %get3A_87 = tpu.vector_load %arg8[%get3A_85, %get3A_86] {strides = array<i32>} : memref<4x128xi32, #tpu.memory_space<vmem>>, vector<16xi32>,
      %swap3A_88 = arith.constant 64 : index
      %swap3A_89 = tpu.vector_load %arg12[%swap3A_88] {strides = array<i32>} : memref<128xi32, #tpu.memory_space<vmem>>, vector<16xi32>,
      tpu.vector_store %arg12[%swap3A_88], %get3A_87 {strides = array<i32>} : memref<128xi32, #tpu.memory_space<vmem>>, vector<16xi32>,
      %get3A_90 = arith.constant 1 : i32
      %get3A_91 = arith.index_cast %get3A_90 : i32 to index
      %get3A_92 = arith.constant 80 : index
      %get3A_93 = tpu.vector_load %arg8[%get3A_91, %get3A_92] {strides = array<i32>} : memref<4x128xi32, #tpu.memory_space<vmem>>, vector<16xi32>,
      %swap3A_94 = arith.constant 80 : index
      %swap3A_95 = tpu.vector_load %arg12[%swap3A_94] {strides = array<i32>} : memref<128xi32, #tpu.memory_space<vmem>>, vector<16xi32>,
      tpu.vector_store %arg12[%swap3A_94], %get3A_93 {strides = array<i32>} : memref<128xi32, #tpu.memory_space<vmem>>, vector<16xi32>,
      %get3A_96 = arith.constant 1 : i32
      %get3A_97 = arith.index_cast %get3A_96 : i32 to index
      %get3A_98 = arith.constant 96 : index
      %get3A_99 = tpu.vector_load %arg8[%get3A_97, %get3A_98] {strides = array<i32>} : memref<4x128xi32, #tpu.memory_space<vmem>>, vector<16xi32>,
      %swap3A_100 = arith.constant 96 : index
      %swap3A_101 = tpu.vector_load %arg12[%swap3A_100] {strides = array<i32>} : memref<128xi32, #tpu.memory_space<vmem>>, vector<16xi32>,
      tpu.vector_store %arg12[%swap3A_100], %get3A_99 {strides = array<i32>} : memref<128xi32, #tpu.memory_space<vmem>>, vector<16xi32>,
      %get3A_102 = arith.constant 1 : i32
      %get3A_103 = arith.index_cast %get3A_102 : i32 to index
      %get3A_104 = arith.constant 112 : index
      %get3A_105 = tpu.vector_load %arg8[%get3A_103, %get3A_104] {strides = array<i32>} : memref<4x128xi32, #tpu.memory_space<vmem>>, vector<16xi32>,
      %swap3A_106 = arith.constant 112 : index
      %swap3A_107 = tpu.vector_load %arg12[%swap3A_106] {strides = array<i32>} : memref<128xi32, #tpu.memory_space<vmem>>, vector<16xi32>,
      tpu.vector_store %arg12[%swap3A_106], %get3A_105 {strides = array<i32>} : memref<128xi32, #tpu.memory_space<vmem>>, vector<16xi32>,
      %dma_start3A_108 = arith.constant 0 : i32
      %dma_start3A_109 = arith.constant 0 : i32
      %dma_start3A_110 = tpu.memref_slice %arg14[%dma_start3A_108, %dma_start3A_109] : memref<10000x128xf32, #tpu.memory_space<vmem_shared>> -> memref<10000x128xf32, #tpu.memory_space<vmem_shared>>
      tpu.enqueue_indirect_dma source(%arg10 : memref<128x128xf32, #tpu.memory_space<vmem>>) target(%dma_start3A_110 : memref<10000x128xf32, #tpu.memory_space<vmem_shared>>) offsets(%arg12 : memref<128xi32, #tpu.memory_space<vmem>>) semaphore(%arg19 : memref<!tpu.dma_semaphore, #tpu.memory_space<semaphore_mem>>) {add = true}
      %add3A_111 = arith.constant 2 : i32
      %add3A_112 = arith.addi %add3A_39, %add3A_111 : i32
      %lt3A_113 = arith.constant 80 : i32
      %lt3A_114 = arith.cmpi slt, %add3A_112, %lt3A_113 : i32
      %convert_element_type3A_115 = arith.extui %lt3A_114 : i1 to i32
      %cond3A_116 = arith.constant 0 : i32
      %cond3A_117 = arith.cmpi ne, %convert_element_type3A_115, %cond3A_116 : i32
      scf.if %cond3A_117 {
        %add3A_202 = arith.constant 2 : i32
        %add3A_203 = arith.addi %add3A_39, %add3A_202 : i32
        %dma_start3A_204 = arith.constant 0 : i32
        %dma_start3A_205 = arith.constant 0 : i32
        %dma_start3A_206 = tpu.memref_slice %arg3[%add3A, %add3A_203, %dma_start3A_204, %dma_start3A_205] : memref<32x80x8x128xi32, #tpu.memory_space<hbm>> -> memref<1x1x4x128xi32, #tpu.memory_space<hbm>>
        %dma_start3A_207 = tpu.memref_squeeze %dma_start3A_206 : memref<1x1x4x128xi32, #tpu.memory_space<hbm>> -> memref<4x128xi32, #tpu.memory_space<hbm>>
        %dma_start3A_208 = arith.constant 0 : i32
        %dma_start3A_209 = arith.constant 0 : i32
        %dma_start3A_210 = tpu.memref_slice %arg3[%add3A, %add3A_203, %dma_start3A_208, %dma_start3A_209] : memref<32x80x8x128xi32, #tpu.memory_space<hbm>> -> memref<1x1x4x128xi32, #tpu.memory_space<hbm>>
        %dma_start3A_211 = tpu.memref_squeeze %dma_start3A_210 : memref<1x1x4x128xi32, #tpu.memory_space<hbm>> -> memref<4x128xi32, #tpu.memory_space<hbm>>
        tpu.enqueue_dma source(%dma_start3A_211 : memref<4x128xi32, #tpu.memory_space<hbm>>) target(%arg8 : memref<4x128xi32, #tpu.memory_space<vmem>>) target_semaphore(%arg17 : memref<!tpu.dma_semaphore, #tpu.memory_space<semaphore_mem>>)
      } else {
      }
      %add3A_118 = arith.constant 1 : i32
      %add3A_119 = arith.addi %add3A_39, %add3A_118 : i32
      %add3A_120 = arith.constant 1 : i32
      %add3A_121 = arith.addi %add3A_119, %add3A_120 : i32
      %lt3A_122 = arith.constant 80 : i32
      %lt3A_123 = arith.cmpi slt, %add3A_121, %lt3A_122 : i32
      %convert_element_type3A_124 = arith.extui %lt3A_123 : i1 to i32
      %cond3A_125 = arith.constant 0 : i32
      %cond3A_126 = arith.cmpi ne, %convert_element_type3A_124, %cond3A_125 : i32
      scf.if %cond3A_126 {
        %add3A_202 = arith.constant 1 : i32
        %add3A_203 = arith.addi %add3A_119, %add3A_202 : i32
        %dma_wait3A_204 = arith.constant 0 : i32
        %dma_wait3A_205 = arith.constant 0 : i32
        %dma_wait3A_206 = tpu.memref_slice %arg3[%add3A, %add3A_203, %dma_wait3A_204, %dma_wait3A_205] : memref<32x80x8x128xi32, #tpu.memory_space<hbm>> -> memref<1x1x4x128xi32, #tpu.memory_space<hbm>>
        %dma_wait3A_207 = tpu.memref_squeeze %dma_wait3A_206 : memref<1x1x4x128xi32, #tpu.memory_space<hbm>> -> memref<4x128xi32, #tpu.memory_space<hbm>>
        %dma_wait3A_208 = arith.constant 0 : i32
        %dma_wait3A_209 = arith.constant 0 : i32
        %dma_wait3A_210 = tpu.memref_slice %arg3[%add3A, %add3A_203, %dma_wait3A_208, %dma_wait3A_209] : memref<32x80x8x128xi32, #tpu.memory_space<hbm>> -> memref<1x1x4x128xi32, #tpu.memory_space<hbm>>
        %dma_wait3A_211 = tpu.memref_squeeze %dma_wait3A_210 : memref<1x1x4x128xi32, #tpu.memory_space<hbm>> -> memref<4x128xi32, #tpu.memory_space<hbm>>
        tpu.wait_dma2 semaphore(%arg17 : memref<!tpu.dma_semaphore, #tpu.memory_space<semaphore_mem>>) src(%dma_wait3A_211 : memref<4x128xi32, #tpu.memory_space<hbm>>) dst(%arg8 : memref<4x128xi32, #tpu.memory_space<vmem>>)
        %dma_start3A_212 = arith.constant 0 : i32
        %dma_start3A_213 = arith.constant 0 : i32
        %dma_start3A_214 = tpu.memref_slice %arg8[%dma_start3A_212, %dma_start3A_213] : memref<4x128xi32, #tpu.memory_space<vmem>> -> memref<1x128xi32, #tpu.memory_space<vmem>>
        %dma_start3A_215 = tpu.memref_squeeze %dma_start3A_214 : memref<1x128xi32, #tpu.memory_space<vmem>> -> memref<128xi32, #tpu.memory_space<vmem>>
        %dma_start3A_216 = arith.constant 0 : i32
        %dma_start3A_217 = arith.constant 0 : i32
        %dma_start3A_218 = tpu.memref_slice %arg2[%dma_start3A_216, %dma_start3A_217] : memref<10000x64xi32, #tpu.memory_space<hbm>> -> memref<10000x64xi32, #tpu.memory_space<hbm>>
        tpu.enqueue_indirect_dma source(%dma_start3A_218 : memref<10000x64xi32, #tpu.memory_space<hbm>>) target(%arg6 : memref<128x64xi32, #tpu.memory_space<vmem>>) offsets(%dma_start3A_215 : memref<128xi32, #tpu.memory_space<vmem>>) semaphore(%arg15 : memref<!tpu.dma_semaphore, #tpu.memory_space<semaphore_mem>>)
      } else {
      }
      %dma_wait3A_127 = arith.constant 0 : i32
      %dma_wait3A_128 = arith.constant 0 : i32
      %dma_wait3A_129 = tpu.memref_slice %arg9[%dma_wait3A_127, %dma_wait3A_128] : memref<4x128xi32, #tpu.memory_space<vmem>> -> memref<1x128xi32, #tpu.memory_space<vmem>>
      %dma_wait3A_130 = tpu.memref_squeeze %dma_wait3A_129 : memref<1x128xi32, #tpu.memory_space<vmem>> -> memref<128xi32, #tpu.memory_space<vmem>>
      %dma_wait3A_131 = arith.constant 0 : i32
      %dma_wait3A_132 = arith.constant 0 : i32
      %dma_wait3A_133 = tpu.memref_slice %arg2[%dma_wait3A_131, %dma_wait3A_132] : memref<10000x64xi32, #tpu.memory_space<hbm>> -> memref<10000x64xi32, #tpu.memory_space<hbm>>
      tpu.wait_indirect_dma semaphore(%arg16 : memref<!tpu.dma_semaphore, #tpu.memory_space<semaphore_mem>>) src(%dma_wait3A_133 : memref<10000x64xi32, #tpu.memory_space<hbm>>) dst(%arg7 : memref<128x64xi32, #tpu.memory_space<vmem>>)
      %ge3A_134 = arith.constant 2 : i32
      %ge3A_135 = arith.cmpi sge, %add3A_119, %ge3A_134 : i32
      %convert_element_type3A_136 = arith.extui %ge3A_135 : i1 to i32
      %cond3A_137 = arith.constant 0 : i32
      %cond3A_138 = arith.cmpi ne, %convert_element_type3A_136, %cond3A_137 : i32
      scf.if %cond3A_138 {
        %dma_wait3A_202 = arith.constant 0 : i32
        %dma_wait3A_203 = arith.constant 0 : i32
        %dma_wait3A_204 = tpu.memref_slice %arg14[%dma_wait3A_202, %dma_wait3A_203] : memref<10000x128xf32, #tpu.memory_space<vmem_shared>> -> memref<10000x128xf32, #tpu.memory_space<vmem_shared>>
        tpu.wait_indirect_dma semaphore(%arg20 : memref<!tpu.dma_semaphore, #tpu.memory_space<semaphore_mem>>) src(%arg11 : memref<128x128xf32, #tpu.memory_space<vmem>>) dst(%dma_wait3A_204 : memref<10000x128xf32, #tpu.memory_space<vmem_shared>>)
      } else {
      }
      %scan3A_139 = arith.constant 0 : i32
      %scan3A_140 = arith.constant 8 : i32
      %scan3A_141 = arith.addi %scan3A_139, %scan3A_140 : i32
      %scan3A_142 = arith.constant 1 : i32
      scf.for %scan3A_202 = %scan3A_139 to %scan3A_141 step %scan3A_142  : i32 {
        %mul3A_203 = arith.constant 16 : i32
        %mul3A_204 = arith.muli %scan3A_202, %mul3A_203 : i32
        %add3A_205 = arith.constant 0 : i32
        %add3A_206 = arith.addi %add3A_205, %mul3A_204 : i32
        %get3A_207 = arith.constant 2 : i32
        %get3A_208 = arith.index_cast %get3A_207 : i32 to index
        %get3A_209 = arith.index_cast %add3A_206 : i32 to index
        %get3A_210 = tpu.vector_load %arg9[%get3A_208, %get3A_209] {strides = array<i32>} : memref<4x128xi32, #tpu.memory_space<vmem>>, vector<16xi32>,
        %bitcast3A = vector.bitcast %get3A_210 : vector<16xi32> to vector<16xf32>
        %broadcast_in_dim3A = arith.constant 0 : i32
        %broadcast_in_dim3A_211 = vector.broadcast %broadcast_in_dim3A : i32 to vector<16x1xi32>
        %gather3A = vector.shape_cast %broadcast_in_dim3A_211 : vector<16x1xi32> to vector<16xi32>
        %gather3A_212 = tpu.dynamic_gather %bitcast3A[%gather3A] in [0] : vector<16xf32>, vector<16xi32> -> vector<16xf32>
        %add3A_213 = arith.constant 0 : i32
        %add3A_214 = arith.addi %add3A_206, %add3A_213 : i32
        %get3A_215 = arith.index_cast %add3A_214 : i32 to index
        %get3A_216 = arith.constant 0 : index
        %get3A_217 = tpu.vector_load %arg7[%get3A_215, %get3A_216] {strides = array<i32>} : memref<128x64xi32, #tpu.memory_space<vmem>>, vector<16xi32>,
        %bitcast3A_218 = vector.bitcast %get3A_217 : vector<16xi32> to vector<32xbf16>
        %unpack3A = tpu.unpack_subelements %bitcast3A_218, 0 {pack_format = #tpu.pack_format<interleaved>} : vector<32xbf16> -> vector<16xf32>
        %unpack3A_219 = tpu.unpack_subelements %bitcast3A_218, 1 {pack_format = #tpu.pack_format<interleaved>} : vector<32xbf16> -> vector<16xf32>
        %mul3A_220 = arith.mulf %unpack3A, %gather3A_212 : vector<16xf32>
        %swap3A_221 = arith.index_cast %add3A_214 : i32 to index
        %swap3A_222 = arith.constant 0 : index
        %swap3A_223 = tpu.vector_load %arg11[%swap3A_221, %swap3A_222] {strides = array<i32>} : memref<128x128xf32, #tpu.memory_space<vmem>>, vector<16xf32>,
        tpu.vector_store %arg11[%swap3A_221, %swap3A_222], %mul3A_220 {strides = array<i32>} : memref<128x128xf32, #tpu.memory_space<vmem>>, vector<16xf32>,
        %mul3A_224 = arith.mulf %unpack3A_219, %gather3A_212 : vector<16xf32>
        %swap3A_225 = arith.index_cast %add3A_214 : i32 to index
        %swap3A_226 = arith.constant 16 : index
        %swap3A_227 = tpu.vector_load %arg11[%swap3A_225, %swap3A_226] {strides = array<i32>} : memref<128x128xf32, #tpu.memory_space<vmem>>, vector<16xf32>,
        tpu.vector_store %arg11[%swap3A_225, %swap3A_226], %mul3A_224 {strides = array<i32>} : memref<128x128xf32, #tpu.memory_space<vmem>>, vector<16xf32>,
        %get3A_228 = arith.index_cast %add3A_214 : i32 to index
        %get3A_229 = arith.constant 16 : index
        %get3A_230 = tpu.vector_load %arg7[%get3A_228, %get3A_229] {strides = array<i32>} : memref<128x64xi32, #tpu.memory_space<vmem>>, vector<16xi32>,
        %bitcast3A_231 = vector.bitcast %get3A_230 : vector<16xi32> to vector<32xbf16>
        %unpack3A_232 = tpu.unpack_subelements %bitcast3A_231, 0 {pack_format = #tpu.pack_format<interleaved>} : vector<32xbf16> -> vector<16xf32>
        %unpack3A_233 = tpu.unpack_subelements %bitcast3A_231, 1 {pack_format = #tpu.pack_format<interleaved>} : vector<32xbf16> -> vector<16xf32>
        %mul3A_234 = arith.mulf %unpack3A_232, %gather3A_212 : vector<16xf32>
        %swap3A_235 = arith.index_cast %add3A_214 : i32 to index
        %swap3A_236 = arith.constant 32 : index
        %swap3A_237 = tpu.vector_load %arg11[%swap3A_235, %swap3A_236] {strides = array<i32>} : memref<128x128xf32, #tpu.memory_space<vmem>>, vector<16xf32>,
        tpu.vector_store %arg11[%swap3A_235, %swap3A_236], %mul3A_234 {strides = array<i32>} : memref<128x128xf32, #tpu.memory_space<vmem>>, vector<16xf32>,
        %mul3A_238 = arith.mulf %unpack3A_233, %gather3A_212 : vector<16xf32>
        %swap3A_239 = arith.index_cast %add3A_214 : i32 to index
        %swap3A_240 = arith.constant 48 : index
        %swap3A_241 = tpu.vector_load %arg11[%swap3A_239, %swap3A_240] {strides = array<i32>} : memref<128x128xf32, #tpu.memory_space<vmem>>, vector<16xf32>,
        tpu.vector_store %arg11[%swap3A_239, %swap3A_240], %mul3A_238 {strides = array<i32>} : memref<128x128xf32, #tpu.memory_space<vmem>>, vector<16xf32>,
        %get3A_242 = arith.index_cast %add3A_214 : i32 to index
        %get3A_243 = arith.constant 32 : index
        %get3A_244 = tpu.vector_load %arg7[%get3A_242, %get3A_243] {strides = array<i32>} : memref<128x64xi32, #tpu.memory_space<vmem>>, vector<16xi32>,
        %bitcast3A_245 = vector.bitcast %get3A_244 : vector<16xi32> to vector<32xbf16>
        %unpack3A_246 = tpu.unpack_subelements %bitcast3A_245, 0 {pack_format = #tpu.pack_format<interleaved>} : vector<32xbf16> -> vector<16xf32>
        %unpack3A_247 = tpu.unpack_subelements %bitcast3A_245, 1 {pack_format = #tpu.pack_format<interleaved>} : vector<32xbf16> -> vector<16xf32>
        %mul3A_248 = arith.mulf %unpack3A_246, %gather3A_212 : vector<16xf32>
        %swap3A_249 = arith.index_cast %add3A_214 : i32 to index
        %swap3A_250 = arith.constant 64 : index
        %swap3A_251 = tpu.vector_load %arg11[%swap3A_249, %swap3A_250] {strides = array<i32>} : memref<128x128xf32, #tpu.memory_space<vmem>>, vector<16xf32>,
        tpu.vector_store %arg11[%swap3A_249, %swap3A_250], %mul3A_248 {strides = array<i32>} : memref<128x128xf32, #tpu.memory_space<vmem>>, vector<16xf32>,
        %mul3A_252 = arith.mulf %unpack3A_247, %gather3A_212 : vector<16xf32>
        %swap3A_253 = arith.index_cast %add3A_214 : i32 to index
        %swap3A_254 = arith.constant 80 : index
        %swap3A_255 = tpu.vector_load %arg11[%swap3A_253, %swap3A_254] {strides = array<i32>} : memref<128x128xf32, #tpu.memory_space<vmem>>, vector<16xf32>,
        tpu.vector_store %arg11[%swap3A_253, %swap3A_254], %mul3A_252 {strides = array<i32>} : memref<128x128xf32, #tpu.memory_space<vmem>>, vector<16xf32>,
        %get3A_256 = arith.index_cast %add3A_214 : i32 to index
        %get3A_257 = arith.constant 48 : index
        %get3A_258 = tpu.vector_load %arg7[%get3A_256, %get3A_257] {strides = array<i32>} : memref<128x64xi32, #tpu.memory_space<vmem>>, vector<16xi32>,
        %bitcast3A_259 = vector.bitcast %get3A_258 : vector<16xi32> to vector<32xbf16>
        %unpack3A_260 = tpu.unpack_subelements %bitcast3A_259, 0 {pack_format = #tpu.pack_format<interleaved>} : vector<32xbf16> -> vector<16xf32>
        %unpack3A_261 = tpu.unpack_subelements %bitcast3A_259, 1 {pack_format = #tpu.pack_format<interleaved>} : vector<32xbf16> -> vector<16xf32>
        %mul3A_262 = arith.mulf %unpack3A_260, %gather3A_212 : vector<16xf32>
        %swap3A_263 = arith.index_cast %add3A_214 : i32 to index
        %swap3A_264 = arith.constant 96 : index
        %swap3A_265 = tpu.vector_load %arg11[%swap3A_263, %swap3A_264] {strides = array<i32>} : memref<128x128xf32, #tpu.memory_space<vmem>>, vector<16xf32>,
        tpu.vector_store %arg11[%swap3A_263, %swap3A_264], %mul3A_262 {strides = array<i32>} : memref<128x128xf32, #tpu.memory_space<vmem>>, vector<16xf32>,
        %mul3A_266 = arith.mulf %unpack3A_261, %gather3A_212 : vector<16xf32>
        %swap3A_267 = arith.index_cast %add3A_214 : i32 to index
        %swap3A_268 = arith.constant 112 : index
        %swap3A_269 = tpu.vector_load %arg11[%swap3A_267, %swap3A_268] {strides = array<i32>} : memref<128x128xf32, #tpu.memory_space<vmem>>, vector<16xf32>,
        tpu.vector_store %arg11[%swap3A_267, %swap3A_268], %mul3A_266 {strides = array<i32>} : memref<128x128xf32, #tpu.memory_space<vmem>>, vector<16xf32>,
        %broadcast_in_dim3A_270 = arith.constant 1 : i32
        %broadcast_in_dim3A_271 = vector.broadcast %broadcast_in_dim3A_270 : i32 to vector<16x1xi32>
        %gather3A_272 = vector.shape_cast %broadcast_in_dim3A_271 : vector<16x1xi32> to vector<16xi32>
        %gather3A_273 = tpu.dynamic_gather %bitcast3A[%gather3A_272] in [0] : vector<16xf32>, vector<16xi32> -> vector<16xf32>
        %add3A_274 = arith.constant 1 : i32
        %add3A_275 = arith.addi %add3A_206, %add3A_274 : i32
        %get3A_276 = arith.index_cast %add3A_275 : i32 to index
        %get3A_277 = arith.constant 0 : index
        %get3A_278 = tpu.vector_load %arg7[%get3A_276, %get3A_277] {strides = array<i32>} : memref<128x64xi32, #tpu.memory_space<vmem>>, vector<16xi32>,
        %bitcast3A_279 = vector.bitcast %get3A_278 : vector<16xi32> to vector<32xbf16>
        %unpack3A_280 = tpu.unpack_subelements %bitcast3A_279, 0 {pack_format = #tpu.pack_format<interleaved>} : vector<32xbf16> -> vector<16xf32>
        %unpack3A_281 = tpu.unpack_subelements %bitcast3A_279, 1 {pack_format = #tpu.pack_format<interleaved>} : vector<32xbf16> -> vector<16xf32>
        %mul3A_282 = arith.mulf %unpack3A_280, %gather3A_273 : vector<16xf32>
        %swap3A_283 = arith.index_cast %add3A_275 : i32 to index
        %swap3A_284 = arith.constant 0 : index
        %swap3A_285 = tpu.vector_load %arg11[%swap3A_283, %swap3A_284] {strides = array<i32>} : memref<128x128xf32, #tpu.memory_space<vmem>>, vector<16xf32>,
        tpu.vector_store %arg11[%swap3A_283, %swap3A_284], %mul3A_282 {strides = array<i32>} : memref<128x128xf32, #tpu.memory_space<vmem>>, vector<16xf32>,
        %mul3A_286 = arith.mulf %unpack3A_281, %gather3A_273 : vector<16xf32>
        %swap3A_287 = arith.index_cast %add3A_275 : i32 to index
        %swap3A_288 = arith.constant 16 : index
        %swap3A_289 = tpu.vector_load %arg11[%swap3A_287, %swap3A_288] {strides = array<i32>} : memref<128x128xf32, #tpu.memory_space<vmem>>, vector<16xf32>,
        tpu.vector_store %arg11[%swap3A_287, %swap3A_288], %mul3A_286 {strides = array<i32>} : memref<128x128xf32, #tpu.memory_space<vmem>>, vector<16xf32>,
        %get3A_290 = arith.index_cast %add3A_275 : i32 to index
        %get3A_291 = arith.constant 16 : index
        %get3A_292 = tpu.vector_load %arg7[%get3A_290, %get3A_291] {strides = array<i32>} : memref<128x64xi32, #tpu.memory_space<vmem>>, vector<16xi32>,
        %bitcast3A_293 = vector.bitcast %get3A_292 : vector<16xi32> to vector<32xbf16>
        %unpack3A_294 = tpu.unpack_subelements %bitcast3A_293, 0 {pack_format = #tpu.pack_format<interleaved>} : vector<32xbf16> -> vector<16xf32>
        %unpack3A_295 = tpu.unpack_subelements %bitcast3A_293, 1 {pack_format = #tpu.pack_format<interleaved>} : vector<32xbf16> -> vector<16xf32>
        %mul3A_296 = arith.mulf %unpack3A_294, %gather3A_273 : vector<16xf32>
        %swap3A_297 = arith.index_cast %add3A_275 : i32 to index
        %swap3A_298 = arith.constant 32 : index
        %swap3A_299 = tpu.vector_load %arg11[%swap3A_297, %swap3A_298] {strides = array<i32>} : memref<128x128xf32, #tpu.memory_space<vmem>>, vector<16xf32>,
        tpu.vector_store %arg11[%swap3A_297, %swap3A_298], %mul3A_296 {strides = array<i32>} : memref<128x128xf32, #tpu.memory_space<vmem>>, vector<16xf32>,
        %mul3A_300 = arith.mulf %unpack3A_295, %gather3A_273 : vector<16xf32>
        %swap3A_301 = arith.index_cast %add3A_275 : i32 to index
        %swap3A_302 = arith.constant 48 : index
        %swap3A_303 = tpu.vector_load %arg11[%swap3A_301, %swap3A_302] {strides = array<i32>} : memref<128x128xf32, #tpu.memory_space<vmem>>, vector<16xf32>,
        tpu.vector_store %arg11[%swap3A_301, %swap3A_302], %mul3A_300 {strides = array<i32>} : memref<128x128xf32, #tpu.memory_space<vmem>>, vector<16xf32>,
        %get3A_304 = arith.index_cast %add3A_275 : i32 to index
        %get3A_305 = arith.constant 32 : index
        %get3A_306 = tpu.vector_load %arg7[%get3A_304, %get3A_305] {strides = array<i32>} : memref<128x64xi32, #tpu.memory_space<vmem>>, vector<16xi32>,
        %bitcast3A_307 = vector.bitcast %get3A_306 : vector<16xi32> to vector<32xbf16>
        %unpack3A_308 = tpu.unpack_subelements %bitcast3A_307, 0 {pack_format = #tpu.pack_format<interleaved>} : vector<32xbf16> -> vector<16xf32>
        %unpack3A_309 = tpu.unpack_subelements %bitcast3A_307, 1 {pack_format = #tpu.pack_format<interleaved>} : vector<32xbf16> -> vector<16xf32>
        %mul3A_310 = arith.mulf %unpack3A_308, %gather3A_273 : vector<16xf32>
        %swap3A_311 = arith.index_cast %add3A_275 : i32 to index
        %swap3A_312 = arith.constant 64 : index
        %swap3A_313 = tpu.vector_load %arg11[%swap3A_311, %swap3A_312] {strides = array<i32>} : memref<128x128xf32, #tpu.memory_space<vmem>>, vector<16xf32>,
        tpu.vector_store %arg11[%swap3A_311, %swap3A_312], %mul3A_310 {strides = array<i32>} : memref<128x128xf32, #tpu.memory_space<vmem>>, vector<16xf32>,
        %mul3A_314 = arith.mulf %unpack3A_309, %gather3A_273 : vector<16xf32>
        %swap3A_315 = arith.index_cast %add3A_275 : i32 to index
        %swap3A_316 = arith.constant 80 : index
        %swap3A_317 = tpu.vector_load %arg11[%swap3A_315, %swap3A_316] {strides = array<i32>} : memref<128x128xf32, #tpu.memory_space<vmem>>, vector<16xf32>,
        tpu.vector_store %arg11[%swap3A_315, %swap3A_316], %mul3A_314 {strides = array<i32>} : memref<128x128xf32, #tpu.memory_space<vmem>>, vector<16xf32>,
        %get3A_318 = arith.index_cast %add3A_275 : i32 to index
        %get3A_319 = arith.constant 48 : index
        %get3A_320 = tpu.vector_load %arg7[%get3A_318, %get3A_319] {strides = array<i32>} : memref<128x64xi32, #tpu.memory_space<vmem>>, vector<16xi32>,
        %bitcast3A_321 = vector.bitcast %get3A_320 : vector<16xi32> to vector<32xbf16>
        %unpack3A_322 = tpu.unpack_subelements %bitcast3A_321, 0 {pack_format = #tpu.pack_format<interleaved>} : vector<32xbf16> -> vector<16xf32>
        %unpack3A_323 = tpu.unpack_subelements %bitcast3A_321, 1 {pack_format = #tpu.pack_format<interleaved>} : vector<32xbf16> -> vector<16xf32>
        %mul3A_324 = arith.mulf %unpack3A_322, %gather3A_273 : vector<16xf32>
        %swap3A_325 = arith.index_cast %add3A_275 : i32 to index
        %swap3A_326 = arith.constant 96 : index
        %swap3A_327 = tpu.vector_load %arg11[%swap3A_325, %swap3A_326] {strides = array<i32>} : memref<128x128xf32, #tpu.memory_space<vmem>>, vector<16xf32>,
        tpu.vector_store %arg11[%swap3A_325, %swap3A_326], %mul3A_324 {strides = array<i32>} : memref<128x128xf32, #tpu.memory_space<vmem>>, vector<16xf32>,
        %mul3A_328 = arith.mulf %unpack3A_323, %gather3A_273 : vector<16xf32>
        %swap3A_329 = arith.index_cast %add3A_275 : i32 to index
        %swap3A_330 = arith.constant 112 : index
        %swap3A_331 = tpu.vector_load %arg11[%swap3A_329, %swap3A_330] {strides = array<i32>} : memref<128x128xf32, #tpu.memory_space<vmem>>, vector<16xf32>,
        tpu.vector_store %arg11[%swap3A_329, %swap3A_330], %mul3A_328 {strides = array<i32>} : memref<128x128xf32, #tpu.memory_space<vmem>>, vector<16xf32>,
        %broadcast_in_dim3A_332 = arith.constant 2 : i32
        %broadcast_in_dim3A_333 = vector.broadcast %broadcast_in_dim3A_332 : i32 to vector<16x1xi32>
        %gather3A_334 = vector.shape_cast %broadcast_in_dim3A_333 : vector<16x1xi32> to vector<16xi32>
        %gather3A_335 = tpu.dynamic_gather %bitcast3A[%gather3A_334] in [0] : vector<16xf32>, vector<16xi32> -> vector<16xf32>
        %add3A_336 = arith.constant 2 : i32
        %add3A_337 = arith.addi %add3A_206, %add3A_336 : i32
        %get3A_338 = arith.index_cast %add3A_337 : i32 to index
        %get3A_339 = arith.constant 0 : index
        %get3A_340 = tpu.vector_load %arg7[%get3A_338, %get3A_339] {strides = array<i32>} : memref<128x64xi32, #tpu.memory_space<vmem>>, vector<16xi32>,
        %bitcast3A_341 = vector.bitcast %get3A_340 : vector<16xi32> to vector<32xbf16>
        %unpack3A_342 = tpu.unpack_subelements %bitcast3A_341, 0 {pack_format = #tpu.pack_format<interleaved>} : vector<32xbf16> -> vector<16xf32>
        %unpack3A_343 = tpu.unpack_subelements %bitcast3A_341, 1 {pack_format = #tpu.pack_format<interleaved>} : vector<32xbf16> -> vector<16xf32>
        %mul3A_344 = arith.mulf %unpack3A_342, %gather3A_335 : vector<16xf32>
        %swap3A_345 = arith.index_cast %add3A_337 : i32 to index
        %swap3A_346 = arith.constant 0 : index
        %swap3A_347 = tpu.vector_load %arg11[%swap3A_345, %swap3A_346] {strides = array<i32>} : memref<128x128xf32, #tpu.memory_space<vmem>>, vector<16xf32>,
        tpu.vector_store %arg11[%swap3A_345, %swap3A_346], %mul3A_344 {strides = array<i32>} : memref<128x128xf32, #tpu.memory_space<vmem>>, vector<16xf32>,
        %mul3A_348 = arith.mulf %unpack3A_343, %gather3A_335 : vector<16xf32>
        %swap3A_349 = arith.index_cast %add3A_337 : i32 to index
        %swap3A_350 = arith.constant 16 : index
        %swap3A_351 = tpu.vector_load %arg11[%swap3A_349, %swap3A_350] {strides = array<i32>} : memref<128x128xf32, #tpu.memory_space<vmem>>, vector<16xf32>,
        tpu.vector_store %arg11[%swap3A_349, %swap3A_350], %mul3A_348 {strides = array<i32>} : memref<128x128xf32, #tpu.memory_space<vmem>>, vector<16xf32>,
        %get3A_352 = arith.index_cast %add3A_337 : i32 to index
        %get3A_353 = arith.constant 16 : index
        %get3A_354 = tpu.vector_load %arg7[%get3A_352, %get3A_353] {strides = array<i32>} : memref<128x64xi32, #tpu.memory_space<vmem>>, vector<16xi32>,
        %bitcast3A_355 = vector.bitcast %get3A_354 : vector<16xi32> to vector<32xbf16>
        %unpack3A_356 = tpu.unpack_subelements %bitcast3A_355, 0 {pack_format = #tpu.pack_format<interleaved>} : vector<32xbf16> -> vector<16xf32>
        %unpack3A_357 = tpu.unpack_subelements %bitcast3A_355, 1 {pack_format = #tpu.pack_format<interleaved>} : vector<32xbf16> -> vector<16xf32>
        %mul3A_358 = arith.mulf %unpack3A_356, %gather3A_335 : vector<16xf32>
        %swap3A_359 = arith.index_cast %add3A_337 : i32 to index
        %swap3A_360 = arith.constant 32 : index
        %swap3A_361 = tpu.vector_load %arg11[%swap3A_359, %swap3A_360] {strides = array<i32>} : memref<128x128xf32, #tpu.memory_space<vmem>>, vector<16xf32>,
        tpu.vector_store %arg11[%swap3A_359, %swap3A_360], %mul3A_358 {strides = array<i32>} : memref<128x128xf32, #tpu.memory_space<vmem>>, vector<16xf32>,
        %mul3A_362 = arith.mulf %unpack3A_357, %gather3A_335 : vector<16xf32>
        %swap3A_363 = arith.index_cast %add3A_337 : i32 to index
        %swap3A_364 = arith.constant 48 : index
        %swap3A_365 = tpu.vector_load %arg11[%swap3A_363, %swap3A_364] {strides = array<i32>} : memref<128x128xf32, #tpu.memory_space<vmem>>, vector<16xf32>,
        tpu.vector_store %arg11[%swap3A_363, %swap3A_364], %mul3A_362 {strides = array<i32>} : memref<128x128xf32, #tpu.memory_space<vmem>>, vector<16xf32>,
        %get3A_366 = arith.index_cast %add3A_337 : i32 to index
        %get3A_367 = arith.constant 32 : index
        %get3A_368 = tpu.vector_load %arg7[%get3A_366, %get3A_367] {strides = array<i32>} : memref<128x64xi32, #tpu.memory_space<vmem>>, vector<16xi32>,
        %bitcast3A_369 = vector.bitcast %get3A_368 : vector<16xi32> to vector<32xbf16>
        %unpack3A_370 = tpu.unpack_subelements %bitcast3A_369, 0 {pack_format = #tpu.pack_format<interleaved>} : vector<32xbf16> -> vector<16xf32>
        %unpack3A_371 = tpu.unpack_subelements %bitcast3A_369, 1 {pack_format = #tpu.pack_format<interleaved>} : vector<32xbf16> -> vector<16xf32>
        %mul3A_372 = arith.mulf %unpack3A_370, %gather3A_335 : vector<16xf32>
        %swap3A_373 = arith.index_cast %add3A_337 : i32 to index
        %swap3A_374 = arith.constant 64 : index
        %swap3A_375 = tpu.vector_load %arg11[%swap3A_373, %swap3A_374] {strides = array<i32>} : memref<128x128xf32, #tpu.memory_space<vmem>>, vector<16xf32>,
        tpu.vector_store %arg11[%swap3A_373, %swap3A_374], %mul3A_372 {strides = array<i32>} : memref<128x128xf32, #tpu.memory_space<vmem>>, vector<16xf32>,
        %mul3A_376 = arith.mulf %unpack3A_371, %gather3A_335 : vector<16xf32>
        %swap3A_377 = arith.index_cast %add3A_337 : i32 to index
        %swap3A_378 = arith.constant 80 : index
        %swap3A_379 = tpu.vector_load %arg11[%swap3A_377, %swap3A_378] {strides = array<i32>} : memref<128x128xf32, #tpu.memory_space<vmem>>, vector<16xf32>,
        tpu.vector_store %arg11[%swap3A_377, %swap3A_378], %mul3A_376 {strides = array<i32>} : memref<128x128xf32, #tpu.memory_space<vmem>>, vector<16xf32>,
        %get3A_380 = arith.index_cast %add3A_337 : i32 to index
        %get3A_381 = arith.constant 48 : index
        %get3A_382 = tpu.vector_load %arg7[%get3A_380, %get3A_381] {strides = array<i32>} : memref<128x64xi32, #tpu.memory_space<vmem>>, vector<16xi32>,
        %bitcast3A_383 = vector.bitcast %get3A_382 : vector<16xi32> to vector<32xbf16>
        %unpack3A_384 = tpu.unpack_subelements %bitcast3A_383, 0 {pack_format = #tpu.pack_format<interleaved>} : vector<32xbf16> -> vector<16xf32>
        %unpack3A_385 = tpu.unpack_subelements %bitcast3A_383, 1 {pack_format = #tpu.pack_format<interleaved>} : vector<32xbf16> -> vector<16xf32>
        %mul3A_386 = arith.mulf %unpack3A_384, %gather3A_335 : vector<16xf32>
        %swap3A_387 = arith.index_cast %add3A_337 : i32 to index
        %swap3A_388 = arith.constant 96 : index
        %swap3A_389 = tpu.vector_load %arg11[%swap3A_387, %swap3A_388] {strides = array<i32>} : memref<128x128xf32, #tpu.memory_space<vmem>>, vector<16xf32>,
        tpu.vector_store %arg11[%swap3A_387, %swap3A_388], %mul3A_386 {strides = array<i32>} : memref<128x128xf32, #tpu.memory_space<vmem>>, vector<16xf32>,
        %mul3A_390 = arith.mulf %unpack3A_385, %gather3A_335 : vector<16xf32>
        %swap3A_391 = arith.index_cast %add3A_337 : i32 to index
        %swap3A_392 = arith.constant 112 : index
        %swap3A_393 = tpu.vector_load %arg11[%swap3A_391, %swap3A_392] {strides = array<i32>} : memref<128x128xf32, #tpu.memory_space<vmem>>, vector<16xf32>,
        tpu.vector_store %arg11[%swap3A_391, %swap3A_392], %mul3A_390 {strides = array<i32>} : memref<128x128xf32, #tpu.memory_space<vmem>>, vector<16xf32>,
        %broadcast_in_dim3A_394 = arith.constant 3 : i32
        %broadcast_in_dim3A_395 = vector.broadcast %broadcast_in_dim3A_394 : i32 to vector<16x1xi32>
        %gather3A_396 = vector.shape_cast %broadcast_in_dim3A_395 : vector<16x1xi32> to vector<16xi32>
        %gather3A_397 = tpu.dynamic_gather %bitcast3A[%gather3A_396] in [0] : vector<16xf32>, vector<16xi32> -> vector<16xf32>
        %add3A_398 = arith.constant 3 : i32
        %add3A_399 = arith.addi %add3A_206, %add3A_398 : i32
        %get3A_400 = arith.index_cast %add3A_399 : i32 to index
        %get3A_401 = arith.constant 0 : index
        %get3A_402 = tpu.vector_load %arg7[%get3A_400, %get3A_401] {strides = array<i32>} : memref<128x64xi32, #tpu.memory_space<vmem>>, vector<16xi32>,
        %bitcast3A_403 = vector.bitcast %get3A_402 : vector<16xi32> to vector<32xbf16>
        %unpack3A_404 = tpu.unpack_subelements %bitcast3A_403, 0 {pack_format = #tpu.pack_format<interleaved>} : vector<32xbf16> -> vector<16xf32>
        %unpack3A_405 = tpu.unpack_subelements %bitcast3A_403, 1 {pack_format = #tpu.pack_format<interleaved>} : vector<32xbf16> -> vector<16xf32>
        %mul3A_406 = arith.mulf %unpack3A_404, %gather3A_397 : vector<16xf32>
        %swap3A_407 = arith.index_cast %add3A_399 : i32 to index
        %swap3A_408 = arith.constant 0 : index
        %swap3A_409 = tpu.vector_load %arg11[%swap3A_407, %swap3A_408] {strides = array<i32>} : memref<128x128xf32, #tpu.memory_space<vmem>>, vector<16xf32>,
        tpu.vector_store %arg11[%swap3A_407, %swap3A_408], %mul3A_406 {strides = array<i32>} : memref<128x128xf32, #tpu.memory_space<vmem>>, vector<16xf32>,
        %mul3A_410 = arith.mulf %unpack3A_405, %gather3A_397 : vector<16xf32>
        %swap3A_411 = arith.index_cast %add3A_399 : i32 to index
        %swap3A_412 = arith.constant 16 : index
        %swap3A_413 = tpu.vector_load %arg11[%swap3A_411, %swap3A_412] {strides = array<i32>} : memref<128x128xf32, #tpu.memory_space<vmem>>, vector<16xf32>,
        tpu.vector_store %arg11[%swap3A_411, %swap3A_412], %mul3A_410 {strides = array<i32>} : memref<128x128xf32, #tpu.memory_space<vmem>>, vector<16xf32>,
        %get3A_414 = arith.index_cast %add3A_399 : i32 to index
        %get3A_415 = arith.constant 16 : index
        %get3A_416 = tpu.vector_load %arg7[%get3A_414, %get3A_415] {strides = array<i32>} : memref<128x64xi32, #tpu.memory_space<vmem>>, vector<16xi32>,
        %bitcast3A_417 = vector.bitcast %get3A_416 : vector<16xi32> to vector<32xbf16>
        %unpack3A_418 = tpu.unpack_subelements %bitcast3A_417, 0 {pack_format = #tpu.pack_format<interleaved>} : vector<32xbf16> -> vector<16xf32>
        %unpack3A_419 = tpu.unpack_subelements %bitcast3A_417, 1 {pack_format = #tpu.pack_format<interleaved>} : vector<32xbf16> -> vector<16xf32>
        %mul3A_420 = arith.mulf %unpack3A_418, %gather3A_397 : vector<16xf32>
        %swap3A_421 = arith.index_cast %add3A_399 : i32 to index
        %swap3A_422 = arith.constant 32 : index
        %swap3A_423 = tpu.vector_load %arg11[%swap3A_421, %swap3A_422] {strides = array<i32>} : memref<128x128xf32, #tpu.memory_space<vmem>>, vector<16xf32>,
        tpu.vector_store %arg11[%swap3A_421, %swap3A_422], %mul3A_420 {strides = array<i32>} : memref<128x128xf32, #tpu.memory_space<vmem>>, vector<16xf32>,
        %mul3A_424 = arith.mulf %unpack3A_419, %gather3A_397 : vector<16xf32>
        %swap3A_425 = arith.index_cast %add3A_399 : i32 to index
        %swap3A_426 = arith.constant 48 : index
        %swap3A_427 = tpu.vector_load %arg11[%swap3A_425, %swap3A_426] {strides = array<i32>} : memref<128x128xf32, #tpu.memory_space<vmem>>, vector<16xf32>,
        tpu.vector_store %arg11[%swap3A_425, %swap3A_426], %mul3A_424 {strides = array<i32>} : memref<128x128xf32, #tpu.memory_space<vmem>>, vector<16xf32>,
        %get3A_428 = arith.index_cast %add3A_399 : i32 to index
        %get3A_429 = arith.constant 32 : index
        %get3A_430 = tpu.vector_load %arg7[%get3A_428, %get3A_429] {strides = array<i32>} : memref<128x64xi32, #tpu.memory_space<vmem>>, vector<16xi32>,
        %bitcast3A_431 = vector.bitcast %get3A_430 : vector<16xi32> to vector<32xbf16>
        %unpack3A_432 = tpu.unpack_subelements %bitcast3A_431, 0 {pack_format = #tpu.pack_format<interleaved>} : vector<32xbf16> -> vector<16xf32>
        %unpack3A_433 = tpu.unpack_subelements %bitcast3A_431, 1 {pack_format = #tpu.pack_format<interleaved>} : vector<32xbf16> -> vector<16xf32>
        %mul3A_434 = arith.mulf %unpack3A_432, %gather3A_397 : vector<16xf32>
        %swap3A_435 = arith.index_cast %add3A_399 : i32 to index
        %swap3A_436 = arith.constant 64 : index
        %swap3A_437 = tpu.vector_load %arg11[%swap3A_435, %swap3A_436] {strides = array<i32>} : memref<128x128xf32, #tpu.memory_space<vmem>>, vector<16xf32>,
        tpu.vector_store %arg11[%swap3A_435, %swap3A_436], %mul3A_434 {strides = array<i32>} : memref<128x128xf32, #tpu.memory_space<vmem>>, vector<16xf32>,
        %mul3A_438 = arith.mulf %unpack3A_433, %gather3A_397 : vector<16xf32>
        %swap3A_439 = arith.index_cast %add3A_399 : i32 to index
        %swap3A_440 = arith.constant 80 : index
        %swap3A_441 = tpu.vector_load %arg11[%swap3A_439, %swap3A_440] {strides = array<i32>} : memref<128x128xf32, #tpu.memory_space<vmem>>, vector<16xf32>,
        tpu.vector_store %arg11[%swap3A_439, %swap3A_440], %mul3A_438 {strides = array<i32>} : memref<128x128xf32, #tpu.memory_space<vmem>>, vector<16xf32>,
        %get3A_442 = arith.index_cast %add3A_399 : i32 to index
        %get3A_443 = arith.constant 48 : index
        %get3A_444 = tpu.vector_load %arg7[%get3A_442, %get3A_443] {strides = array<i32>} : memref<128x64xi32, #tpu.memory_space<vmem>>, vector<16xi32>,
        %bitcast3A_445 = vector.bitcast %get3A_444 : vector<16xi32> to vector<32xbf16>
        %unpack3A_446 = tpu.unpack_subelements %bitcast3A_445, 0 {pack_format = #tpu.pack_format<interleaved>} : vector<32xbf16> -> vector<16xf32>
        %unpack3A_447 = tpu.unpack_subelements %bitcast3A_445, 1 {pack_format = #tpu.pack_format<interleaved>} : vector<32xbf16> -> vector<16xf32>
        %mul3A_448 = arith.mulf %unpack3A_446, %gather3A_397 : vector<16xf32>
        %swap3A_449 = arith.index_cast %add3A_399 : i32 to index
        %swap3A_450 = arith.constant 96 : index
        %swap3A_451 = tpu.vector_load %arg11[%swap3A_449, %swap3A_450] {strides = array<i32>} : memref<128x128xf32, #tpu.memory_space<vmem>>, vector<16xf32>,
        tpu.vector_store %arg11[%swap3A_449, %swap3A_450], %mul3A_448 {strides = array<i32>} : memref<128x128xf32, #tpu.memory_space<vmem>>, vector<16xf32>,
        %mul3A_452 = arith.mulf %unpack3A_447, %gather3A_397 : vector<16xf32>
        %swap3A_453 = arith.index_cast %add3A_399 : i32 to index
        %swap3A_454 = arith.constant 112 : index
        %swap3A_455 = tpu.vector_load %arg11[%swap3A_453, %swap3A_454] {strides = array<i32>} : memref<128x128xf32, #tpu.memory_space<vmem>>, vector<16xf32>,
        tpu.vector_store %arg11[%swap3A_453, %swap3A_454], %mul3A_452 {strides = array<i32>} : memref<128x128xf32, #tpu.memory_space<vmem>>, vector<16xf32>,
        %broadcast_in_dim3A_456 = arith.constant 4 : i32
        %broadcast_in_dim3A_457 = vector.broadcast %broadcast_in_dim3A_456 : i32 to vector<16x1xi32>
        %gather3A_458 = vector.shape_cast %broadcast_in_dim3A_457 : vector<16x1xi32> to vector<16xi32>
        %gather3A_459 = tpu.dynamic_gather %bitcast3A[%gather3A_458] in [0] : vector<16xf32>, vector<16xi32> -> vector<16xf32>
        %add3A_460 = arith.constant 4 : i32
        %add3A_461 = arith.addi %add3A_206, %add3A_460 : i32
        %get3A_462 = arith.index_cast %add3A_461 : i32 to index
        %get3A_463 = arith.constant 0 : index
        %get3A_464 = tpu.vector_load %arg7[%get3A_462, %get3A_463] {strides = array<i32>} : memref<128x64xi32, #tpu.memory_space<vmem>>, vector<16xi32>,
        %bitcast3A_465 = vector.bitcast %get3A_464 : vector<16xi32> to vector<32xbf16>
        %unpack3A_466 = tpu.unpack_subelements %bitcast3A_465, 0 {pack_format = #tpu.pack_format<interleaved>} : vector<32xbf16> -> vector<16xf32>
        %unpack3A_467 = tpu.unpack_subelements %bitcast3A_465, 1 {pack_format = #tpu.pack_format<interleaved>} : vector<32xbf16> -> vector<16xf32>
        %mul3A_468 = arith.mulf %unpack3A_466, %gather3A_459 : vector<16xf32>
        %swap3A_469 = arith.index_cast %add3A_461 : i32 to index
        %swap3A_470 = arith.constant 0 : index
        %swap3A_471 = tpu.vector_load %arg11[%swap3A_469, %swap3A_470] {strides = array<i32>} : memref<128x128xf32, #tpu.memory_space<vmem>>, vector<16xf32>,
        tpu.vector_store %arg11[%swap3A_469, %swap3A_470], %mul3A_468 {strides = array<i32>} : memref<128x128xf32, #tpu.memory_space<vmem>>, vector<16xf32>,
        %mul3A_472 = arith.mulf %unpack3A_467, %gather3A_459 : vector<16xf32>
        %swap3A_473 = arith.index_cast %add3A_461 : i32 to index
        %swap3A_474 = arith.constant 16 : index
        %swap3A_475 = tpu.vector_load %arg11[%swap3A_473, %swap3A_474] {strides = array<i32>} : memref<128x128xf32, #tpu.memory_space<vmem>>, vector<16xf32>,
        tpu.vector_store %arg11[%swap3A_473, %swap3A_474], %mul3A_472 {strides = array<i32>} : memref<128x128xf32, #tpu.memory_space<vmem>>, vector<16xf32>,
        %get3A_476 = arith.index_cast %add3A_461 : i32 to index
        %get3A_477 = arith.constant 16 : index
        %get3A_478 = tpu.vector_load %arg7[%get3A_476, %get3A_477] {strides = array<i32>} : memref<128x64xi32, #tpu.memory_space<vmem>>, vector<16xi32>,
        %bitcast3A_479 = vector.bitcast %get3A_478 : vector<16xi32> to vector<32xbf16>
        %unpack3A_480 = tpu.unpack_subelements %bitcast3A_479, 0 {pack_format = #tpu.pack_format<interleaved>} : vector<32xbf16> -> vector<16xf32>
        %unpack3A_481 = tpu.unpack_subelements %bitcast3A_479, 1 {pack_format = #tpu.pack_format<interleaved>} : vector<32xbf16> -> vector<16xf32>
        %mul3A_482 = arith.mulf %unpack3A_480, %gather3A_459 : vector<16xf32>
        %swap3A_483 = arith.index_cast %add3A_461 : i32 to index
        %swap3A_484 = arith.constant 32 : index
        %swap3A_485 = tpu.vector_load %arg11[%swap3A_483, %swap3A_484] {strides = array<i32>} : memref<128x128xf32, #tpu.memory_space<vmem>>, vector<16xf32>,
        tpu.vector_store %arg11[%swap3A_483, %swap3A_484], %mul3A_482 {strides = array<i32>} : memref<128x128xf32, #tpu.memory_space<vmem>>, vector<16xf32>,
        %mul3A_486 = arith.mulf %unpack3A_481, %gather3A_459 : vector<16xf32>
        %swap3A_487 = arith.index_cast %add3A_461 : i32 to index
        %swap3A_488 = arith.constant 48 : index
        %swap3A_489 = tpu.vector_load %arg11[%swap3A_487, %swap3A_488] {strides = array<i32>} : memref<128x128xf32, #tpu.memory_space<vmem>>, vector<16xf32>,
        tpu.vector_store %arg11[%swap3A_487, %swap3A_488], %mul3A_486 {strides = array<i32>} : memref<128x128xf32, #tpu.memory_space<vmem>>, vector<16xf32>,
        %get3A_490 = arith.index_cast %add3A_461 : i32 to index
        %get3A_491 = arith.constant 32 : index
        %get3A_492 = tpu.vector_load %arg7[%get3A_490, %get3A_491] {strides = array<i32>} : memref<128x64xi32, #tpu.memory_space<vmem>>, vector<16xi32>,
        %bitcast3A_493 = vector.bitcast %get3A_492 : vector<16xi32> to vector<32xbf16>
        %unpack3A_494 = tpu.unpack_subelements %bitcast3A_493, 0 {pack_format = #tpu.pack_format<interleaved>} : vector<32xbf16> -> vector<16xf32>
        %unpack3A_495 = tpu.unpack_subelements %bitcast3A_493, 1 {pack_format = #tpu.pack_format<interleaved>} : vector<32xbf16> -> vector<16xf32>
        %mul3A_496 = arith.mulf %unpack3A_494, %gather3A_459 : vector<16xf32>
        %swap3A_497 = arith.index_cast %add3A_461 : i32 to index
        %swap3A_498 = arith.constant 64 : index
        %swap3A_499 = tpu.vector_load %arg11[%swap3A_497, %swap3A_498] {strides = array<i32>} : memref<128x128xf32, #tpu.memory_space<vmem>>, vector<16xf32>,
        tpu.vector_store %arg11[%swap3A_497, %swap3A_498], %mul3A_496 {strides = array<i32>} : memref<128x128xf32, #tpu.memory_space<vmem>>, vector<16xf32>,
        %mul3A_500 = arith.mulf %unpack3A_495, %gather3A_459 : vector<16xf32>
        %swap3A_501 = arith.index_cast %add3A_461 : i32 to index
        %swap3A_502 = arith.constant 80 : index
        %swap3A_503 = tpu.vector_load %arg11[%swap3A_501, %swap3A_502] {strides = array<i32>} : memref<128x128xf32, #tpu.memory_space<vmem>>, vector<16xf32>,
        tpu.vector_store %arg11[%swap3A_501, %swap3A_502], %mul3A_500 {strides = array<i32>} : memref<128x128xf32, #tpu.memory_space<vmem>>, vector<16xf32>,
        %get3A_504 = arith.index_cast %add3A_461 : i32 to index
        %get3A_505 = arith.constant 48 : index
        %get3A_506 = tpu.vector_load %arg7[%get3A_504, %get3A_505] {strides = array<i32>} : memref<128x64xi32, #tpu.memory_space<vmem>>, vector<16xi32>,
        %bitcast3A_507 = vector.bitcast %get3A_506 : vector<16xi32> to vector<32xbf16>
        %unpack3A_508 = tpu.unpack_subelements %bitcast3A_507, 0 {pack_format = #tpu.pack_format<interleaved>} : vector<32xbf16> -> vector<16xf32>
        %unpack3A_509 = tpu.unpack_subelements %bitcast3A_507, 1 {pack_format = #tpu.pack_format<interleaved>} : vector<32xbf16> -> vector<16xf32>
        %mul3A_510 = arith.mulf %unpack3A_508, %gather3A_459 : vector<16xf32>
        %swap3A_511 = arith.index_cast %add3A_461 : i32 to index
        %swap3A_512 = arith.constant 96 : index
        %swap3A_513 = tpu.vector_load %arg11[%swap3A_511, %swap3A_512] {strides = array<i32>} : memref<128x128xf32, #tpu.memory_space<vmem>>, vector<16xf32>,
        tpu.vector_store %arg11[%swap3A_511, %swap3A_512], %mul3A_510 {strides = array<i32>} : memref<128x128xf32, #tpu.memory_space<vmem>>, vector<16xf32>,
        %mul3A_514 = arith.mulf %unpack3A_509, %gather3A_459 : vector<16xf32>
        %swap3A_515 = arith.index_cast %add3A_461 : i32 to index
        %swap3A_516 = arith.constant 112 : index
        %swap3A_517 = tpu.vector_load %arg11[%swap3A_515, %swap3A_516] {strides = array<i32>} : memref<128x128xf32, #tpu.memory_space<vmem>>, vector<16xf32>,
        tpu.vector_store %arg11[%swap3A_515, %swap3A_516], %mul3A_514 {strides = array<i32>} : memref<128x128xf32, #tpu.memory_space<vmem>>, vector<16xf32>,
        %broadcast_in_dim3A_518 = arith.constant 5 : i32
        %broadcast_in_dim3A_519 = vector.broadcast %broadcast_in_dim3A_518 : i32 to vector<16x1xi32>
        %gather3A_520 = vector.shape_cast %broadcast_in_dim3A_519 : vector<16x1xi32> to vector<16xi32>
        %gather3A_521 = tpu.dynamic_gather %bitcast3A[%gather3A_520] in [0] : vector<16xf32>, vector<16xi32> -> vector<16xf32>
        %add3A_522 = arith.constant 5 : i32
        %add3A_523 = arith.addi %add3A_206, %add3A_522 : i32
        %get3A_524 = arith.index_cast %add3A_523 : i32 to index
        %get3A_525 = arith.constant 0 : index
        %get3A_526 = tpu.vector_load %arg7[%get3A_524, %get3A_525] {strides = array<i32>} : memref<128x64xi32, #tpu.memory_space<vmem>>, vector<16xi32>,
        %bitcast3A_527 = vector.bitcast %get3A_526 : vector<16xi32> to vector<32xbf16>
        %unpack3A_528 = tpu.unpack_subelements %bitcast3A_527, 0 {pack_format = #tpu.pack_format<interleaved>} : vector<32xbf16> -> vector<16xf32>
        %unpack3A_529 = tpu.unpack_subelements %bitcast3A_527, 1 {pack_format = #tpu.pack_format<interleaved>} : vector<32xbf16> -> vector<16xf32>
        %mul3A_530 = arith.mulf %unpack3A_528, %gather3A_521 : vector<16xf32>
        %swap3A_531 = arith.index_cast %add3A_523 : i32 to index
        %swap3A_532 = arith.constant 0 : index
        %swap3A_533 = tpu.vector_load %arg11[%swap3A_531, %swap3A_532] {strides = array<i32>} : memref<128x128xf32, #tpu.memory_space<vmem>>, vector<16xf32>,
        tpu.vector_store %arg11[%swap3A_531, %swap3A_532], %mul3A_530 {strides = array<i32>} : memref<128x128xf32, #tpu.memory_space<vmem>>, vector<16xf32>,
        %mul3A_534 = arith.mulf %unpack3A_529, %gather3A_521 : vector<16xf32>
        %swap3A_535 = arith.index_cast %add3A_523 : i32 to index
        %swap3A_536 = arith.constant 16 : index
        %swap3A_537 = tpu.vector_load %arg11[%swap3A_535, %swap3A_536] {strides = array<i32>} : memref<128x128xf32, #tpu.memory_space<vmem>>, vector<16xf32>,
        tpu.vector_store %arg11[%swap3A_535, %swap3A_536], %mul3A_534 {strides = array<i32>} : memref<128x128xf32, #tpu.memory_space<vmem>>, vector<16xf32>,
        %get3A_538 = arith.index_cast %add3A_523 : i32 to index
        %get3A_539 = arith.constant 16 : index
        %get3A_540 = tpu.vector_load %arg7[%get3A_538, %get3A_539] {strides = array<i32>} : memref<128x64xi32, #tpu.memory_space<vmem>>, vector<16xi32>,
        %bitcast3A_541 = vector.bitcast %get3A_540 : vector<16xi32> to vector<32xbf16>
        %unpack3A_542 = tpu.unpack_subelements %bitcast3A_541, 0 {pack_format = #tpu.pack_format<interleaved>} : vector<32xbf16> -> vector<16xf32>
        %unpack3A_543 = tpu.unpack_subelements %bitcast3A_541, 1 {pack_format = #tpu.pack_format<interleaved>} : vector<32xbf16> -> vector<16xf32>
        %mul3A_544 = arith.mulf %unpack3A_542, %gather3A_521 : vector<16xf32>
        %swap3A_545 = arith.index_cast %add3A_523 : i32 to index
        %swap3A_546 = arith.constant 32 : index
        %swap3A_547 = tpu.vector_load %arg11[%swap3A_545, %swap3A_546] {strides = array<i32>} : memref<128x128xf32, #tpu.memory_space<vmem>>, vector<16xf32>,
        tpu.vector_store %arg11[%swap3A_545, %swap3A_546], %mul3A_544 {strides = array<i32>} : memref<128x128xf32, #tpu.memory_space<vmem>>, vector<16xf32>,
        %mul3A_548 = arith.mulf %unpack3A_543, %gather3A_521 : vector<16xf32>
        %swap3A_549 = arith.index_cast %add3A_523 : i32 to index
        %swap3A_550 = arith.constant 48 : index
        %swap3A_551 = tpu.vector_load %arg11[%swap3A_549, %swap3A_550] {strides = array<i32>} : memref<128x128xf32, #tpu.memory_space<vmem>>, vector<16xf32>,
        tpu.vector_store %arg11[%swap3A_549, %swap3A_550], %mul3A_548 {strides = array<i32>} : memref<128x128xf32, #tpu.memory_space<vmem>>, vector<16xf32>,
        %get3A_552 = arith.index_cast %add3A_523 : i32 to index
        %get3A_553 = arith.constant 32 : index
        %get3A_554 = tpu.vector_load %arg7[%get3A_552, %get3A_553] {strides = array<i32>} : memref<128x64xi32, #tpu.memory_space<vmem>>, vector<16xi32>,
        %bitcast3A_555 = vector.bitcast %get3A_554 : vector<16xi32> to vector<32xbf16>
        %unpack3A_556 = tpu.unpack_subelements %bitcast3A_555, 0 {pack_format = #tpu.pack_format<interleaved>} : vector<32xbf16> -> vector<16xf32>
        %unpack3A_557 = tpu.unpack_subelements %bitcast3A_555, 1 {pack_format = #tpu.pack_format<interleaved>} : vector<32xbf16> -> vector<16xf32>
        %mul3A_558 = arith.mulf %unpack3A_556, %gather3A_521 : vector<16xf32>
        %swap3A_559 = arith.index_cast %add3A_523 : i32 to index
        %swap3A_560 = arith.constant 64 : index
        %swap3A_561 = tpu.vector_load %arg11[%swap3A_559, %swap3A_560] {strides = array<i32>} : memref<128x128xf32, #tpu.memory_space<vmem>>, vector<16xf32>,
        tpu.vector_store %arg11[%swap3A_559, %swap3A_560], %mul3A_558 {strides = array<i32>} : memref<128x128xf32, #tpu.memory_space<vmem>>, vector<16xf32>,
        %mul3A_562 = arith.mulf %unpack3A_557, %gather3A_521 : vector<16xf32>
        %swap3A_563 = arith.index_cast %add3A_523 : i32 to index
        %swap3A_564 = arith.constant 80 : index
        %swap3A_565 = tpu.vector_load %arg11[%swap3A_563, %swap3A_564] {strides = array<i32>} : memref<128x128xf32, #tpu.memory_space<vmem>>, vector<16xf32>,
        tpu.vector_store %arg11[%swap3A_563, %swap3A_564], %mul3A_562 {strides = array<i32>} : memref<128x128xf32, #tpu.memory_space<vmem>>, vector<16xf32>,
        %get3A_566 = arith.index_cast %add3A_523 : i32 to index
        %get3A_567 = arith.constant 48 : index
        %get3A_568 = tpu.vector_load %arg7[%get3A_566, %get3A_567] {strides = array<i32>} : memref<128x64xi32, #tpu.memory_space<vmem>>, vector<16xi32>,
        %bitcast3A_569 = vector.bitcast %get3A_568 : vector<16xi32> to vector<32xbf16>
        %unpack3A_570 = tpu.unpack_subelements %bitcast3A_569, 0 {pack_format = #tpu.pack_format<interleaved>} : vector<32xbf16> -> vector<16xf32>
        %unpack3A_571 = tpu.unpack_subelements %bitcast3A_569, 1 {pack_format = #tpu.pack_format<interleaved>} : vector<32xbf16> -> vector<16xf32>
        %mul3A_572 = arith.mulf %unpack3A_570, %gather3A_521 : vector<16xf32>
        %swap3A_573 = arith.index_cast %add3A_523 : i32 to index
        %swap3A_574 = arith.constant 96 : index
        %swap3A_575 = tpu.vector_load %arg11[%swap3A_573, %swap3A_574] {strides = array<i32>} : memref<128x128xf32, #tpu.memory_space<vmem>>, vector<16xf32>,
        tpu.vector_store %arg11[%swap3A_573, %swap3A_574], %mul3A_572 {strides = array<i32>} : memref<128x128xf32, #tpu.memory_space<vmem>>, vector<16xf32>,
        %mul3A_576 = arith.mulf %unpack3A_571, %gather3A_521 : vector<16xf32>
        %swap3A_577 = arith.index_cast %add3A_523 : i32 to index
        %swap3A_578 = arith.constant 112 : index
        %swap3A_579 = tpu.vector_load %arg11[%swap3A_577, %swap3A_578] {strides = array<i32>} : memref<128x128xf32, #tpu.memory_space<vmem>>, vector<16xf32>,
        tpu.vector_store %arg11[%swap3A_577, %swap3A_578], %mul3A_576 {strides = array<i32>} : memref<128x128xf32, #tpu.memory_space<vmem>>, vector<16xf32>,
        %broadcast_in_dim3A_580 = arith.constant 6 : i32
        %broadcast_in_dim3A_581 = vector.broadcast %broadcast_in_dim3A_580 : i32 to vector<16x1xi32>
        %gather3A_582 = vector.shape_cast %broadcast_in_dim3A_581 : vector<16x1xi32> to vector<16xi32>
        %gather3A_583 = tpu.dynamic_gather %bitcast3A[%gather3A_582] in [0] : vector<16xf32>, vector<16xi32> -> vector<16xf32>
        %add3A_584 = arith.constant 6 : i32
        %add3A_585 = arith.addi %add3A_206, %add3A_584 : i32
        %get3A_586 = arith.index_cast %add3A_585 : i32 to index
        %get3A_587 = arith.constant 0 : index
        %get3A_588 = tpu.vector_load %arg7[%get3A_586, %get3A_587] {strides = array<i32>} : memref<128x64xi32, #tpu.memory_space<vmem>>, vector<16xi32>,
        %bitcast3A_589 = vector.bitcast %get3A_588 : vector<16xi32> to vector<32xbf16>
        %unpack3A_590 = tpu.unpack_subelements %bitcast3A_589, 0 {pack_format = #tpu.pack_format<interleaved>} : vector<32xbf16> -> vector<16xf32>
        %unpack3A_591 = tpu.unpack_subelements %bitcast3A_589, 1 {pack_format = #tpu.pack_format<interleaved>} : vector<32xbf16> -> vector<16xf32>
        %mul3A_592 = arith.mulf %unpack3A_590, %gather3A_583 : vector<16xf32>
        %swap3A_593 = arith.index_cast %add3A_585 : i32 to index
        %swap3A_594 = arith.constant 0 : index
        %swap3A_595 = tpu.vector_load %arg11[%swap3A_593, %swap3A_594] {strides = array<i32>} : memref<128x128xf32, #tpu.memory_space<vmem>>, vector<16xf32>,
        tpu.vector_store %arg11[%swap3A_593, %swap3A_594], %mul3A_592 {strides = array<i32>} : memref<128x128xf32, #tpu.memory_space<vmem>>, vector<16xf32>,
        %mul3A_596 = arith.mulf %unpack3A_591, %gather3A_583 : vector<16xf32>
        %swap3A_597 = arith.index_cast %add3A_585 : i32 to index
        %swap3A_598 = arith.constant 16 : index
        %swap3A_599 = tpu.vector_load %arg11[%swap3A_597, %swap3A_598] {strides = array<i32>} : memref<128x128xf32, #tpu.memory_space<vmem>>, vector<16xf32>,
        tpu.vector_store %arg11[%swap3A_597, %swap3A_598], %mul3A_596 {strides = array<i32>} : memref<128x128xf32, #tpu.memory_space<vmem>>, vector<16xf32>,
        %get3A_600 = arith.index_cast %add3A_585 : i32 to index
        %get3A_601 = arith.constant 16 : index
        %get3A_602 = tpu.vector_load %arg7[%get3A_600, %get3A_601] {strides = array<i32>} : memref<128x64xi32, #tpu.memory_space<vmem>>, vector<16xi32>,
        %bitcast3A_603 = vector.bitcast %get3A_602 : vector<16xi32> to vector<32xbf16>
        %unpack3A_604 = tpu.unpack_subelements %bitcast3A_603, 0 {pack_format = #tpu.pack_format<interleaved>} : vector<32xbf16> -> vector<16xf32>
        %unpack3A_605 = tpu.unpack_subelements %bitcast3A_603, 1 {pack_format = #tpu.pack_format<interleaved>} : vector<32xbf16> -> vector<16xf32>
        %mul3A_606 = arith.mulf %unpack3A_604, %gather3A_583 : vector<16xf32>
        %swap3A_607 = arith.index_cast %add3A_585 : i32 to index
        %swap3A_608 = arith.constant 32 : index
        %swap3A_609 = tpu.vector_load %arg11[%swap3A_607, %swap3A_608] {strides = array<i32>} : memref<128x128xf32, #tpu.memory_space<vmem>>, vector<16xf32>,
        tpu.vector_store %arg11[%swap3A_607, %swap3A_608], %mul3A_606 {strides = array<i32>} : memref<128x128xf32, #tpu.memory_space<vmem>>, vector<16xf32>,
        %mul3A_610 = arith.mulf %unpack3A_605, %gather3A_583 : vector<16xf32>
        %swap3A_611 = arith.index_cast %add3A_585 : i32 to index
        %swap3A_612 = arith.constant 48 : index
        %swap3A_613 = tpu.vector_load %arg11[%swap3A_611, %swap3A_612] {strides = array<i32>} : memref<128x128xf32, #tpu.memory_space<vmem>>, vector<16xf32>,
        tpu.vector_store %arg11[%swap3A_611, %swap3A_612], %mul3A_610 {strides = array<i32>} : memref<128x128xf32, #tpu.memory_space<vmem>>, vector<16xf32>,
        %get3A_614 = arith.index_cast %add3A_585 : i32 to index
        %get3A_615 = arith.constant 32 : index
        %get3A_616 = tpu.vector_load %arg7[%get3A_614, %get3A_615] {strides = array<i32>} : memref<128x64xi32, #tpu.memory_space<vmem>>, vector<16xi32>,
        %bitcast3A_617 = vector.bitcast %get3A_616 : vector<16xi32> to vector<32xbf16>
        %unpack3A_618 = tpu.unpack_subelements %bitcast3A_617, 0 {pack_format = #tpu.pack_format<interleaved>} : vector<32xbf16> -> vector<16xf32>
        %unpack3A_619 = tpu.unpack_subelements %bitcast3A_617, 1 {pack_format = #tpu.pack_format<interleaved>} : vector<32xbf16> -> vector<16xf32>
        %mul3A_620 = arith.mulf %unpack3A_618, %gather3A_583 : vector<16xf32>
        %swap3A_621 = arith.index_cast %add3A_585 : i32 to index
        %swap3A_622 = arith.constant 64 : index
        %swap3A_623 = tpu.vector_load %arg11[%swap3A_621, %swap3A_622] {strides = array<i32>} : memref<128x128xf32, #tpu.memory_space<vmem>>, vector<16xf32>,
        tpu.vector_store %arg11[%swap3A_621, %swap3A_622], %mul3A_620 {strides = array<i32>} : memref<128x128xf32, #tpu.memory_space<vmem>>, vector<16xf32>,
        %mul3A_624 = arith.mulf %unpack3A_619, %gather3A_583 : vector<16xf32>
        %swap3A_625 = arith.index_cast %add3A_585 : i32 to index
        %swap3A_626 = arith.constant 80 : index
        %swap3A_627 = tpu.vector_load %arg11[%swap3A_625, %swap3A_626] {strides = array<i32>} : memref<128x128xf32, #tpu.memory_space<vmem>>, vector<16xf32>,
        tpu.vector_store %arg11[%swap3A_625, %swap3A_626], %mul3A_624 {strides = array<i32>} : memref<128x128xf32, #tpu.memory_space<vmem>>, vector<16xf32>,
        %get3A_628 = arith.index_cast %add3A_585 : i32 to index
        %get3A_629 = arith.constant 48 : index
        %get3A_630 = tpu.vector_load %arg7[%get3A_628, %get3A_629] {strides = array<i32>} : memref<128x64xi32, #tpu.memory_space<vmem>>, vector<16xi32>,
        %bitcast3A_631 = vector.bitcast %get3A_630 : vector<16xi32> to vector<32xbf16>
        %unpack3A_632 = tpu.unpack_subelements %bitcast3A_631, 0 {pack_format = #tpu.pack_format<interleaved>} : vector<32xbf16> -> vector<16xf32>
        %unpack3A_633 = tpu.unpack_subelements %bitcast3A_631, 1 {pack_format = #tpu.pack_format<interleaved>} : vector<32xbf16> -> vector<16xf32>
        %mul3A_634 = arith.mulf %unpack3A_632, %gather3A_583 : vector<16xf32>
        %swap3A_635 = arith.index_cast %add3A_585 : i32 to index
        %swap3A_636 = arith.constant 96 : index
        %swap3A_637 = tpu.vector_load %arg11[%swap3A_635, %swap3A_636] {strides = array<i32>} : memref<128x128xf32, #tpu.memory_space<vmem>>, vector<16xf32>,
        tpu.vector_store %arg11[%swap3A_635, %swap3A_636], %mul3A_634 {strides = array<i32>} : memref<128x128xf32, #tpu.memory_space<vmem>>, vector<16xf32>,
        %mul3A_638 = arith.mulf %unpack3A_633, %gather3A_583 : vector<16xf32>
        %swap3A_639 = arith.index_cast %add3A_585 : i32 to index
        %swap3A_640 = arith.constant 112 : index
        %swap3A_641 = tpu.vector_load %arg11[%swap3A_639, %swap3A_640] {strides = array<i32>} : memref<128x128xf32, #tpu.memory_space<vmem>>, vector<16xf32>,
        tpu.vector_store %arg11[%swap3A_639, %swap3A_640], %mul3A_638 {strides = array<i32>} : memref<128x128xf32, #tpu.memory_space<vmem>>, vector<16xf32>,
        %broadcast_in_dim3A_642 = arith.constant 7 : i32
        %broadcast_in_dim3A_643 = vector.broadcast %broadcast_in_dim3A_642 : i32 to vector<16x1xi32>
        %gather3A_644 = vector.shape_cast %broadcast_in_dim3A_643 : vector<16x1xi32> to vector<16xi32>
        %gather3A_645 = tpu.dynamic_gather %bitcast3A[%gather3A_644] in [0] : vector<16xf32>, vector<16xi32> -> vector<16xf32>
        %add3A_646 = arith.constant 7 : i32
        %add3A_647 = arith.addi %add3A_206, %add3A_646 : i32
        %get3A_648 = arith.index_cast %add3A_647 : i32 to index
        %get3A_649 = arith.constant 0 : index
        %get3A_650 = tpu.vector_load %arg7[%get3A_648, %get3A_649] {strides = array<i32>} : memref<128x64xi32, #tpu.memory_space<vmem>>, vector<16xi32>,
        %bitcast3A_651 = vector.bitcast %get3A_650 : vector<16xi32> to vector<32xbf16>
        %unpack3A_652 = tpu.unpack_subelements %bitcast3A_651, 0 {pack_format = #tpu.pack_format<interleaved>} : vector<32xbf16> -> vector<16xf32>
        %unpack3A_653 = tpu.unpack_subelements %bitcast3A_651, 1 {pack_format = #tpu.pack_format<interleaved>} : vector<32xbf16> -> vector<16xf32>
        %mul3A_654 = arith.mulf %unpack3A_652, %gather3A_645 : vector<16xf32>
        %swap3A_655 = arith.index_cast %add3A_647 : i32 to index
        %swap3A_656 = arith.constant 0 : index
        %swap3A_657 = tpu.vector_load %arg11[%swap3A_655, %swap3A_656] {strides = array<i32>} : memref<128x128xf32, #tpu.memory_space<vmem>>, vector<16xf32>,
        tpu.vector_store %arg11[%swap3A_655, %swap3A_656], %mul3A_654 {strides = array<i32>} : memref<128x128xf32, #tpu.memory_space<vmem>>, vector<16xf32>,
        %mul3A_658 = arith.mulf %unpack3A_653, %gather3A_645 : vector<16xf32>
        %swap3A_659 = arith.index_cast %add3A_647 : i32 to index
        %swap3A_660 = arith.constant 16 : index
        %swap3A_661 = tpu.vector_load %arg11[%swap3A_659, %swap3A_660] {strides = array<i32>} : memref<128x128xf32, #tpu.memory_space<vmem>>, vector<16xf32>,
        tpu.vector_store %arg11[%swap3A_659, %swap3A_660], %mul3A_658 {strides = array<i32>} : memref<128x128xf32, #tpu.memory_space<vmem>>, vector<16xf32>,
        %get3A_662 = arith.index_cast %add3A_647 : i32 to index
        %get3A_663 = arith.constant 16 : index
        %get3A_664 = tpu.vector_load %arg7[%get3A_662, %get3A_663] {strides = array<i32>} : memref<128x64xi32, #tpu.memory_space<vmem>>, vector<16xi32>,
        %bitcast3A_665 = vector.bitcast %get3A_664 : vector<16xi32> to vector<32xbf16>
        %unpack3A_666 = tpu.unpack_subelements %bitcast3A_665, 0 {pack_format = #tpu.pack_format<interleaved>} : vector<32xbf16> -> vector<16xf32>
        %unpack3A_667 = tpu.unpack_subelements %bitcast3A_665, 1 {pack_format = #tpu.pack_format<interleaved>} : vector<32xbf16> -> vector<16xf32>
        %mul3A_668 = arith.mulf %unpack3A_666, %gather3A_645 : vector<16xf32>
        %swap3A_669 = arith.index_cast %add3A_647 : i32 to index
        %swap3A_670 = arith.constant 32 : index
        %swap3A_671 = tpu.vector_load %arg11[%swap3A_669, %swap3A_670] {strides = array<i32>} : memref<128x128xf32, #tpu.memory_space<vmem>>, vector<16xf32>,
        tpu.vector_store %arg11[%swap3A_669, %swap3A_670], %mul3A_668 {strides = array<i32>} : memref<128x128xf32, #tpu.memory_space<vmem>>, vector<16xf32>,
        %mul3A_672 = arith.mulf %unpack3A_667, %gather3A_645 : vector<16xf32>
        %swap3A_673 = arith.index_cast %add3A_647 : i32 to index
        %swap3A_674 = arith.constant 48 : index
        %swap3A_675 = tpu.vector_load %arg11[%swap3A_673, %swap3A_674] {strides = array<i32>} : memref<128x128xf32, #tpu.memory_space<vmem>>, vector<16xf32>,
        tpu.vector_store %arg11[%swap3A_673, %swap3A_674], %mul3A_672 {strides = array<i32>} : memref<128x128xf32, #tpu.memory_space<vmem>>, vector<16xf32>,
        %get3A_676 = arith.index_cast %add3A_647 : i32 to index
        %get3A_677 = arith.constant 32 : index
        %get3A_678 = tpu.vector_load %arg7[%get3A_676, %get3A_677] {strides = array<i32>} : memref<128x64xi32, #tpu.memory_space<vmem>>, vector<16xi32>,
        %bitcast3A_679 = vector.bitcast %get3A_678 : vector<16xi32> to vector<32xbf16>
        %unpack3A_680 = tpu.unpack_subelements %bitcast3A_679, 0 {pack_format = #tpu.pack_format<interleaved>} : vector<32xbf16> -> vector<16xf32>
        %unpack3A_681 = tpu.unpack_subelements %bitcast3A_679, 1 {pack_format = #tpu.pack_format<interleaved>} : vector<32xbf16> -> vector<16xf32>
        %mul3A_682 = arith.mulf %unpack3A_680, %gather3A_645 : vector<16xf32>
        %swap3A_683 = arith.index_cast %add3A_647 : i32 to index
        %swap3A_684 = arith.constant 64 : index
        %swap3A_685 = tpu.vector_load %arg11[%swap3A_683, %swap3A_684] {strides = array<i32>} : memref<128x128xf32, #tpu.memory_space<vmem>>, vector<16xf32>,
        tpu.vector_store %arg11[%swap3A_683, %swap3A_684], %mul3A_682 {strides = array<i32>} : memref<128x128xf32, #tpu.memory_space<vmem>>, vector<16xf32>,
        %mul3A_686 = arith.mulf %unpack3A_681, %gather3A_645 : vector<16xf32>
        %swap3A_687 = arith.index_cast %add3A_647 : i32 to index
        %swap3A_688 = arith.constant 80 : index
        %swap3A_689 = tpu.vector_load %arg11[%swap3A_687, %swap3A_688] {strides = array<i32>} : memref<128x128xf32, #tpu.memory_space<vmem>>, vector<16xf32>,
        tpu.vector_store %arg11[%swap3A_687, %swap3A_688], %mul3A_686 {strides = array<i32>} : memref<128x128xf32, #tpu.memory_space<vmem>>, vector<16xf32>,
        %get3A_690 = arith.index_cast %add3A_647 : i32 to index
        %get3A_691 = arith.constant 48 : index
        %get3A_692 = tpu.vector_load %arg7[%get3A_690, %get3A_691] {strides = array<i32>} : memref<128x64xi32, #tpu.memory_space<vmem>>, vector<16xi32>,
        %bitcast3A_693 = vector.bitcast %get3A_692 : vector<16xi32> to vector<32xbf16>
        %unpack3A_694 = tpu.unpack_subelements %bitcast3A_693, 0 {pack_format = #tpu.pack_format<interleaved>} : vector<32xbf16> -> vector<16xf32>
        %unpack3A_695 = tpu.unpack_subelements %bitcast3A_693, 1 {pack_format = #tpu.pack_format<interleaved>} : vector<32xbf16> -> vector<16xf32>
        %mul3A_696 = arith.mulf %unpack3A_694, %gather3A_645 : vector<16xf32>
        %swap3A_697 = arith.index_cast %add3A_647 : i32 to index
        %swap3A_698 = arith.constant 96 : index
        %swap3A_699 = tpu.vector_load %arg11[%swap3A_697, %swap3A_698] {strides = array<i32>} : memref<128x128xf32, #tpu.memory_space<vmem>>, vector<16xf32>,
        tpu.vector_store %arg11[%swap3A_697, %swap3A_698], %mul3A_696 {strides = array<i32>} : memref<128x128xf32, #tpu.memory_space<vmem>>, vector<16xf32>,
        %mul3A_700 = arith.mulf %unpack3A_695, %gather3A_645 : vector<16xf32>
        %swap3A_701 = arith.index_cast %add3A_647 : i32 to index
        %swap3A_702 = arith.constant 112 : index
        %swap3A_703 = tpu.vector_load %arg11[%swap3A_701, %swap3A_702] {strides = array<i32>} : memref<128x128xf32, #tpu.memory_space<vmem>>, vector<16xf32>,
        tpu.vector_store %arg11[%swap3A_701, %swap3A_702], %mul3A_700 {strides = array<i32>} : memref<128x128xf32, #tpu.memory_space<vmem>>, vector<16xf32>,
        %broadcast_in_dim3A_704 = arith.constant 8 : i32
        %broadcast_in_dim3A_705 = vector.broadcast %broadcast_in_dim3A_704 : i32 to vector<16x1xi32>
        %gather3A_706 = vector.shape_cast %broadcast_in_dim3A_705 : vector<16x1xi32> to vector<16xi32>
        %gather3A_707 = tpu.dynamic_gather %bitcast3A[%gather3A_706] in [0] : vector<16xf32>, vector<16xi32> -> vector<16xf32>
        %add3A_708 = arith.constant 8 : i32
        %add3A_709 = arith.addi %add3A_206, %add3A_708 : i32
        %get3A_710 = arith.index_cast %add3A_709 : i32 to index
        %get3A_711 = arith.constant 0 : index
        %get3A_712 = tpu.vector_load %arg7[%get3A_710, %get3A_711] {strides = array<i32>} : memref<128x64xi32, #tpu.memory_space<vmem>>, vector<16xi32>,
        %bitcast3A_713 = vector.bitcast %get3A_712 : vector<16xi32> to vector<32xbf16>
        %unpack3A_714 = tpu.unpack_subelements %bitcast3A_713, 0 {pack_format = #tpu.pack_format<interleaved>} : vector<32xbf16> -> vector<16xf32>
        %unpack3A_715 = tpu.unpack_subelements %bitcast3A_713, 1 {pack_format = #tpu.pack_format<interleaved>} : vector<32xbf16> -> vector<16xf32>
        %mul3A_716 = arith.mulf %unpack3A_714, %gather3A_707 : vector<16xf32>
        %swap3A_717 = arith.index_cast %add3A_709 : i32 to index
        %swap3A_718 = arith.constant 0 : index
        %swap3A_719 = tpu.vector_load %arg11[%swap3A_717, %swap3A_718] {strides = array<i32>} : memref<128x128xf32, #tpu.memory_space<vmem>>, vector<16xf32>,
        tpu.vector_store %arg11[%swap3A_717, %swap3A_718], %mul3A_716 {strides = array<i32>} : memref<128x128xf32, #tpu.memory_space<vmem>>, vector<16xf32>,
        %mul3A_720 = arith.mulf %unpack3A_715, %gather3A_707 : vector<16xf32>
        %swap3A_721 = arith.index_cast %add3A_709 : i32 to index
        %swap3A_722 = arith.constant 16 : index
        %swap3A_723 = tpu.vector_load %arg11[%swap3A_721, %swap3A_722] {strides = array<i32>} : memref<128x128xf32, #tpu.memory_space<vmem>>, vector<16xf32>,
        tpu.vector_store %arg11[%swap3A_721, %swap3A_722], %mul3A_720 {strides = array<i32>} : memref<128x128xf32, #tpu.memory_space<vmem>>, vector<16xf32>,
        %get3A_724 = arith.index_cast %add3A_709 : i32 to index
        %get3A_725 = arith.constant 16 : index
        %get3A_726 = tpu.vector_load %arg7[%get3A_724, %get3A_725] {strides = array<i32>} : memref<128x64xi32, #tpu.memory_space<vmem>>, vector<16xi32>,
        %bitcast3A_727 = vector.bitcast %get3A_726 : vector<16xi32> to vector<32xbf16>
        %unpack3A_728 = tpu.unpack_subelements %bitcast3A_727, 0 {pack_format = #tpu.pack_format<interleaved>} : vector<32xbf16> -> vector<16xf32>
        %unpack3A_729 = tpu.unpack_subelements %bitcast3A_727, 1 {pack_format = #tpu.pack_format<interleaved>} : vector<32xbf16> -> vector<16xf32>
        %mul3A_730 = arith.mulf %unpack3A_728, %gather3A_707 : vector<16xf32>
        %swap3A_731 = arith.index_cast %add3A_709 : i32 to index
        %swap3A_732 = arith.constant 32 : index
        %swap3A_733 = tpu.vector_load %arg11[%swap3A_731, %swap3A_732] {strides = array<i32>} : memref<128x128xf32, #tpu.memory_space<vmem>>, vector<16xf32>,
        tpu.vector_store %arg11[%swap3A_731, %swap3A_732], %mul3A_730 {strides = array<i32>} : memref<128x128xf32, #tpu.memory_space<vmem>>, vector<16xf32>,
        %mul3A_734 = arith.mulf %unpack3A_729, %gather3A_707 : vector<16xf32>
        %swap3A_735 = arith.index_cast %add3A_709 : i32 to index
        %swap3A_736 = arith.constant 48 : index
        %swap3A_737 = tpu.vector_load %arg11[%swap3A_735, %swap3A_736] {strides = array<i32>} : memref<128x128xf32, #tpu.memory_space<vmem>>, vector<16xf32>,
        tpu.vector_store %arg11[%swap3A_735, %swap3A_736], %mul3A_734 {strides = array<i32>} : memref<128x128xf32, #tpu.memory_space<vmem>>, vector<16xf32>,
        %get3A_738 = arith.index_cast %add3A_709 : i32 to index
        %get3A_739 = arith.constant 32 : index
        %get3A_740 = tpu.vector_load %arg7[%get3A_738, %get3A_739] {strides = array<i32>} : memref<128x64xi32, #tpu.memory_space<vmem>>, vector<16xi32>,
        %bitcast3A_741 = vector.bitcast %get3A_740 : vector<16xi32> to vector<32xbf16>
        %unpack3A_742 = tpu.unpack_subelements %bitcast3A_741, 0 {pack_format = #tpu.pack_format<interleaved>} : vector<32xbf16> -> vector<16xf32>
        %unpack3A_743 = tpu.unpack_subelements %bitcast3A_741, 1 {pack_format = #tpu.pack_format<interleaved>} : vector<32xbf16> -> vector<16xf32>
        %mul3A_744 = arith.mulf %unpack3A_742, %gather3A_707 : vector<16xf32>
        %swap3A_745 = arith.index_cast %add3A_709 : i32 to index
        %swap3A_746 = arith.constant 64 : index
        %swap3A_747 = tpu.vector_load %arg11[%swap3A_745, %swap3A_746] {strides = array<i32>} : memref<128x128xf32, #tpu.memory_space<vmem>>, vector<16xf32>,
        tpu.vector_store %arg11[%swap3A_745, %swap3A_746], %mul3A_744 {strides = array<i32>} : memref<128x128xf32, #tpu.memory_space<vmem>>, vector<16xf32>,
        %mul3A_748 = arith.mulf %unpack3A_743, %gather3A_707 : vector<16xf32>
        %swap3A_749 = arith.index_cast %add3A_709 : i32 to index
        %swap3A_750 = arith.constant 80 : index
        %swap3A_751 = tpu.vector_load %arg11[%swap3A_749, %swap3A_750] {strides = array<i32>} : memref<128x128xf32, #tpu.memory_space<vmem>>, vector<16xf32>,
        tpu.vector_store %arg11[%swap3A_749, %swap3A_750], %mul3A_748 {strides = array<i32>} : memref<128x128xf32, #tpu.memory_space<vmem>>, vector<16xf32>,
        %get3A_752 = arith.index_cast %add3A_709 : i32 to index
        %get3A_753 = arith.constant 48 : index
        %get3A_754 = tpu.vector_load %arg7[%get3A_752, %get3A_753] {strides = array<i32>} : memref<128x64xi32, #tpu.memory_space<vmem>>, vector<16xi32>,
        %bitcast3A_755 = vector.bitcast %get3A_754 : vector<16xi32> to vector<32xbf16>
        %unpack3A_756 = tpu.unpack_subelements %bitcast3A_755, 0 {pack_format = #tpu.pack_format<interleaved>} : vector<32xbf16> -> vector<16xf32>
        %unpack3A_757 = tpu.unpack_subelements %bitcast3A_755, 1 {pack_format = #tpu.pack_format<interleaved>} : vector<32xbf16> -> vector<16xf32>
        %mul3A_758 = arith.mulf %unpack3A_756, %gather3A_707 : vector<16xf32>
        %swap3A_759 = arith.index_cast %add3A_709 : i32 to index
        %swap3A_760 = arith.constant 96 : index
        %swap3A_761 = tpu.vector_load %arg11[%swap3A_759, %swap3A_760] {strides = array<i32>} : memref<128x128xf32, #tpu.memory_space<vmem>>, vector<16xf32>,
        tpu.vector_store %arg11[%swap3A_759, %swap3A_760], %mul3A_758 {strides = array<i32>} : memref<128x128xf32, #tpu.memory_space<vmem>>, vector<16xf32>,
        %mul3A_762 = arith.mulf %unpack3A_757, %gather3A_707 : vector<16xf32>
        %swap3A_763 = arith.index_cast %add3A_709 : i32 to index
        %swap3A_764 = arith.constant 112 : index
        %swap3A_765 = tpu.vector_load %arg11[%swap3A_763, %swap3A_764] {strides = array<i32>} : memref<128x128xf32, #tpu.memory_space<vmem>>, vector<16xf32>,
        tpu.vector_store %arg11[%swap3A_763, %swap3A_764], %mul3A_762 {strides = array<i32>} : memref<128x128xf32, #tpu.memory_space<vmem>>, vector<16xf32>,
        %broadcast_in_dim3A_766 = arith.constant 9 : i32
        %broadcast_in_dim3A_767 = vector.broadcast %broadcast_in_dim3A_766 : i32 to vector<16x1xi32>
        %gather3A_768 = vector.shape_cast %broadcast_in_dim3A_767 : vector<16x1xi32> to vector<16xi32>
        %gather3A_769 = tpu.dynamic_gather %bitcast3A[%gather3A_768] in [0] : vector<16xf32>, vector<16xi32> -> vector<16xf32>
        %add3A_770 = arith.constant 9 : i32
        %add3A_771 = arith.addi %add3A_206, %add3A_770 : i32
        %get3A_772 = arith.index_cast %add3A_771 : i32 to index
        %get3A_773 = arith.constant 0 : index
        %get3A_774 = tpu.vector_load %arg7[%get3A_772, %get3A_773] {strides = array<i32>} : memref<128x64xi32, #tpu.memory_space<vmem>>, vector<16xi32>,
        %bitcast3A_775 = vector.bitcast %get3A_774 : vector<16xi32> to vector<32xbf16>
        %unpack3A_776 = tpu.unpack_subelements %bitcast3A_775, 0 {pack_format = #tpu.pack_format<interleaved>} : vector<32xbf16> -> vector<16xf32>
        %unpack3A_777 = tpu.unpack_subelements %bitcast3A_775, 1 {pack_format = #tpu.pack_format<interleaved>} : vector<32xbf16> -> vector<16xf32>
        %mul3A_778 = arith.mulf %unpack3A_776, %gather3A_769 : vector<16xf32>
        %swap3A_779 = arith.index_cast %add3A_771 : i32 to index
        %swap3A_780 = arith.constant 0 : index
        %swap3A_781 = tpu.vector_load %arg11[%swap3A_779, %swap3A_780] {strides = array<i32>} : memref<128x128xf32, #tpu.memory_space<vmem>>, vector<16xf32>,
        tpu.vector_store %arg11[%swap3A_779, %swap3A_780], %mul3A_778 {strides = array<i32>} : memref<128x128xf32, #tpu.memory_space<vmem>>, vector<16xf32>,
        %mul3A_782 = arith.mulf %unpack3A_777, %gather3A_769 : vector<16xf32>
        %swap3A_783 = arith.index_cast %add3A_771 : i32 to index
        %swap3A_784 = arith.constant 16 : index
        %swap3A_785 = tpu.vector_load %arg11[%swap3A_783, %swap3A_784] {strides = array<i32>} : memref<128x128xf32, #tpu.memory_space<vmem>>, vector<16xf32>,
        tpu.vector_store %arg11[%swap3A_783, %swap3A_784], %mul3A_782 {strides = array<i32>} : memref<128x128xf32, #tpu.memory_space<vmem>>, vector<16xf32>,
        %get3A_786 = arith.index_cast %add3A_771 : i32 to index
        %get3A_787 = arith.constant 16 : index
        %get3A_788 = tpu.vector_load %arg7[%get3A_786, %get3A_787] {strides = array<i32>} : memref<128x64xi32, #tpu.memory_space<vmem>>, vector<16xi32>,
        %bitcast3A_789 = vector.bitcast %get3A_788 : vector<16xi32> to vector<32xbf16>
        %unpack3A_790 = tpu.unpack_subelements %bitcast3A_789, 0 {pack_format = #tpu.pack_format<interleaved>} : vector<32xbf16> -> vector<16xf32>
        %unpack3A_791 = tpu.unpack_subelements %bitcast3A_789, 1 {pack_format = #tpu.pack_format<interleaved>} : vector<32xbf16> -> vector<16xf32>
        %mul3A_792 = arith.mulf %unpack3A_790, %gather3A_769 : vector<16xf32>
        %swap3A_793 = arith.index_cast %add3A_771 : i32 to index
        %swap3A_794 = arith.constant 32 : index
        %swap3A_795 = tpu.vector_load %arg11[%swap3A_793, %swap3A_794] {strides = array<i32>} : memref<128x128xf32, #tpu.memory_space<vmem>>, vector<16xf32>,
        tpu.vector_store %arg11[%swap3A_793, %swap3A_794], %mul3A_792 {strides = array<i32>} : memref<128x128xf32, #tpu.memory_space<vmem>>, vector<16xf32>,
        %mul3A_796 = arith.mulf %unpack3A_791, %gather3A_769 : vector<16xf32>
        %swap3A_797 = arith.index_cast %add3A_771 : i32 to index
        %swap3A_798 = arith.constant 48 : index
        %swap3A_799 = tpu.vector_load %arg11[%swap3A_797, %swap3A_798] {strides = array<i32>} : memref<128x128xf32, #tpu.memory_space<vmem>>, vector<16xf32>,
        tpu.vector_store %arg11[%swap3A_797, %swap3A_798], %mul3A_796 {strides = array<i32>} : memref<128x128xf32, #tpu.memory_space<vmem>>, vector<16xf32>,
        %get3A_800 = arith.index_cast %add3A_771 : i32 to index
        %get3A_801 = arith.constant 32 : index
        %get3A_802 = tpu.vector_load %arg7[%get3A_800, %get3A_801] {strides = array<i32>} : memref<128x64xi32, #tpu.memory_space<vmem>>, vector<16xi32>,
        %bitcast3A_803 = vector.bitcast %get3A_802 : vector<16xi32> to vector<32xbf16>
        %unpack3A_804 = tpu.unpack_subelements %bitcast3A_803, 0 {pack_format = #tpu.pack_format<interleaved>} : vector<32xbf16> -> vector<16xf32>
        %unpack3A_805 = tpu.unpack_subelements %bitcast3A_803, 1 {pack_format = #tpu.pack_format<interleaved>} : vector<32xbf16> -> vector<16xf32>
        %mul3A_806 = arith.mulf %unpack3A_804, %gather3A_769 : vector<16xf32>
        %swap3A_807 = arith.index_cast %add3A_771 : i32 to index
        %swap3A_808 = arith.constant 64 : index
        %swap3A_809 = tpu.vector_load %arg11[%swap3A_807, %swap3A_808] {strides = array<i32>} : memref<128x128xf32, #tpu.memory_space<vmem>>, vector<16xf32>,
        tpu.vector_store %arg11[%swap3A_807, %swap3A_808], %mul3A_806 {strides = array<i32>} : memref<128x128xf32, #tpu.memory_space<vmem>>, vector<16xf32>,
        %mul3A_810 = arith.mulf %unpack3A_805, %gather3A_769 : vector<16xf32>
        %swap3A_811 = arith.index_cast %add3A_771 : i32 to index
        %swap3A_812 = arith.constant 80 : index
        %swap3A_813 = tpu.vector_load %arg11[%swap3A_811, %swap3A_812] {strides = array<i32>} : memref<128x128xf32, #tpu.memory_space<vmem>>, vector<16xf32>,
        tpu.vector_store %arg11[%swap3A_811, %swap3A_812], %mul3A_810 {strides = array<i32>} : memref<128x128xf32, #tpu.memory_space<vmem>>, vector<16xf32>,
        %get3A_814 = arith.index_cast %add3A_771 : i32 to index
        %get3A_815 = arith.constant 48 : index
        %get3A_816 = tpu.vector_load %arg7[%get3A_814, %get3A_815] {strides = array<i32>} : memref<128x64xi32, #tpu.memory_space<vmem>>, vector<16xi32>,
        %bitcast3A_817 = vector.bitcast %get3A_816 : vector<16xi32> to vector<32xbf16>
        %unpack3A_818 = tpu.unpack_subelements %bitcast3A_817, 0 {pack_format = #tpu.pack_format<interleaved>} : vector<32xbf16> -> vector<16xf32>
        %unpack3A_819 = tpu.unpack_subelements %bitcast3A_817, 1 {pack_format = #tpu.pack_format<interleaved>} : vector<32xbf16> -> vector<16xf32>
        %mul3A_820 = arith.mulf %unpack3A_818, %gather3A_769 : vector<16xf32>
        %swap3A_821 = arith.index_cast %add3A_771 : i32 to index
        %swap3A_822 = arith.constant 96 : index
        %swap3A_823 = tpu.vector_load %arg11[%swap3A_821, %swap3A_822] {strides = array<i32>} : memref<128x128xf32, #tpu.memory_space<vmem>>, vector<16xf32>,
        tpu.vector_store %arg11[%swap3A_821, %swap3A_822], %mul3A_820 {strides = array<i32>} : memref<128x128xf32, #tpu.memory_space<vmem>>, vector<16xf32>,
        %mul3A_824 = arith.mulf %unpack3A_819, %gather3A_769 : vector<16xf32>
        %swap3A_825 = arith.index_cast %add3A_771 : i32 to index
        %swap3A_826 = arith.constant 112 : index
        %swap3A_827 = tpu.vector_load %arg11[%swap3A_825, %swap3A_826] {strides = array<i32>} : memref<128x128xf32, #tpu.memory_space<vmem>>, vector<16xf32>,
        tpu.vector_store %arg11[%swap3A_825, %swap3A_826], %mul3A_824 {strides = array<i32>} : memref<128x128xf32, #tpu.memory_space<vmem>>, vector<16xf32>,
        %broadcast_in_dim3A_828 = arith.constant 10 : i32
        %broadcast_in_dim3A_829 = vector.broadcast %broadcast_in_dim3A_828 : i32 to vector<16x1xi32>
        %gather3A_830 = vector.shape_cast %broadcast_in_dim3A_829 : vector<16x1xi32> to vector<16xi32>
        %gather3A_831 = tpu.dynamic_gather %bitcast3A[%gather3A_830] in [0] : vector<16xf32>, vector<16xi32> -> vector<16xf32>
        %add3A_832 = arith.constant 10 : i32
        %add3A_833 = arith.addi %add3A_206, %add3A_832 : i32
        %get3A_834 = arith.index_cast %add3A_833 : i32 to index
        %get3A_835 = arith.constant 0 : index
        %get3A_836 = tpu.vector_load %arg7[%get3A_834, %get3A_835] {strides = array<i32>} : memref<128x64xi32, #tpu.memory_space<vmem>>, vector<16xi32>,
        %bitcast3A_837 = vector.bitcast %get3A_836 : vector<16xi32> to vector<32xbf16>
        %unpack3A_838 = tpu.unpack_subelements %bitcast3A_837, 0 {pack_format = #tpu.pack_format<interleaved>} : vector<32xbf16> -> vector<16xf32>
        %unpack3A_839 = tpu.unpack_subelements %bitcast3A_837, 1 {pack_format = #tpu.pack_format<interleaved>} : vector<32xbf16> -> vector<16xf32>
        %mul3A_840 = arith.mulf %unpack3A_838, %gather3A_831 : vector<16xf32>
        %swap3A_841 = arith.index_cast %add3A_833 : i32 to index
        %swap3A_842 = arith.constant 0 : index
        %swap3A_843 = tpu.vector_load %arg11[%swap3A_841, %swap3A_842] {strides = array<i32>} : memref<128x128xf32, #tpu.memory_space<vmem>>, vector<16xf32>,
        tpu.vector_store %arg11[%swap3A_841, %swap3A_842], %mul3A_840 {strides = array<i32>} : memref<128x128xf32, #tpu.memory_space<vmem>>, vector<16xf32>,
        %mul3A_844 = arith.mulf %unpack3A_839, %gather3A_831 : vector<16xf32>
        %swap3A_845 = arith.index_cast %add3A_833 : i32 to index
        %swap3A_846 = arith.constant 16 : index
        %swap3A_847 = tpu.vector_load %arg11[%swap3A_845, %swap3A_846] {strides = array<i32>} : memref<128x128xf32, #tpu.memory_space<vmem>>, vector<16xf32>,
        tpu.vector_store %arg11[%swap3A_845, %swap3A_846], %mul3A_844 {strides = array<i32>} : memref<128x128xf32, #tpu.memory_space<vmem>>, vector<16xf32>,
        %get3A_848 = arith.index_cast %add3A_833 : i32 to index
        %get3A_849 = arith.constant 16 : index
        %get3A_850 = tpu.vector_load %arg7[%get3A_848, %get3A_849] {strides = array<i32>} : memref<128x64xi32, #tpu.memory_space<vmem>>, vector<16xi32>,
        %bitcast3A_851 = vector.bitcast %get3A_850 : vector<16xi32> to vector<32xbf16>
        %unpack3A_852 = tpu.unpack_subelements %bitcast3A_851, 0 {pack_format = #tpu.pack_format<interleaved>} : vector<32xbf16> -> vector<16xf32>
        %unpack3A_853 = tpu.unpack_subelements %bitcast3A_851, 1 {pack_format = #tpu.pack_format<interleaved>} : vector<32xbf16> -> vector<16xf32>
        %mul3A_854 = arith.mulf %unpack3A_852, %gather3A_831 : vector<16xf32>
        %swap3A_855 = arith.index_cast %add3A_833 : i32 to index
        %swap3A_856 = arith.constant 32 : index
        %swap3A_857 = tpu.vector_load %arg11[%swap3A_855, %swap3A_856] {strides = array<i32>} : memref<128x128xf32, #tpu.memory_space<vmem>>, vector<16xf32>,
        tpu.vector_store %arg11[%swap3A_855, %swap3A_856], %mul3A_854 {strides = array<i32>} : memref<128x128xf32, #tpu.memory_space<vmem>>, vector<16xf32>,
        %mul3A_858 = arith.mulf %unpack3A_853, %gather3A_831 : vector<16xf32>
        %swap3A_859 = arith.index_cast %add3A_833 : i32 to index
        %swap3A_860 = arith.constant 48 : index
        %swap3A_861 = tpu.vector_load %arg11[%swap3A_859, %swap3A_860] {strides = array<i32>} : memref<128x128xf32, #tpu.memory_space<vmem>>, vector<16xf32>,
        tpu.vector_store %arg11[%swap3A_859, %swap3A_860], %mul3A_858 {strides = array<i32>} : memref<128x128xf32, #tpu.memory_space<vmem>>, vector<16xf32>,
        %get3A_862 = arith.index_cast %add3A_833 : i32 to index
        %get3A_863 = arith.constant 32 : index
        %get3A_864 = tpu.vector_load %arg7[%get3A_862, %get3A_863] {strides = array<i32>} : memref<128x64xi32, #tpu.memory_space<vmem>>, vector<16xi32>,
        %bitcast3A_865 = vector.bitcast %get3A_864 : vector<16xi32> to vector<32xbf16>
        %unpack3A_866 = tpu.unpack_subelements %bitcast3A_865, 0 {pack_format = #tpu.pack_format<interleaved>} : vector<32xbf16> -> vector<16xf32>
        %unpack3A_867 = tpu.unpack_subelements %bitcast3A_865, 1 {pack_format = #tpu.pack_format<interleaved>} : vector<32xbf16> -> vector<16xf32>
        %mul3A_868 = arith.mulf %unpack3A_866, %gather3A_831 : vector<16xf32>
        %swap3A_869 = arith.index_cast %add3A_833 : i32 to index
        %swap3A_870 = arith.constant 64 : index
        %swap3A_871 = tpu.vector_load %arg11[%swap3A_869, %swap3A_870] {strides = array<i32>} : memref<128x128xf32, #tpu.memory_space<vmem>>, vector<16xf32>,
        tpu.vector_store %arg11[%swap3A_869, %swap3A_870], %mul3A_868 {strides = array<i32>} : memref<128x128xf32, #tpu.memory_space<vmem>>, vector<16xf32>,
        %mul3A_872 = arith.mulf %unpack3A_867, %gather3A_831 : vector<16xf32>
        %swap3A_873 = arith.index_cast %add3A_833 : i32 to index
        %swap3A_874 = arith.constant 80 : index
        %swap3A_875 = tpu.vector_load %arg11[%swap3A_873, %swap3A_874] {strides = array<i32>} : memref<128x128xf32, #tpu.memory_space<vmem>>, vector<16xf32>,
        tpu.vector_store %arg11[%swap3A_873, %swap3A_874], %mul3A_872 {strides = array<i32>} : memref<128x128xf32, #tpu.memory_space<vmem>>, vector<16xf32>,
        %get3A_876 = arith.index_cast %add3A_833 : i32 to index
        %get3A_877 = arith.constant 48 : index
        %get3A_878 = tpu.vector_load %arg7[%get3A_876, %get3A_877] {strides = array<i32>} : memref<128x64xi32, #tpu.memory_space<vmem>>, vector<16xi32>,
        %bitcast3A_879 = vector.bitcast %get3A_878 : vector<16xi32> to vector<32xbf16>
        %unpack3A_880 = tpu.unpack_subelements %bitcast3A_879, 0 {pack_format = #tpu.pack_format<interleaved>} : vector<32xbf16> -> vector<16xf32>
        %unpack3A_881 = tpu.unpack_subelements %bitcast3A_879, 1 {pack_format = #tpu.pack_format<interleaved>} : vector<32xbf16> -> vector<16xf32>
        %mul3A_882 = arith.mulf %unpack3A_880, %gather3A_831 : vector<16xf32>
        %swap3A_883 = arith.index_cast %add3A_833 : i32 to index
        %swap3A_884 = arith.constant 96 : index
        %swap3A_885 = tpu.vector_load %arg11[%swap3A_883, %swap3A_884] {strides = array<i32>} : memref<128x128xf32, #tpu.memory_space<vmem>>, vector<16xf32>,
        tpu.vector_store %arg11[%swap3A_883, %swap3A_884], %mul3A_882 {strides = array<i32>} : memref<128x128xf32, #tpu.memory_space<vmem>>, vector<16xf32>,
        %mul3A_886 = arith.mulf %unpack3A_881, %gather3A_831 : vector<16xf32>
        %swap3A_887 = arith.index_cast %add3A_833 : i32 to index
        %swap3A_888 = arith.constant 112 : index
        %swap3A_889 = tpu.vector_load %arg11[%swap3A_887, %swap3A_888] {strides = array<i32>} : memref<128x128xf32, #tpu.memory_space<vmem>>, vector<16xf32>,
        tpu.vector_store %arg11[%swap3A_887, %swap3A_888], %mul3A_886 {strides = array<i32>} : memref<128x128xf32, #tpu.memory_space<vmem>>, vector<16xf32>,
        %broadcast_in_dim3A_890 = arith.constant 11 : i32
        %broadcast_in_dim3A_891 = vector.broadcast %broadcast_in_dim3A_890 : i32 to vector<16x1xi32>
        %gather3A_892 = vector.shape_cast %broadcast_in_dim3A_891 : vector<16x1xi32> to vector<16xi32>
        %gather3A_893 = tpu.dynamic_gather %bitcast3A[%gather3A_892] in [0] : vector<16xf32>, vector<16xi32> -> vector<16xf32>
        %add3A_894 = arith.constant 11 : i32
        %add3A_895 = arith.addi %add3A_206, %add3A_894 : i32
        %get3A_896 = arith.index_cast %add3A_895 : i32 to index
        %get3A_897 = arith.constant 0 : index
        %get3A_898 = tpu.vector_load %arg7[%get3A_896, %get3A_897] {strides = array<i32>} : memref<128x64xi32, #tpu.memory_space<vmem>>, vector<16xi32>,
        %bitcast3A_899 = vector.bitcast %get3A_898 : vector<16xi32> to vector<32xbf16>
        %unpack3A_900 = tpu.unpack_subelements %bitcast3A_899, 0 {pack_format = #tpu.pack_format<interleaved>} : vector<32xbf16> -> vector<16xf32>
        %unpack3A_901 = tpu.unpack_subelements %bitcast3A_899, 1 {pack_format = #tpu.pack_format<interleaved>} : vector<32xbf16> -> vector<16xf32>
        %mul3A_902 = arith.mulf %unpack3A_900, %gather3A_893 : vector<16xf32>
        %swap3A_903 = arith.index_cast %add3A_895 : i32 to index
        %swap3A_904 = arith.constant 0 : index
        %swap3A_905 = tpu.vector_load %arg11[%swap3A_903, %swap3A_904] {strides = array<i32>} : memref<128x128xf32, #tpu.memory_space<vmem>>, vector<16xf32>,
        tpu.vector_store %arg11[%swap3A_903, %swap3A_904], %mul3A_902 {strides = array<i32>} : memref<128x128xf32, #tpu.memory_space<vmem>>, vector<16xf32>,
        %mul3A_906 = arith.mulf %unpack3A_901, %gather3A_893 : vector<16xf32>
        %swap3A_907 = arith.index_cast %add3A_895 : i32 to index
        %swap3A_908 = arith.constant 16 : index
        %swap3A_909 = tpu.vector_load %arg11[%swap3A_907, %swap3A_908] {strides = array<i32>} : memref<128x128xf32, #tpu.memory_space<vmem>>, vector<16xf32>,
        tpu.vector_store %arg11[%swap3A_907, %swap3A_908], %mul3A_906 {strides = array<i32>} : memref<128x128xf32, #tpu.memory_space<vmem>>, vector<16xf32>,
        %get3A_910 = arith.index_cast %add3A_895 : i32 to index
        %get3A_911 = arith.constant 16 : index
        %get3A_912 = tpu.vector_load %arg7[%get3A_910, %get3A_911] {strides = array<i32>} : memref<128x64xi32, #tpu.memory_space<vmem>>, vector<16xi32>,
        %bitcast3A_913 = vector.bitcast %get3A_912 : vector<16xi32> to vector<32xbf16>
        %unpack3A_914 = tpu.unpack_subelements %bitcast3A_913, 0 {pack_format = #tpu.pack_format<interleaved>} : vector<32xbf16> -> vector<16xf32>
        %unpack3A_915 = tpu.unpack_subelements %bitcast3A_913, 1 {pack_format = #tpu.pack_format<interleaved>} : vector<32xbf16> -> vector<16xf32>
        %mul3A_916 = arith.mulf %unpack3A_914, %gather3A_893 : vector<16xf32>
        %swap3A_917 = arith.index_cast %add3A_895 : i32 to index
        %swap3A_918 = arith.constant 32 : index
        %swap3A_919 = tpu.vector_load %arg11[%swap3A_917, %swap3A_918] {strides = array<i32>} : memref<128x128xf32, #tpu.memory_space<vmem>>, vector<16xf32>,
        tpu.vector_store %arg11[%swap3A_917, %swap3A_918], %mul3A_916 {strides = array<i32>} : memref<128x128xf32, #tpu.memory_space<vmem>>, vector<16xf32>,
        %mul3A_920 = arith.mulf %unpack3A_915, %gather3A_893 : vector<16xf32>
        %swap3A_921 = arith.index_cast %add3A_895 : i32 to index
        %swap3A_922 = arith.constant 48 : index
        %swap3A_923 = tpu.vector_load %arg11[%swap3A_921, %swap3A_922] {strides = array<i32>} : memref<128x128xf32, #tpu.memory_space<vmem>>, vector<16xf32>,
        tpu.vector_store %arg11[%swap3A_921, %swap3A_922], %mul3A_920 {strides = array<i32>} : memref<128x128xf32, #tpu.memory_space<vmem>>, vector<16xf32>,
        %get3A_924 = arith.index_cast %add3A_895 : i32 to index
        %get3A_925 = arith.constant 32 : index
        %get3A_926 = tpu.vector_load %arg7[%get3A_924, %get3A_925] {strides = array<i32>} : memref<128x64xi32, #tpu.memory_space<vmem>>, vector<16xi32>,
        %bitcast3A_927 = vector.bitcast %get3A_926 : vector<16xi32> to vector<32xbf16>
        %unpack3A_928 = tpu.unpack_subelements %bitcast3A_927, 0 {pack_format = #tpu.pack_format<interleaved>} : vector<32xbf16> -> vector<16xf32>
        %unpack3A_929 = tpu.unpack_subelements %bitcast3A_927, 1 {pack_format = #tpu.pack_format<interleaved>} : vector<32xbf16> -> vector<16xf32>
        %mul3A_930 = arith.mulf %unpack3A_928, %gather3A_893 : vector<16xf32>
        %swap3A_931 = arith.index_cast %add3A_895 : i32 to index
        %swap3A_932 = arith.constant 64 : index
        %swap3A_933 = tpu.vector_load %arg11[%swap3A_931, %swap3A_932] {strides = array<i32>} : memref<128x128xf32, #tpu.memory_space<vmem>>, vector<16xf32>,
        tpu.vector_store %arg11[%swap3A_931, %swap3A_932], %mul3A_930 {strides = array<i32>} : memref<128x128xf32, #tpu.memory_space<vmem>>, vector<16xf32>,
        %mul3A_934 = arith.mulf %unpack3A_929, %gather3A_893 : vector<16xf32>
        %swap3A_935 = arith.index_cast %add3A_895 : i32 to index
        %swap3A_936 = arith.constant 80 : index
        %swap3A_937 = tpu.vector_load %arg11[%swap3A_935, %swap3A_936] {strides = array<i32>} : memref<128x128xf32, #tpu.memory_space<vmem>>, vector<16xf32>,
        tpu.vector_store %arg11[%swap3A_935, %swap3A_936], %mul3A_934 {strides = array<i32>} : memref<128x128xf32, #tpu.memory_space<vmem>>, vector<16xf32>,
        %get3A_938 = arith.index_cast %add3A_895 : i32 to index
        %get3A_939 = arith.constant 48 : index
        %get3A_940 = tpu.vector_load %arg7[%get3A_938, %get3A_939] {strides = array<i32>} : memref<128x64xi32, #tpu.memory_space<vmem>>, vector<16xi32>,
        %bitcast3A_941 = vector.bitcast %get3A_940 : vector<16xi32> to vector<32xbf16>
        %unpack3A_942 = tpu.unpack_subelements %bitcast3A_941, 0 {pack_format = #tpu.pack_format<interleaved>} : vector<32xbf16> -> vector<16xf32>
        %unpack3A_943 = tpu.unpack_subelements %bitcast3A_941, 1 {pack_format = #tpu.pack_format<interleaved>} : vector<32xbf16> -> vector<16xf32>
        %mul3A_944 = arith.mulf %unpack3A_942, %gather3A_893 : vector<16xf32>
        %swap3A_945 = arith.index_cast %add3A_895 : i32 to index
        %swap3A_946 = arith.constant 96 : index
        %swap3A_947 = tpu.vector_load %arg11[%swap3A_945, %swap3A_946] {strides = array<i32>} : memref<128x128xf32, #tpu.memory_space<vmem>>, vector<16xf32>,
        tpu.vector_store %arg11[%swap3A_945, %swap3A_946], %mul3A_944 {strides = array<i32>} : memref<128x128xf32, #tpu.memory_space<vmem>>, vector<16xf32>,
        %mul3A_948 = arith.mulf %unpack3A_943, %gather3A_893 : vector<16xf32>
        %swap3A_949 = arith.index_cast %add3A_895 : i32 to index
        %swap3A_950 = arith.constant 112 : index
        %swap3A_951 = tpu.vector_load %arg11[%swap3A_949, %swap3A_950] {strides = array<i32>} : memref<128x128xf32, #tpu.memory_space<vmem>>, vector<16xf32>,
        tpu.vector_store %arg11[%swap3A_949, %swap3A_950], %mul3A_948 {strides = array<i32>} : memref<128x128xf32, #tpu.memory_space<vmem>>, vector<16xf32>,
        %broadcast_in_dim3A_952 = arith.constant 12 : i32
        %broadcast_in_dim3A_953 = vector.broadcast %broadcast_in_dim3A_952 : i32 to vector<16x1xi32>
        %gather3A_954 = vector.shape_cast %broadcast_in_dim3A_953 : vector<16x1xi32> to vector<16xi32>
        %gather3A_955 = tpu.dynamic_gather %bitcast3A[%gather3A_954] in [0] : vector<16xf32>, vector<16xi32> -> vector<16xf32>
        %add3A_956 = arith.constant 12 : i32
        %add3A_957 = arith.addi %add3A_206, %add3A_956 : i32
        %get3A_958 = arith.index_cast %add3A_957 : i32 to index
        %get3A_959 = arith.constant 0 : index
        %get3A_960 = tpu.vector_load %arg7[%get3A_958, %get3A_959] {strides = array<i32>} : memref<128x64xi32, #tpu.memory_space<vmem>>, vector<16xi32>,
        %bitcast3A_961 = vector.bitcast %get3A_960 : vector<16xi32> to vector<32xbf16>
        %unpack3A_962 = tpu.unpack_subelements %bitcast3A_961, 0 {pack_format = #tpu.pack_format<interleaved>} : vector<32xbf16> -> vector<16xf32>
        %unpack3A_963 = tpu.unpack_subelements %bitcast3A_961, 1 {pack_format = #tpu.pack_format<interleaved>} : vector<32xbf16> -> vector<16xf32>
        %mul3A_964 = arith.mulf %unpack3A_962, %gather3A_955 : vector<16xf32>
        %swap3A_965 = arith.index_cast %add3A_957 : i32 to index
        %swap3A_966 = arith.constant 0 : index
        %swap3A_967 = tpu.vector_load %arg11[%swap3A_965, %swap3A_966] {strides = array<i32>} : memref<128x128xf32, #tpu.memory_space<vmem>>, vector<16xf32>,
        tpu.vector_store %arg11[%swap3A_965, %swap3A_966], %mul3A_964 {strides = array<i32>} : memref<128x128xf32, #tpu.memory_space<vmem>>, vector<16xf32>,
        %mul3A_968 = arith.mulf %unpack3A_963, %gather3A_955 : vector<16xf32>
        %swap3A_969 = arith.index_cast %add3A_957 : i32 to index
        %swap3A_970 = arith.constant 16 : index
        %swap3A_971 = tpu.vector_load %arg11[%swap3A_969, %swap3A_970] {strides = array<i32>} : memref<128x128xf32, #tpu.memory_space<vmem>>, vector<16xf32>,
        tpu.vector_store %arg11[%swap3A_969, %swap3A_970], %mul3A_968 {strides = array<i32>} : memref<128x128xf32, #tpu.memory_space<vmem>>, vector<16xf32>,
        %get3A_972 = arith.index_cast %add3A_957 : i32 to index
        %get3A_973 = arith.constant 16 : index
        %get3A_974 = tpu.vector_load %arg7[%get3A_972, %get3A_973] {strides = array<i32>} : memref<128x64xi32, #tpu.memory_space<vmem>>, vector<16xi32>,
        %bitcast3A_975 = vector.bitcast %get3A_974 : vector<16xi32> to vector<32xbf16>
        %unpack3A_976 = tpu.unpack_subelements %bitcast3A_975, 0 {pack_format = #tpu.pack_format<interleaved>} : vector<32xbf16> -> vector<16xf32>
        %unpack3A_977 = tpu.unpack_subelements %bitcast3A_975, 1 {pack_format = #tpu.pack_format<interleaved>} : vector<32xbf16> -> vector<16xf32>
        %mul3A_978 = arith.mulf %unpack3A_976, %gather3A_955 : vector<16xf32>
        %swap3A_979 = arith.index_cast %add3A_957 : i32 to index
        %swap3A_980 = arith.constant 32 : index
        %swap3A_981 = tpu.vector_load %arg11[%swap3A_979, %swap3A_980] {strides = array<i32>} : memref<128x128xf32, #tpu.memory_space<vmem>>, vector<16xf32>,
        tpu.vector_store %arg11[%swap3A_979, %swap3A_980], %mul3A_978 {strides = array<i32>} : memref<128x128xf32, #tpu.memory_space<vmem>>, vector<16xf32>,
        %mul3A_982 = arith.mulf %unpack3A_977, %gather3A_955 : vector<16xf32>
        %swap3A_983 = arith.index_cast %add3A_957 : i32 to index
        %swap3A_984 = arith.constant 48 : index
        %swap3A_985 = tpu.vector_load %arg11[%swap3A_983, %swap3A_984] {strides = array<i32>} : memref<128x128xf32, #tpu.memory_space<vmem>>, vector<16xf32>,
        tpu.vector_store %arg11[%swap3A_983, %swap3A_984], %mul3A_982 {strides = array<i32>} : memref<128x128xf32, #tpu.memory_space<vmem>>, vector<16xf32>,
        %get3A_986 = arith.index_cast %add3A_957 : i32 to index
        %get3A_987 = arith.constant 32 : index
        %get3A_988 = tpu.vector_load %arg7[%get3A_986, %get3A_987] {strides = array<i32>} : memref<128x64xi32, #tpu.memory_space<vmem>>, vector<16xi32>,
        %bitcast3A_989 = vector.bitcast %get3A_988 : vector<16xi32> to vector<32xbf16>
        %unpack3A_990 = tpu.unpack_subelements %bitcast3A_989, 0 {pack_format = #tpu.pack_format<interleaved>} : vector<32xbf16> -> vector<16xf32>
        %unpack3A_991 = tpu.unpack_subelements %bitcast3A_989, 1 {pack_format = #tpu.pack_format<interleaved>} : vector<32xbf16> -> vector<16xf32>
        %mul3A_992 = arith.mulf %unpack3A_990, %gather3A_955 : vector<16xf32>
        %swap3A_993 = arith.index_cast %add3A_957 : i32 to index
        %swap3A_994 = arith.constant 64 : index
        %swap3A_995 = tpu.vector_load %arg11[%swap3A_993, %swap3A_994] {strides = array<i32>} : memref<128x128xf32, #tpu.memory_space<vmem>>, vector<16xf32>,
        tpu.vector_store %arg11[%swap3A_993, %swap3A_994], %mul3A_992 {strides = array<i32>} : memref<128x128xf32, #tpu.memory_space<vmem>>, vector<16xf32>,
        %mul3A_996 = arith.mulf %unpack3A_991, %gather3A_955 : vector<16xf32>
        %swap3A_997 = arith.index_cast %add3A_957 : i32 to index
        %swap3A_998 = arith.constant 80 : index
        %swap3A_999 = tpu.vector_load %arg11[%swap3A_997, %swap3A_998] {strides = array<i32>} : memref<128x128xf32, #tpu.memory_space<vmem>>, vector<16xf32>,
        tpu.vector_store %arg11[%swap3A_997, %swap3A_998], %mul3A_996 {strides = array<i32>} : memref<128x128xf32, #tpu.memory_space<vmem>>, vector<16xf32>,
        %get3A_1000 = arith.index_cast %add3A_957 : i32 to index
        %get3A_1001 = arith.constant 48 : index
        %get3A_1002 = tpu.vector_load %arg7[%get3A_1000, %get3A_1001] {strides = array<i32>} : memref<128x64xi32, #tpu.memory_space<vmem>>, vector<16xi32>,
        %bitcast3A_1003 = vector.bitcast %get3A_1002 : vector<16xi32> to vector<32xbf16>
        %unpack3A_1004 = tpu.unpack_subelements %bitcast3A_1003, 0 {pack_format = #tpu.pack_format<interleaved>} : vector<32xbf16> -> vector<16xf32>
        %unpack3A_1005 = tpu.unpack_subelements %bitcast3A_1003, 1 {pack_format = #tpu.pack_format<interleaved>} : vector<32xbf16> -> vector<16xf32>
        %mul3A_1006 = arith.mulf %unpack3A_1004, %gather3A_955 : vector<16xf32>
        %swap3A_1007 = arith.index_cast %add3A_957 : i32 to index
        %swap3A_1008 = arith.constant 96 : index
        %swap3A_1009 = tpu.vector_load %arg11[%swap3A_1007, %swap3A_1008] {strides = array<i32>} : memref<128x128xf32, #tpu.memory_space<vmem>>, vector<16xf32>,
        tpu.vector_store %arg11[%swap3A_1007, %swap3A_1008], %mul3A_1006 {strides = array<i32>} : memref<128x128xf32, #tpu.memory_space<vmem>>, vector<16xf32>,
        %mul3A_1010 = arith.mulf %unpack3A_1005, %gather3A_955 : vector<16xf32>
        %swap3A_1011 = arith.index_cast %add3A_957 : i32 to index
        %swap3A_1012 = arith.constant 112 : index
        %swap3A_1013 = tpu.vector_load %arg11[%swap3A_1011, %swap3A_1012] {strides = array<i32>} : memref<128x128xf32, #tpu.memory_space<vmem>>, vector<16xf32>,
        tpu.vector_store %arg11[%swap3A_1011, %swap3A_1012], %mul3A_1010 {strides = array<i32>} : memref<128x128xf32, #tpu.memory_space<vmem>>, vector<16xf32>,
        %broadcast_in_dim3A_1014 = arith.constant 13 : i32
        %broadcast_in_dim3A_1015 = vector.broadcast %broadcast_in_dim3A_1014 : i32 to vector<16x1xi32>
        %gather3A_1016 = vector.shape_cast %broadcast_in_dim3A_1015 : vector<16x1xi32> to vector<16xi32>
        %gather3A_1017 = tpu.dynamic_gather %bitcast3A[%gather3A_1016] in [0] : vector<16xf32>, vector<16xi32> -> vector<16xf32>
        %add3A_1018 = arith.constant 13 : i32
        %add3A_1019 = arith.addi %add3A_206, %add3A_1018 : i32
        %get3A_1020 = arith.index_cast %add3A_1019 : i32 to index
        %get3A_1021 = arith.constant 0 : index
        %get3A_1022 = tpu.vector_load %arg7[%get3A_1020, %get3A_1021] {strides = array<i32>} : memref<128x64xi32, #tpu.memory_space<vmem>>, vector<16xi32>,
        %bitcast3A_1023 = vector.bitcast %get3A_1022 : vector<16xi32> to vector<32xbf16>
        %unpack3A_1024 = tpu.unpack_subelements %bitcast3A_1023, 0 {pack_format = #tpu.pack_format<interleaved>} : vector<32xbf16> -> vector<16xf32>
        %unpack3A_1025 = tpu.unpack_subelements %bitcast3A_1023, 1 {pack_format = #tpu.pack_format<interleaved>} : vector<32xbf16> -> vector<16xf32>
        %mul3A_1026 = arith.mulf %unpack3A_1024, %gather3A_1017 : vector<16xf32>
        %swap3A_1027 = arith.index_cast %add3A_1019 : i32 to index
        %swap3A_1028 = arith.constant 0 : index
        %swap3A_1029 = tpu.vector_load %arg11[%swap3A_1027, %swap3A_1028] {strides = array<i32>} : memref<128x128xf32, #tpu.memory_space<vmem>>, vector<16xf32>,
        tpu.vector_store %arg11[%swap3A_1027, %swap3A_1028], %mul3A_1026 {strides = array<i32>} : memref<128x128xf32, #tpu.memory_space<vmem>>, vector<16xf32>,
        %mul3A_1030 = arith.mulf %unpack3A_1025, %gather3A_1017 : vector<16xf32>
        %swap3A_1031 = arith.index_cast %add3A_1019 : i32 to index
        %swap3A_1032 = arith.constant 16 : index
        %swap3A_1033 = tpu.vector_load %arg11[%swap3A_1031, %swap3A_1032] {strides = array<i32>} : memref<128x128xf32, #tpu.memory_space<vmem>>, vector<16xf32>,
        tpu.vector_store %arg11[%swap3A_1031, %swap3A_1032], %mul3A_1030 {strides = array<i32>} : memref<128x128xf32, #tpu.memory_space<vmem>>, vector<16xf32>,
        %get3A_1034 = arith.index_cast %add3A_1019 : i32 to index
        %get3A_1035 = arith.constant 16 : index
        %get3A_1036 = tpu.vector_load %arg7[%get3A_1034, %get3A_1035] {strides = array<i32>} : memref<128x64xi32, #tpu.memory_space<vmem>>, vector<16xi32>,
        %bitcast3A_1037 = vector.bitcast %get3A_1036 : vector<16xi32> to vector<32xbf16>
        %unpack3A_1038 = tpu.unpack_subelements %bitcast3A_1037, 0 {pack_format = #tpu.pack_format<interleaved>} : vector<32xbf16> -> vector<16xf32>
        %unpack3A_1039 = tpu.unpack_subelements %bitcast3A_1037, 1 {pack_format = #tpu.pack_format<interleaved>} : vector<32xbf16> -> vector<16xf32>
        %mul3A_1040 = arith.mulf %unpack3A_1038, %gather3A_1017 : vector<16xf32>
        %swap3A_1041 = arith.index_cast %add3A_1019 : i32 to index
        %swap3A_1042 = arith.constant 32 : index
        %swap3A_1043 = tpu.vector_load %arg11[%swap3A_1041, %swap3A_1042] {strides = array<i32>} : memref<128x128xf32, #tpu.memory_space<vmem>>, vector<16xf32>,
        tpu.vector_store %arg11[%swap3A_1041, %swap3A_1042], %mul3A_1040 {strides = array<i32>} : memref<128x128xf32, #tpu.memory_space<vmem>>, vector<16xf32>,
        %mul3A_1044 = arith.mulf %unpack3A_1039, %gather3A_1017 : vector<16xf32>
        %swap3A_1045 = arith.index_cast %add3A_1019 : i32 to index
        %swap3A_1046 = arith.constant 48 : index
        %swap3A_1047 = tpu.vector_load %arg11[%swap3A_1045, %swap3A_1046] {strides = array<i32>} : memref<128x128xf32, #tpu.memory_space<vmem>>, vector<16xf32>,
        tpu.vector_store %arg11[%swap3A_1045, %swap3A_1046], %mul3A_1044 {strides = array<i32>} : memref<128x128xf32, #tpu.memory_space<vmem>>, vector<16xf32>,
        %get3A_1048 = arith.index_cast %add3A_1019 : i32 to index
        %get3A_1049 = arith.constant 32 : index
        %get3A_1050 = tpu.vector_load %arg7[%get3A_1048, %get3A_1049] {strides = array<i32>} : memref<128x64xi32, #tpu.memory_space<vmem>>, vector<16xi32>,
        %bitcast3A_1051 = vector.bitcast %get3A_1050 : vector<16xi32> to vector<32xbf16>
        %unpack3A_1052 = tpu.unpack_subelements %bitcast3A_1051, 0 {pack_format = #tpu.pack_format<interleaved>} : vector<32xbf16> -> vector<16xf32>
        %unpack3A_1053 = tpu.unpack_subelements %bitcast3A_1051, 1 {pack_format = #tpu.pack_format<interleaved>} : vector<32xbf16> -> vector<16xf32>
        %mul3A_1054 = arith.mulf %unpack3A_1052, %gather3A_1017 : vector<16xf32>
        %swap3A_1055 = arith.index_cast %add3A_1019 : i32 to index
        %swap3A_1056 = arith.constant 64 : index
        %swap3A_1057 = tpu.vector_load %arg11[%swap3A_1055, %swap3A_1056] {strides = array<i32>} : memref<128x128xf32, #tpu.memory_space<vmem>>, vector<16xf32>,
        tpu.vector_store %arg11[%swap3A_1055, %swap3A_1056], %mul3A_1054 {strides = array<i32>} : memref<128x128xf32, #tpu.memory_space<vmem>>, vector<16xf32>,
        %mul3A_1058 = arith.mulf %unpack3A_1053, %gather3A_1017 : vector<16xf32>
        %swap3A_1059 = arith.index_cast %add3A_1019 : i32 to index
        %swap3A_1060 = arith.constant 80 : index
        %swap3A_1061 = tpu.vector_load %arg11[%swap3A_1059, %swap3A_1060] {strides = array<i32>} : memref<128x128xf32, #tpu.memory_space<vmem>>, vector<16xf32>,
        tpu.vector_store %arg11[%swap3A_1059, %swap3A_1060], %mul3A_1058 {strides = array<i32>} : memref<128x128xf32, #tpu.memory_space<vmem>>, vector<16xf32>,
        %get3A_1062 = arith.index_cast %add3A_1019 : i32 to index
        %get3A_1063 = arith.constant 48 : index
        %get3A_1064 = tpu.vector_load %arg7[%get3A_1062, %get3A_1063] {strides = array<i32>} : memref<128x64xi32, #tpu.memory_space<vmem>>, vector<16xi32>,
        %bitcast3A_1065 = vector.bitcast %get3A_1064 : vector<16xi32> to vector<32xbf16>
        %unpack3A_1066 = tpu.unpack_subelements %bitcast3A_1065, 0 {pack_format = #tpu.pack_format<interleaved>} : vector<32xbf16> -> vector<16xf32>
        %unpack3A_1067 = tpu.unpack_subelements %bitcast3A_1065, 1 {pack_format = #tpu.pack_format<interleaved>} : vector<32xbf16> -> vector<16xf32>
        %mul3A_1068 = arith.mulf %unpack3A_1066, %gather3A_1017 : vector<16xf32>
        %swap3A_1069 = arith.index_cast %add3A_1019 : i32 to index
        %swap3A_1070 = arith.constant 96 : index
        %swap3A_1071 = tpu.vector_load %arg11[%swap3A_1069, %swap3A_1070] {strides = array<i32>} : memref<128x128xf32, #tpu.memory_space<vmem>>, vector<16xf32>,
        tpu.vector_store %arg11[%swap3A_1069, %swap3A_1070], %mul3A_1068 {strides = array<i32>} : memref<128x128xf32, #tpu.memory_space<vmem>>, vector<16xf32>,
        %mul3A_1072 = arith.mulf %unpack3A_1067, %gather3A_1017 : vector<16xf32>
        %swap3A_1073 = arith.index_cast %add3A_1019 : i32 to index
        %swap3A_1074 = arith.constant 112 : index
        %swap3A_1075 = tpu.vector_load %arg11[%swap3A_1073, %swap3A_1074] {strides = array<i32>} : memref<128x128xf32, #tpu.memory_space<vmem>>, vector<16xf32>,
        tpu.vector_store %arg11[%swap3A_1073, %swap3A_1074], %mul3A_1072 {strides = array<i32>} : memref<128x128xf32, #tpu.memory_space<vmem>>, vector<16xf32>,
        %broadcast_in_dim3A_1076 = arith.constant 14 : i32
        %broadcast_in_dim3A_1077 = vector.broadcast %broadcast_in_dim3A_1076 : i32 to vector<16x1xi32>
        %gather3A_1078 = vector.shape_cast %broadcast_in_dim3A_1077 : vector<16x1xi32> to vector<16xi32>
        %gather3A_1079 = tpu.dynamic_gather %bitcast3A[%gather3A_1078] in [0] : vector<16xf32>, vector<16xi32> -> vector<16xf32>
        %add3A_1080 = arith.constant 14 : i32
        %add3A_1081 = arith.addi %add3A_206, %add3A_1080 : i32
        %get3A_1082 = arith.index_cast %add3A_1081 : i32 to index
        %get3A_1083 = arith.constant 0 : index
        %get3A_1084 = tpu.vector_load %arg7[%get3A_1082, %get3A_1083] {strides = array<i32>} : memref<128x64xi32, #tpu.memory_space<vmem>>, vector<16xi32>,
        %bitcast3A_1085 = vector.bitcast %get3A_1084 : vector<16xi32> to vector<32xbf16>
        %unpack3A_1086 = tpu.unpack_subelements %bitcast3A_1085, 0 {pack_format = #tpu.pack_format<interleaved>} : vector<32xbf16> -> vector<16xf32>
        %unpack3A_1087 = tpu.unpack_subelements %bitcast3A_1085, 1 {pack_format = #tpu.pack_format<interleaved>} : vector<32xbf16> -> vector<16xf32>
        %mul3A_1088 = arith.mulf %unpack3A_1086, %gather3A_1079 : vector<16xf32>
        %swap3A_1089 = arith.index_cast %add3A_1081 : i32 to index
        %swap3A_1090 = arith.constant 0 : index
        %swap3A_1091 = tpu.vector_load %arg11[%swap3A_1089, %swap3A_1090] {strides = array<i32>} : memref<128x128xf32, #tpu.memory_space<vmem>>, vector<16xf32>,
        tpu.vector_store %arg11[%swap3A_1089, %swap3A_1090], %mul3A_1088 {strides = array<i32>} : memref<128x128xf32, #tpu.memory_space<vmem>>, vector<16xf32>,
        %mul3A_1092 = arith.mulf %unpack3A_1087, %gather3A_1079 : vector<16xf32>
        %swap3A_1093 = arith.index_cast %add3A_1081 : i32 to index
        %swap3A_1094 = arith.constant 16 : index
        %swap3A_1095 = tpu.vector_load %arg11[%swap3A_1093, %swap3A_1094] {strides = array<i32>} : memref<128x128xf32, #tpu.memory_space<vmem>>, vector<16xf32>,
        tpu.vector_store %arg11[%swap3A_1093, %swap3A_1094], %mul3A_1092 {strides = array<i32>} : memref<128x128xf32, #tpu.memory_space<vmem>>, vector<16xf32>,
        %get3A_1096 = arith.index_cast %add3A_1081 : i32 to index
        %get3A_1097 = arith.constant 16 : index
        %get3A_1098 = tpu.vector_load %arg7[%get3A_1096, %get3A_1097] {strides = array<i32>} : memref<128x64xi32, #tpu.memory_space<vmem>>, vector<16xi32>,
        %bitcast3A_1099 = vector.bitcast %get3A_1098 : vector<16xi32> to vector<32xbf16>
        %unpack3A_1100 = tpu.unpack_subelements %bitcast3A_1099, 0 {pack_format = #tpu.pack_format<interleaved>} : vector<32xbf16> -> vector<16xf32>
        %unpack3A_1101 = tpu.unpack_subelements %bitcast3A_1099, 1 {pack_format = #tpu.pack_format<interleaved>} : vector<32xbf16> -> vector<16xf32>
        %mul3A_1102 = arith.mulf %unpack3A_1100, %gather3A_1079 : vector<16xf32>
        %swap3A_1103 = arith.index_cast %add3A_1081 : i32 to index
        %swap3A_1104 = arith.constant 32 : index
        %swap3A_1105 = tpu.vector_load %arg11[%swap3A_1103, %swap3A_1104] {strides = array<i32>} : memref<128x128xf32, #tpu.memory_space<vmem>>, vector<16xf32>,
        tpu.vector_store %arg11[%swap3A_1103, %swap3A_1104], %mul3A_1102 {strides = array<i32>} : memref<128x128xf32, #tpu.memory_space<vmem>>, vector<16xf32>,
        %mul3A_1106 = arith.mulf %unpack3A_1101, %gather3A_1079 : vector<16xf32>
        %swap3A_1107 = arith.index_cast %add3A_1081 : i32 to index
        %swap3A_1108 = arith.constant 48 : index
        %swap3A_1109 = tpu.vector_load %arg11[%swap3A_1107, %swap3A_1108] {strides = array<i32>} : memref<128x128xf32, #tpu.memory_space<vmem>>, vector<16xf32>,
        tpu.vector_store %arg11[%swap3A_1107, %swap3A_1108], %mul3A_1106 {strides = array<i32>} : memref<128x128xf32, #tpu.memory_space<vmem>>, vector<16xf32>,
        %get3A_1110 = arith.index_cast %add3A_1081 : i32 to index
        %get3A_1111 = arith.constant 32 : index
        %get3A_1112 = tpu.vector_load %arg7[%get3A_1110, %get3A_1111] {strides = array<i32>} : memref<128x64xi32, #tpu.memory_space<vmem>>, vector<16xi32>,
        %bitcast3A_1113 = vector.bitcast %get3A_1112 : vector<16xi32> to vector<32xbf16>
        %unpack3A_1114 = tpu.unpack_subelements %bitcast3A_1113, 0 {pack_format = #tpu.pack_format<interleaved>} : vector<32xbf16> -> vector<16xf32>
        %unpack3A_1115 = tpu.unpack_subelements %bitcast3A_1113, 1 {pack_format = #tpu.pack_format<interleaved>} : vector<32xbf16> -> vector<16xf32>
        %mul3A_1116 = arith.mulf %unpack3A_1114, %gather3A_1079 : vector<16xf32>
        %swap3A_1117 = arith.index_cast %add3A_1081 : i32 to index
        %swap3A_1118 = arith.constant 64 : index
        %swap3A_1119 = tpu.vector_load %arg11[%swap3A_1117, %swap3A_1118] {strides = array<i32>} : memref<128x128xf32, #tpu.memory_space<vmem>>, vector<16xf32>,
        tpu.vector_store %arg11[%swap3A_1117, %swap3A_1118], %mul3A_1116 {strides = array<i32>} : memref<128x128xf32, #tpu.memory_space<vmem>>, vector<16xf32>,
        %mul3A_1120 = arith.mulf %unpack3A_1115, %gather3A_1079 : vector<16xf32>
        %swap3A_1121 = arith.index_cast %add3A_1081 : i32 to index
        %swap3A_1122 = arith.constant 80 : index
        %swap3A_1123 = tpu.vector_load %arg11[%swap3A_1121, %swap3A_1122] {strides = array<i32>} : memref<128x128xf32, #tpu.memory_space<vmem>>, vector<16xf32>,
        tpu.vector_store %arg11[%swap3A_1121, %swap3A_1122], %mul3A_1120 {strides = array<i32>} : memref<128x128xf32, #tpu.memory_space<vmem>>, vector<16xf32>,
        %get3A_1124 = arith.index_cast %add3A_1081 : i32 to index
        %get3A_1125 = arith.constant 48 : index
        %get3A_1126 = tpu.vector_load %arg7[%get3A_1124, %get3A_1125] {strides = array<i32>} : memref<128x64xi32, #tpu.memory_space<vmem>>, vector<16xi32>,
        %bitcast3A_1127 = vector.bitcast %get3A_1126 : vector<16xi32> to vector<32xbf16>
        %unpack3A_1128 = tpu.unpack_subelements %bitcast3A_1127, 0 {pack_format = #tpu.pack_format<interleaved>} : vector<32xbf16> -> vector<16xf32>
        %unpack3A_1129 = tpu.unpack_subelements %bitcast3A_1127, 1 {pack_format = #tpu.pack_format<interleaved>} : vector<32xbf16> -> vector<16xf32>
        %mul3A_1130 = arith.mulf %unpack3A_1128, %gather3A_1079 : vector<16xf32>
        %swap3A_1131 = arith.index_cast %add3A_1081 : i32 to index
        %swap3A_1132 = arith.constant 96 : index
        %swap3A_1133 = tpu.vector_load %arg11[%swap3A_1131, %swap3A_1132] {strides = array<i32>} : memref<128x128xf32, #tpu.memory_space<vmem>>, vector<16xf32>,
        tpu.vector_store %arg11[%swap3A_1131, %swap3A_1132], %mul3A_1130 {strides = array<i32>} : memref<128x128xf32, #tpu.memory_space<vmem>>, vector<16xf32>,
        %mul3A_1134 = arith.mulf %unpack3A_1129, %gather3A_1079 : vector<16xf32>
        %swap3A_1135 = arith.index_cast %add3A_1081 : i32 to index
        %swap3A_1136 = arith.constant 112 : index
        %swap3A_1137 = tpu.vector_load %arg11[%swap3A_1135, %swap3A_1136] {strides = array<i32>} : memref<128x128xf32, #tpu.memory_space<vmem>>, vector<16xf32>,
        tpu.vector_store %arg11[%swap3A_1135, %swap3A_1136], %mul3A_1134 {strides = array<i32>} : memref<128x128xf32, #tpu.memory_space<vmem>>, vector<16xf32>,
        %broadcast_in_dim3A_1138 = arith.constant 15 : i32
        %broadcast_in_dim3A_1139 = vector.broadcast %broadcast_in_dim3A_1138 : i32 to vector<16x1xi32>
        %gather3A_1140 = vector.shape_cast %broadcast_in_dim3A_1139 : vector<16x1xi32> to vector<16xi32>
        %gather3A_1141 = tpu.dynamic_gather %bitcast3A[%gather3A_1140] in [0] : vector<16xf32>, vector<16xi32> -> vector<16xf32>
        %add3A_1142 = arith.constant 15 : i32
        %add3A_1143 = arith.addi %add3A_206, %add3A_1142 : i32
        %get3A_1144 = arith.index_cast %add3A_1143 : i32 to index
        %get3A_1145 = arith.constant 0 : index
        %get3A_1146 = tpu.vector_load %arg7[%get3A_1144, %get3A_1145] {strides = array<i32>} : memref<128x64xi32, #tpu.memory_space<vmem>>, vector<16xi32>,
        %bitcast3A_1147 = vector.bitcast %get3A_1146 : vector<16xi32> to vector<32xbf16>
        %unpack3A_1148 = tpu.unpack_subelements %bitcast3A_1147, 0 {pack_format = #tpu.pack_format<interleaved>} : vector<32xbf16> -> vector<16xf32>
        %unpack3A_1149 = tpu.unpack_subelements %bitcast3A_1147, 1 {pack_format = #tpu.pack_format<interleaved>} : vector<32xbf16> -> vector<16xf32>
        %mul3A_1150 = arith.mulf %unpack3A_1148, %gather3A_1141 : vector<16xf32>
        %swap3A_1151 = arith.index_cast %add3A_1143 : i32 to index
        %swap3A_1152 = arith.constant 0 : index
        %swap3A_1153 = tpu.vector_load %arg11[%swap3A_1151, %swap3A_1152] {strides = array<i32>} : memref<128x128xf32, #tpu.memory_space<vmem>>, vector<16xf32>,
        tpu.vector_store %arg11[%swap3A_1151, %swap3A_1152], %mul3A_1150 {strides = array<i32>} : memref<128x128xf32, #tpu.memory_space<vmem>>, vector<16xf32>,
        %mul3A_1154 = arith.mulf %unpack3A_1149, %gather3A_1141 : vector<16xf32>
        %swap3A_1155 = arith.index_cast %add3A_1143 : i32 to index
        %swap3A_1156 = arith.constant 16 : index
        %swap3A_1157 = tpu.vector_load %arg11[%swap3A_1155, %swap3A_1156] {strides = array<i32>} : memref<128x128xf32, #tpu.memory_space<vmem>>, vector<16xf32>,
        tpu.vector_store %arg11[%swap3A_1155, %swap3A_1156], %mul3A_1154 {strides = array<i32>} : memref<128x128xf32, #tpu.memory_space<vmem>>, vector<16xf32>,
        %get3A_1158 = arith.index_cast %add3A_1143 : i32 to index
        %get3A_1159 = arith.constant 16 : index
        %get3A_1160 = tpu.vector_load %arg7[%get3A_1158, %get3A_1159] {strides = array<i32>} : memref<128x64xi32, #tpu.memory_space<vmem>>, vector<16xi32>,
        %bitcast3A_1161 = vector.bitcast %get3A_1160 : vector<16xi32> to vector<32xbf16>
        %unpack3A_1162 = tpu.unpack_subelements %bitcast3A_1161, 0 {pack_format = #tpu.pack_format<interleaved>} : vector<32xbf16> -> vector<16xf32>
        %unpack3A_1163 = tpu.unpack_subelements %bitcast3A_1161, 1 {pack_format = #tpu.pack_format<interleaved>} : vector<32xbf16> -> vector<16xf32>
        %mul3A_1164 = arith.mulf %unpack3A_1162, %gather3A_1141 : vector<16xf32>
        %swap3A_1165 = arith.index_cast %add3A_1143 : i32 to index
        %swap3A_1166 = arith.constant 32 : index
        %swap3A_1167 = tpu.vector_load %arg11[%swap3A_1165, %swap3A_1166] {strides = array<i32>} : memref<128x128xf32, #tpu.memory_space<vmem>>, vector<16xf32>,
        tpu.vector_store %arg11[%swap3A_1165, %swap3A_1166], %mul3A_1164 {strides = array<i32>} : memref<128x128xf32, #tpu.memory_space<vmem>>, vector<16xf32>,
        %mul3A_1168 = arith.mulf %unpack3A_1163, %gather3A_1141 : vector<16xf32>
        %swap3A_1169 = arith.index_cast %add3A_1143 : i32 to index
        %swap3A_1170 = arith.constant 48 : index
        %swap3A_1171 = tpu.vector_load %arg11[%swap3A_1169, %swap3A_1170] {strides = array<i32>} : memref<128x128xf32, #tpu.memory_space<vmem>>, vector<16xf32>,
        tpu.vector_store %arg11[%swap3A_1169, %swap3A_1170], %mul3A_1168 {strides = array<i32>} : memref<128x128xf32, #tpu.memory_space<vmem>>, vector<16xf32>,
        %get3A_1172 = arith.index_cast %add3A_1143 : i32 to index
        %get3A_1173 = arith.constant 32 : index
        %get3A_1174 = tpu.vector_load %arg7[%get3A_1172, %get3A_1173] {strides = array<i32>} : memref<128x64xi32, #tpu.memory_space<vmem>>, vector<16xi32>,
        %bitcast3A_1175 = vector.bitcast %get3A_1174 : vector<16xi32> to vector<32xbf16>
        %unpack3A_1176 = tpu.unpack_subelements %bitcast3A_1175, 0 {pack_format = #tpu.pack_format<interleaved>} : vector<32xbf16> -> vector<16xf32>
        %unpack3A_1177 = tpu.unpack_subelements %bitcast3A_1175, 1 {pack_format = #tpu.pack_format<interleaved>} : vector<32xbf16> -> vector<16xf32>
        %mul3A_1178 = arith.mulf %unpack3A_1176, %gather3A_1141 : vector<16xf32>
        %swap3A_1179 = arith.index_cast %add3A_1143 : i32 to index
        %swap3A_1180 = arith.constant 64 : index
        %swap3A_1181 = tpu.vector_load %arg11[%swap3A_1179, %swap3A_1180] {strides = array<i32>} : memref<128x128xf32, #tpu.memory_space<vmem>>, vector<16xf32>,
        tpu.vector_store %arg11[%swap3A_1179, %swap3A_1180], %mul3A_1178 {strides = array<i32>} : memref<128x128xf32, #tpu.memory_space<vmem>>, vector<16xf32>,
        %mul3A_1182 = arith.mulf %unpack3A_1177, %gather3A_1141 : vector<16xf32>
        %swap3A_1183 = arith.index_cast %add3A_1143 : i32 to index
        %swap3A_1184 = arith.constant 80 : index
        %swap3A_1185 = tpu.vector_load %arg11[%swap3A_1183, %swap3A_1184] {strides = array<i32>} : memref<128x128xf32, #tpu.memory_space<vmem>>, vector<16xf32>,
        tpu.vector_store %arg11[%swap3A_1183, %swap3A_1184], %mul3A_1182 {strides = array<i32>} : memref<128x128xf32, #tpu.memory_space<vmem>>, vector<16xf32>,
        %get3A_1186 = arith.index_cast %add3A_1143 : i32 to index
        %get3A_1187 = arith.constant 48 : index
        %get3A_1188 = tpu.vector_load %arg7[%get3A_1186, %get3A_1187] {strides = array<i32>} : memref<128x64xi32, #tpu.memory_space<vmem>>, vector<16xi32>,
        %bitcast3A_1189 = vector.bitcast %get3A_1188 : vector<16xi32> to vector<32xbf16>
        %unpack3A_1190 = tpu.unpack_subelements %bitcast3A_1189, 0 {pack_format = #tpu.pack_format<interleaved>} : vector<32xbf16> -> vector<16xf32>
        %unpack3A_1191 = tpu.unpack_subelements %bitcast3A_1189, 1 {pack_format = #tpu.pack_format<interleaved>} : vector<32xbf16> -> vector<16xf32>
        %mul3A_1192 = arith.mulf %unpack3A_1190, %gather3A_1141 : vector<16xf32>
        %swap3A_1193 = arith.index_cast %add3A_1143 : i32 to index
        %swap3A_1194 = arith.constant 96 : index
        %swap3A_1195 = tpu.vector_load %arg11[%swap3A_1193, %swap3A_1194] {strides = array<i32>} : memref<128x128xf32, #tpu.memory_space<vmem>>, vector<16xf32>,
        tpu.vector_store %arg11[%swap3A_1193, %swap3A_1194], %mul3A_1192 {strides = array<i32>} : memref<128x128xf32, #tpu.memory_space<vmem>>, vector<16xf32>,
        %mul3A_1196 = arith.mulf %unpack3A_1191, %gather3A_1141 : vector<16xf32>
        %swap3A_1197 = arith.index_cast %add3A_1143 : i32 to index
        %swap3A_1198 = arith.constant 112 : index
        %swap3A_1199 = tpu.vector_load %arg11[%swap3A_1197, %swap3A_1198] {strides = array<i32>} : memref<128x128xf32, #tpu.memory_space<vmem>>, vector<16xf32>,
        tpu.vector_store %arg11[%swap3A_1197, %swap3A_1198], %mul3A_1196 {strides = array<i32>} : memref<128x128xf32, #tpu.memory_space<vmem>>, vector<16xf32>,
      }
      %scan3A_143 = arith.constant 8 : i32
      %get3A_144 = arith.constant 1 : i32
      %get3A_145 = arith.index_cast %get3A_144 : i32 to index
      %get3A_146 = arith.constant 0 : index
      %get3A_147 = tpu.vector_load %arg9[%get3A_145, %get3A_146] {strides = array<i32>} : memref<4x128xi32, #tpu.memory_space<vmem>>, vector<16xi32>,
      %swap3A_148 = arith.constant 0 : index
      %swap3A_149 = tpu.vector_load %arg13[%swap3A_148] {strides = array<i32>} : memref<128xi32, #tpu.memory_space<vmem>>, vector<16xi32>,
      tpu.vector_store %arg13[%swap3A_148], %get3A_147 {strides = array<i32>} : memref<128xi32, #tpu.memory_space<vmem>>, vector<16xi32>,
      %get3A_150 = arith.constant 1 : i32
      %get3A_151 = arith.index_cast %get3A_150 : i32 to index
      %get3A_152 = arith.constant 16 : index
      %get3A_153 = tpu.vector_load %arg9[%get3A_151, %get3A_152] {strides = array<i32>} : memref<4x128xi32, #tpu.memory_space<vmem>>, vector<16xi32>,
      %swap3A_154 = arith.constant 16 : index
      %swap3A_155 = tpu.vector_load %arg13[%swap3A_154] {strides = array<i32>} : memref<128xi32, #tpu.memory_space<vmem>>, vector<16xi32>,
      tpu.vector_store %arg13[%swap3A_154], %get3A_153 {strides = array<i32>} : memref<128xi32, #tpu.memory_space<vmem>>, vector<16xi32>,
      %get3A_156 = arith.constant 1 : i32
      %get3A_157 = arith.index_cast %get3A_156 : i32 to index
      %get3A_158 = arith.constant 32 : index
      %get3A_159 = tpu.vector_load %arg9[%get3A_157, %get3A_158] {strides = array<i32>} : memref<4x128xi32, #tpu.memory_space<vmem>>, vector<16xi32>,
      %swap3A_160 = arith.constant 32 : index
      %swap3A_161 = tpu.vector_load %arg13[%swap3A_160] {strides = array<i32>} : memref<128xi32, #tpu.memory_space<vmem>>, vector<16xi32>,
      tpu.vector_store %arg13[%swap3A_160], %get3A_159 {strides = array<i32>} : memref<128xi32, #tpu.memory_space<vmem>>, vector<16xi32>,
      %get3A_162 = arith.constant 1 : i32
      %get3A_163 = arith.index_cast %get3A_162 : i32 to index
      %get3A_164 = arith.constant 48 : index
      %get3A_165 = tpu.vector_load %arg9[%get3A_163, %get3A_164] {strides = array<i32>} : memref<4x128xi32, #tpu.memory_space<vmem>>, vector<16xi32>,
      %swap3A_166 = arith.constant 48 : index
      %swap3A_167 = tpu.vector_load %arg13[%swap3A_166] {strides = array<i32>} : memref<128xi32, #tpu.memory_space<vmem>>, vector<16xi32>,
      tpu.vector_store %arg13[%swap3A_166], %get3A_165 {strides = array<i32>} : memref<128xi32, #tpu.memory_space<vmem>>, vector<16xi32>,
      %get3A_168 = arith.constant 1 : i32
      %get3A_169 = arith.index_cast %get3A_168 : i32 to index
      %get3A_170 = arith.constant 64 : index
      %get3A_171 = tpu.vector_load %arg9[%get3A_169, %get3A_170] {strides = array<i32>} : memref<4x128xi32, #tpu.memory_space<vmem>>, vector<16xi32>,
      %swap3A_172 = arith.constant 64 : index
      %swap3A_173 = tpu.vector_load %arg13[%swap3A_172] {strides = array<i32>} : memref<128xi32, #tpu.memory_space<vmem>>, vector<16xi32>,
      tpu.vector_store %arg13[%swap3A_172], %get3A_171 {strides = array<i32>} : memref<128xi32, #tpu.memory_space<vmem>>, vector<16xi32>,
      %get3A_174 = arith.constant 1 : i32
      %get3A_175 = arith.index_cast %get3A_174 : i32 to index
      %get3A_176 = arith.constant 80 : index
      %get3A_177 = tpu.vector_load %arg9[%get3A_175, %get3A_176] {strides = array<i32>} : memref<4x128xi32, #tpu.memory_space<vmem>>, vector<16xi32>,
      %swap3A_178 = arith.constant 80 : index
      %swap3A_179 = tpu.vector_load %arg13[%swap3A_178] {strides = array<i32>} : memref<128xi32, #tpu.memory_space<vmem>>, vector<16xi32>,
      tpu.vector_store %arg13[%swap3A_178], %get3A_177 {strides = array<i32>} : memref<128xi32, #tpu.memory_space<vmem>>, vector<16xi32>,
      %get3A_180 = arith.constant 1 : i32
      %get3A_181 = arith.index_cast %get3A_180 : i32 to index
      %get3A_182 = arith.constant 96 : index
      %get3A_183 = tpu.vector_load %arg9[%get3A_181, %get3A_182] {strides = array<i32>} : memref<4x128xi32, #tpu.memory_space<vmem>>, vector<16xi32>,
      %swap3A_184 = arith.constant 96 : index
      %swap3A_185 = tpu.vector_load %arg13[%swap3A_184] {strides = array<i32>} : memref<128xi32, #tpu.memory_space<vmem>>, vector<16xi32>,
      tpu.vector_store %arg13[%swap3A_184], %get3A_183 {strides = array<i32>} : memref<128xi32, #tpu.memory_space<vmem>>, vector<16xi32>,
      %get3A_186 = arith.constant 1 : i32
      %get3A_187 = arith.index_cast %get3A_186 : i32 to index
      %get3A_188 = arith.constant 112 : index
      %get3A_189 = tpu.vector_load %arg9[%get3A_187, %get3A_188] {strides = array<i32>} : memref<4x128xi32, #tpu.memory_space<vmem>>, vector<16xi32>,
      %swap3A_190 = arith.constant 112 : index
      %swap3A_191 = tpu.vector_load %arg13[%swap3A_190] {strides = array<i32>} : memref<128xi32, #tpu.memory_space<vmem>>, vector<16xi32>,
      tpu.vector_store %arg13[%swap3A_190], %get3A_189 {strides = array<i32>} : memref<128xi32, #tpu.memory_space<vmem>>, vector<16xi32>,
      %dma_start3A_192 = arith.constant 0 : i32
      %dma_start3A_193 = arith.constant 0 : i32
      %dma_start3A_194 = tpu.memref_slice %arg14[%dma_start3A_192, %dma_start3A_193] : memref<10000x128xf32, #tpu.memory_space<vmem_shared>> -> memref<10000x128xf32, #tpu.memory_space<vmem_shared>>
      tpu.enqueue_indirect_dma source(%arg11 : memref<128x128xf32, #tpu.memory_space<vmem>>) target(%dma_start3A_194 : memref<10000x128xf32, #tpu.memory_space<vmem_shared>>) offsets(%arg13 : memref<128xi32, #tpu.memory_space<vmem>>) semaphore(%arg20 : memref<!tpu.dma_semaphore, #tpu.memory_space<semaphore_mem>>) {add = true}
      %add3A_195 = arith.constant 2 : i32
      %add3A_196 = arith.addi %add3A_119, %add3A_195 : i32
      %lt3A_197 = arith.constant 80 : i32
      %lt3A_198 = arith.cmpi slt, %add3A_196, %lt3A_197 : i32
      %convert_element_type3A_199 = arith.extui %lt3A_198 : i1 to i32
      %cond3A_200 = arith.constant 0 : i32
      %cond3A_201 = arith.cmpi ne, %convert_element_type3A_199, %cond3A_200 : i32
      scf.if %cond3A_201 {
        %add3A_202 = arith.constant 2 : i32
        %add3A_203 = arith.addi %add3A_119, %add3A_202 : i32
        %dma_start3A_204 = arith.constant 0 : i32
        %dma_start3A_205 = arith.constant 0 : i32
        %dma_start3A_206 = tpu.memref_slice %arg3[%add3A, %add3A_203, %dma_start3A_204, %dma_start3A_205] : memref<32x80x8x128xi32, #tpu.memory_space<hbm>> -> memref<1x1x4x128xi32, #tpu.memory_space<hbm>>
        %dma_start3A_207 = tpu.memref_squeeze %dma_start3A_206 : memref<1x1x4x128xi32, #tpu.memory_space<hbm>> -> memref<4x128xi32, #tpu.memory_space<hbm>>
        %dma_start3A_208 = arith.constant 0 : i32
        %dma_start3A_209 = arith.constant 0 : i32
        %dma_start3A_210 = tpu.memref_slice %arg3[%add3A, %add3A_203, %dma_start3A_208, %dma_start3A_209] : memref<32x80x8x128xi32, #tpu.memory_space<hbm>> -> memref<1x1x4x128xi32, #tpu.memory_space<hbm>>
        %dma_start3A_211 = tpu.memref_squeeze %dma_start3A_210 : memref<1x1x4x128xi32, #tpu.memory_space<hbm>> -> memref<4x128xi32, #tpu.memory_space<hbm>>
        tpu.enqueue_dma source(%dma_start3A_211 : memref<4x128xi32, #tpu.memory_space<hbm>>) target(%arg9 : memref<4x128xi32, #tpu.memory_space<vmem>>) target_semaphore(%arg18 : memref<!tpu.dma_semaphore, #tpu.memory_space<semaphore_mem>>)
      } else {
      }
    }
    %scan3A_23 = arith.constant 40 : i32
    %dma_wait3A = arith.constant 0 : i32
    %dma_wait3A_24 = arith.constant 0 : i32
    %dma_wait3A_25 = tpu.memref_slice %arg14[%dma_wait3A, %dma_wait3A_24] : memref<10000x128xf32, #tpu.memory_space<vmem_shared>> -> memref<10000x128xf32, #tpu.memory_space<vmem_shared>>
    tpu.wait_indirect_dma semaphore(%arg19 : memref<!tpu.dma_semaphore, #tpu.memory_space<semaphore_mem>>) src(%arg10 : memref<128x128xf32, #tpu.memory_space<vmem>>) dst(%dma_wait3A_25 : memref<10000x128xf32, #tpu.memory_space<vmem_shared>>)
    %dma_wait3A_26 = arith.constant 0 : i32
    %dma_wait3A_27 = arith.constant 0 : i32
    %dma_wait3A_28 = tpu.memref_slice %arg14[%dma_wait3A_26, %dma_wait3A_27] : memref<10000x128xf32, #tpu.memory_space<vmem_shared>> -> memref<10000x128xf32, #tpu.memory_space<vmem_shared>>
    tpu.wait_indirect_dma semaphore(%arg20 : memref<!tpu.dma_semaphore, #tpu.memory_space<semaphore_mem>>) src(%arg11 : memref<128x128xf32, #tpu.memory_space<vmem>>) dst(%dma_wait3A_28 : memref<10000x128xf32, #tpu.memory_space<vmem_shared>>)
    %barrier3A_29 = arith.constant 0 : index
    tpu.barrier barrier_id(%barrier3A_29)
    "tpu.region"() ({
      %run_scoped3A_35 = tpu.sem_alloc : memref<!tpu.dma_semaphore, #tpu.memory_space<semaphore_mem>>
      %dma_start3A_36 = arith.constant 0 : i32
      %dma_start3A_37 = arith.constant 0 : i32
      %dma_start3A_38 = tpu.memref_slice %arg5[%arg0, %dma_start3A_36, %dma_start3A_37] : memref<2x10000x128xf32, #tpu.memory_space<hbm>> -> memref<1x10000x128xf32, #tpu.memory_space<hbm>>
      %dma_start3A_39 = tpu.memref_squeeze %dma_start3A_38 : memref<1x10000x128xf32, #tpu.memory_space<hbm>> -> memref<10000x128xf32, #tpu.memory_space<hbm>>
      %dma_start3A_40 = arith.constant 0 : i32
      %dma_start3A_41 = tpu.memref_slice %dma_start3A_39[%mul3A_17, %dma_start3A_40] : memref<10000x128xf32, #tpu.memory_space<hbm>> -> memref<624x128xf32, #tpu.memory_space<hbm>>
      %dma_start3A_42 = arith.constant 0 : i32
      %dma_start3A_43 = tpu.memref_slice %arg14[%mul3A_17, %dma_start3A_42] : memref<10000x128xf32, #tpu.memory_space<vmem_shared>> -> memref<624x128xf32, #tpu.memory_space<vmem_shared>>
      tpu.enqueue_dma source(%dma_start3A_43 : memref<624x128xf32, #tpu.memory_space<vmem_shared>>) target(%dma_start3A_41 : memref<624x128xf32, #tpu.memory_space<hbm>>) target_semaphore(%run_scoped3A_35 : memref<!tpu.dma_semaphore, #tpu.memory_space<semaphore_mem>>)
      %dma_wait3A_44 = arith.constant 0 : i32
      %dma_wait3A_45 = arith.constant 0 : i32
      %dma_wait3A_46 = tpu.memref_slice %arg5[%arg0, %dma_wait3A_44, %dma_wait3A_45] : memref<2x10000x128xf32, #tpu.memory_space<hbm>> -> memref<1x10000x128xf32, #tpu.memory_space<hbm>>
      %dma_wait3A_47 = tpu.memref_squeeze %dma_wait3A_46 : memref<1x10000x128xf32, #tpu.memory_space<hbm>> -> memref<10000x128xf32, #tpu.memory_space<hbm>>
      %dma_wait3A_48 = arith.constant 0 : i32
      %dma_wait3A_49 = tpu.memref_slice %dma_wait3A_47[%mul3A_17, %dma_wait3A_48] : memref<10000x128xf32, #tpu.memory_space<hbm>> -> memref<624x128xf32, #tpu.memory_space<hbm>>
      %dma_wait3A_50 = arith.constant 0 : i32
      %dma_wait3A_51 = tpu.memref_slice %arg14[%mul3A_17, %dma_wait3A_50] : memref<10000x128xf32, #tpu.memory_space<vmem_shared>> -> memref<624x128xf32, #tpu.memory_space<vmem_shared>>
      tpu.wait_dma2 semaphore(%run_scoped3A_35 : memref<!tpu.dma_semaphore, #tpu.memory_space<semaphore_mem>>) src(%dma_wait3A_51 : memref<624x128xf32, #tpu.memory_space<vmem_shared>>) dst(%dma_wait3A_49 : memref<624x128xf32, #tpu.memory_space<hbm>>)
      tpu.yield
    }) : () -> ()
    %eq3A_30 = arith.constant 15 : i32
    %eq3A_31 = arith.cmpi eq, %arg1, %eq3A_30 : i32
    %convert_element_type3A_32 = arith.extui %eq3A_31 : i1 to i32
    %cond3A_33 = arith.constant 0 : i32
    %cond3A_34 = arith.cmpi ne, %convert_element_type3A_32, %cond3A_33 : i32
    scf.if %cond3A_34 {
      "tpu.region"() ({
        %run_scoped3A_35 = tpu.sem_alloc : memref<!tpu.dma_semaphore, #tpu.memory_space<semaphore_mem>>
        %dma_start3A_36 = arith.constant 0 : i32
        %dma_start3A_37 = arith.constant 0 : i32
        %dma_start3A_38 = tpu.memref_slice %arg5[%arg0, %dma_start3A_36, %dma_start3A_37] : memref<2x10000x128xf32, #tpu.memory_space<hbm>> -> memref<1x10000x128xf32, #tpu.memory_space<hbm>>
        %dma_start3A_39 = tpu.memref_squeeze %dma_start3A_38 : memref<1x10000x128xf32, #tpu.memory_space<hbm>> -> memref<10000x128xf32, #tpu.memory_space<hbm>>
        %dma_start3A_40 = arith.constant 9984 : i32
        %dma_start3A_41 = arith.constant 0 : i32
        %dma_start3A_42 = tpu.memref_slice %dma_start3A_39[%dma_start3A_40, %dma_start3A_41] : memref<10000x128xf32, #tpu.memory_space<hbm>> -> memref<16x128xf32, #tpu.memory_space<hbm>>
        %dma_start3A_43 = arith.constant 9984 : i32
        %dma_start3A_44 = arith.constant 0 : i32
        %dma_start3A_45 = tpu.memref_slice %arg14[%dma_start3A_43, %dma_start3A_44] : memref<10000x128xf32, #tpu.memory_space<vmem_shared>> -> memref<16x128xf32, #tpu.memory_space<vmem_shared>>
        tpu.enqueue_dma source(%dma_start3A_45 : memref<16x128xf32, #tpu.memory_space<vmem_shared>>) target(%dma_start3A_42 : memref<16x128xf32, #tpu.memory_space<hbm>>) target_semaphore(%run_scoped3A_35 : memref<!tpu.dma_semaphore, #tpu.memory_space<semaphore_mem>>)
        %dma_wait3A_46 = arith.constant 0 : i32
        %dma_wait3A_47 = arith.constant 0 : i32
        %dma_wait3A_48 = tpu.memref_slice %arg5[%arg0, %dma_wait3A_46, %dma_wait3A_47] : memref<2x10000x128xf32, #tpu.memory_space<hbm>> -> memref<1x10000x128xf32, #tpu.memory_space<hbm>>
        %dma_wait3A_49 = tpu.memref_squeeze %dma_wait3A_48 : memref<1x10000x128xf32, #tpu.memory_space<hbm>> -> memref<10000x128xf32, #tpu.memory_space<hbm>>
        %dma_wait3A_50 = arith.constant 9984 : i32
        %dma_wait3A_51 = arith.constant 0 : i32
        %dma_wait3A_52 = tpu.memref_slice %dma_wait3A_49[%dma_wait3A_50, %dma_wait3A_51] : memref<10000x128xf32, #tpu.memory_space<hbm>> -> memref<16x128xf32, #tpu.memory_space<hbm>>
        %dma_wait3A_53 = arith.constant 9984 : i32
        %dma_wait3A_54 = arith.constant 0 : i32
        %dma_wait3A_55 = tpu.memref_slice %arg14[%dma_wait3A_53, %dma_wait3A_54] : memref<10000x128xf32, #tpu.memory_space<vmem_shared>> -> memref<16x128xf32, #tpu.memory_space<vmem_shared>>
        tpu.wait_dma2 semaphore(%run_scoped3A_35 : memref<!tpu.dma_semaphore, #tpu.memory_space<semaphore_mem>>) src(%dma_wait3A_55 : memref<16x128xf32, #tpu.memory_space<vmem_shared>>) dst(%dma_wait3A_52 : memref<16x128xf32, #tpu.memory_space<hbm>>)
        tpu.yield
      }) : () -> ()
    } else {
    }
    return
  }
}

module attributes {stable_mosaic.version = 14 : i64} {
  func.func @body(%arg0: memref<10000x128xf32, #tpu.memory_space<vmem>>, %arg1: memref<128x128xf32, #tpu.memory_space<vmem>>, %arg2: memref<10000x128xf32, #tpu.memory_space<vmem>>) attributes {dimension_semantics = [], scalar_prefetch = 0 : i64, scratch_operands = 0 : i64, tpu.core_type = #tpu.core_type<tc>} {
    %get3A = arith.constant 0 : index
    %get3A_0 = arith.constant 0 : index
    %get3A_1 = vector.load %arg0[%get3A, %get3A_0] : memref<10000x128xf32, #tpu.memory_space<vmem>>, vector<10000x128xf32>
    %get3A_2 = arith.constant 0 : index
    %get3A_3 = arith.constant 0 : index
    %get3A_4 = vector.load %arg1[%get3A_2, %get3A_3] : memref<128x128xf32, #tpu.memory_space<vmem>>, vector<128x128xf32>
    %dot_general3A = arith.constant dense<0.000000e+00> : vector<10000x128xf32>
    %dot_general3A_5 = tpu.matmul %get3A_1, %get3A_4, %dot_general3A {dimension_numbers = #tpu.dot_dimension_numbers<[1], [0], [0], [1], [0, 0, 1, 1], [], []>, precision = #tpu.contract_precision<fp32>, transpose_lhs_hint = false} : vector<10000x128xf32>, vector<128x128xf32>, vector<10000x128xf32> -> vector<10000x128xf32>
    %swap3A = arith.constant 0 : index
    %swap3A_6 = arith.constant 0 : index
    %swap3A_7 = vector.load %arg2[%swap3A, %swap3A_6] : memref<10000x128xf32, #tpu.memory_space<vmem>>, vector<10000x128xf32>
    tpu.vector_store %arg2[%swap3A, %swap3A_6], %dot_general3A_5 {strides = array<i32>} : memref<10000x128xf32, #tpu.memory_space<vmem>>, vector<10000x128xf32>,
    return
  }
}

module attributes {stable_mosaic.version = 14 : i64} {
  func.func @body(%arg0: memref<2x10000x128xf32, #tpu.memory_space<vmem>>, %arg1: memref<10000x128xf32, #tpu.memory_space<vmem>>) attributes {dimension_semantics = [], scalar_prefetch = 0 : i64, scratch_operands = 0 : i64, tpu.core_type = #tpu.core_type<tc>} {
    %get3A = arith.constant 0 : index
    %get3A_0 = arith.constant 0 : index
    %get3A_1 = arith.constant 0 : index
    %get3A_2 = vector.load %arg0[%get3A, %get3A_0, %get3A_1] : memref<2x10000x128xf32, #tpu.memory_space<vmem>>, vector<1x10000x128xf32>
    %get3A_3 = vector.shape_cast %get3A_2 : vector<1x10000x128xf32> to vector<10000x128xf32>
    %get3A_4 = arith.constant 1 : index
    %get3A_5 = arith.constant 0 : index
    %get3A_6 = arith.constant 0 : index
    %get3A_7 = vector.load %arg0[%get3A_4, %get3A_5, %get3A_6] : memref<2x10000x128xf32, #tpu.memory_space<vmem>>, vector<1x10000x128xf32>
    %get3A_8 = vector.shape_cast %get3A_7 : vector<1x10000x128xf32> to vector<10000x128xf32>
    %add3A = arith.addf %get3A_3, %get3A_8 : vector<10000x128xf32>
    %swap3A = arith.constant 0 : index
    %swap3A_9 = arith.constant 0 : index
    %swap3A_10 = vector.load %arg1[%swap3A, %swap3A_9] : memref<10000x128xf32, #tpu.memory_space<vmem>>, vector<10000x128xf32>
    tpu.vector_store %arg1[%swap3A, %swap3A_9], %add3A {strides = array<i32>} : memref<10000x128xf32, #tpu.memory_space<vmem>>, vector<10000x128xf32>,
    return
  }
}

</mosaic_0001>

<sc_bundles>
// kernel: kernel.5.cloned.1.call-start
scs
__scs_entry_jumppad:
0x0: {  	(pc) =	sbr.rel $0x88, $3  }
0x1: {  	(tag) =	ssettag $0x0;
	lr =	simm.s32 $0x1  }
0x2: {  	[smem:$0x3F9D] =	sst lr;
	_ =	strace $0xD0000000  }
0x3: {  	_ = 	snop  }
0x4: {  	_ = 	snop  }
0x5: {  	_ = 	snop  }
0x6: {  	_ = 	snop  }
0x7: {  	_ = 	snop  }
__scs_overlays_trampoline_lowered:
0x8: {  	[smem:$0x3FAC] =	sst s0  }
0x9: {  	[smem:$0x3FAD] =	sst s1  }
0xa: {  	[smem:$0x3FAE] =	sst s2  }
0xb: {  	[smem:$0x3FAF] =	sst s3  }
0xc: {  	[smem:$0x3FB0] =	sst s4  }
0xd: {  	[smem:$0x3FB1] =	sst s5  }
0xe: {  	[smem:$0x3FB2] =	sst s6  }
0xf: {  	[smem:$0x3FB3] =	sst s7  }
0x10: {  	[smem:$0x3FB4] =	sst s8  }
0x11: {  	[smem:$0x3FB5] =	sst s9;
	s0 =	simm.s32 @!p0 $0x0  }
0x12: {  	s1 =	sld [smem:$0x3F9B];
	s0 =	simm.s32 @p0 $0x1  }
0x13: {  	[smem:$0x3FB6] =	sst s0;
	s0 =	simm.s32 @!p1 $0x0  }
0x14: {  	s2 =	sld [smem:$0x3F9A];
	s0 =	simm.s32 @p1 $0x1  }
0x15: {  	[smem:$0x3FB7] =	sst s0;
	s0 =	simm.s32 @!p2 $0x0  }
0x16: {  	s3 =	sld [smem:$0x3FDB];
	s0 =	simm.s32 @p2 $0x1  }
0x17: {  	s4 =	simm.s32 $0x1BF5;
	[smem:$0x3FB9] =	sst s0  }
0x18: {  	s0 =	sld [smem:$0x3F9C];
	_ =	swait.ge [sflag:s4], $0x0  }
0x19: {  	s7 =	sld [smem:$0x3F9D]  }
0x1a: {  	s8 =	sadd.s32 $0xFFFFE003, lr  }
0x1b: {  	s9 =	sadd.s32 $0xFFFFFEF7, lr;
	s5 =	simm.s32 $0xFFFFFFFF;
	p2 =	slt.u32 s8, $0xFFFFF086  }
0x1c: {  	p1 =	slt.u32 s9, $0xF7A;
	s5 =	simm.s32 @!p2 $0x0  }
0x1d: {  	s5 =	simm.s32 @p1 $0x1;
	p0 =	seq.s32 s7, s2  }
0x1e: {  	s7 =	smul.u32 @!p0 $0xF7A, s2;
	p2 =	seq.s32 @!p0 s5, $0x0  }
0x1f: {  	s9 =	smul.u32 $0xF7A, s1;
	s8 =	simm.s32 @!p0 $0x1BF5;
	p2 =	por !p2, p0  }
0x20: {  	[sflag:s8] =	ssyncset.s32 @!p0 $0xFFFFF086;
	s6 =	sadd.s32 @!p0 s3, s7;
	s7 =	simm.s32 @!p0 $0x108  }
0x21: {  	s3 =	sadd.s32 s3, s9;
	s6 =	sadd.s32 @!p0 $0x88, s6;
	s7 =	simm.s32 @p2 $0x1082  }
0x22: {  	[simem:s7], [sflag:s8] =	dma.local @!p0 [hbm:s6], $0xF7A  }
0x23: {  	s9 =	sor.u32 $0xD0000000, s2;
	s6 =	simm.s32 $0x108;
	_ =	swait.ge @!p0 [sflag:s8], $0x0  }
0x24: {  	s3 =	sadd.s32 $0x88, s3;
	s6 =	simm.s32 @!p1 $0x1082;
	[sflag:s4] =	ssyncset.s32 $0xFFFFF086  }
0x25: {  	[simem:s6], [sflag:s4] =	dma.local [hbm:s3], $0xF7A  }
0x26: {  	[smem:$0x3F9D] =	sst s1;
	(tag) =	ssettag s2;
	_ =	strace s9  }
0x27: {  	s1 =	sld [smem:$0x3FAD]  }
0x28: {  	s2 =	sld [smem:$0x3FAE]  }
0x29: {  	s4 =	sld [smem:$0x3FB0]  }
0x2a: {  	p0 =	seq.s32 s5, $0x0;
	s5 =	sld [smem:$0x3FB1]  }
0x2b: {  	s6 =	sld [smem:$0x3FB2]  }
0x2c: {  	s7 =	sld [smem:$0x3FB3]  }
0x2d: {  	s3 =	simm.s32 $0x108;
	s8 =	sld [smem:$0x3FB4]  }
0x2e: {  	s3 =	simm.s32 @!p0 $0x1082;
	s9 =	sld [smem:$0x3FB5]  }
0x2f: {  	lr =	sadd.s32 s0, s3;
	s0 =	sld [smem:$0x3FAC]  }
0x30: {  	s3 =	sld [smem:$0x3FAF]  }
0x31: {  	[smem:$0x3FB8] =	sst s10  }
0x32: {  	s10 =	sld [smem:$0x3FB6];
	_ =	sdelay $0x3  }
0x33: {  	p0 =	seq.s32 s10, $0x1;
	s10 =	sld [smem:$0x3FB8];
	_ =	sdelay $0x3  }
0x34: {  	[smem:$0x3FB8] =	sst s10  }
0x35: {  	s10 =	sld [smem:$0x3FB7];
	_ =	sdelay $0x3  }
0x36: {  	p1 =	seq.s32 s10, $0x1;
	s10 =	sld [smem:$0x3FB8];
	_ =	sdelay $0x3  }
0x37: {  	[smem:$0x3FB8] =	sst s10  }
0x38: {  	s10 =	sld [smem:$0x3FB9]  }
0x39: {  	_ = 	snop;
	(pc) =	sbr.ind lr, $3  }
0x3a: {  	_ = 	snop  }
0x3b: {  	_ = 	snop  }
0x3c: {  	p2 =	seq.s32 s10, $0x1;
	s10 =	sld [smem:$0x3FB8]  }
0x3d: {  	_ =	shalt  }
0x3e: {  	_ =	shalt  }
0x3f: {  	_ =	shalt  }
0x40: {  	_ =	shalt  }
0x41: {  	_ =	shalt  }
0x42: {  	_ =	shalt  }
0x43: {  	_ =	shalt  }
0x44: {  	_ =	shalt  }
0x45: {  	_ =	shalt  }
0x46: {  	_ =	shalt  }
0x47: {  	_ =	shalt  }
0x48: {  	_ =	shalt  }
0x49: {  	_ =	shalt  }
0x4a: {  	_ =	shalt  }
0x4b: {  	_ =	shalt  }
0x4c: {  	_ =	shalt  }
0x4d: {  	_ =	shalt  }
0x4e: {  	_ =	shalt  }
0x4f: {  	_ =	shalt  }
0x50: {  	_ =	shalt  }
0x51: {  	_ =	shalt  }
0x52: {  	_ =	shalt  }
0x53: {  	_ =	shalt  }
0x54: {  	_ =	shalt  }
0x55: {  	_ =	shalt  }
0x56: {  	_ =	shalt  }
0x57: {  	_ =	shalt  }
0x58: {  	_ =	shalt  }
0x59: {  	_ =	shalt  }
0x5a: {  	_ =	shalt  }
0x5b: {  	_ =	shalt  }
0x5c: {  	_ =	shalt  }
0x5d: {  	_ =	shalt  }
0x5e: {  	_ =	shalt  }
0x5f: {  	_ =	shalt  }
0x60: {  	_ =	shalt  }
0x61: {  	_ =	shalt  }
0x62: {  	_ =	shalt  }
0x63: {  	_ =	shalt  }
0x64: {  	_ =	shalt  }
0x65: {  	_ =	shalt  }
0x66: {  	_ =	shalt  }
0x67: {  	_ =	shalt  }
0x68: {  	_ =	shalt  }
0x69: {  	_ =	shalt  }
0x6a: {  	_ =	shalt  }
0x6b: {  	_ =	shalt  }
0x6c: {  	_ =	shalt  }
0x6d: {  	_ =	shalt  }
0x6e: {  	_ =	shalt  }
0x6f: {  	_ =	shalt  }
0x70: {  	_ =	shalt  }
0x71: {  	_ =	shalt  }
0x72: {  	_ =	shalt  }
0x73: {  	_ =	shalt  }
0x74: {  	_ =	shalt  }
0x75: {  	_ =	shalt  }
0x76: {  	_ =	shalt  }
0x77: {  	_ =	shalt  }
0x78: {  	_ =	shalt  }
0x79: {  	_ =	shalt  }
0x7a: {  	_ =	shalt  }
0x7b: {  	_ =	shalt  }
0x7c: {  	_ =	shalt  }
0x7d: {  	_ =	shalt  }
0x7e: {  	_ =	shalt  }
0x7f: {  	_ =	shalt  }
0x80: {  	_ =	shalt  }
0x81: {  	_ =	shalt  }
0x82: {  	_ =	shalt  }
0x83: {  	_ =	shalt  }
0x84: {  	_ =	shalt  }
0x85: {  	_ =	shalt  }
0x86: {  	_ =	shalt  }
0x87: {  	_ =	shalt  }
.Lfunc_end0:
.L_simem_size_0:
called_computation_lowered:
.L_overlay_start_0:
0x88: {  	s2 =	sld [smem:$0x3FD9]  }
0x89: {  	s3 =	sld [smem:$0x3FFE];
	_ =	sdelay $0x1  }
0x8a: {  	s1 =	srdreg.scid  }
0x8b: {  	s0 =	sand.u32 $0x1, s1  }
0x8c: {  	s17 =	sshll.u32 s0, $0xA;
	s2 =	sadd.s32 s3, s2  }
0x8d: {  	s2 =	sadd.s32 s2, s17  }
0x8e: {  	[smem:$0x3FC4] =	sst s2  }
0x8f: {  	_ = 	snop  }
0x90: {  	s2 =	sld [smem:$0x3FD0];
	(tm) =	ssettm $0x1  }
0x91: {  	s18 =	sld [smem:$0x3FFB];
	_ =	sdelay $0x3  }
0x92: {  	_ =	strace s18  }
0x93: {  	s3 =	sld [smem:$0x3FFC];
	_ =	sdelay $0x3  }
0x94: {  	_ =	strace s3  }
0x95: {  	s3 =	sld [smem:$0x3FFD];
	_ =	sdelay $0x3  }
0x96: {  	_ =	strace s3  }
0x97: {  	_ =	strace $0x8FFFFFFF  }
0x98: {  	s19 =	sld [smem:$0x3FDB];
	_ =	sdelay $0x1  }
0x99: {  	s4 =	simm.s32 $_scs_section_size  }
0x9a: {  	s5 =	simm.s32 $_size__tile_overlayer_lowered;
	s6 =	simm.s32 $_tile_overlayer_lowered  }
0x9b: {  	s22 =	simm.s32 $0x1BFF;
	s21 =	sshll.u32 s6, $0x1;
	s3 =	sadd.s32 s4, s19  }
0x9c: {  	s7 =	simm.s32 $0x0;
	s20 =	sshll.u32 s5, $0x1;
	s5 =	sadd.s32 s21, s3  }
0x9d: {  	[timem:s7], [sflag:s22] =	dma.local [hbm:s5], s20  }
0x9e: {  	_ =	swait.ge [sflag:s22], s20  }
0x9f: {  	s4 =	ssub.s32 $0x0, s20;
	[sflag:s22] =	ssyncset.done $0x0  }
0xa0: {  	[sflag:s22] =	ssyncadd.s32 s4;
	_ =	sdelay $0x1  }
0xa1: {  	s23 =	simm.s32 $0x1B8B  }
0xa2: {  	_ =	swait.ge [sflag:s23], $0x1  }
0xa3: {  	[sflag:s23] =	ssyncset.done $0x0  }
0xa4: {  	s25 =	simm.s32 $0x1B8E;
	s24 =	sld [smem:$0x3FFE];
	[sflag:s23] =	ssyncadd.s32 $0xFFFFFFFF  }
0xa5: {  	s26 =	simm.s32 $execute0_lowered;
	[smem:$0x3FD2] =	sst s25  }
0xa6: {  	s5 =	sshll.u32 s26, $0x1;
	_ =	strace $0x80000046;
	[dreg:$0x1] =	wrdreg $0xFFFFFFFF  }
0xa7: {  	s28 =	simm.s32 $_size_execute0_lowered;
	s3 =	sadd.s32 s3, s5;
	[dreg:$0x0] =	wrdreg $0x0  }
0xa8: {  	s5 =	sshll.u32 s28, $0x1;
	[dreg:$0x2] =	wrdreg s3  }
0xa9: {  	[dreg:$0x3] =	wrdreg s5  }
0xaa: {  	[dreg:$0x4] =	wrdreg $0xC0  }
0xab: {  	_ =	task [dreg:s7], $0x5FFFF  }
0xac: {  	[dreg:$0x1] =	wrdreg $0xFFFFFFFF  }
0xad: {  	[dreg:$0x0] =	wrdreg $0x60  }
0xae: {  	[dreg:$0x2] =	wrdreg s24  }
0xaf: {  	[dreg:$0x3] =	wrdreg s2  }
0xb0: {  	[dreg:$0x4] =	wrdreg $0xC5000  }
0xb1: {  	[dreg:$0x5] =	wrdreg $0x9  }
0xb2: {  	_ =	task.clear_ibuf [dreg:s7], $0x6FFFF;
	_ =	strace $0x90000046  }
0xb3: {  	s29 =	simm.s32 $0x9;
	_ =	strace $0x80000048  }
0xb4: {  	_ =	swait.ge [sflag:s29], $0x1  }
0xb5: {  	[sflag:s29] =	ssyncadd.s32 $0xFFFFFFFF  }
0xb6: {  	_ =	strace $0x90000048  }
0xb7: {  	_ =	sfence  }
0xb8: {  	s30 =	sld [smem:$0x0];
	_ =	sdelay $0x2  }
0xb9: {  	s31 =	sshll.u32 s1, $0xD;
	s1 =	sshrl.u32 s1, $0x2  }
0xba: {  	s3 =	sand.u32 $0x4000, s31;
	s1 =	sadd.s32 s1, s30  }
0xbb: {  	s0 =	sor.u32 s3, s0;
	s1 =	sshll.u32 s1, $0x11  }
0xbc: {  	s0 =	sor.u32 s1, s0  }
0xbd: {  	s0 =	sadd.s32 $0x8F2B, s0  }
0xbe: {  	[sflag:s0] =	ssyncadd.remote.s32 $0x1  }
0xbf: {  	_ =	sfence.sel $0xFFFF  }
0xc0: {  	[dreg:$0x0] =	wrdreg $0xFFFFFFFF;
	(pc) =	sbr.abs _section_cstart, $3  }
0xc1: {  	[dreg:$0x1] =	wrdreg $0xFFFFFFFF  }
0xc2: {  	_ =	task.clear_ibuf [dreg:s7], $0x2FFFF;
	_ =	strace $0x9FFFFFFF  }
0xc3: {  	(tm) =	ssettm $0x7FFFFFFF  }
tec
execute0_lowered:
.L_overlay_start_1:
0x0: {  	(tag) =	ssettag $0x1  }
0x1: {  	s0 =	rddreg [dreg:$0x0]  }
0x2: {  	s2 =	rddreg [dreg:$0x1]  }
0x3: {  	s1 =	rddreg [dreg:$0x2]  }
0x4: {  	s3 =	srdreg.scid;
	s14 =	stileid.u32  }
0x5: {  	s15 =	simm.s32 $0x4000;
	s16 =	simm.s32 $0x7;
	s17 =	simm.s32 $0x80  }
0x6: {  	s18 =	simm.s32 $0x4200;
	s28 =	simm.s32 $0x2;
	s29 =	simm.s32 $0x6  }
0x7: {  	s30 =	simm.s32 $0xC480;
	s31 =	simm.s32 $0x8400;
	s6 =	sand.u32 $0x1, s3  }
0x8: {  	s3 =	simm.s32 $0x0;
	s9 =	smul.u32 $0x13800, s14;
	p0 =	sne.s32 s14, $0xF  }
0x9: {  	s26 =	sshll.u32 s14, $0x6;
	s4 =	sshll.u32 s6, $0x4;
	[smem:$0x7FF] =	sst s3  }
0xa: {  	s7 =	smul.u32 $0x27100, s6;
	s6 =	ssub.s32 $0x2, s6;
	s19 =	sor.u32 $0x1C07, s26  }
0xb: {  	s26 =	simm.s32 $0x4400;
	s5 =	sor.u32 s14, s4;
	_ =	strace $0x80000047  }
0xc: {  	s4 =	sadd.s32 $0x200, s0;
	s20 =	sshrl.u32 s6, $0x1;
	s22 =	sshrl.u32 s9, $0x3  }
0xd: {  	s23 =	sadd.s32 s9, s1;
	s9 =	sadd.s32 $0x138000, s1;
	s8 =	smul.u32 $0x14000, s5  }
0xe: {  	s5 =	sadd.s32 $0x13C00, s0;
	s0 =	sadd.s32 s7, s0;
	s6 =	ssub.s32 s6, s20  }
0xf: {  	[dreg:$0x5] =	wrdreg s22;
	s24 =	sadd.s32 s2, s22;
	s2 =	sadd.s32 $0x27000, s2  }
0x10: {  	s20 =	sshrl.u32 s23, $0x3;
	s22 =	simm.s32 $0x4;
	[dreg:$0x7] =	wrdreg s24  }
0x11: {  	v0 =	vimm.s32 $0x0;
	s23 =	simm.s32 $0x2000;
	[dreg:$0x8] =	wrdreg s2;
	s13 =	sadd.s32 $0x63C00, s0  }
.Ltmp0:
0x12: {  	v1 =	vimm.s32 $0x1;
	v2 =	vimm.s32 $0x2;
	v3 =	vimm.s32 $0x3;
	s25 =	smax.u32 s6, $0x1;
	s24 =	simm.s32 $0x1;
	(pc) =	sbr.rel .LBB2_1-.Ltmp0, $4  }
0x13: {  	v4 =	vimm.s32 $0x4;
	v5 =	vimm.s32 $0x5;
	v6 =	vimm.s32 $0x6;
	s2 =	simm.s32 $0x3;
	s10 =	sshrl.u32 s8, $0x3;
	s11 =	sor.u32 $0x800, s8  }
0x14: {  	v7 =	vimm.s32 $0x7;
	v8 =	vimm.s32 $0x8;
	v9 =	vimm.s32 $0x9;
	s12 =	sor.u32 $0xC00, s8;
	[dreg:$0x9] =	wrdreg s25;
	s21 =	sadd.s32 s5, s10  }
0x15: {  	v10 =	vimm.s32 $0xA;
	v11 =	vimm.s32 $0xB;
	v12 =	vimm.s32 $0xC;
	s25 =	simm.s32 $0xC400;
	[dreg:$0x4] =	wrdreg s21;
	s7 =	sadd.s32 $0x80, s21  }
0x16: {  	v13 =	vimm.s32 $0xD;
	v14 =	vimm.s32 $0xE;
	v15 =	vimm.s32 $0xF;
	s8 =	simm.s32 $0x0;
	s21 =	sshrl.u32 @!p0 s9, $0x3;
	[dreg:$0x6] =	wrdreg s7  }
.LBB2_12:
0x17: {  	s0 =	simm.s32 $0x5  }
0x18: {  	_ =	swait.ge [sflag:s0], $0x4000  }
0x19: {  	[sflag:s0] =	ssyncset.done $0x0  }
0x1a: {  	[sflag:s0] =	ssyncadd.s32 $0xFFFFC000  }
0x1b: {  	_ =	swait.ge [sflag:s29], $0x4000  }
0x1c: {  	[sflag:s29] =	ssyncset.done $0x0  }
0x1d: {  	[sflag:s29] =	ssyncadd.s32 $0xFFFFC000  }
0x1e: {  	[bflag:$0x0] =	sbarrier.arrive $0xFFFF  }
0x1f: {  	s14 =	rddreg [dreg:$0x5]  }
0x20: {  	s0 =	sadd.s32 s14, s13  }
0x21: {  	[hbm:s0], [sflag:s19] =	dma.local [spmem:s20], $0x2700  }
0x22: {  	_ =	swait.ge [sflag:s16], $0x2700  }
0x23: {  	[sflag:s16] =	ssyncset.done $0x0  }
0x24: {  	s0 =	sadd.s32 @!p0 $0x27000, s13;
	[sflag:s16] =	ssyncadd.s32 $0xFFFFD900  }
0x25: {  	[hbm:s0], [sflag:s19] =	dma.local @!p0 [spmem:s21], $0x100  }
0x26: {  	s0 =	simm.s32 @!p0 $0x7  }
0x27: {  	_ =	swait.ge @!p0 [sflag:s0], $0x100  }
0x28: {  	s8 =	sadd.s32 $0x1, s8;
	s6 =	rddreg [dreg:$0x9]  }
0x29: {  	p1 =	sne.s32 s8, s6  }
.Ltmp1:
0x2a: {  	_ = 	snop;
	(pc) =	sbr.rel @!p1 .LBB2_13-.Ltmp1, $3  }
0x2b: {  	_ =	sdelay $0x1  }
0x2c: {  	[sflag:s0] =	ssyncset.done @!p0 $0x0  }
0x2d: {  	[sflag:s0] =	ssyncadd.s32 @!p0 $0xFFFFFF00  }
.LBB2_1:
0x2e: {  	s0 =	rddreg [dreg:$0x4]  }
0x2f: {  	[tilespmem:s15], [sflag:$0x7] =	stream.linear.gather [hbm4b:s0+s3], $0x200, $0x38;
	[tilespmem:$0x1FD80] =	vst v63  }
0x30: {  	_ =	swait.ge [sflag:s16], $0x200  }
0x31: {  	[sflag:s16] =	ssyncset.done $0x0  }
0x32: {  	s10 =	rddreg [dreg:$0x6];
	[sflag:s16] =	ssyncadd.s32 $0xFFFFFE00  }
0x33: {  	[tilespmem:s3], [sflag:$0x1] =	stream.indirect.gather [hbm4b:s4+s17], $0x40, s15, s17, $0xb8;
	[tilespmem:$0x1FD80] =	vst v63  }
0x34: {  	s14 =	rddreg [dreg:$0x7]  }
0x35: {  	[tilespmem:s18], [sflag:$0x4] =	stream.linear.gather [hbm4b:s10+s3], $0x200, $0x38;
	[tilespmem:$0x1FD80] =	vst v63  }
0x36: {  	[spmem:s20], [sflag:s19] =	dma.local [hbm:s14], $0x2700  }
0x37: {  	_ =	swait.ge [sflag:s16], $0x2700  }
0x38: {  	[sflag:s16] =	ssyncset.done $0x0  }
0x39: {  	s6 =	simm.s32 @!p0 $0x7;
	s0 =	rddreg [dreg:$0x8];
	[sflag:s16] =	ssyncadd.s32 $0xFFFFD900  }
0x3a: {  	[spmem:s21], [sflag:s19] =	dma.local @!p0 [hbm:s0], $0x100  }
0x3b: {  	_ =	swait.ge @!p0 [sflag:s6], $0x100  }
0x3c: {  	[sflag:s6] =	ssyncset.done @!p0 $0x0  }
0x3d: {  	[sflag:s6] =	ssyncadd.s32 @!p0 $0xFFFFFF00  }
0x3e: {  	s9 =	simm.s32 $0x0;
	[bflag:$0x0] =	sbarrier.arrive $0xFFFF  }
.LBB2_2:
0x3f: {  	_ =	swait.ge [sflag:s22], $0x200  }
0x40: {  	[sflag:s22] =	ssyncset.done $0x0  }
0x41: {  	[sflag:s22] =	ssyncadd.s32 $0xFFFFFE00  }
0x42: {  	[tilespmem:s23], [sflag:$0x2] =	stream.indirect.gather [hbm4b:s4+s17], $0x40, s18, s17, $0xb8;
	[tilespmem:$0x1FD80] =	vst v63  }
0x43: {  	_ =	swait.ge [sflag:s24], $0x2000  }
0x44: {  	p1 =	seq.s32 s9, $0x0;
	[sflag:s24] =	ssyncset.done $0x0  }
0x45: {  	s6 =	simm.s32 @!p1 $0x5;
	[sflag:s24] =	ssyncadd.s32 $0xFFFFE000  }
0x46: {  	_ =	swait.ge @!p1 [sflag:s6], $0x4000  }
0x47: {  	s10 =	sshll.u32 s9, $0xB;
	s14 =	simm.s32 $0x0;
	[sflag:s6] =	ssyncset.done @!p1 $0x0  }
0x48: {  	s7 =	simm.s32 $0x4800;
	[sflag:s6] =	ssyncadd.s32 @!p1 $0xFFFFC000;
	s6 =	simm.s32 $0x200  }
.LBB2_3:
0x49: {  	s0 =	sshra.s32 s14, $0x2  }
0x4a: {  	v16 =	vld [tilespmem:s0+$0x4100]  }
0x4b: {  	v17 =	vld [tilespmem:s6+$0xFFFFFE00];
	_ =	sdelay $0x3  }
0x4c: {  	v18 =	vperm.xlane v16, v0  }
0x4d: {  	v19 =	vunpack.i.l.bf16.f32 v17  }
0x4e: {  	v17 =	vunpack.i.u.bf16.f32 v17;
	v19 =	vmul.f32 v19, v18  }
0x4f: {  	v17 =	vmul.f32 v17, v18  }
0x50: {  	[tilespmem:s7+$0xFFFFFC00] =	vst v19  }
0x51: {  	[tilespmem:s7+$0xFFFFFC10] =	vst v17  }
0x52: {  	v17 =	vld [tilespmem:s6+$0xFFFFFE10];
	_ =	sdelay $0x4  }
0x53: {  	v30 =	vunpack.i.l.bf16.f32 v17  }
0x54: {  	v17 =	vunpack.i.u.bf16.f32 v17;
	v19 =	vmul.f32 v30, v18  }
0x55: {  	v17 =	vmul.f32 v17, v18  }
0x56: {  	[tilespmem:s7+$0xFFFFFC20] =	vst v19  }
0x57: {  	[tilespmem:s7+$0xFFFFFC30] =	vst v17  }
0x58: {  	v17 =	vld [tilespmem:s6+$0xFFFFFE20];
	_ =	sdelay $0x4  }
0x59: {  	v31 =	vunpack.i.l.bf16.f32 v17  }
0x5a: {  	v17 =	vunpack.i.u.bf16.f32 v17;
	v19 =	vmul.f32 v31, v18  }
0x5b: {  	v17 =	vmul.f32 v17, v18  }
0x5c: {  	[tilespmem:s7+$0xFFFFFC40] =	vst v19  }
0x5d: {  	[tilespmem:s7+$0xFFFFFC50] =	vst v17  }
0x5e: {  	v17 =	vld [tilespmem:s6+$0xFFFFFE30];
	_ =	sdelay $0x4  }
0x5f: {  	v32 =	vunpack.i.l.bf16.f32 v17  }
0x60: {  	v17 =	vunpack.i.u.bf16.f32 v17;
	v19 =	vmul.f32 v32, v18  }
0x61: {  	v17 =	vmul.f32 v17, v18  }
0x62: {  	[tilespmem:s7+$0xFFFFFC60] =	vst v19  }
0x63: {  	[tilespmem:s7+$0xFFFFFC70] =	vst v17  }
0x64: {  	v17 =	vld [tilespmem:s6+$0xFFFFFE40];
	_ =	sdelay $0x3  }
0x65: {  	v33 =	vperm.xlane v16, v1  }
0x66: {  	v34 =	vunpack.i.l.bf16.f32 v17  }
0x67: {  	v17 =	vunpack.i.u.bf16.f32 v17;
	v19 =	vmul.f32 v34, v33  }
0x68: {  	v17 =	vmul.f32 v17, v33  }
0x69: {  	[tilespmem:s7+$0xFFFFFC80] =	vst v19  }
0x6a: {  	[tilespmem:s7+$0xFFFFFC90] =	vst v17  }
0x6b: {  	v17 =	vld [tilespmem:s6+$0xFFFFFE50];
	_ =	sdelay $0x4  }
0x6c: {  	v35 =	vunpack.i.l.bf16.f32 v17  }
0x6d: {  	v17 =	vunpack.i.u.bf16.f32 v17;
	v19 =	vmul.f32 v35, v33  }
0x6e: {  	v17 =	vmul.f32 v17, v33  }
0x6f: {  	[tilespmem:s7+$0xFFFFFCA0] =	vst v19  }
0x70: {  	[tilespmem:s7+$0xFFFFFCB0] =	vst v17  }
0x71: {  	v17 =	vld [tilespmem:s6+$0xFFFFFE60];
	_ =	sdelay $0x4  }
0x72: {  	v36 =	vunpack.i.l.bf16.f32 v17  }
0x73: {  	v17 =	vunpack.i.u.bf16.f32 v17;
	v19 =	vmul.f32 v36, v33  }
0x74: {  	v17 =	vmul.f32 v17, v33  }
0x75: {  	[tilespmem:s7+$0xFFFFFCC0] =	vst v19  }
0x76: {  	[tilespmem:s7+$0xFFFFFCD0] =	vst v17  }
0x77: {  	v17 =	vld [tilespmem:s6+$0xFFFFFE70];
	_ =	sdelay $0x4  }
0x78: {  	v37 =	vunpack.i.l.bf16.f32 v17  }
0x79: {  	v17 =	vunpack.i.u.bf16.f32 v17;
	v19 =	vmul.f32 v37, v33  }
0x7a: {  	v17 =	vmul.f32 v17, v33  }
0x7b: {  	[tilespmem:s7+$0xFFFFFCE0] =	vst v19  }
0x7c: {  	[tilespmem:s7+$0xFFFFFCF0] =	vst v17  }
0x7d: {  	v17 =	vld [tilespmem:s6+$0xFFFFFE80];
	_ =	sdelay $0x3  }
0x7e: {  	v38 =	vperm.xlane v16, v2  }
0x7f: {  	v39 =	vunpack.i.l.bf16.f32 v17  }
0x80: {  	v17 =	vunpack.i.u.bf16.f32 v17;
	v19 =	vmul.f32 v39, v38  }
0x81: {  	v17 =	vmul.f32 v17, v38  }
0x82: {  	[tilespmem:s7+$0xFFFFFD00] =	vst v19  }
0x83: {  	[tilespmem:s7+$0xFFFFFD10] =	vst v17  }
0x84: {  	v17 =	vld [tilespmem:s6+$0xFFFFFE90];
	_ =	sdelay $0x4  }
0x85: {  	v40 =	vunpack.i.l.bf16.f32 v17  }
0x86: {  	v17 =	vunpack.i.u.bf16.f32 v17;
	v19 =	vmul.f32 v40, v38  }
0x87: {  	v17 =	vmul.f32 v17, v38  }
0x88: {  	[tilespmem:s7+$0xFFFFFD20] =	vst v19  }
0x89: {  	[tilespmem:s7+$0xFFFFFD30] =	vst v17  }
0x8a: {  	v17 =	vld [tilespmem:s6+$0xFFFFFEA0];
	_ =	sdelay $0x4  }
0x8b: {  	v41 =	vunpack.i.l.bf16.f32 v17  }
0x8c: {  	v17 =	vunpack.i.u.bf16.f32 v17;
	v19 =	vmul.f32 v41, v38  }
0x8d: {  	v17 =	vmul.f32 v17, v38  }
0x8e: {  	[tilespmem:s7+$0xFFFFFD40] =	vst v19  }
0x8f: {  	[tilespmem:s7+$0xFFFFFD50] =	vst v17  }
0x90: {  	v17 =	vld [tilespmem:s6+$0xFFFFFEB0];
	_ =	sdelay $0x4  }
0x91: {  	v42 =	vunpack.i.l.bf16.f32 v17  }
0x92: {  	v17 =	vunpack.i.u.bf16.f32 v17;
	v19 =	vmul.f32 v42, v38  }
0x93: {  	v17 =	vmul.f32 v17, v38  }
0x94: {  	[tilespmem:s7+$0xFFFFFD60] =	vst v19  }
0x95: {  	[tilespmem:s7+$0xFFFFFD70] =	vst v17  }
0x96: {  	v17 =	vld [tilespmem:s6+$0xFFFFFEC0];
	_ =	sdelay $0x3  }
0x97: {  	v43 =	vperm.xlane v16, v3  }
0x98: {  	v44 =	vunpack.i.l.bf16.f32 v17  }
0x99: {  	v17 =	vunpack.i.u.bf16.f32 v17;
	v19 =	vmul.f32 v44, v43  }
0x9a: {  	v17 =	vmul.f32 v17, v43  }
0x9b: {  	[tilespmem:s7+$0xFFFFFD80] =	vst v19  }
0x9c: {  	[tilespmem:s7+$0xFFFFFD90] =	vst v17  }
0x9d: {  	v17 =	vld [tilespmem:s6+$0xFFFFFED0];
	_ =	sdelay $0x4  }
0x9e: {  	v45 =	vunpack.i.l.bf16.f32 v17  }
0x9f: {  	v17 =	vunpack.i.u.bf16.f32 v17;
	v19 =	vmul.f32 v45, v43  }
0xa0: {  	v17 =	vmul.f32 v17, v43  }
0xa1: {  	[tilespmem:s7+$0xFFFFFDA0] =	vst v19  }
0xa2: {  	[tilespmem:s7+$0xFFFFFDB0] =	vst v17  }
0xa3: {  	v17 =	vld [tilespmem:s6+$0xFFFFFEE0];
	_ =	sdelay $0x4  }
0xa4: {  	v46 =	vunpack.i.l.bf16.f32 v17  }
0xa5: {  	v17 =	vunpack.i.u.bf16.f32 v17;
	v19 =	vmul.f32 v46, v43  }
0xa6: {  	v17 =	vmul.f32 v17, v43  }
0xa7: {  	[tilespmem:s7+$0xFFFFFDC0] =	vst v19  }
0xa8: {  	[tilespmem:s7+$0xFFFFFDD0] =	vst v17  }
0xa9: {  	v17 =	vld [tilespmem:s6+$0xFFFFFEF0];
	_ =	sdelay $0x4  }
0xaa: {  	v47 =	vunpack.i.l.bf16.f32 v17  }
0xab: {  	v17 =	vunpack.i.u.bf16.f32 v17;
	v19 =	vmul.f32 v47, v43  }
0xac: {  	v17 =	vmul.f32 v17, v43  }
0xad: {  	[tilespmem:s7+$0xFFFFFDE0] =	vst v19  }
0xae: {  	[tilespmem:s7+$0xFFFFFDF0] =	vst v17  }
0xaf: {  	v17 =	vld [tilespmem:s6+$0xFFFFFF00];
	_ =	sdelay $0x3  }
0xb0: {  	v48 =	vperm.xlane v16, v4  }
0xb1: {  	v49 =	vunpack.i.l.bf16.f32 v17  }
0xb2: {  	v17 =	vunpack.i.u.bf16.f32 v17;
	v19 =	vmul.f32 v49, v48  }
0xb3: {  	v17 =	vmul.f32 v17, v48  }
0xb4: {  	[tilespmem:s7+$0xFFFFFE00] =	vst v19  }
0xb5: {  	[tilespmem:s7+$0xFFFFFE10] =	vst v17  }
0xb6: {  	v17 =	vld [tilespmem:s6+$0xFFFFFF10];
	_ =	sdelay $0x4  }
0xb7: {  	v50 =	vunpack.i.l.bf16.f32 v17  }
0xb8: {  	v17 =	vunpack.i.u.bf16.f32 v17;
	v19 =	vmul.f32 v50, v48  }
0xb9: {  	v17 =	vmul.f32 v17, v48  }
0xba: {  	[tilespmem:s7+$0xFFFFFE20] =	vst v19  }
0xbb: {  	[tilespmem:s7+$0xFFFFFE30] =	vst v17  }
0xbc: {  	v17 =	vld [tilespmem:s6+$0xFFFFFF20];
	_ =	sdelay $0x4  }
0xbd: {  	v51 =	vunpack.i.l.bf16.f32 v17  }
0xbe: {  	v17 =	vunpack.i.u.bf16.f32 v17;
	v19 =	vmul.f32 v51, v48  }
0xbf: {  	v17 =	vmul.f32 v17, v48  }
0xc0: {  	[tilespmem:s7+$0xFFFFFE40] =	vst v19  }
0xc1: {  	[tilespmem:s7+$0xFFFFFE50] =	vst v17  }
0xc2: {  	v17 =	vld [tilespmem:s6+$0xFFFFFF30];
	_ =	sdelay $0x4  }
0xc3: {  	v52 =	vunpack.i.l.bf16.f32 v17  }
0xc4: {  	v17 =	vunpack.i.u.bf16.f32 v17;
	v19 =	vmul.f32 v52, v48  }
0xc5: {  	v17 =	vmul.f32 v17, v48  }
0xc6: {  	[tilespmem:s7+$0xFFFFFE60] =	vst v19  }
0xc7: {  	[tilespmem:s7+$0xFFFFFE70] =	vst v17  }
0xc8: {  	v17 =	vld [tilespmem:s6+$0xFFFFFF40];
	_ =	sdelay $0x3  }
0xc9: {  	v53 =	vperm.xlane v16, v5  }
0xca: {  	v54 =	vunpack.i.l.bf16.f32 v17  }
0xcb: {  	v17 =	vunpack.i.u.bf16.f32 v17;
	v19 =	vmul.f32 v54, v53  }
0xcc: {  	v17 =	vmul.f32 v17, v53  }
0xcd: {  	[tilespmem:s7+$0xFFFFFE80] =	vst v19  }
0xce: {  	[tilespmem:s7+$0xFFFFFE90] =	vst v17  }
0xcf: {  	v17 =	vld [tilespmem:s6+$0xFFFFFF50];
	_ =	sdelay $0x4  }
0xd0: {  	v55 =	vunpack.i.l.bf16.f32 v17  }
0xd1: {  	v17 =	vunpack.i.u.bf16.f32 v17;
	v19 =	vmul.f32 v55, v53  }
0xd2: {  	v17 =	vmul.f32 v17, v53  }
0xd3: {  	[tilespmem:s7+$0xFFFFFEA0] =	vst v19  }
0xd4: {  	[tilespmem:s7+$0xFFFFFEB0] =	vst v17  }
0xd5: {  	v17 =	vld [tilespmem:s6+$0xFFFFFF60];
	_ =	sdelay $0x4  }
0xd6: {  	v56 =	vunpack.i.l.bf16.f32 v17  }
0xd7: {  	v17 =	vunpack.i.u.bf16.f32 v17;
	v19 =	vmul.f32 v56, v53  }
0xd8: {  	v17 =	vmul.f32 v17, v53  }
0xd9: {  	[tilespmem:s7+$0xFFFFFEC0] =	vst v19  }
0xda: {  	[tilespmem:s7+$0xFFFFFED0] =	vst v17  }
0xdb: {  	v17 =	vld [tilespmem:s6+$0xFFFFFF70];
	_ =	sdelay $0x4  }
0xdc: {  	v57 =	vunpack.i.l.bf16.f32 v17  }
0xdd: {  	v17 =	vunpack.i.u.bf16.f32 v17;
	v19 =	vmul.f32 v57, v53  }
0xde: {  	v17 =	vmul.f32 v17, v53  }
0xdf: {  	[tilespmem:s7+$0xFFFFFEE0] =	vst v19  }
0xe0: {  	[tilespmem:s7+$0xFFFFFEF0] =	vst v17  }
0xe1: {  	v17 =	vld [tilespmem:s6+$0xFFFFFF80];
	_ =	sdelay $0x3  }
0xe2: {  	v58 =	vperm.xlane v16, v6  }
0xe3: {  	v59 =	vunpack.i.l.bf16.f32 v17  }
0xe4: {  	v17 =	vunpack.i.u.bf16.f32 v17;
	v19 =	vmul.f32 v59, v58  }
0xe5: {  	v17 =	vmul.f32 v17, v58  }
0xe6: {  	[tilespmem:s7+$0xFFFFFF00] =	vst v19  }
0xe7: {  	[tilespmem:s7+$0xFFFFFF10] =	vst v17  }
0xe8: {  	v17 =	vld [tilespmem:s6+$0xFFFFFF90];
	_ =	sdelay $0x4  }
0xe9: {  	v60 =	vunpack.i.l.bf16.f32 v17  }
0xea: {  	v17 =	vunpack.i.u.bf16.f32 v17;
	v19 =	vmul.f32 v60, v58  }
0xeb: {  	v17 =	vmul.f32 v17, v58  }
0xec: {  	[tilespmem:s7+$0xFFFFFF20] =	vst v19  }
0xed: {  	[tilespmem:s7+$0xFFFFFF30] =	vst v17  }
0xee: {  	v17 =	vld [tilespmem:s6+$0xFFFFFFA0];
	_ =	sdelay $0x4  }
0xef: {  	v61 =	vunpack.i.l.bf16.f32 v17  }
0xf0: {  	v17 =	vunpack.i.u.bf16.f32 v17;
	v19 =	vmul.f32 v61, v58  }
0xf1: {  	v17 =	vmul.f32 v17, v58  }
0xf2: {  	[tilespmem:s7+$0xFFFFFF40] =	vst v19  }
0xf3: {  	[tilespmem:s7+$0xFFFFFF50] =	vst v17  }
0xf4: {  	v17 =	vld [tilespmem:s6+$0xFFFFFFB0];
	_ =	sdelay $0x4  }
0xf5: {  	v62 =	vunpack.i.l.bf16.f32 v17  }
0xf6: {  	v17 =	vunpack.i.u.bf16.f32 v17;
	v19 =	vmul.f32 v62, v58  }
0xf7: {  	v17 =	vmul.f32 v17, v58  }
0xf8: {  	[tilespmem:s7+$0xFFFFFF60] =	vst v19  }
0xf9: {  	[tilespmem:s7+$0xFFFFFF70] =	vst v17  }
0xfa: {  	v17 =	vld [tilespmem:s6+$0xFFFFFFC0];
	_ =	sdelay $0x3  }
0xfb: {  	v63 =	vperm.xlane v16, v7  }
0xfc: {  	v21 =	vunpack.i.l.bf16.f32 v17  }
0xfd: {  	v17 =	vunpack.i.u.bf16.f32 v17;
	v19 =	vmul.f32 v21, v63  }
0xfe: {  	v17 =	vmul.f32 v17, v63  }
0xff: {  	[tilespmem:s7+$0xFFFFFF80] =	vst v19  }
0x100: {  	[tilespmem:s7+$0xFFFFFF90] =	vst v17  }
0x101: {  	v17 =	vld [tilespmem:s6+$0xFFFFFFD0];
	_ =	sdelay $0x4  }
0x102: {  	v22 =	vunpack.i.l.bf16.f32 v17  }
0x103: {  	v17 =	vunpack.i.u.bf16.f32 v17;
	v19 =	vmul.f32 v22, v63  }
0x104: {  	v17 =	vmul.f32 v17, v63  }
0x105: {  	[tilespmem:s7+$0xFFFFFFA0] =	vst v19  }
0x106: {  	[tilespmem:s7+$0xFFFFFFB0] =	vst v17  }
0x107: {  	v17 =	vld [tilespmem:s6+$0xFFFFFFE0];
	_ =	sdelay $0x4  }
0x108: {  	v23 =	vunpack.i.l.bf16.f32 v17  }
0x109: {  	v17 =	vunpack.i.u.bf16.f32 v17;
	v19 =	vmul.f32 v23, v63  }
0x10a: {  	v17 =	vmul.f32 v17, v63  }
0x10b: {  	[tilespmem:s7+$0xFFFFFFC0] =	vst v19  }
0x10c: {  	[tilespmem:s7+$0xFFFFFFD0] =	vst v17  }
0x10d: {  	v17 =	vld [tilespmem:s6+$0xFFFFFFF0];
	_ =	sdelay $0x4  }
0x10e: {  	v24 =	vunpack.i.l.bf16.f32 v17  }
0x10f: {  	v17 =	vunpack.i.u.bf16.f32 v17;
	v19 =	vmul.f32 v24, v63  }
0x110: {  	v17 =	vmul.f32 v17, v63  }
0x111: {  	[tilespmem:s7+$0xFFFFFFE0] =	vst v19  }
0x112: {  	[tilespmem:s7+$0xFFFFFFF0] =	vst v17  }
0x113: {  	v17 =	vld [tilespmem:s6+$0x0];
	_ =	sdelay $0x3  }
0x114: {  	v25 =	vperm.xlane v16, v8  }
0x115: {  	v26 =	vunpack.i.l.bf16.f32 v17  }
0x116: {  	v17 =	vunpack.i.u.bf16.f32 v17;
	v19 =	vmul.f32 v26, v25  }
0x117: {  	v17 =	vmul.f32 v17, v25  }
0x118: {  	[tilespmem:s7+$0x0] =	vst v19  }
0x119: {  	[tilespmem:s7+$0x10] =	vst v17  }
0x11a: {  	v17 =	vld [tilespmem:s6+$0x10];
	_ =	sdelay $0x4  }
0x11b: {  	v27 =	vunpack.i.l.bf16.f32 v17  }
0x11c: {  	v17 =	vunpack.i.u.bf16.f32 v17;
	v19 =	vmul.f32 v27, v25  }
0x11d: {  	v17 =	vmul.f32 v17, v25  }
0x11e: {  	[tilespmem:s7+$0x20] =	vst v19  }
0x11f: {  	[tilespmem:s7+$0x30] =	vst v17  }
0x120: {  	v17 =	vld [tilespmem:s6+$0x20];
	_ =	sdelay $0x4  }
0x121: {  	v28 =	vunpack.i.l.bf16.f32 v17  }
0x122: {  	v17 =	vunpack.i.u.bf16.f32 v17;
	v19 =	vmul.f32 v28, v25  }
0x123: {  	v17 =	vmul.f32 v17, v25  }
0x124: {  	[tilespmem:s7+$0x40] =	vst v19  }
0x125: {  	[tilespmem:s7+$0x50] =	vst v17  }
0x126: {  	v17 =	vld [tilespmem:s6+$0x30];
	_ =	sdelay $0x4  }
0x127: {  	v29 =	vunpack.i.l.bf16.f32 v17  }
0x128: {  	v17 =	vunpack.i.u.bf16.f32 v17;
	v19 =	vmul.f32 v29, v25  }
0x129: {  	v17 =	vmul.f32 v17, v25  }
0x12a: {  	[tilespmem:s7+$0x60] =	vst v19  }
0x12b: {  	[tilespmem:s7+$0x70] =	vst v17  }
0x12c: {  	v17 =	vld [tilespmem:s6+$0x40];
	_ =	sdelay $0x3  }
0x12d: {  	v30 =	vperm.xlane v16, v9  }
0x12e: {  	v31 =	vunpack.i.l.bf16.f32 v17  }
0x12f: {  	v17 =	vunpack.i.u.bf16.f32 v17;
	v19 =	vmul.f32 v31, v30  }
0x130: {  	v17 =	vmul.f32 v17, v30  }
0x131: {  	[tilespmem:s7+$0x80] =	vst v19  }
0x132: {  	[tilespmem:s7+$0x90] =	vst v17  }
0x133: {  	v17 =	vld [tilespmem:s6+$0x50];
	_ =	sdelay $0x4  }
0x134: {  	v32 =	vunpack.i.l.bf16.f32 v17  }
0x135: {  	v17 =	vunpack.i.u.bf16.f32 v17;
	v19 =	vmul.f32 v32, v30  }
0x136: {  	v17 =	vmul.f32 v17, v30  }
0x137: {  	[tilespmem:s7+$0xA0] =	vst v19  }
0x138: {  	[tilespmem:s7+$0xB0] =	vst v17  }
0x139: {  	v17 =	vld [tilespmem:s6+$0x60];
	_ =	sdelay $0x4  }
0x13a: {  	v33 =	vunpack.i.l.bf16.f32 v17  }
0x13b: {  	v17 =	vunpack.i.u.bf16.f32 v17;
	v19 =	vmul.f32 v33, v30  }
0x13c: {  	v17 =	vmul.f32 v17, v30  }
0x13d: {  	[tilespmem:s7+$0xC0] =	vst v19  }
0x13e: {  	[tilespmem:s7+$0xD0] =	vst v17  }
0x13f: {  	v17 =	vld [tilespmem:s6+$0x70];
	_ =	sdelay $0x4  }
0x140: {  	v34 =	vunpack.i.l.bf16.f32 v17  }
0x141: {  	v17 =	vunpack.i.u.bf16.f32 v17;
	v19 =	vmul.f32 v34, v30  }
0x142: {  	v17 =	vmul.f32 v17, v30  }
0x143: {  	[tilespmem:s7+$0xE0] =	vst v19  }
0x144: {  	[tilespmem:s7+$0xF0] =	vst v17  }
0x145: {  	v17 =	vld [tilespmem:s6+$0x80];
	_ =	sdelay $0x3  }
0x146: {  	v35 =	vperm.xlane v16, v10  }
0x147: {  	v36 =	vunpack.i.l.bf16.f32 v17  }
0x148: {  	v17 =	vunpack.i.u.bf16.f32 v17;
	v19 =	vmul.f32 v36, v35  }
0x149: {  	v17 =	vmul.f32 v17, v35  }
0x14a: {  	[tilespmem:s7+$0x100] =	vst v19  }
0x14b: {  	[tilespmem:s7+$0x110] =	vst v17  }
0x14c: {  	v17 =	vld [tilespmem:s6+$0x90];
	_ =	sdelay $0x4  }
0x14d: {  	v37 =	vunpack.i.l.bf16.f32 v17  }
0x14e: {  	v17 =	vunpack.i.u.bf16.f32 v17;
	v19 =	vmul.f32 v37, v35  }
0x14f: {  	v17 =	vmul.f32 v17, v35  }
0x150: {  	[tilespmem:s7+$0x120] =	vst v19  }
0x151: {  	[tilespmem:s7+$0x130] =	vst v17  }
0x152: {  	v17 =	vld [tilespmem:s6+$0xA0];
	_ =	sdelay $0x4  }
0x153: {  	v38 =	vunpack.i.l.bf16.f32 v17  }
0x154: {  	v17 =	vunpack.i.u.bf16.f32 v17;
	v19 =	vmul.f32 v38, v35  }
0x155: {  	v17 =	vmul.f32 v17, v35  }
0x156: {  	[tilespmem:s7+$0x140] =	vst v19  }
0x157: {  	[tilespmem:s7+$0x150] =	vst v17  }
0x158: {  	v17 =	vld [tilespmem:s6+$0xB0];
	_ =	sdelay $0x4  }
0x159: {  	v39 =	vunpack.i.l.bf16.f32 v17  }
0x15a: {  	v17 =	vunpack.i.u.bf16.f32 v17;
	v19 =	vmul.f32 v39, v35  }
0x15b: {  	v17 =	vmul.f32 v17, v35  }
0x15c: {  	[tilespmem:s7+$0x160] =	vst v19  }
0x15d: {  	[tilespmem:s7+$0x170] =	vst v17  }
0x15e: {  	v17 =	vld [tilespmem:s6+$0xC0];
	_ =	sdelay $0x3  }
0x15f: {  	v40 =	vperm.xlane v16, v11  }
0x160: {  	v41 =	vunpack.i.l.bf16.f32 v17  }
0x161: {  	v17 =	vunpack.i.u.bf16.f32 v17;
	v19 =	vmul.f32 v41, v40  }
0x162: {  	v17 =	vmul.f32 v17, v40  }
0x163: {  	[tilespmem:s7+$0x180] =	vst v19  }
0x164: {  	[tilespmem:s7+$0x190] =	vst v17  }
0x165: {  	v17 =	vld [tilespmem:s6+$0xD0];
	_ =	sdelay $0x4  }
0x166: {  	v42 =	vunpack.i.l.bf16.f32 v17  }
0x167: {  	v17 =	vunpack.i.u.bf16.f32 v17;
	v19 =	vmul.f32 v42, v40  }
0x168: {  	v17 =	vmul.f32 v17, v40  }
0x169: {  	[tilespmem:s7+$0x1A0] =	vst v19  }
0x16a: {  	[tilespmem:s7+$0x1B0] =	vst v17  }
0x16b: {  	v17 =	vld [tilespmem:s6+$0xE0];
	_ =	sdelay $0x4  }
0x16c: {  	v43 =	vunpack.i.l.bf16.f32 v17  }
0x16d: {  	v17 =	vunpack.i.u.bf16.f32 v17;
	v19 =	vmul.f32 v43, v40  }
0x16e: {  	v17 =	vmul.f32 v17, v40  }
0x16f: {  	[tilespmem:s7+$0x1C0] =	vst v19  }
0x170: {  	[tilespmem:s7+$0x1D0] =	vst v17  }
0x171: {  	v17 =	vld [tilespmem:s6+$0xF0];
	_ =	sdelay $0x4  }
0x172: {  	v44 =	vunpack.i.l.bf16.f32 v17  }
0x173: {  	v17 =	vunpack.i.u.bf16.f32 v17;
	v19 =	vmul.f32 v44, v40  }
0x174: {  	v17 =	vmul.f32 v17, v40  }
0x175: {  	[tilespmem:s7+$0x1E0] =	vst v19  }
0x176: {  	[tilespmem:s7+$0x1F0] =	vst v17  }
0x177: {  	v17 =	vld [tilespmem:s6+$0x100];
	_ =	sdelay $0x3  }
0x178: {  	v45 =	vperm.xlane v16, v12  }
0x179: {  	v46 =	vunpack.i.l.bf16.f32 v17  }
0x17a: {  	v17 =	vunpack.i.u.bf16.f32 v17;
	v19 =	vmul.f32 v46, v45  }
0x17b: {  	v17 =	vmul.f32 v17, v45  }
0x17c: {  	[tilespmem:s7+$0x200] =	vst v19  }
0x17d: {  	[tilespmem:s7+$0x210] =	vst v17  }
0x17e: {  	v17 =	vld [tilespmem:s6+$0x110];
	_ =	sdelay $0x4  }
0x17f: {  	v47 =	vunpack.i.l.bf16.f32 v17  }
0x180: {  	v17 =	vunpack.i.u.bf16.f32 v17;
	v19 =	vmul.f32 v47, v45  }
0x181: {  	v17 =	vmul.f32 v17, v45  }
0x182: {  	[tilespmem:s7+$0x220] =	vst v19  }
0x183: {  	[tilespmem:s7+$0x230] =	vst v17  }
0x184: {  	v17 =	vld [tilespmem:s6+$0x120];
	_ =	sdelay $0x4  }
0x185: {  	v48 =	vunpack.i.l.bf16.f32 v17  }
0x186: {  	v17 =	vunpack.i.u.bf16.f32 v17;
	v19 =	vmul.f32 v48, v45  }
0x187: {  	v17 =	vmul.f32 v17, v45  }
0x188: {  	[tilespmem:s7+$0x240] =	vst v19  }
0x189: {  	[tilespmem:s7+$0x250] =	vst v17  }
0x18a: {  	v17 =	vld [tilespmem:s6+$0x130];
	_ =	sdelay $0x4  }
0x18b: {  	v49 =	vunpack.i.l.bf16.f32 v17  }
0x18c: {  	v17 =	vunpack.i.u.bf16.f32 v17;
	v19 =	vmul.f32 v49, v45  }
0x18d: {  	v17 =	vmul.f32 v17, v45  }
0x18e: {  	[tilespmem:s7+$0x260] =	vst v19  }
0x18f: {  	[tilespmem:s7+$0x270] =	vst v17  }
0x190: {  	v17 =	vld [tilespmem:s6+$0x140];
	_ =	sdelay $0x3  }
0x191: {  	v50 =	vperm.xlane v16, v13  }
0x192: {  	v51 =	vunpack.i.l.bf16.f32 v17  }
0x193: {  	v17 =	vunpack.i.u.bf16.f32 v17;
	v19 =	vmul.f32 v51, v50  }
0x194: {  	v17 =	vmul.f32 v17, v50  }
0x195: {  	[tilespmem:s7+$0x280] =	vst v19  }
0x196: {  	[tilespmem:s7+$0x290] =	vst v17  }
0x197: {  	v17 =	vld [tilespmem:s6+$0x150];
	_ =	sdelay $0x4  }
0x198: {  	v52 =	vunpack.i.l.bf16.f32 v17  }
0x199: {  	v17 =	vunpack.i.u.bf16.f32 v17;
	v19 =	vmul.f32 v52, v50  }
0x19a: {  	v17 =	vmul.f32 v17, v50  }
0x19b: {  	[tilespmem:s7+$0x2A0] =	vst v19  }
0x19c: {  	[tilespmem:s7+$0x2B0] =	vst v17  }
0x19d: {  	v17 =	vld [tilespmem:s6+$0x160];
	_ =	sdelay $0x4  }
0x19e: {  	v53 =	vunpack.i.l.bf16.f32 v17  }
0x19f: {  	v17 =	vunpack.i.u.bf16.f32 v17;
	v19 =	vmul.f32 v53, v50  }
0x1a0: {  	v17 =	vmul.f32 v17, v50  }
0x1a1: {  	[tilespmem:s7+$0x2C0] =	vst v19  }
0x1a2: {  	[tilespmem:s7+$0x2D0] =	vst v17  }
0x1a3: {  	v17 =	vld [tilespmem:s6+$0x170];
	_ =	sdelay $0x4  }
0x1a4: {  	v54 =	vunpack.i.l.bf16.f32 v17  }
0x1a5: {  	v17 =	vunpack.i.u.bf16.f32 v17;
	v19 =	vmul.f32 v54, v50  }
0x1a6: {  	v17 =	vmul.f32 v17, v50  }
0x1a7: {  	[tilespmem:s7+$0x2E0] =	vst v19  }
0x1a8: {  	[tilespmem:s7+$0x2F0] =	vst v17  }
0x1a9: {  	v17 =	vld [tilespmem:s6+$0x180];
	_ =	sdelay $0x3  }
0x1aa: {  	v55 =	vperm.xlane v16, v14  }
0x1ab: {  	v56 =	vunpack.i.l.bf16.f32 v17  }
0x1ac: {  	v17 =	vunpack.i.u.bf16.f32 v17;
	v19 =	vmul.f32 v56, v55  }
0x1ad: {  	v17 =	vmul.f32 v17, v55  }
0x1ae: {  	[tilespmem:s7+$0x300] =	vst v19  }
0x1af: {  	[tilespmem:s7+$0x310] =	vst v17  }
0x1b0: {  	v17 =	vld [tilespmem:s6+$0x190];
	_ =	sdelay $0x4  }
0x1b1: {  	v57 =	vunpack.i.l.bf16.f32 v17  }
0x1b2: {  	v17 =	vunpack.i.u.bf16.f32 v17;
	v19 =	vmul.f32 v57, v55  }
0x1b3: {  	v17 =	vmul.f32 v17, v55  }
0x1b4: {  	[tilespmem:s7+$0x320] =	vst v19  }
0x1b5: {  	[tilespmem:s7+$0x330] =	vst v17  }
0x1b6: {  	v17 =	vld [tilespmem:s6+$0x1A0];
	_ =	sdelay $0x4  }
0x1b7: {  	v58 =	vunpack.i.l.bf16.f32 v17  }
0x1b8: {  	v17 =	vunpack.i.u.bf16.f32 v17;
	v19 =	vmul.f32 v58, v55  }
0x1b9: {  	v17 =	vmul.f32 v17, v55  }
0x1ba: {  	[tilespmem:s7+$0x340] =	vst v19  }
0x1bb: {  	[tilespmem:s7+$0x350] =	vst v17  }
0x1bc: {  	v17 =	vld [tilespmem:s6+$0x1B0];
	_ =	sdelay $0x4  }
0x1bd: {  	v59 =	vunpack.i.l.bf16.f32 v17  }
0x1be: {  	v17 =	vunpack.i.u.bf16.f32 v17;
	v19 =	vmul.f32 v59, v55  }
0x1bf: {  	v17 =	vmul.f32 v17, v55  }
0x1c0: {  	[tilespmem:s7+$0x360] =	vst v19  }
0x1c1: {  	[tilespmem:s7+$0x370] =	vst v17  }
0x1c2: {  	v17 =	vld [tilespmem:s6+$0x1C0];
	_ =	sdelay $0x3  }
0x1c3: {  	v16 =	vperm.xlane v16, v15  }
0x1c4: {  	v60 =	vunpack.i.l.bf16.f32 v17  }
0x1c5: {  	v17 =	vunpack.i.u.bf16.f32 v17;
	v18 =	vmul.f32 v60, v16  }
0x1c6: {  	v17 =	vmul.f32 v17, v16  }
0x1c7: {  	[tilespmem:s7+$0x380] =	vst v18  }
0x1c8: {  	[tilespmem:s7+$0x390] =	vst v17  }
0x1c9: {  	v17 =	vld [tilespmem:s6+$0x1D0];
	_ =	sdelay $0x4  }
0x1ca: {  	v61 =	vunpack.i.l.bf16.f32 v17  }
0x1cb: {  	v17 =	vunpack.i.u.bf16.f32 v17;
	v18 =	vmul.f32 v61, v16  }
0x1cc: {  	v17 =	vmul.f32 v17, v16  }
0x1cd: {  	[tilespmem:s7+$0x3A0] =	vst v18  }
0x1ce: {  	[tilespmem:s7+$0x3B0] =	vst v17  }
0x1cf: {  	v17 =	vld [tilespmem:s6+$0x1E0];
	_ =	sdelay $0x4  }
0x1d0: {  	v62 =	vunpack.i.l.bf16.f32 v17  }
0x1d1: {  	v17 =	vunpack.i.u.bf16.f32 v17;
	v18 =	vmul.f32 v62, v16  }
0x1d2: {  	v17 =	vmul.f32 v17, v16  }
0x1d3: {  	[tilespmem:s7+$0x3C0] =	vst v18  }
0x1d4: {  	[tilespmem:s7+$0x3D0] =	vst v17  }
0x1d5: {  	v17 =	vld [tilespmem:s6+$0x1F0];
	_ =	sdelay $0x3  }
0x1d6: {  	p2 =	sne.s32 s14, $0x1C0  }
.Ltmp2:
0x1d7: {  	v63 =	vunpack.i.l.bf16.f32 v17;
	(pc) =	sbr.rel @p2 .LBB2_3-.Ltmp2, $4  }
0x1d8: {  	v17 =	vunpack.i.u.bf16.f32 v17;
	v18 =	vmul.f32 v63, v16  }
0x1d9: {  	v16 =	vmul.f32 v17, v16  }
0x1da: {  	[tilespmem:s7+$0x3E0] =	vst v18  }
0x1db: {  	s14 =	sadd.s32 $0x40, s14;
	s6 =	sadd.s32 $0x400, s6;
	[tilespmem:s7+$0x3F0] =	vst v16;
	s7 =	sadd.s32 $0x800, s7  }
0x1dc: {  	v16 =	vld [tilespmem:$0x4080]  }
0x1dd: {  	v17 =	vld [tilespmem:$0x4090]  }
0x1de: {  	v18 =	vld [tilespmem:$0x40A0]  }
0x1df: {  	v19 =	vld [tilespmem:$0x40B0]  }
0x1e0: {  	v20 =	vld [tilespmem:$0x40C0]  }
0x1e1: {  	v63 =	vld [tilespmem:$0x40F0];
	[tilespmem:$0xC400] =	vst v16  }
0x1e2: {  	v16 =	vld [tilespmem:$0x40D0];
	[tilespmem:$0xC410] =	vst v17  }
0x1e3: {  	v17 =	vld [tilespmem:$0x40E0];
	[tilespmem:$0xC420] =	vst v18  }
0x1e4: {  	p2 =	sne.s32 s9, $0x27;
	[tilespmem:$0xC430] =	vst v19  }
.Ltmp3:
0x1e5: {  	[tilespmem:$0xC440] =	vst v20;
	(pc) =	sbr.rel @p2 .LBB2_6-.Ltmp3, $4  }
0x1e6: {  	[tilespmem:$0xC470] =	vst v63  }
0x1e7: {  	[tilespmem:$0xC450] =	vst v16  }
0x1e8: {  	[tilespmem:$0xC460] =	vst v17  }
0x1e9: {  	[spmem:s1] =	stream.indirect.scatter.add.f32 [tilespmem:s26], [sflag:$0x5], $0x80, s25, s17, $0xb8;
	[tilespmem:$0x1FD80] =	vst v63  }
.Ltmp4:
0x1ea: {  	(pc) =	sbr.rel .LBB2_7-.Ltmp4, $4  }
0x1eb: {  	_ = 	snop  }
0x1ec: {  	_ =	swait.ge [sflag:s28], $0x2000  }
0x1ed: {  	[sflag:s28] =	ssyncset.done $0x0  }
0x1ee: {  	[sflag:s28] =	ssyncadd.s32 $0xFFFFE000  }
.LBB2_6:
0x1ef: {  	s0 =	sadd.s32 s10, s11  }
0x1f0: {  	s0 =	sshrl.u32 s0, $0x3  }
0x1f1: {  	s0 =	sadd.s32 s5, s0  }
0x1f2: {  	[tilespmem:s15], [sflag:$0x3] =	stream.linear.gather [hbm4b:s0+s3], $0x200, $0x38;
	[tilespmem:$0x1FD80] =	vst v63  }
0x1f3: {  	_ =	swait.ge [sflag:s2], $0x200  }
0x1f4: {  	[sflag:s2] =	ssyncset.done $0x0  }
.Ltmp5:
0x1f5: {  	[sflag:s2] =	ssyncadd.s32 $0xFFFFFE00;
	(pc) =	sbr.rel @p1 .LBB2_8-.Ltmp5, $4  }
0x1f6: {  	[tilespmem:s3], [sflag:$0x1] =	stream.indirect.gather [hbm4b:s4+s17], $0x40, s15, s17, $0xb8;
	[tilespmem:$0x1FD80] =	vst v63  }
0x1f7: {  	_ =	swait.ge [sflag:s28], $0x2000  }
0x1f8: {  	[sflag:s28] =	ssyncset.done $0x0  }
0x1f9: {  	[sflag:s28] =	ssyncadd.s32 $0xFFFFE000  }
.LBB2_7:
0x1fa: {  	_ =	swait.ge [sflag:s29], $0x4000  }
0x1fb: {  	[sflag:s29] =	ssyncset.done $0x0  }
0x1fc: {  	[sflag:s29] =	ssyncadd.s32 $0xFFFFC000  }
.LBB2_8:
0x1fd: {  	s14 =	simm.s32 $0x0;
	s6 =	simm.s32 $0x2200;
	s7 =	simm.s32 $0x8800  }
.LBB2_9:
0x1fe: {  	s0 =	sshra.s32 s14, $0x2  }
0x1ff: {  	v16 =	vld [tilespmem:s0+$0x4300]  }
0x200: {  	v17 =	vld [tilespmem:s6+$0xFFFFFE00];
	_ =	sdelay $0x3  }
0x201: {  	v18 =	vperm.xlane v16, v0  }
0x202: {  	v19 =	vunpack.i.l.bf16.f32 v17  }
0x203: {  	v17 =	vunpack.i.u.bf16.f32 v17;
	v19 =	vmul.f32 v19, v18  }
0x204: {  	v17 =	vmul.f32 v17, v18  }
0x205: {  	[tilespmem:s7+$0xFFFFFC00] =	vst v19  }
0x206: {  	[tilespmem:s7+$0xFFFFFC10] =	vst v17  }
0x207: {  	v17 =	vld [tilespmem:s6+$0xFFFFFE10];
	_ =	sdelay $0x4  }
0x208: {  	v30 =	vunpack.i.l.bf16.f32 v17  }
0x209: {  	v17 =	vunpack.i.u.bf16.f32 v17;
	v19 =	vmul.f32 v30, v18  }
0x20a: {  	v17 =	vmul.f32 v17, v18  }
0x20b: {  	[tilespmem:s7+$0xFFFFFC20] =	vst v19  }
0x20c: {  	[tilespmem:s7+$0xFFFFFC30] =	vst v17  }
0x20d: {  	v17 =	vld [tilespmem:s6+$0xFFFFFE20];
	_ =	sdelay $0x4  }
0x20e: {  	v31 =	vunpack.i.l.bf16.f32 v17  }
0x20f: {  	v17 =	vunpack.i.u.bf16.f32 v17;
	v19 =	vmul.f32 v31, v18  }
0x210: {  	v17 =	vmul.f32 v17, v18  }
0x211: {  	[tilespmem:s7+$0xFFFFFC40] =	vst v19  }
0x212: {  	[tilespmem:s7+$0xFFFFFC50] =	vst v17  }
0x213: {  	v17 =	vld [tilespmem:s6+$0xFFFFFE30];
	_ =	sdelay $0x4  }
0x214: {  	v32 =	vunpack.i.l.bf16.f32 v17  }
0x215: {  	v17 =	vunpack.i.u.bf16.f32 v17;
	v19 =	vmul.f32 v32, v18  }
0x216: {  	v17 =	vmul.f32 v17, v18  }
0x217: {  	[tilespmem:s7+$0xFFFFFC60] =	vst v19  }
0x218: {  	[tilespmem:s7+$0xFFFFFC70] =	vst v17  }
0x219: {  	v17 =	vld [tilespmem:s6+$0xFFFFFE40];
	_ =	sdelay $0x3  }
0x21a: {  	v33 =	vperm.xlane v16, v1  }
0x21b: {  	v34 =	vunpack.i.l.bf16.f32 v17  }
0x21c: {  	v17 =	vunpack.i.u.bf16.f32 v17;
	v19 =	vmul.f32 v34, v33  }
0x21d: {  	v17 =	vmul.f32 v17, v33  }
0x21e: {  	[tilespmem:s7+$0xFFFFFC80] =	vst v19  }
0x21f: {  	[tilespmem:s7+$0xFFFFFC90] =	vst v17  }
0x220: {  	v17 =	vld [tilespmem:s6+$0xFFFFFE50];
	_ =	sdelay $0x4  }
0x221: {  	v35 =	vunpack.i.l.bf16.f32 v17  }
0x222: {  	v17 =	vunpack.i.u.bf16.f32 v17;
	v19 =	vmul.f32 v35, v33  }
0x223: {  	v17 =	vmul.f32 v17, v33  }
0x224: {  	[tilespmem:s7+$0xFFFFFCA0] =	vst v19  }
0x225: {  	[tilespmem:s7+$0xFFFFFCB0] =	vst v17  }
0x226: {  	v17 =	vld [tilespmem:s6+$0xFFFFFE60];
	_ =	sdelay $0x4  }
0x227: {  	v36 =	vunpack.i.l.bf16.f32 v17  }
0x228: {  	v17 =	vunpack.i.u.bf16.f32 v17;
	v19 =	vmul.f32 v36, v33  }
0x229: {  	v17 =	vmul.f32 v17, v33  }
0x22a: {  	[tilespmem:s7+$0xFFFFFCC0] =	vst v19  }
0x22b: {  	[tilespmem:s7+$0xFFFFFCD0] =	vst v17  }
0x22c: {  	v17 =	vld [tilespmem:s6+$0xFFFFFE70];
	_ =	sdelay $0x4  }
0x22d: {  	v37 =	vunpack.i.l.bf16.f32 v17  }
0x22e: {  	v17 =	vunpack.i.u.bf16.f32 v17;
	v19 =	vmul.f32 v37, v33  }
0x22f: {  	v17 =	vmul.f32 v17, v33  }
0x230: {  	[tilespmem:s7+$0xFFFFFCE0] =	vst v19  }
0x231: {  	[tilespmem:s7+$0xFFFFFCF0] =	vst v17  }
0x232: {  	v17 =	vld [tilespmem:s6+$0xFFFFFE80];
	_ =	sdelay $0x3  }
0x233: {  	v38 =	vperm.xlane v16, v2  }
0x234: {  	v39 =	vunpack.i.l.bf16.f32 v17  }
0x235: {  	v17 =	vunpack.i.u.bf16.f32 v17;
	v19 =	vmul.f32 v39, v38  }
0x236: {  	v17 =	vmul.f32 v17, v38  }
0x237: {  	[tilespmem:s7+$0xFFFFFD00] =	vst v19  }
0x238: {  	[tilespmem:s7+$0xFFFFFD10] =	vst v17  }
0x239: {  	v17 =	vld [tilespmem:s6+$0xFFFFFE90];
	_ =	sdelay $0x4  }
0x23a: {  	v40 =	vunpack.i.l.bf16.f32 v17  }
0x23b: {  	v17 =	vunpack.i.u.bf16.f32 v17;
	v19 =	vmul.f32 v40, v38  }
0x23c: {  	v17 =	vmul.f32 v17, v38  }
0x23d: {  	[tilespmem:s7+$0xFFFFFD20] =	vst v19  }
0x23e: {  	[tilespmem:s7+$0xFFFFFD30] =	vst v17  }
0x23f: {  	v17 =	vld [tilespmem:s6+$0xFFFFFEA0];
	_ =	sdelay $0x4  }
0x240: {  	v41 =	vunpack.i.l.bf16.f32 v17  }
0x241: {  	v17 =	vunpack.i.u.bf16.f32 v17;
	v19 =	vmul.f32 v41, v38  }
0x242: {  	v17 =	vmul.f32 v17, v38  }
0x243: {  	[tilespmem:s7+$0xFFFFFD40] =	vst v19  }
0x244: {  	[tilespmem:s7+$0xFFFFFD50] =	vst v17  }
0x245: {  	v17 =	vld [tilespmem:s6+$0xFFFFFEB0];
	_ =	sdelay $0x4  }
0x246: {  	v42 =	vunpack.i.l.bf16.f32 v17  }
0x247: {  	v17 =	vunpack.i.u.bf16.f32 v17;
	v19 =	vmul.f32 v42, v38  }
0x248: {  	v17 =	vmul.f32 v17, v38  }
0x249: {  	[tilespmem:s7+$0xFFFFFD60] =	vst v19  }
0x24a: {  	[tilespmem:s7+$0xFFFFFD70] =	vst v17  }
0x24b: {  	v17 =	vld [tilespmem:s6+$0xFFFFFEC0];
	_ =	sdelay $0x3  }
0x24c: {  	v43 =	vperm.xlane v16, v3  }
0x24d: {  	v44 =	vunpack.i.l.bf16.f32 v17  }
0x24e: {  	v17 =	vunpack.i.u.bf16.f32 v17;
	v19 =	vmul.f32 v44, v43  }
0x24f: {  	v17 =	vmul.f32 v17, v43  }
0x250: {  	[tilespmem:s7+$0xFFFFFD80] =	vst v19  }
0x251: {  	[tilespmem:s7+$0xFFFFFD90] =	vst v17  }
0x252: {  	v17 =	vld [tilespmem:s6+$0xFFFFFED0];
	_ =	sdelay $0x4  }
0x253: {  	v45 =	vunpack.i.l.bf16.f32 v17  }
0x254: {  	v17 =	vunpack.i.u.bf16.f32 v17;
	v19 =	vmul.f32 v45, v43  }
0x255: {  	v17 =	vmul.f32 v17, v43  }
0x256: {  	[tilespmem:s7+$0xFFFFFDA0] =	vst v19  }
0x257: {  	[tilespmem:s7+$0xFFFFFDB0] =	vst v17  }
0x258: {  	v17 =	vld [tilespmem:s6+$0xFFFFFEE0];
	_ =	sdelay $0x4  }
0x259: {  	v46 =	vunpack.i.l.bf16.f32 v17  }
0x25a: {  	v17 =	vunpack.i.u.bf16.f32 v17;
	v19 =	vmul.f32 v46, v43  }
0x25b: {  	v17 =	vmul.f32 v17, v43  }
0x25c: {  	[tilespmem:s7+$0xFFFFFDC0] =	vst v19  }
0x25d: {  	[tilespmem:s7+$0xFFFFFDD0] =	vst v17  }
0x25e: {  	v17 =	vld [tilespmem:s6+$0xFFFFFEF0];
	_ =	sdelay $0x4  }
0x25f: {  	v47 =	vunpack.i.l.bf16.f32 v17  }
0x260: {  	v17 =	vunpack.i.u.bf16.f32 v17;
	v19 =	vmul.f32 v47, v43  }
0x261: {  	v17 =	vmul.f32 v17, v43  }
0x262: {  	[tilespmem:s7+$0xFFFFFDE0] =	vst v19  }
0x263: {  	[tilespmem:s7+$0xFFFFFDF0] =	vst v17  }
0x264: {  	v17 =	vld [tilespmem:s6+$0xFFFFFF00];
	_ =	sdelay $0x3  }
0x265: {  	v48 =	vperm.xlane v16, v4  }
0x266: {  	v49 =	vunpack.i.l.bf16.f32 v17  }
0x267: {  	v17 =	vunpack.i.u.bf16.f32 v17;
	v19 =	vmul.f32 v49, v48  }
0x268: {  	v17 =	vmul.f32 v17, v48  }
0x269: {  	[tilespmem:s7+$0xFFFFFE00] =	vst v19  }
0x26a: {  	[tilespmem:s7+$0xFFFFFE10] =	vst v17  }
0x26b: {  	v17 =	vld [tilespmem:s6+$0xFFFFFF10];
	_ =	sdelay $0x4  }
0x26c: {  	v50 =	vunpack.i.l.bf16.f32 v17  }
0x26d: {  	v17 =	vunpack.i.u.bf16.f32 v17;
	v19 =	vmul.f32 v50, v48  }
0x26e: {  	v17 =	vmul.f32 v17, v48  }
0x26f: {  	[tilespmem:s7+$0xFFFFFE20] =	vst v19  }
0x270: {  	[tilespmem:s7+$0xFFFFFE30] =	vst v17  }
0x271: {  	v17 =	vld [tilespmem:s6+$0xFFFFFF20];
	_ =	sdelay $0x4  }
0x272: {  	v51 =	vunpack.i.l.bf16.f32 v17  }
0x273: {  	v17 =	vunpack.i.u.bf16.f32 v17;
	v19 =	vmul.f32 v51, v48  }
0x274: {  	v17 =	vmul.f32 v17, v48  }
0x275: {  	[tilespmem:s7+$0xFFFFFE40] =	vst v19  }
0x276: {  	[tilespmem:s7+$0xFFFFFE50] =	vst v17  }
0x277: {  	v17 =	vld [tilespmem:s6+$0xFFFFFF30];
	_ =	sdelay $0x4  }
0x278: {  	v52 =	vunpack.i.l.bf16.f32 v17  }
0x279: {  	v17 =	vunpack.i.u.bf16.f32 v17;
	v19 =	vmul.f32 v52, v48  }
0x27a: {  	v17 =	vmul.f32 v17, v48  }
0x27b: {  	[tilespmem:s7+$0xFFFFFE60] =	vst v19  }
0x27c: {  	[tilespmem:s7+$0xFFFFFE70] =	vst v17  }
0x27d: {  	v17 =	vld [tilespmem:s6+$0xFFFFFF40];
	_ =	sdelay $0x3  }
0x27e: {  	v53 =	vperm.xlane v16, v5  }
0x27f: {  	v54 =	vunpack.i.l.bf16.f32 v17  }
0x280: {  	v17 =	vunpack.i.u.bf16.f32 v17;
	v19 =	vmul.f32 v54, v53  }
0x281: {  	v17 =	vmul.f32 v17, v53  }
0x282: {  	[tilespmem:s7+$0xFFFFFE80] =	vst v19  }
0x283: {  	[tilespmem:s7+$0xFFFFFE90] =	vst v17  }
0x284: {  	v17 =	vld [tilespmem:s6+$0xFFFFFF50];
	_ =	sdelay $0x4  }
0x285: {  	v55 =	vunpack.i.l.bf16.f32 v17  }
0x286: {  	v17 =	vunpack.i.u.bf16.f32 v17;
	v19 =	vmul.f32 v55, v53  }
0x287: {  	v17 =	vmul.f32 v17, v53  }
0x288: {  	[tilespmem:s7+$0xFFFFFEA0] =	vst v19  }
0x289: {  	[tilespmem:s7+$0xFFFFFEB0] =	vst v17  }
0x28a: {  	v17 =	vld [tilespmem:s6+$0xFFFFFF60];
	_ =	sdelay $0x4  }
0x28b: {  	v56 =	vunpack.i.l.bf16.f32 v17  }
0x28c: {  	v17 =	vunpack.i.u.bf16.f32 v17;
	v19 =	vmul.f32 v56, v53  }
0x28d: {  	v17 =	vmul.f32 v17, v53  }
0x28e: {  	[tilespmem:s7+$0xFFFFFEC0] =	vst v19  }
0x28f: {  	[tilespmem:s7+$0xFFFFFED0] =	vst v17  }
0x290: {  	v17 =	vld [tilespmem:s6+$0xFFFFFF70];
	_ =	sdelay $0x4  }
0x291: {  	v57 =	vunpack.i.l.bf16.f32 v17  }
0x292: {  	v17 =	vunpack.i.u.bf16.f32 v17;
	v19 =	vmul.f32 v57, v53  }
0x293: {  	v17 =	vmul.f32 v17, v53  }
0x294: {  	[tilespmem:s7+$0xFFFFFEE0] =	vst v19  }
0x295: {  	[tilespmem:s7+$0xFFFFFEF0] =	vst v17  }
0x296: {  	v17 =	vld [tilespmem:s6+$0xFFFFFF80];
	_ =	sdelay $0x3  }
0x297: {  	v58 =	vperm.xlane v16, v6  }
0x298: {  	v59 =	vunpack.i.l.bf16.f32 v17  }
0x299: {  	v17 =	vunpack.i.u.bf16.f32 v17;
	v19 =	vmul.f32 v59, v58  }
0x29a: {  	v17 =	vmul.f32 v17, v58  }
0x29b: {  	[tilespmem:s7+$0xFFFFFF00] =	vst v19  }
0x29c: {  	[tilespmem:s7+$0xFFFFFF10] =	vst v17  }
0x29d: {  	v17 =	vld [tilespmem:s6+$0xFFFFFF90];
	_ =	sdelay $0x4  }
0x29e: {  	v60 =	vunpack.i.l.bf16.f32 v17  }
0x29f: {  	v17 =	vunpack.i.u.bf16.f32 v17;
	v19 =	vmul.f32 v60, v58  }
0x2a0: {  	v17 =	vmul.f32 v17, v58  }
0x2a1: {  	[tilespmem:s7+$0xFFFFFF20] =	vst v19  }
0x2a2: {  	[tilespmem:s7+$0xFFFFFF30] =	vst v17  }
0x2a3: {  	v17 =	vld [tilespmem:s6+$0xFFFFFFA0];
	_ =	sdelay $0x4  }
0x2a4: {  	v61 =	vunpack.i.l.bf16.f32 v17  }
0x2a5: {  	v17 =	vunpack.i.u.bf16.f32 v17;
	v19 =	vmul.f32 v61, v58  }
0x2a6: {  	v17 =	vmul.f32 v17, v58  }
0x2a7: {  	[tilespmem:s7+$0xFFFFFF40] =	vst v19  }
0x2a8: {  	[tilespmem:s7+$0xFFFFFF50] =	vst v17  }
0x2a9: {  	v17 =	vld [tilespmem:s6+$0xFFFFFFB0];
	_ =	sdelay $0x4  }
0x2aa: {  	v62 =	vunpack.i.l.bf16.f32 v17  }
0x2ab: {  	v17 =	vunpack.i.u.bf16.f32 v17;
	v19 =	vmul.f32 v62, v58  }
0x2ac: {  	v17 =	vmul.f32 v17, v58  }
0x2ad: {  	[tilespmem:s7+$0xFFFFFF60] =	vst v19  }
0x2ae: {  	[tilespmem:s7+$0xFFFFFF70] =	vst v17  }
0x2af: {  	v17 =	vld [tilespmem:s6+$0xFFFFFFC0];
	_ =	sdelay $0x3  }
0x2b0: {  	v63 =	vperm.xlane v16, v7  }
0x2b1: {  	v21 =	vunpack.i.l.bf16.f32 v17  }
0x2b2: {  	v17 =	vunpack.i.u.bf16.f32 v17;
	v19 =	vmul.f32 v21, v63  }
0x2b3: {  	v17 =	vmul.f32 v17, v63  }
0x2b4: {  	[tilespmem:s7+$0xFFFFFF80] =	vst v19  }
0x2b5: {  	[tilespmem:s7+$0xFFFFFF90] =	vst v17  }
0x2b6: {  	v17 =	vld [tilespmem:s6+$0xFFFFFFD0];
	_ =	sdelay $0x4  }
0x2b7: {  	v22 =	vunpack.i.l.bf16.f32 v17  }
0x2b8: {  	v17 =	vunpack.i.u.bf16.f32 v17;
	v19 =	vmul.f32 v22, v63  }
0x2b9: {  	v17 =	vmul.f32 v17, v63  }
0x2ba: {  	[tilespmem:s7+$0xFFFFFFA0] =	vst v19  }
0x2bb: {  	[tilespmem:s7+$0xFFFFFFB0] =	vst v17  }
0x2bc: {  	v17 =	vld [tilespmem:s6+$0xFFFFFFE0];
	_ =	sdelay $0x4  }
0x2bd: {  	v23 =	vunpack.i.l.bf16.f32 v17  }
0x2be: {  	v17 =	vunpack.i.u.bf16.f32 v17;
	v19 =	vmul.f32 v23, v63  }
0x2bf: {  	v17 =	vmul.f32 v17, v63  }
0x2c0: {  	[tilespmem:s7+$0xFFFFFFC0] =	vst v19  }
0x2c1: {  	[tilespmem:s7+$0xFFFFFFD0] =	vst v17  }
0x2c2: {  	v17 =	vld [tilespmem:s6+$0xFFFFFFF0];
	_ =	sdelay $0x4  }
0x2c3: {  	v24 =	vunpack.i.l.bf16.f32 v17  }
0x2c4: {  	v17 =	vunpack.i.u.bf16.f32 v17;
	v19 =	vmul.f32 v24, v63  }
0x2c5: {  	v17 =	vmul.f32 v17, v63  }
0x2c6: {  	[tilespmem:s7+$0xFFFFFFE0] =	vst v19  }
0x2c7: {  	[tilespmem:s7+$0xFFFFFFF0] =	vst v17  }
0x2c8: {  	v17 =	vld [tilespmem:s6+$0x0];
	_ =	sdelay $0x3  }
0x2c9: {  	v25 =	vperm.xlane v16, v8  }
0x2ca: {  	v26 =	vunpack.i.l.bf16.f32 v17  }
0x2cb: {  	v17 =	vunpack.i.u.bf16.f32 v17;
	v19 =	vmul.f32 v26, v25  }
0x2cc: {  	v17 =	vmul.f32 v17, v25  }
0x2cd: {  	[tilespmem:s7+$0x0] =	vst v19  }
0x2ce: {  	[tilespmem:s7+$0x10] =	vst v17  }
0x2cf: {  	v17 =	vld [tilespmem:s6+$0x10];
	_ =	sdelay $0x4  }
0x2d0: {  	v27 =	vunpack.i.l.bf16.f32 v17  }
0x2d1: {  	v17 =	vunpack.i.u.bf16.f32 v17;
	v19 =	vmul.f32 v27, v25  }
0x2d2: {  	v17 =	vmul.f32 v17, v25  }
0x2d3: {  	[tilespmem:s7+$0x20] =	vst v19  }
0x2d4: {  	[tilespmem:s7+$0x30] =	vst v17  }
0x2d5: {  	v17 =	vld [tilespmem:s6+$0x20];
	_ =	sdelay $0x4  }
0x2d6: {  	v28 =	vunpack.i.l.bf16.f32 v17  }
0x2d7: {  	v17 =	vunpack.i.u.bf16.f32 v17;
	v19 =	vmul.f32 v28, v25  }
0x2d8: {  	v17 =	vmul.f32 v17, v25  }
0x2d9: {  	[tilespmem:s7+$0x40] =	vst v19  }
0x2da: {  	[tilespmem:s7+$0x50] =	vst v17  }
0x2db: {  	v17 =	vld [tilespmem:s6+$0x30];
	_ =	sdelay $0x4  }
0x2dc: {  	v29 =	vunpack.i.l.bf16.f32 v17  }
0x2dd: {  	v17 =	vunpack.i.u.bf16.f32 v17;
	v19 =	vmul.f32 v29, v25  }
0x2de: {  	v17 =	vmul.f32 v17, v25  }
0x2df: {  	[tilespmem:s7+$0x60] =	vst v19  }
0x2e0: {  	[tilespmem:s7+$0x70] =	vst v17  }
0x2e1: {  	v17 =	vld [tilespmem:s6+$0x40];
	_ =	sdelay $0x3  }
0x2e2: {  	v30 =	vperm.xlane v16, v9  }
0x2e3: {  	v31 =	vunpack.i.l.bf16.f32 v17  }
0x2e4: {  	v17 =	vunpack.i.u.bf16.f32 v17;
	v19 =	vmul.f32 v31, v30  }
0x2e5: {  	v17 =	vmul.f32 v17, v30  }
0x2e6: {  	[tilespmem:s7+$0x80] =	vst v19  }
0x2e7: {  	[tilespmem:s7+$0x90] =	vst v17  }
0x2e8: {  	v17 =	vld [tilespmem:s6+$0x50];
	_ =	sdelay $0x4  }
0x2e9: {  	v32 =	vunpack.i.l.bf16.f32 v17  }
0x2ea: {  	v17 =	vunpack.i.u.bf16.f32 v17;
	v19 =	vmul.f32 v32, v30  }
0x2eb: {  	v17 =	vmul.f32 v17, v30  }
0x2ec: {  	[tilespmem:s7+$0xA0] =	vst v19  }
0x2ed: {  	[tilespmem:s7+$0xB0] =	vst v17  }
0x2ee: {  	v17 =	vld [tilespmem:s6+$0x60];
	_ =	sdelay $0x4  }
0x2ef: {  	v33 =	vunpack.i.l.bf16.f32 v17  }
0x2f0: {  	v17 =	vunpack.i.u.bf16.f32 v17;
	v19 =	vmul.f32 v33, v30  }
0x2f1: {  	v17 =	vmul.f32 v17, v30  }
0x2f2: {  	[tilespmem:s7+$0xC0] =	vst v19  }
0x2f3: {  	[tilespmem:s7+$0xD0] =	vst v17  }
0x2f4: {  	v17 =	vld [tilespmem:s6+$0x70];
	_ =	sdelay $0x4  }
0x2f5: {  	v34 =	vunpack.i.l.bf16.f32 v17  }
0x2f6: {  	v17 =	vunpack.i.u.bf16.f32 v17;
	v19 =	vmul.f32 v34, v30  }
0x2f7: {  	v17 =	vmul.f32 v17, v30  }
0x2f8: {  	[tilespmem:s7+$0xE0] =	vst v19  }
0x2f9: {  	[tilespmem:s7+$0xF0] =	vst v17  }
0x2fa: {  	v17 =	vld [tilespmem:s6+$0x80];
	_ =	sdelay $0x3  }
0x2fb: {  	v35 =	vperm.xlane v16, v10  }
0x2fc: {  	v36 =	vunpack.i.l.bf16.f32 v17  }
0x2fd: {  	v17 =	vunpack.i.u.bf16.f32 v17;
	v19 =	vmul.f32 v36, v35  }
0x2fe: {  	v17 =	vmul.f32 v17, v35  }
0x2ff: {  	[tilespmem:s7+$0x100] =	vst v19  }
0x300: {  	[tilespmem:s7+$0x110] =	vst v17  }
0x301: {  	v17 =	vld [tilespmem:s6+$0x90];
	_ =	sdelay $0x4  }
0x302: {  	v37 =	vunpack.i.l.bf16.f32 v17  }
0x303: {  	v17 =	vunpack.i.u.bf16.f32 v17;
	v19 =	vmul.f32 v37, v35  }
0x304: {  	v17 =	vmul.f32 v17, v35  }
0x305: {  	[tilespmem:s7+$0x120] =	vst v19  }
0x306: {  	[tilespmem:s7+$0x130] =	vst v17  }
0x307: {  	v17 =	vld [tilespmem:s6+$0xA0];
	_ =	sdelay $0x4  }
0x308: {  	v38 =	vunpack.i.l.bf16.f32 v17  }
0x309: {  	v17 =	vunpack.i.u.bf16.f32 v17;
	v19 =	vmul.f32 v38, v35  }
0x30a: {  	v17 =	vmul.f32 v17, v35  }
0x30b: {  	[tilespmem:s7+$0x140] =	vst v19  }
0x30c: {  	[tilespmem:s7+$0x150] =	vst v17  }
0x30d: {  	v17 =	vld [tilespmem:s6+$0xB0];
	_ =	sdelay $0x4  }
0x30e: {  	v39 =	vunpack.i.l.bf16.f32 v17  }
0x30f: {  	v17 =	vunpack.i.u.bf16.f32 v17;
	v19 =	vmul.f32 v39, v35  }
0x310: {  	v17 =	vmul.f32 v17, v35  }
0x311: {  	[tilespmem:s7+$0x160] =	vst v19  }
0x312: {  	[tilespmem:s7+$0x170] =	vst v17  }
0x313: {  	v17 =	vld [tilespmem:s6+$0xC0];
	_ =	sdelay $0x3  }
0x314: {  	v40 =	vperm.xlane v16, v11  }
0x315: {  	v41 =	vunpack.i.l.bf16.f32 v17  }
0x316: {  	v17 =	vunpack.i.u.bf16.f32 v17;
	v19 =	vmul.f32 v41, v40  }
0x317: {  	v17 =	vmul.f32 v17, v40  }
0x318: {  	[tilespmem:s7+$0x180] =	vst v19  }
0x319: {  	[tilespmem:s7+$0x190] =	vst v17  }
0x31a: {  	v17 =	vld [tilespmem:s6+$0xD0];
	_ =	sdelay $0x4  }
0x31b: {  	v42 =	vunpack.i.l.bf16.f32 v17  }
0x31c: {  	v17 =	vunpack.i.u.bf16.f32 v17;
	v19 =	vmul.f32 v42, v40  }
0x31d: {  	v17 =	vmul.f32 v17, v40  }
0x31e: {  	[tilespmem:s7+$0x1A0] =	vst v19  }
0x31f: {  	[tilespmem:s7+$0x1B0] =	vst v17  }
0x320: {  	v17 =	vld [tilespmem:s6+$0xE0];
	_ =	sdelay $0x4  }
0x321: {  	v43 =	vunpack.i.l.bf16.f32 v17  }
0x322: {  	v17 =	vunpack.i.u.bf16.f32 v17;
	v19 =	vmul.f32 v43, v40  }
0x323: {  	v17 =	vmul.f32 v17, v40  }
0x324: {  	[tilespmem:s7+$0x1C0] =	vst v19  }
0x325: {  	[tilespmem:s7+$0x1D0] =	vst v17  }
0x326: {  	v17 =	vld [tilespmem:s6+$0xF0];
	_ =	sdelay $0x4  }
0x327: {  	v44 =	vunpack.i.l.bf16.f32 v17  }
0x328: {  	v17 =	vunpack.i.u.bf16.f32 v17;
	v19 =	vmul.f32 v44, v40  }
0x329: {  	v17 =	vmul.f32 v17, v40  }
0x32a: {  	[tilespmem:s7+$0x1E0] =	vst v19  }
0x32b: {  	[tilespmem:s7+$0x1F0] =	vst v17  }
0x32c: {  	v17 =	vld [tilespmem:s6+$0x100];
	_ =	sdelay $0x3  }
0x32d: {  	v45 =	vperm.xlane v16, v12  }
0x32e: {  	v46 =	vunpack.i.l.bf16.f32 v17  }
0x32f: {  	v17 =	vunpack.i.u.bf16.f32 v17;
	v19 =	vmul.f32 v46, v45  }
0x330: {  	v17 =	vmul.f32 v17, v45  }
0x331: {  	[tilespmem:s7+$0x200] =	vst v19  }
0x332: {  	[tilespmem:s7+$0x210] =	vst v17  }
0x333: {  	v17 =	vld [tilespmem:s6+$0x110];
	_ =	sdelay $0x4  }
0x334: {  	v47 =	vunpack.i.l.bf16.f32 v17  }
0x335: {  	v17 =	vunpack.i.u.bf16.f32 v17;
	v19 =	vmul.f32 v47, v45  }
0x336: {  	v17 =	vmul.f32 v17, v45  }
0x337: {  	[tilespmem:s7+$0x220] =	vst v19  }
0x338: {  	[tilespmem:s7+$0x230] =	vst v17  }
0x339: {  	v17 =	vld [tilespmem:s6+$0x120];
	_ =	sdelay $0x4  }
0x33a: {  	v48 =	vunpack.i.l.bf16.f32 v17  }
0x33b: {  	v17 =	vunpack.i.u.bf16.f32 v17;
	v19 =	vmul.f32 v48, v45  }
0x33c: {  	v17 =	vmul.f32 v17, v45  }
0x33d: {  	[tilespmem:s7+$0x240] =	vst v19  }
0x33e: {  	[tilespmem:s7+$0x250] =	vst v17  }
0x33f: {  	v17 =	vld [tilespmem:s6+$0x130];
	_ =	sdelay $0x4  }
0x340: {  	v49 =	vunpack.i.l.bf16.f32 v17  }
0x341: {  	v17 =	vunpack.i.u.bf16.f32 v17;
	v19 =	vmul.f32 v49, v45  }
0x342: {  	v17 =	vmul.f32 v17, v45  }
0x343: {  	[tilespmem:s7+$0x260] =	vst v19  }
0x344: {  	[tilespmem:s7+$0x270] =	vst v17  }
0x345: {  	v17 =	vld [tilespmem:s6+$0x140];
	_ =	sdelay $0x3  }
0x346: {  	v50 =	vperm.xlane v16, v13  }
0x347: {  	v51 =	vunpack.i.l.bf16.f32 v17  }
0x348: {  	v17 =	vunpack.i.u.bf16.f32 v17;
	v19 =	vmul.f32 v51, v50  }
0x349: {  	v17 =	vmul.f32 v17, v50  }
0x34a: {  	[tilespmem:s7+$0x280] =	vst v19  }
0x34b: {  	[tilespmem:s7+$0x290] =	vst v17  }
0x34c: {  	v17 =	vld [tilespmem:s6+$0x150];
	_ =	sdelay $0x4  }
0x34d: {  	v52 =	vunpack.i.l.bf16.f32 v17  }
0x34e: {  	v17 =	vunpack.i.u.bf16.f32 v17;
	v19 =	vmul.f32 v52, v50  }
0x34f: {  	v17 =	vmul.f32 v17, v50  }
0x350: {  	[tilespmem:s7+$0x2A0] =	vst v19  }
0x351: {  	[tilespmem:s7+$0x2B0] =	vst v17  }
0x352: {  	v17 =	vld [tilespmem:s6+$0x160];
	_ =	sdelay $0x4  }
0x353: {  	v53 =	vunpack.i.l.bf16.f32 v17  }
0x354: {  	v17 =	vunpack.i.u.bf16.f32 v17;
	v19 =	vmul.f32 v53, v50  }
0x355: {  	v17 =	vmul.f32 v17, v50  }
0x356: {  	[tilespmem:s7+$0x2C0] =	vst v19  }
0x357: {  	[tilespmem:s7+$0x2D0] =	vst v17  }
0x358: {  	v17 =	vld [tilespmem:s6+$0x170];
	_ =	sdelay $0x4  }
0x359: {  	v54 =	vunpack.i.l.bf16.f32 v17  }
0x35a: {  	v17 =	vunpack.i.u.bf16.f32 v17;
	v19 =	vmul.f32 v54, v50  }
0x35b: {  	v17 =	vmul.f32 v17, v50  }
0x35c: {  	[tilespmem:s7+$0x2E0] =	vst v19  }
0x35d: {  	[tilespmem:s7+$0x2F0] =	vst v17  }
0x35e: {  	v17 =	vld [tilespmem:s6+$0x180];
	_ =	sdelay $0x3  }
0x35f: {  	v55 =	vperm.xlane v16, v14  }
0x360: {  	v56 =	vunpack.i.l.bf16.f32 v17  }
0x361: {  	v17 =	vunpack.i.u.bf16.f32 v17;
	v19 =	vmul.f32 v56, v55  }
0x362: {  	v17 =	vmul.f32 v17, v55  }
0x363: {  	[tilespmem:s7+$0x300] =	vst v19  }
0x364: {  	[tilespmem:s7+$0x310] =	vst v17  }
0x365: {  	v17 =	vld [tilespmem:s6+$0x190];
	_ =	sdelay $0x4  }
0x366: {  	v57 =	vunpack.i.l.bf16.f32 v17  }
0x367: {  	v17 =	vunpack.i.u.bf16.f32 v17;
	v19 =	vmul.f32 v57, v55  }
0x368: {  	v17 =	vmul.f32 v17, v55  }
0x369: {  	[tilespmem:s7+$0x320] =	vst v19  }
0x36a: {  	[tilespmem:s7+$0x330] =	vst v17  }
0x36b: {  	v17 =	vld [tilespmem:s6+$0x1A0];
	_ =	sdelay $0x4  }
0x36c: {  	v58 =	vunpack.i.l.bf16.f32 v17  }
0x36d: {  	v17 =	vunpack.i.u.bf16.f32 v17;
	v19 =	vmul.f32 v58, v55  }
0x36e: {  	v17 =	vmul.f32 v17, v55  }
0x36f: {  	[tilespmem:s7+$0x340] =	vst v19  }
0x370: {  	[tilespmem:s7+$0x350] =	vst v17  }
0x371: {  	v17 =	vld [tilespmem:s6+$0x1B0];
	_ =	sdelay $0x4  }
0x372: {  	v59 =	vunpack.i.l.bf16.f32 v17  }
0x373: {  	v17 =	vunpack.i.u.bf16.f32 v17;
	v19 =	vmul.f32 v59, v55  }
0x374: {  	v17 =	vmul.f32 v17, v55  }
0x375: {  	[tilespmem:s7+$0x360] =	vst v19  }
0x376: {  	[tilespmem:s7+$0x370] =	vst v17  }
0x377: {  	v17 =	vld [tilespmem:s6+$0x1C0];
	_ =	sdelay $0x3  }
0x378: {  	v16 =	vperm.xlane v16, v15  }
0x379: {  	v60 =	vunpack.i.l.bf16.f32 v17  }
0x37a: {  	v17 =	vunpack.i.u.bf16.f32 v17;
	v18 =	vmul.f32 v60, v16  }
0x37b: {  	v17 =	vmul.f32 v17, v16  }
0x37c: {  	[tilespmem:s7+$0x380] =	vst v18  }
0x37d: {  	[tilespmem:s7+$0x390] =	vst v17  }
0x37e: {  	v17 =	vld [tilespmem:s6+$0x1D0];
	_ =	sdelay $0x4  }
0x37f: {  	v61 =	vunpack.i.l.bf16.f32 v17  }
0x380: {  	v17 =	vunpack.i.u.bf16.f32 v17;
	v18 =	vmul.f32 v61, v16  }
0x381: {  	v17 =	vmul.f32 v17, v16  }
0x382: {  	[tilespmem:s7+$0x3A0] =	vst v18  }
0x383: {  	[tilespmem:s7+$0x3B0] =	vst v17  }
0x384: {  	v17 =	vld [tilespmem:s6+$0x1E0];
	_ =	sdelay $0x4  }
0x385: {  	v62 =	vunpack.i.l.bf16.f32 v17  }
0x386: {  	v17 =	vunpack.i.u.bf16.f32 v17;
	v18 =	vmul.f32 v62, v16  }
0x387: {  	v17 =	vmul.f32 v17, v16  }
0x388: {  	[tilespmem:s7+$0x3C0] =	vst v18  }
0x389: {  	[tilespmem:s7+$0x3D0] =	vst v17  }
0x38a: {  	v17 =	vld [tilespmem:s6+$0x1F0];
	_ =	sdelay $0x3  }
0x38b: {  	p1 =	sne.s32 s14, $0x1C0  }
.Ltmp6:
0x38c: {  	v63 =	vunpack.i.l.bf16.f32 v17;
	(pc) =	sbr.rel @p1 .LBB2_9-.Ltmp6, $4  }
0x38d: {  	v17 =	vunpack.i.u.bf16.f32 v17;
	v18 =	vmul.f32 v63, v16  }
0x38e: {  	v16 =	vmul.f32 v17, v16  }
0x38f: {  	[tilespmem:s7+$0x3E0] =	vst v18  }
0x390: {  	s14 =	sadd.s32 $0x40, s14;
	s6 =	sadd.s32 $0x400, s6;
	[tilespmem:s7+$0x3F0] =	vst v16;
	s7 =	sadd.s32 $0x800, s7  }
0x391: {  	v16 =	vld [tilespmem:$0x4280]  }
0x392: {  	v17 =	vld [tilespmem:$0x4290]  }
0x393: {  	v18 =	vld [tilespmem:$0x42A0]  }
0x394: {  	v19 =	vld [tilespmem:$0x42B0]  }
0x395: {  	v20 =	vld [tilespmem:$0x42C0]  }
0x396: {  	v63 =	vld [tilespmem:$0x42F0];
	[tilespmem:$0xC480] =	vst v16  }
0x397: {  	v16 =	vld [tilespmem:$0x42D0];
	[tilespmem:$0xC490] =	vst v17  }
0x398: {  	v17 =	vld [tilespmem:$0x42E0];
	[tilespmem:$0xC4A0] =	vst v18  }
0x399: {  	p1 =	seq.s32 s9, $0x27;
	[tilespmem:$0xC4B0] =	vst v19  }
.Ltmp7:
0x39a: {  	[tilespmem:$0xC4C0] =	vst v20;
	(pc) =	sbr.rel @p1 .LBB2_12-.Ltmp7, $4  }
0x39b: {  	[tilespmem:$0xC4F0] =	vst v63  }
0x39c: {  	[tilespmem:$0xC4D0] =	vst v16  }
0x39d: {  	[tilespmem:$0xC4E0] =	vst v17  }
0x39e: {  	[spmem:s1] =	stream.indirect.scatter.add.f32 [tilespmem:s31], [sflag:$0x6], $0x80, s30, s17, $0xb8;
	[tilespmem:$0x1FD80] =	vst v63  }
.Ltmp8:
0x39f: {  	(pc) =	sbr.rel .LBB2_2-.Ltmp8, $4  }
0x3a0: {  	s0 =	sadd.s32 s10, s12  }
0x3a1: {  	s0 =	sshrl.u32 s0, $0x3  }
0x3a2: {  	s9 =	sadd.s32 $0x1, s9;
	s0 =	sadd.s32 s5, s0  }
0x3a3: {  	[tilespmem:s18], [sflag:$0x4] =	stream.linear.gather [hbm4b:s0+s3], $0x200, $0x38;
	[tilespmem:$0x1FD80] =	vst v63  }
.LBB2_13:
0x3a4: {  	_ =	sfence.sel $0x180000  }
0x3a5: {  	[bflag:$0x0] =	sbarrier.arrive $0xFFFF  }
0x3a6: {  	_ =	strace $0x90000047  }
0x3a7: {  	s0 =	stileid.u32;
	[bflag:$0x2] =	sbarrier.arrive $0xFFFF  }
0x3a8: {  	p0 =	sne.s32 s0, $0x0;
	s0 =	rddreg [dreg:$0x3]  }
0x3a9: {  	s0 =	sadd.s32 @!p0 $0x100000, s0  }
0x3aa: {  	[sflag:s0] =	ssyncadd.tile.s32 @!p0 $0x1;
	_ =	shalt  }
.Lfunc_end2:
_tile_overlayer_lowered:
.L_overlay_start_2:
0x3ab: {  	(tag) =	ssettag $0x2  }
0x3ac: {  	s0 =	rddreg [dreg:$0x0];
	s2 =	stileid.u32  }
0x3ad: {  	s1 =	rddreg [dreg:$0x1];
	p0 =	sne.s32 s2, $0x0  }
0x3ae: {  	s3 =	rddreg [dreg:$0x2];
	[bflag:$0x3] =	sbarrier.arrive $0xFFFF;
	s2 =	simm.s32 @!p0 $0x1C07  }
0x3af: {  	[timem:s3], [sflag:s2] =	dma.local @!p0 [hbm:s0], s1  }
0x3b0: {  	s0 =	simm.s32 @!p0 $0x7  }
0x3b1: {  	_ =	swait.ge @!p0 [sflag:s0], s1  }
0x3b2: {  	s1 =	ssub.s32 @!p0 $0x0, s1;
	[sflag:s0] =	ssyncset.done @!p0 $0x0  }
0x3b3: {  	[sflag:s0] =	ssyncadd.s32 @!p0 s1  }
0x3b4: {  	[bflag:$0x3] =	sbarrier.arrive $0xFFFF  }
0x3b5: {  	_ =	shalt  }

</sc_bundles>
